<compile_context>
chip_gen: v7x
topology: tpu7x:2x2x1
jax: 0.10.2.dev20260603
libtpu: 0.0.44.dev20260713+nightly
codegen_flags: <defaults>
</compile_context>

<pallas_src>
import functools

import jax
import jax.numpy as jnp
from jax import lax
from jax.experimental import pallas as pl
from jax.experimental.pallas import tpu as pltpu
from jax.experimental.pallas import tpu_sc as plsc

_NC = 2
_NS = 16
_NW = _NC * _NS


def _lrelu(x):
    return jnp.where(x >= 0, x, 0.2 * x)


def _dot(a, b):
    return jnp.dot(a, b, preferred_element_type=jnp.float32)


def _sc_gather(table, gidx4d, d, out_dtype=jnp.float32):
    nw, outer, inner, lanes = gidx4d.shape
    ch = inner * lanes
    out_rows = nw * outer * ch
    mesh = plsc.VectorSubcoreMesh(core_axis_name="c", subcore_axis_name="s")

    @functools.partial(
        pl.kernel,
        out_type=jax.ShapeDtypeStruct((out_rows, d), out_dtype),
        mesh=mesh,
        scratch_types=[
            pltpu.VMEM((inner, lanes), jnp.int32),
            pltpu.VMEM((ch, d), out_dtype),
            pltpu.SemaphoreType.DMA,
        ],
        compiler_params=pltpu.CompilerParams(use_tc_tiling_on_sc=False),
    )
    def gk(table_hbm, gidx_hbm, out_hbm, idx_v, rows_v, sem):
        wid = lax.axis_index("s") * _NC + lax.axis_index("c")

        def body(t, carry):
            pltpu.sync_copy(gidx_hbm.at[wid, t], idx_v)
            cps = []
            for j in range(inner):
                cps.append(
                    pltpu.async_copy(
                        table_hbm.at[idx_v.at[j]],
                        rows_v.at[pl.ds(j * lanes, lanes)],
                        sem,
                    )
                )
            for cp in cps:
                cp.wait()
            base = (wid * outer + t) * ch
            pltpu.sync_copy(rows_v, out_hbm.at[pl.ds(base, ch)])
            return carry

        lax.fori_loop(0, outer, body, 0)

    return gk(table, gidx4d)


def _pad_reshape_idx(gidx_flat, outer, inner, table_rows):
    total = _NW * outer * inner * 128
    pad = total - gidx_flat.shape[0]
    filler = jnp.arange(pad, dtype=jnp.int32) % table_rows
    gp = jnp.concatenate([gidx_flat, filler])
    return gp.reshape(_NW, outer, inner, 128)


def _wspec(shp):
    return pl.BlockSpec(shp, lambda i: tuple(0 for _ in shp))


def _stage_c(g1r, tbl, consts, rb, bn_pad):
    nblk = bn_pad // rb
    bf16 = jnp.bfloat16

    def body(g1_ref, tbl_ref, p2_r, bd1_r, bd2_r, bd3_r, g_r, g3_r,
             m1_r, wscp_r, w0l_r, b1l_r, bfc1l_r, b3l_r, bml1_r, bsc_r,
             mask3_r, agg_ref, fx2_ref, sc_ref):
        x = g1_ref[...]
        t = tbl_ref[...]
        tb = t.astype(bf16)
        center = jnp.tile(t, (1, 16))
        relm = (center - x) * mask3_r[...]
        d2 = relm * relm
        dist2 = _dot(d2.astype(bf16), g3_r[...])
        dist = jnp.sqrt(dist2 + 1e-12)
        pre = (_dot(x.astype(bf16), bd1_r[...]) + dist * w0l_r[...]
               + _dot(tb, p2_r[...]) + b1l_r[...])
        fcat = _lrelu(pre)
        fcb = fcat.astype(bf16)
        att = _dot(fcb, bd2_r[...]) + bfc1l_r[...]
        m = att
        for sh in (16, 32, 64, 128):
            m = jnp.maximum(m, pltpu.roll(m, sh, 1))
        e = jnp.exp(att - m)
        den = _dot(e.astype(bf16), g_r[...])
        num = _dot((e * fcat).astype(bf16), g_r[...])
        aggf = num * (1.0 / den)
        agg_ref[...] = _lrelu(_dot(aggf.astype(bf16), m1_r[...]) + bml1_r[...])
        fx2_ref[...] = _lrelu(_dot(fcb, bd3_r[...]) + b3l_r[...]).astype(bf16)
        sc_ref[...] = (_dot(tb, wscp_r[...]) + bsc_r[...]).astype(bf16)

    return pl.pallas_call(
        body,
        grid=(nblk,),
        in_specs=[
            pl.BlockSpec((rb, 256), lambda i: (i, 0)),
            pl.BlockSpec((rb, 16), lambda i: (i, 0)),
        ] + [_wspec(c.shape) for c in consts],
        out_specs=[
            pl.BlockSpec((rb, 8), lambda i: (i, 0)),
            pl.BlockSpec((rb, 128), lambda i: (i, 0)),
            pl.BlockSpec((rb, 32), lambda i: (i, 0)),
        ],
        out_shape=[
            jax.ShapeDtypeStruct((bn_pad, 8), jnp.float32),
            jax.ShapeDtypeStruct((bn_pad, 128), jnp.bfloat16),
            jax.ShapeDtypeStruct((bn_pad, 32), jnp.bfloat16),
        ],
    )(g1r, tbl, *consts)


def _stage_e(g2r, fx2r, scv, consts, rb):
    bn_pad = scv.shape[0]
    nblk = bn_pad // rb
    bf16 = jnp.bfloat16

    def body(g2_ref, fx2_ref, sc_ref, e1_r, e2_r, bd2e_r, g_r, m2_r, wm2_r,
             bfc2l_r, bml2_r, bm2_r, enc_ref):
        fcat = (_dot(g2_ref[...].astype(bf16), e1_r[...])
                + _dot(fx2_ref[...], e2_r[...]))
        fcb = fcat.astype(bf16)
        att = _dot(fcb, bd2e_r[...]) + bfc2l_r[...]
        m = att
        for sh in (16, 32, 64, 128):
            m = jnp.maximum(m, pltpu.roll(m, sh, 1))
        e = jnp.exp(att - m)
        den = _dot(e.astype(bf16), g_r[...])
        num = _dot((e * fcat).astype(bf16), g_r[...])
        aggf = num * (1.0 / den)
        f_lfa = _lrelu(_dot(aggf.astype(bf16), m2_r[...]) + bml2_r[...])
        f_main = _dot(f_lfa.astype(bf16), wm2_r[...]) + bm2_r[...]
        enc_ref[...] = _lrelu(f_main + sc_ref[...].astype(jnp.float32))

    return pl.pallas_call(
        body,
        grid=(nblk,),
        in_specs=[
            pl.BlockSpec((rb, 128), lambda i: (i, 0)),
            pl.BlockSpec((rb, 128), lambda i: (i, 0)),
            pl.BlockSpec((rb, 32), lambda i: (i, 0)),
        ] + [_wspec(c.shape) for c in consts],
        out_specs=[pl.BlockSpec((rb, 32), lambda i: (i, 0))],
        out_shape=[jax.ShapeDtypeStruct((bn_pad, 32), jnp.float32)],
    )(g2r, fx2r, scv, *consts)[0]


def _stage_g(g3, wfcp, bfcp, rb, k):
    rows_pad = g3.shape[0]
    nblk = rows_pad // (rb * k)

    def body(g_ref, wfc_r, bfc_r, out_ref):
        mp = jnp.max(g_ref[...].reshape(rb, k, 32), axis=1)
        out_ref[...] = _dot(mp.astype(jnp.bfloat16), wfc_r[...]) + bfc_r[...]

    return pl.pallas_call(
        body,
        grid=(nblk,),
        in_specs=[pl.BlockSpec((rb * k, 32), lambda i: (i, 0)),
                  _wspec(wfcp.shape), _wspec(bfcp.shape)],
        out_specs=[pl.BlockSpec((rb, 16), lambda i: (i, 0))],
        out_shape=[jax.ShapeDtypeStruct((rows_pad // k, 16), jnp.float32)],
    )(g3, wfcp, bfcp)[0]


def _stage_i(g4, rows, rb):
    nblk = rows // rb

    def body(g_ref, out_ref):
        out_ref[...] = g_ref[:, 0:13]

    return pl.pallas_call(
        body,
        grid=(nblk,),
        in_specs=[pl.BlockSpec((rb, 16), lambda i: (i, 0))],
        out_specs=[pl.BlockSpec((rb, 13), lambda i: (i, 0))],
        out_shape=[jax.ShapeDtypeStruct((rows, 13), jnp.float32)],
    )(g4)[0]


def kernel(xyz, features, neigh_idx, sub_idx, interp_idx, W_mlp1, b_mlp1,
           W_lfa1, b_lfa1, W_att1_fc, b_att1_fc, W_att1_mlp, b_att1_mlp,
           W_lfa2, b_lfa2, W_att2_fc, b_att2_fc, W_att2_mlp, b_att2_mlp,
           W_mlp2, b_mlp2, W_sc, b_sc, W_fc, b_fc):
    B, N, K = neigh_idx.shape
    Ns = sub_idx.shape[1]
    BN = B * N
    RB = 4096
    BN_PAD = 200704
    f32 = jnp.float32
    bf16 = jnp.bfloat16
    offs_n = (jnp.arange(B, dtype=jnp.int32) * N)[:, None, None]
    offs_s = (jnp.arange(B, dtype=jnp.int32) * Ns)[:, None]
    eyeK = jnp.eye(K, dtype=f32)
    onesK = jnp.ones((K, K), f32)

    wc = W_lfa1[1:4] + W_lfa1[4:7]
    p2 = jnp.zeros((16, 16), f32).at[0:3, 8:16].set(wc)
    p2 = jnp.tile(p2, (1, K))
    blk1 = (jnp.zeros((16, 16), f32)
            .at[0:3, 8:16].set(W_lfa1[7:10] - W_lfa1[1:4])
            .at[3:11, 0:8].set(W_mlp1))
    bd1 = jnp.kron(eyeK, blk1)
    bd2 = jnp.kron(eyeK, W_att1_fc)
    bd3 = jnp.kron(eyeK, jnp.zeros((16, 8), f32).at[8:16].set(W_lfa2))
    gk_ = jnp.kron(onesK, jnp.eye(16, dtype=f32))
    g3 = jnp.kron(eyeK, jnp.ones((16, 16), f32))
    m1 = jnp.zeros((256, 8), f32).at[0:16].set(W_att1_mlp)
    wscp = jnp.zeros((16, 32), f32).at[3:11].set(W_sc)
    w0l = jnp.tile(jnp.zeros((16,), f32).at[8:16].set(W_lfa1[0]), K)[None]
    b1l = jnp.tile(jnp.concatenate([b_mlp1, b_lfa1]), K)[None]
    bfc1l = jnp.tile(b_att1_fc, K)[None]
    b3l = jnp.tile(b_lfa2, K)[None]
    mask3 = ((jnp.arange(256) % 16) < 3).astype(f32)[None]
    cast = lambda a: a.astype(bf16)
    consts_c = (cast(p2), cast(bd1), cast(bd2), cast(bd3), cast(gk_),
                cast(g3), cast(m1), cast(wscp), w0l, b1l, bfc1l, b3l,
                b_att1_mlp[None], b_sc[None], mask3)

    e1 = jnp.kron(eyeK, jnp.concatenate(
        [jnp.eye(8, dtype=f32), jnp.zeros((8, 8), f32)], axis=1))
    e2 = jnp.kron(eyeK, jnp.concatenate(
        [jnp.zeros((8, 8), f32), jnp.eye(8, dtype=f32)], axis=1))
    bd2e = jnp.kron(eyeK, W_att2_fc)
    m2 = jnp.zeros((256, 16), f32).at[0:16].set(W_att2_mlp)
    bfc2l = jnp.tile(b_att2_fc, K)[None]
    consts_e = (cast(e1), cast(e2), cast(bd2e), cast(gk_), cast(m2),
                cast(W_mlp2), bfc2l, b_att2_mlp[None], b_mlp2[None])

    wfcp = jnp.zeros((32, 16), f32).at[:, 0:13].set(W_fc)
    bfcp = jnp.zeros((1, 16), f32).at[0, 0:13].set(b_fc)

    table1 = jnp.concatenate(
        [xyz, features, jnp.zeros((B, N, 5), f32)], axis=-1
    ).reshape(BN, 16)

    gidx1 = _pad_reshape_idx((neigh_idx + offs_n).reshape(-1), 56, 14, BN)
    g1 = _sc_gather(table1, gidx1, 16)

    f_pc_agg, f_xyz2, sc_v = _stage_c(
        g1.reshape(BN_PAD, 256), table1, consts_c, RB, BN_PAD)

    g2 = _sc_gather(f_pc_agg, gidx1, 8)

    f_enc = _stage_e(g2.reshape(BN_PAD, 128), f_xyz2, sc_v, consts_e, RB)

    gidx3 = _pad_reshape_idx((sub_idx + offs_n).reshape(-1), 14, 14, BN)
    g3g = _sc_gather(f_enc, gidx3, 32)
    ls = _stage_g(g3g, cast(wfcp), bfcp, 1024, K)

    gidx4 = _pad_reshape_idx((interp_idx[:, :, 0] + offs_s).reshape(-1), 4, 14, B * Ns)
    g4 = _sc_gather(ls, gidx4, 16)

    logits = _stage_i(g4, BN, 2000)
    return logits.reshape(B, N, 13)

# --- scband reference (transcript-rebuilt; emitter-appended) ---
"""Pipeline reference for scband-rand-lanet-58789512348283 (READ-ONLY COPY).

The authoritative reference and input builder live on the scoring server;
editing this copy changes nothing except your own understanding.
"""

import jax, jax.numpy as jnp
import numpy as np


def _gather(pc, idx):
    # pc: [B, N, d], idx: [B, M, K] -> [B, M, K, d]
    B, N, d = pc.shape
    M, K = idx.shape[1], idx.shape[2]
    flat = idx.reshape(B, M * K)
    g = jax.vmap(lambda p, i: jnp.take(p, i, axis=0))(pc, flat)
    return g.reshape(B, M, K, d)


def _lrelu(x):
    return jax.nn.leaky_relu(x, negative_slope=0.2)


def _att_pool(fs, Wfc, bfc, Wmlp, bmlp):
    # fs: [B, N, K, d]
    att = fs @ Wfc + bfc
    scores = jax.nn.softmax(att, axis=2)
    agg = jnp.sum(scores * fs, axis=2)
    return _lrelu(agg @ Wmlp + bmlp)


def setup_inputs(seed: int = 0):
    key = jax.random.key(seed)
    ks = jax.random.split(key, 32)
    B, N, K = 4, 50000, 16
    d_in, d_out, num_classes = 8, 16, 13
    Ns = N // 4
    s = 0.1
    inp = {}
    inp['xyz'] = jax.random.normal(ks[0], (B, N, 3), jnp.float32)
    inp['features'] = jax.random.normal(ks[1], (B, N, d_in), jnp.float32)
    inp['neigh_idx'] = jax.random.randint(ks[2], (B, N, K), 0, N, jnp.int32)
    inp['sub_idx'] = jax.random.randint(ks[3], (B, Ns, K), 0, N, jnp.int32)
    inp['interp_idx'] = jax.random.randint(ks[4], (B, N, 1), 0, Ns, jnp.int32)
    # learned params (RandLANet encoder layer 0, d_out=16)
    inp['W_mlp1'] = s * jax.random.normal(ks[5], (d_in, d_out // 2), jnp.float32)
    inp['b_mlp1'] = jnp.zeros((d_out // 2,), jnp.float32)
    inp['W_lfa1'] = s * jax.random.normal(ks[6], (10, d_out // 2), jnp.float32)
    inp['b_lfa1'] = jnp.zeros((d_out // 2,), jnp.float32)
    inp['W_att1_fc'] = s * jax.random.normal(ks[7], (d_out, d_out), jnp.float32)
    inp['b_att1_fc'] = jnp.zeros((d_out,), jnp.float32)
    inp['W_att1_mlp'] = s * jax.random.normal(ks[8], (d_out, d_out // 2), jnp.float32)
    inp['b_att1_mlp'] = jnp.zeros((d_out // 2,), jnp.float32)
    inp['W_lfa2'] = s * jax.random.normal(ks[9], (d_out // 2, d_out // 2), jnp.float32)
    inp['b_lfa2'] = jnp.zeros((d_out // 2,), jnp.float32)
    inp['W_att2_fc'] = s * jax.random.normal(ks[10], (d_out, d_out), jnp.float32)
    inp['b_att2_fc'] = jnp.zeros((d_out,), jnp.float32)
    inp['W_att2_mlp'] = s * jax.random.normal(ks[11], (d_out, d_out), jnp.float32)
    inp['b_att2_mlp'] = jnp.zeros((d_out,), jnp.float32)
    inp['W_mlp2'] = s * jax.random.normal(ks[12], (d_out, 2 * d_out), jnp.float32)
    inp['b_mlp2'] = jnp.zeros((2 * d_out,), jnp.float32)
    inp['W_sc'] = s * jax.random.normal(ks[13], (d_in, 2 * d_out), jnp.float32)
    inp['b_sc'] = jnp.zeros((2 * d_out,), jnp.float32)
    inp['W_fc'] = s * jax.random.normal(ks[14], (2 * d_out, num_classes), jnp.float32)
    inp['b_fc'] = jnp.zeros((num_classes,), jnp.float32)
    return inp


def reference(xyz, features, neigh_idx, sub_idx, interp_idx,
              W_mlp1, b_mlp1, W_lfa1, b_lfa1,
              W_att1_fc, b_att1_fc, W_att1_mlp, b_att1_mlp,
              W_lfa2, b_lfa2, W_att2_fc, b_att2_fc,
              W_att2_mlp, b_att2_mlp, W_mlp2, b_mlp2,
              W_sc, b_sc, W_fc, b_fc):
    # relative position encoding
    neigh_xyz = _gather(xyz, neigh_idx)                      # [B,N,K,3]
    center = xyz[:, :, None, :]
    rel = center - neigh_xyz
    dist = jnp.sqrt(jnp.sum(rel ** 2, axis=-1, keepdims=True) + 1e-12)
    center_t = jnp.broadcast_to(center, neigh_xyz.shape)
    f_xyz_in = jnp.concatenate([dist, rel, center_t, neigh_xyz], axis=-1)  # [B,N,K,10]
    # dilated residual block
    f_pc = _lrelu(features @ W_mlp1 + b_mlp1)                # [B,N,8]
    f_xyz = _lrelu(f_xyz_in @ W_lfa1 + b_lfa1)               # [B,N,K,8]
    f_neigh = _gather(f_pc, neigh_idx)                       # [B,N,K,8]
    f_concat = jnp.concatenate([f_neigh, f_xyz], axis=-1)    # [B,N,K,16]
    f_pc_agg = _att_pool(f_concat, W_att1_fc, b_att1_fc, W_att1_mlp, b_att1_mlp)  # [B,N,8]
    f_xyz2 = _lrelu(f_xyz @ W_lfa2 + b_lfa2)                 # [B,N,K,8]
    f_neigh2 = _gather(f_pc_agg, neigh_idx)                  # [B,N,K,8]
    f_concat2 = jnp.concatenate([f_neigh2, f_xyz2], axis=-1) # [B,N,K,16]
    f_lfa = _att_pool(f_concat2, W_att2_fc, b_att2_fc, W_att2_mlp, b_att2_mlp)    # [B,N,16]
    f_main = f_lfa @ W_mlp2 + b_mlp2                         # [B,N,32] (no act)
    sc = features @ W_sc + b_sc                              # [B,N,32] (no act)
    f_enc = _lrelu(f_main + sc)
    # random sample: gather + max-pool over neighborhood
    g = _gather(f_enc, sub_idx)                              # [B,Ns,K,32]
    f_sampled = jnp.max(g, axis=2)                           # [B,Ns,32]
    # nearest interpolation back to full resolution
    f_interp = _gather(f_sampled, interp_idx)[:, :, 0, :]    # [B,N,32]
    logits = f_interp @ W_fc + b_fc                          # [B,N,13]
    return logits

if __name__ == "__main__":
    import jax
    _d = setup_inputs()
    print(jax.jit(kernel)(*tuple(_d.values())))

</pallas_src>

<mosaic_0001>
#map = affine_map<(d0, d1) -> (0, 0)>
#map1 = affine_map<(d0, d1) -> (0, 0, 0, 0)>
module attributes {stable_mosaic.version = 14 : i64} {
  func.func @gk(%arg0: i32, %arg1: i32, %arg2: memref<50176x16xf32, #tpu.memory_space<hbm>>, %arg3: memref<32x4x14x128xi32, #tpu.memory_space<hbm>>, %arg4: memref<229376x16xf32, #tpu.memory_space<hbm>>, %arg5: memref<14x128xi32, #tpu.memory_space<vmem>>, %arg6: memref<1792x16xf32, #tpu.memory_space<vmem>>, %arg7: memref<!tpu.dma_semaphore, #tpu.memory_space<semaphore_mem>>) attributes {dimension_semantics = [#tpu.dimension_semantics<core_parallel>, #tpu.dimension_semantics<subcore_parallel>], iteration_bounds = array<i64: 2, 16>, scalar_prefetch = 0 : i64, scratch_operands = 3 : i64, tpu.core_type = #tpu.core_type<sc_vector_subcore>, window_params = [{transform_indices = #map}, {transform_indices = #map1}, {transform_indices = #map}]} {
    %mul3A = arith.constant 2 : i32
    %mul3A_0 = arith.muli %arg1, %mul3A : i32
    %add3A = arith.addi %mul3A_0, %arg0 : i32
    %scan3A = arith.constant 0 : i32
    %scan3A_1 = arith.constant 0 : i32
    %scan3A_2 = arith.constant 4 : i32
    %scan3A_3 = arith.addi %scan3A_1, %scan3A_2 : i32
    %scan3A_4 = arith.constant 1 : i32
    scf.for %scan3A_6 = %scan3A_1 to %scan3A_3 step %scan3A_4  : i32 {
      "tpu.region"() ({
        %run_scoped3A = tpu.sem_alloc : memref<!tpu.dma_semaphore, #tpu.memory_space<semaphore_mem>>
        %dma_start3A_290 = arith.constant 0 : i32
        %dma_start3A_291 = arith.constant 0 : i32
        %dma_start3A_292 = tpu.memref_slice %arg3[%add3A, %scan3A_6, %dma_start3A_290, %dma_start3A_291] : memref<32x4x14x128xi32, #tpu.memory_space<hbm>> -> memref<1x1x14x128xi32, #tpu.memory_space<hbm>>
        %dma_start3A_293 = tpu.memref_squeeze %dma_start3A_292 : memref<1x1x14x128xi32, #tpu.memory_space<hbm>> -> memref<14x128xi32, #tpu.memory_space<hbm>>
        %dma_start3A_294 = arith.constant 0 : i32
        %dma_start3A_295 = arith.constant 0 : i32
        %dma_start3A_296 = tpu.memref_slice %arg3[%add3A, %scan3A_6, %dma_start3A_294, %dma_start3A_295] : memref<32x4x14x128xi32, #tpu.memory_space<hbm>> -> memref<1x1x14x128xi32, #tpu.memory_space<hbm>>
        %dma_start3A_297 = tpu.memref_squeeze %dma_start3A_296 : memref<1x1x14x128xi32, #tpu.memory_space<hbm>> -> memref<14x128xi32, #tpu.memory_space<hbm>>
        tpu.enqueue_dma source(%dma_start3A_297 : memref<14x128xi32, #tpu.memory_space<hbm>>) target(%arg5 : memref<14x128xi32, #tpu.memory_space<vmem>>) target_semaphore(%run_scoped3A : memref<!tpu.dma_semaphore, #tpu.memory_space<semaphore_mem>>)
        %dma_wait3A_298 = arith.constant 0 : i32
        %dma_wait3A_299 = arith.constant 0 : i32
        %dma_wait3A_300 = tpu.memref_slice %arg3[%add3A, %scan3A_6, %dma_wait3A_298, %dma_wait3A_299] : memref<32x4x14x128xi32, #tpu.memory_space<hbm>> -> memref<1x1x14x128xi32, #tpu.memory_space<hbm>>
        %dma_wait3A_301 = tpu.memref_squeeze %dma_wait3A_300 : memref<1x1x14x128xi32, #tpu.memory_space<hbm>> -> memref<14x128xi32, #tpu.memory_space<hbm>>
        %dma_wait3A_302 = arith.constant 0 : i32
        %dma_wait3A_303 = arith.constant 0 : i32
        %dma_wait3A_304 = tpu.memref_slice %arg3[%add3A, %scan3A_6, %dma_wait3A_302, %dma_wait3A_303] : memref<32x4x14x128xi32, #tpu.memory_space<hbm>> -> memref<1x1x14x128xi32, #tpu.memory_space<hbm>>
        %dma_wait3A_305 = tpu.memref_squeeze %dma_wait3A_304 : memref<1x1x14x128xi32, #tpu.memory_space<hbm>> -> memref<14x128xi32, #tpu.memory_space<hbm>>
        tpu.wait_dma2 semaphore(%run_scoped3A : memref<!tpu.dma_semaphore, #tpu.memory_space<semaphore_mem>>) src(%dma_wait3A_305 : memref<14x128xi32, #tpu.memory_space<hbm>>) dst(%arg5 : memref<14x128xi32, #tpu.memory_space<vmem>>)
        tpu.yield
      }) : () -> ()
      %dma_start3A = arith.constant 0 : i32
      %dma_start3A_7 = arith.constant 0 : i32
      %dma_start3A_8 = arith.constant 0 : i32
      %dma_start3A_9 = tpu.memref_slice %arg6[%dma_start3A_7, %dma_start3A_8] : memref<1792x16xf32, #tpu.memory_space<vmem>> -> memref<128x16xf32, #tpu.memory_space<vmem>>
      %dma_start3A_10 = arith.constant 0 : i32
      %dma_start3A_11 = tpu.memref_slice %arg5[%dma_start3A, %dma_start3A_10] : memref<14x128xi32, #tpu.memory_space<vmem>> -> memref<1x128xi32, #tpu.memory_space<vmem>>
      %dma_start3A_12 = tpu.memref_squeeze %dma_start3A_11 : memref<1x128xi32, #tpu.memory_space<vmem>> -> memref<128xi32, #tpu.memory_space<vmem>>
      %dma_start3A_13 = arith.constant 0 : i32
      %dma_start3A_14 = arith.constant 0 : i32
      %dma_start3A_15 = tpu.memref_slice %arg2[%dma_start3A_13, %dma_start3A_14] : memref<50176x16xf32, #tpu.memory_space<hbm>> -> memref<50176x16xf32, #tpu.memory_space<hbm>>
      tpu.enqueue_indirect_dma source(%dma_start3A_15 : memref<50176x16xf32, #tpu.memory_space<hbm>>) target(%dma_start3A_9 : memref<128x16xf32, #tpu.memory_space<vmem>>) offsets(%dma_start3A_12 : memref<128xi32, #tpu.memory_space<vmem>>) semaphore(%arg7 : memref<!tpu.dma_semaphore, #tpu.memory_space<semaphore_mem>>)
      %dma_start3A_16 = arith.constant 1 : i32
      %dma_start3A_17 = arith.constant 128 : i32
      %dma_start3A_18 = arith.constant 0 : i32
      %dma_start3A_19 = tpu.memref_slice %arg6[%dma_start3A_17, %dma_start3A_18] : memref<1792x16xf32, #tpu.memory_space<vmem>> -> memref<128x16xf32, #tpu.memory_space<vmem>>
      %dma_start3A_20 = arith.constant 0 : i32
      %dma_start3A_21 = tpu.memref_slice %arg5[%dma_start3A_16, %dma_start3A_20] : memref<14x128xi32, #tpu.memory_space<vmem>> -> memref<1x128xi32, #tpu.memory_space<vmem>>
      %dma_start3A_22 = tpu.memref_squeeze %dma_start3A_21 : memref<1x128xi32, #tpu.memory_space<vmem>> -> memref<128xi32, #tpu.memory_space<vmem>>
      %dma_start3A_23 = arith.constant 0 : i32
      %dma_start3A_24 = arith.constant 0 : i32
      %dma_start3A_25 = tpu.memref_slice %arg2[%dma_start3A_23, %dma_start3A_24] : memref<50176x16xf32, #tpu.memory_space<hbm>> -> memref<50176x16xf32, #tpu.memory_space<hbm>>
      tpu.enqueue_indirect_dma source(%dma_start3A_25 : memref<50176x16xf32, #tpu.memory_space<hbm>>) target(%dma_start3A_19 : memref<128x16xf32, #tpu.memory_space<vmem>>) offsets(%dma_start3A_22 : memref<128xi32, #tpu.memory_space<vmem>>) semaphore(%arg7 : memref<!tpu.dma_semaphore, #tpu.memory_space<semaphore_mem>>)
      %dma_start3A_26 = arith.constant 2 : i32
      %dma_start3A_27 = arith.constant 256 : i32
      %dma_start3A_28 = arith.constant 0 : i32
      %dma_start3A_29 = tpu.memref_slice %arg6[%dma_start3A_27, %dma_start3A_28] : memref<1792x16xf32, #tpu.memory_space<vmem>> -> memref<128x16xf32, #tpu.memory_space<vmem>>
      %dma_start3A_30 = arith.constant 0 : i32
      %dma_start3A_31 = tpu.memref_slice %arg5[%dma_start3A_26, %dma_start3A_30] : memref<14x128xi32, #tpu.memory_space<vmem>> -> memref<1x128xi32, #tpu.memory_space<vmem>>
      %dma_start3A_32 = tpu.memref_squeeze %dma_start3A_31 : memref<1x128xi32, #tpu.memory_space<vmem>> -> memref<128xi32, #tpu.memory_space<vmem>>
      %dma_start3A_33 = arith.constant 0 : i32
      %dma_start3A_34 = arith.constant 0 : i32
      %dma_start3A_35 = tpu.memref_slice %arg2[%dma_start3A_33, %dma_start3A_34] : memref<50176x16xf32, #tpu.memory_space<hbm>> -> memref<50176x16xf32, #tpu.memory_space<hbm>>
      tpu.enqueue_indirect_dma source(%dma_start3A_35 : memref<50176x16xf32, #tpu.memory_space<hbm>>) target(%dma_start3A_29 : memref<128x16xf32, #tpu.memory_space<vmem>>) offsets(%dma_start3A_32 : memref<128xi32, #tpu.memory_space<vmem>>) semaphore(%arg7 : memref<!tpu.dma_semaphore, #tpu.memory_space<semaphore_mem>>)
      %dma_start3A_36 = arith.constant 3 : i32
      %dma_start3A_37 = arith.constant 384 : i32
      %dma_start3A_38 = arith.constant 0 : i32
      %dma_start3A_39 = tpu.memref_slice %arg6[%dma_start3A_37, %dma_start3A_38] : memref<1792x16xf32, #tpu.memory_space<vmem>> -> memref<128x16xf32, #tpu.memory_space<vmem>>
      %dma_start3A_40 = arith.constant 0 : i32
      %dma_start3A_41 = tpu.memref_slice %arg5[%dma_start3A_36, %dma_start3A_40] : memref<14x128xi32, #tpu.memory_space<vmem>> -> memref<1x128xi32, #tpu.memory_space<vmem>>
      %dma_start3A_42 = tpu.memref_squeeze %dma_start3A_41 : memref<1x128xi32, #tpu.memory_space<vmem>> -> memref<128xi32, #tpu.memory_space<vmem>>
      %dma_start3A_43 = arith.constant 0 : i32
      %dma_start3A_44 = arith.constant 0 : i32
      %dma_start3A_45 = tpu.memref_slice %arg2[%dma_start3A_43, %dma_start3A_44] : memref<50176x16xf32, #tpu.memory_space<hbm>> -> memref<50176x16xf32, #tpu.memory_space<hbm>>
      tpu.enqueue_indirect_dma source(%dma_start3A_45 : memref<50176x16xf32, #tpu.memory_space<hbm>>) target(%dma_start3A_39 : memref<128x16xf32, #tpu.memory_space<vmem>>) offsets(%dma_start3A_42 : memref<128xi32, #tpu.memory_space<vmem>>) semaphore(%arg7 : memref<!tpu.dma_semaphore, #tpu.memory_space<semaphore_mem>>)
      %dma_start3A_46 = arith.constant 4 : i32
      %dma_start3A_47 = arith.constant 512 : i32
      %dma_start3A_48 = arith.constant 0 : i32
      %dma_start3A_49 = tpu.memref_slice %arg6[%dma_start3A_47, %dma_start3A_48] : memref<1792x16xf32, #tpu.memory_space<vmem>> -> memref<128x16xf32, #tpu.memory_space<vmem>>
      %dma_start3A_50 = arith.constant 0 : i32
      %dma_start3A_51 = tpu.memref_slice %arg5[%dma_start3A_46, %dma_start3A_50] : memref<14x128xi32, #tpu.memory_space<vmem>> -> memref<1x128xi32, #tpu.memory_space<vmem>>
      %dma_start3A_52 = tpu.memref_squeeze %dma_start3A_51 : memref<1x128xi32, #tpu.memory_space<vmem>> -> memref<128xi32, #tpu.memory_space<vmem>>
      %dma_start3A_53 = arith.constant 0 : i32
      %dma_start3A_54 = arith.constant 0 : i32
      %dma_start3A_55 = tpu.memref_slice %arg2[%dma_start3A_53, %dma_start3A_54] : memref<50176x16xf32, #tpu.memory_space<hbm>> -> memref<50176x16xf32, #tpu.memory_space<hbm>>
      tpu.enqueue_indirect_dma source(%dma_start3A_55 : memref<50176x16xf32, #tpu.memory_space<hbm>>) target(%dma_start3A_49 : memref<128x16xf32, #tpu.memory_space<vmem>>) offsets(%dma_start3A_52 : memref<128xi32, #tpu.memory_space<vmem>>) semaphore(%arg7 : memref<!tpu.dma_semaphore, #tpu.memory_space<semaphore_mem>>)
      %dma_start3A_56 = arith.constant 5 : i32
      %dma_start3A_57 = arith.constant 640 : i32
      %dma_start3A_58 = arith.constant 0 : i32
      %dma_start3A_59 = tpu.memref_slice %arg6[%dma_start3A_57, %dma_start3A_58] : memref<1792x16xf32, #tpu.memory_space<vmem>> -> memref<128x16xf32, #tpu.memory_space<vmem>>
      %dma_start3A_60 = arith.constant 0 : i32
      %dma_start3A_61 = tpu.memref_slice %arg5[%dma_start3A_56, %dma_start3A_60] : memref<14x128xi32, #tpu.memory_space<vmem>> -> memref<1x128xi32, #tpu.memory_space<vmem>>
      %dma_start3A_62 = tpu.memref_squeeze %dma_start3A_61 : memref<1x128xi32, #tpu.memory_space<vmem>> -> memref<128xi32, #tpu.memory_space<vmem>>
      %dma_start3A_63 = arith.constant 0 : i32
      %dma_start3A_64 = arith.constant 0 : i32
      %dma_start3A_65 = tpu.memref_slice %arg2[%dma_start3A_63, %dma_start3A_64] : memref<50176x16xf32, #tpu.memory_space<hbm>> -> memref<50176x16xf32, #tpu.memory_space<hbm>>
      tpu.enqueue_indirect_dma source(%dma_start3A_65 : memref<50176x16xf32, #tpu.memory_space<hbm>>) target(%dma_start3A_59 : memref<128x16xf32, #tpu.memory_space<vmem>>) offsets(%dma_start3A_62 : memref<128xi32, #tpu.memory_space<vmem>>) semaphore(%arg7 : memref<!tpu.dma_semaphore, #tpu.memory_space<semaphore_mem>>)
      %dma_start3A_66 = arith.constant 6 : i32
      %dma_start3A_67 = arith.constant 768 : i32
      %dma_start3A_68 = arith.constant 0 : i32
      %dma_start3A_69 = tpu.memref_slice %arg6[%dma_start3A_67, %dma_start3A_68] : memref<1792x16xf32, #tpu.memory_space<vmem>> -> memref<128x16xf32, #tpu.memory_space<vmem>>
      %dma_start3A_70 = arith.constant 0 : i32
      %dma_start3A_71 = tpu.memref_slice %arg5[%dma_start3A_66, %dma_start3A_70] : memref<14x128xi32, #tpu.memory_space<vmem>> -> memref<1x128xi32, #tpu.memory_space<vmem>>
      %dma_start3A_72 = tpu.memref_squeeze %dma_start3A_71 : memref<1x128xi32, #tpu.memory_space<vmem>> -> memref<128xi32, #tpu.memory_space<vmem>>
      %dma_start3A_73 = arith.constant 0 : i32
      %dma_start3A_74 = arith.constant 0 : i32
      %dma_start3A_75 = tpu.memref_slice %arg2[%dma_start3A_73, %dma_start3A_74] : memref<50176x16xf32, #tpu.memory_space<hbm>> -> memref<50176x16xf32, #tpu.memory_space<hbm>>
      tpu.enqueue_indirect_dma source(%dma_start3A_75 : memref<50176x16xf32, #tpu.memory_space<hbm>>) target(%dma_start3A_69 : memref<128x16xf32, #tpu.memory_space<vmem>>) offsets(%dma_start3A_72 : memref<128xi32, #tpu.memory_space<vmem>>) semaphore(%arg7 : memref<!tpu.dma_semaphore, #tpu.memory_space<semaphore_mem>>)
      %dma_start3A_76 = arith.constant 7 : i32
      %dma_start3A_77 = arith.constant 896 : i32
      %dma_start3A_78 = arith.constant 0 : i32
      %dma_start3A_79 = tpu.memref_slice %arg6[%dma_start3A_77, %dma_start3A_78] : memref<1792x16xf32, #tpu.memory_space<vmem>> -> memref<128x16xf32, #tpu.memory_space<vmem>>
      %dma_start3A_80 = arith.constant 0 : i32
      %dma_start3A_81 = tpu.memref_slice %arg5[%dma_start3A_76, %dma_start3A_80] : memref<14x128xi32, #tpu.memory_space<vmem>> -> memref<1x128xi32, #tpu.memory_space<vmem>>
      %dma_start3A_82 = tpu.memref_squeeze %dma_start3A_81 : memref<1x128xi32, #tpu.memory_space<vmem>> -> memref<128xi32, #tpu.memory_space<vmem>>
      %dma_start3A_83 = arith.constant 0 : i32
      %dma_start3A_84 = arith.constant 0 : i32
      %dma_start3A_85 = tpu.memref_slice %arg2[%dma_start3A_83, %dma_start3A_84] : memref<50176x16xf32, #tpu.memory_space<hbm>> -> memref<50176x16xf32, #tpu.memory_space<hbm>>
      tpu.enqueue_indirect_dma source(%dma_start3A_85 : memref<50176x16xf32, #tpu.memory_space<hbm>>) target(%dma_start3A_79 : memref<128x16xf32, #tpu.memory_space<vmem>>) offsets(%dma_start3A_82 : memref<128xi32, #tpu.memory_space<vmem>>) semaphore(%arg7 : memref<!tpu.dma_semaphore, #tpu.memory_space<semaphore_mem>>)
      %dma_start3A_86 = arith.constant 8 : i32
      %dma_start3A_87 = arith.constant 1024 : i32
      %dma_start3A_88 = arith.constant 0 : i32
      %dma_start3A_89 = tpu.memref_slice %arg6[%dma_start3A_87, %dma_start3A_88] : memref<1792x16xf32, #tpu.memory_space<vmem>> -> memref<128x16xf32, #tpu.memory_space<vmem>>
      %dma_start3A_90 = arith.constant 0 : i32
      %dma_start3A_91 = tpu.memref_slice %arg5[%dma_start3A_86, %dma_start3A_90] : memref<14x128xi32, #tpu.memory_space<vmem>> -> memref<1x128xi32, #tpu.memory_space<vmem>>
      %dma_start3A_92 = tpu.memref_squeeze %dma_start3A_91 : memref<1x128xi32, #tpu.memory_space<vmem>> -> memref<128xi32, #tpu.memory_space<vmem>>
      %dma_start3A_93 = arith.constant 0 : i32
      %dma_start3A_94 = arith.constant 0 : i32
      %dma_start3A_95 = tpu.memref_slice %arg2[%dma_start3A_93, %dma_start3A_94] : memref<50176x16xf32, #tpu.memory_space<hbm>> -> memref<50176x16xf32, #tpu.memory_space<hbm>>
      tpu.enqueue_indirect_dma source(%dma_start3A_95 : memref<50176x16xf32, #tpu.memory_space<hbm>>) target(%dma_start3A_89 : memref<128x16xf32, #tpu.memory_space<vmem>>) offsets(%dma_start3A_92 : memref<128xi32, #tpu.memory_space<vmem>>) semaphore(%arg7 : memref<!tpu.dma_semaphore, #tpu.memory_space<semaphore_mem>>)
      %dma_start3A_96 = arith.constant 9 : i32
      %dma_start3A_97 = arith.constant 1152 : i32
      %dma_start3A_98 = arith.constant 0 : i32
      %dma_start3A_99 = tpu.memref_slice %arg6[%dma_start3A_97, %dma_start3A_98] : memref<1792x16xf32, #tpu.memory_space<vmem>> -> memref<128x16xf32, #tpu.memory_space<vmem>>
      %dma_start3A_100 = arith.constant 0 : i32
      %dma_start3A_101 = tpu.memref_slice %arg5[%dma_start3A_96, %dma_start3A_100] : memref<14x128xi32, #tpu.memory_space<vmem>> -> memref<1x128xi32, #tpu.memory_space<vmem>>
      %dma_start3A_102 = tpu.memref_squeeze %dma_start3A_101 : memref<1x128xi32, #tpu.memory_space<vmem>> -> memref<128xi32, #tpu.memory_space<vmem>>
      %dma_start3A_103 = arith.constant 0 : i32
      %dma_start3A_104 = arith.constant 0 : i32
      %dma_start3A_105 = tpu.memref_slice %arg2[%dma_start3A_103, %dma_start3A_104] : memref<50176x16xf32, #tpu.memory_space<hbm>> -> memref<50176x16xf32, #tpu.memory_space<hbm>>
      tpu.enqueue_indirect_dma source(%dma_start3A_105 : memref<50176x16xf32, #tpu.memory_space<hbm>>) target(%dma_start3A_99 : memref<128x16xf32, #tpu.memory_space<vmem>>) offsets(%dma_start3A_102 : memref<128xi32, #tpu.memory_space<vmem>>) semaphore(%arg7 : memref<!tpu.dma_semaphore, #tpu.memory_space<semaphore_mem>>)
      %dma_start3A_106 = arith.constant 10 : i32
      %dma_start3A_107 = arith.constant 1280 : i32
      %dma_start3A_108 = arith.constant 0 : i32
      %dma_start3A_109 = tpu.memref_slice %arg6[%dma_start3A_107, %dma_start3A_108] : memref<1792x16xf32, #tpu.memory_space<vmem>> -> memref<128x16xf32, #tpu.memory_space<vmem>>
      %dma_start3A_110 = arith.constant 0 : i32
      %dma_start3A_111 = tpu.memref_slice %arg5[%dma_start3A_106, %dma_start3A_110] : memref<14x128xi32, #tpu.memory_space<vmem>> -> memref<1x128xi32, #tpu.memory_space<vmem>>
      %dma_start3A_112 = tpu.memref_squeeze %dma_start3A_111 : memref<1x128xi32, #tpu.memory_space<vmem>> -> memref<128xi32, #tpu.memory_space<vmem>>
      %dma_start3A_113 = arith.constant 0 : i32
      %dma_start3A_114 = arith.constant 0 : i32
      %dma_start3A_115 = tpu.memref_slice %arg2[%dma_start3A_113, %dma_start3A_114] : memref<50176x16xf32, #tpu.memory_space<hbm>> -> memref<50176x16xf32, #tpu.memory_space<hbm>>
      tpu.enqueue_indirect_dma source(%dma_start3A_115 : memref<50176x16xf32, #tpu.memory_space<hbm>>) target(%dma_start3A_109 : memref<128x16xf32, #tpu.memory_space<vmem>>) offsets(%dma_start3A_112 : memref<128xi32, #tpu.memory_space<vmem>>) semaphore(%arg7 : memref<!tpu.dma_semaphore, #tpu.memory_space<semaphore_mem>>)
      %dma_start3A_116 = arith.constant 11 : i32
      %dma_start3A_117 = arith.constant 1408 : i32
      %dma_start3A_118 = arith.constant 0 : i32
      %dma_start3A_119 = tpu.memref_slice %arg6[%dma_start3A_117, %dma_start3A_118] : memref<1792x16xf32, #tpu.memory_space<vmem>> -> memref<128x16xf32, #tpu.memory_space<vmem>>
      %dma_start3A_120 = arith.constant 0 : i32
      %dma_start3A_121 = tpu.memref_slice %arg5[%dma_start3A_116, %dma_start3A_120] : memref<14x128xi32, #tpu.memory_space<vmem>> -> memref<1x128xi32, #tpu.memory_space<vmem>>
      %dma_start3A_122 = tpu.memref_squeeze %dma_start3A_121 : memref<1x128xi32, #tpu.memory_space<vmem>> -> memref<128xi32, #tpu.memory_space<vmem>>
      %dma_start3A_123 = arith.constant 0 : i32
      %dma_start3A_124 = arith.constant 0 : i32
      %dma_start3A_125 = tpu.memref_slice %arg2[%dma_start3A_123, %dma_start3A_124] : memref<50176x16xf32, #tpu.memory_space<hbm>> -> memref<50176x16xf32, #tpu.memory_space<hbm>>
      tpu.enqueue_indirect_dma source(%dma_start3A_125 : memref<50176x16xf32, #tpu.memory_space<hbm>>) target(%dma_start3A_119 : memref<128x16xf32, #tpu.memory_space<vmem>>) offsets(%dma_start3A_122 : memref<128xi32, #tpu.memory_space<vmem>>) semaphore(%arg7 : memref<!tpu.dma_semaphore, #tpu.memory_space<semaphore_mem>>)
      %dma_start3A_126 = arith.constant 12 : i32
      %dma_start3A_127 = arith.constant 1536 : i32
      %dma_start3A_128 = arith.constant 0 : i32
      %dma_start3A_129 = tpu.memref_slice %arg6[%dma_start3A_127, %dma_start3A_128] : memref<1792x16xf32, #tpu.memory_space<vmem>> -> memref<128x16xf32, #tpu.memory_space<vmem>>
      %dma_start3A_130 = arith.constant 0 : i32
      %dma_start3A_131 = tpu.memref_slice %arg5[%dma_start3A_126, %dma_start3A_130] : memref<14x128xi32, #tpu.memory_space<vmem>> -> memref<1x128xi32, #tpu.memory_space<vmem>>
      %dma_start3A_132 = tpu.memref_squeeze %dma_start3A_131 : memref<1x128xi32, #tpu.memory_space<vmem>> -> memref<128xi32, #tpu.memory_space<vmem>>
      %dma_start3A_133 = arith.constant 0 : i32
      %dma_start3A_134 = arith.constant 0 : i32
      %dma_start3A_135 = tpu.memref_slice %arg2[%dma_start3A_133, %dma_start3A_134] : memref<50176x16xf32, #tpu.memory_space<hbm>> -> memref<50176x16xf32, #tpu.memory_space<hbm>>
      tpu.enqueue_indirect_dma source(%dma_start3A_135 : memref<50176x16xf32, #tpu.memory_space<hbm>>) target(%dma_start3A_129 : memref<128x16xf32, #tpu.memory_space<vmem>>) offsets(%dma_start3A_132 : memref<128xi32, #tpu.memory_space<vmem>>) semaphore(%arg7 : memref<!tpu.dma_semaphore, #tpu.memory_space<semaphore_mem>>)
      %dma_start3A_136 = arith.constant 13 : i32
      %dma_start3A_137 = arith.constant 1664 : i32
      %dma_start3A_138 = arith.constant 0 : i32
      %dma_start3A_139 = tpu.memref_slice %arg6[%dma_start3A_137, %dma_start3A_138] : memref<1792x16xf32, #tpu.memory_space<vmem>> -> memref<128x16xf32, #tpu.memory_space<vmem>>
      %dma_start3A_140 = arith.constant 0 : i32
      %dma_start3A_141 = tpu.memref_slice %arg5[%dma_start3A_136, %dma_start3A_140] : memref<14x128xi32, #tpu.memory_space<vmem>> -> memref<1x128xi32, #tpu.memory_space<vmem>>
      %dma_start3A_142 = tpu.memref_squeeze %dma_start3A_141 : memref<1x128xi32, #tpu.memory_space<vmem>> -> memref<128xi32, #tpu.memory_space<vmem>>
      %dma_start3A_143 = arith.constant 0 : i32
      %dma_start3A_144 = arith.constant 0 : i32
      %dma_start3A_145 = tpu.memref_slice %arg2[%dma_start3A_143, %dma_start3A_144] : memref<50176x16xf32, #tpu.memory_space<hbm>> -> memref<50176x16xf32, #tpu.memory_space<hbm>>
      tpu.enqueue_indirect_dma source(%dma_start3A_145 : memref<50176x16xf32, #tpu.memory_space<hbm>>) target(%dma_start3A_139 : memref<128x16xf32, #tpu.memory_space<vmem>>) offsets(%dma_start3A_142 : memref<128xi32, #tpu.memory_space<vmem>>) semaphore(%arg7 : memref<!tpu.dma_semaphore, #tpu.memory_space<semaphore_mem>>)
      %dma_wait3A = arith.constant 0 : i32
      %dma_wait3A_146 = arith.constant 0 : i32
      %dma_wait3A_147 = arith.constant 0 : i32
      %dma_wait3A_148 = tpu.memref_slice %arg6[%dma_wait3A_146, %dma_wait3A_147] : memref<1792x16xf32, #tpu.memory_space<vmem>> -> memref<128x16xf32, #tpu.memory_space<vmem>>
      %dma_wait3A_149 = arith.constant 0 : i32
      %dma_wait3A_150 = tpu.memref_slice %arg5[%dma_wait3A, %dma_wait3A_149] : memref<14x128xi32, #tpu.memory_space<vmem>> -> memref<1x128xi32, #tpu.memory_space<vmem>>
      %dma_wait3A_151 = tpu.memref_squeeze %dma_wait3A_150 : memref<1x128xi32, #tpu.memory_space<vmem>> -> memref<128xi32, #tpu.memory_space<vmem>>
      %dma_wait3A_152 = arith.constant 0 : i32
      %dma_wait3A_153 = arith.constant 0 : i32
      %dma_wait3A_154 = tpu.memref_slice %arg2[%dma_wait3A_152, %dma_wait3A_153] : memref<50176x16xf32, #tpu.memory_space<hbm>> -> memref<50176x16xf32, #tpu.memory_space<hbm>>
      tpu.wait_indirect_dma semaphore(%arg7 : memref<!tpu.dma_semaphore, #tpu.memory_space<semaphore_mem>>) src(%dma_wait3A_154 : memref<50176x16xf32, #tpu.memory_space<hbm>>) dst(%dma_wait3A_148 : memref<128x16xf32, #tpu.memory_space<vmem>>)
      %dma_wait3A_155 = arith.constant 1 : i32
      %dma_wait3A_156 = arith.constant 128 : i32
      %dma_wait3A_157 = arith.constant 0 : i32
      %dma_wait3A_158 = tpu.memref_slice %arg6[%dma_wait3A_156, %dma_wait3A_157] : memref<1792x16xf32, #tpu.memory_space<vmem>> -> memref<128x16xf32, #tpu.memory_space<vmem>>
      %dma_wait3A_159 = arith.constant 0 : i32
      %dma_wait3A_160 = tpu.memref_slice %arg5[%dma_wait3A_155, %dma_wait3A_159] : memref<14x128xi32, #tpu.memory_space<vmem>> -> memref<1x128xi32, #tpu.memory_space<vmem>>
      %dma_wait3A_161 = tpu.memref_squeeze %dma_wait3A_160 : memref<1x128xi32, #tpu.memory_space<vmem>> -> memref<128xi32, #tpu.memory_space<vmem>>
      %dma_wait3A_162 = arith.constant 0 : i32
      %dma_wait3A_163 = arith.constant 0 : i32
      %dma_wait3A_164 = tpu.memref_slice %arg2[%dma_wait3A_162, %dma_wait3A_163] : memref<50176x16xf32, #tpu.memory_space<hbm>> -> memref<50176x16xf32, #tpu.memory_space<hbm>>
      tpu.wait_indirect_dma semaphore(%arg7 : memref<!tpu.dma_semaphore, #tpu.memory_space<semaphore_mem>>) src(%dma_wait3A_164 : memref<50176x16xf32, #tpu.memory_space<hbm>>) dst(%dma_wait3A_158 : memref<128x16xf32, #tpu.memory_space<vmem>>)
      %dma_wait3A_165 = arith.constant 2 : i32
      %dma_wait3A_166 = arith.constant 256 : i32
      %dma_wait3A_167 = arith.constant 0 : i32
      %dma_wait3A_168 = tpu.memref_slice %arg6[%dma_wait3A_166, %dma_wait3A_167] : memref<1792x16xf32, #tpu.memory_space<vmem>> -> memref<128x16xf32, #tpu.memory_space<vmem>>
      %dma_wait3A_169 = arith.constant 0 : i32
      %dma_wait3A_170 = tpu.memref_slice %arg5[%dma_wait3A_165, %dma_wait3A_169] : memref<14x128xi32, #tpu.memory_space<vmem>> -> memref<1x128xi32, #tpu.memory_space<vmem>>
      %dma_wait3A_171 = tpu.memref_squeeze %dma_wait3A_170 : memref<1x128xi32, #tpu.memory_space<vmem>> -> memref<128xi32, #tpu.memory_space<vmem>>
      %dma_wait3A_172 = arith.constant 0 : i32
      %dma_wait3A_173 = arith.constant 0 : i32
      %dma_wait3A_174 = tpu.memref_slice %arg2[%dma_wait3A_172, %dma_wait3A_173] : memref<50176x16xf32, #tpu.memory_space<hbm>> -> memref<50176x16xf32, #tpu.memory_space<hbm>>
      tpu.wait_indirect_dma semaphore(%arg7 : memref<!tpu.dma_semaphore, #tpu.memory_space<semaphore_mem>>) src(%dma_wait3A_174 : memref<50176x16xf32, #tpu.memory_space<hbm>>) dst(%dma_wait3A_168 : memref<128x16xf32, #tpu.memory_space<vmem>>)
      %dma_wait3A_175 = arith.constant 3 : i32
      %dma_wait3A_176 = arith.constant 384 : i32
      %dma_wait3A_177 = arith.constant 0 : i32
      %dma_wait3A_178 = tpu.memref_slice %arg6[%dma_wait3A_176, %dma_wait3A_177] : memref<1792x16xf32, #tpu.memory_space<vmem>> -> memref<128x16xf32, #tpu.memory_space<vmem>>
      %dma_wait3A_179 = arith.constant 0 : i32
      %dma_wait3A_180 = tpu.memref_slice %arg5[%dma_wait3A_175, %dma_wait3A_179] : memref<14x128xi32, #tpu.memory_space<vmem>> -> memref<1x128xi32, #tpu.memory_space<vmem>>
      %dma_wait3A_181 = tpu.memref_squeeze %dma_wait3A_180 : memref<1x128xi32, #tpu.memory_space<vmem>> -> memref<128xi32, #tpu.memory_space<vmem>>
      %dma_wait3A_182 = arith.constant 0 : i32
      %dma_wait3A_183 = arith.constant 0 : i32
      %dma_wait3A_184 = tpu.memref_slice %arg2[%dma_wait3A_182, %dma_wait3A_183] : memref<50176x16xf32, #tpu.memory_space<hbm>> -> memref<50176x16xf32, #tpu.memory_space<hbm>>
      tpu.wait_indirect_dma semaphore(%arg7 : memref<!tpu.dma_semaphore, #tpu.memory_space<semaphore_mem>>) src(%dma_wait3A_184 : memref<50176x16xf32, #tpu.memory_space<hbm>>) dst(%dma_wait3A_178 : memref<128x16xf32, #tpu.memory_space<vmem>>)
      %dma_wait3A_185 = arith.constant 4 : i32
      %dma_wait3A_186 = arith.constant 512 : i32
      %dma_wait3A_187 = arith.constant 0 : i32
      %dma_wait3A_188 = tpu.memref_slice %arg6[%dma_wait3A_186, %dma_wait3A_187] : memref<1792x16xf32, #tpu.memory_space<vmem>> -> memref<128x16xf32, #tpu.memory_space<vmem>>
      %dma_wait3A_189 = arith.constant 0 : i32
      %dma_wait3A_190 = tpu.memref_slice %arg5[%dma_wait3A_185, %dma_wait3A_189] : memref<14x128xi32, #tpu.memory_space<vmem>> -> memref<1x128xi32, #tpu.memory_space<vmem>>
      %dma_wait3A_191 = tpu.memref_squeeze %dma_wait3A_190 : memref<1x128xi32, #tpu.memory_space<vmem>> -> memref<128xi32, #tpu.memory_space<vmem>>
      %dma_wait3A_192 = arith.constant 0 : i32
      %dma_wait3A_193 = arith.constant 0 : i32
      %dma_wait3A_194 = tpu.memref_slice %arg2[%dma_wait3A_192, %dma_wait3A_193] : memref<50176x16xf32, #tpu.memory_space<hbm>> -> memref<50176x16xf32, #tpu.memory_space<hbm>>
      tpu.wait_indirect_dma semaphore(%arg7 : memref<!tpu.dma_semaphore, #tpu.memory_space<semaphore_mem>>) src(%dma_wait3A_194 : memref<50176x16xf32, #tpu.memory_space<hbm>>) dst(%dma_wait3A_188 : memref<128x16xf32, #tpu.memory_space<vmem>>)
      %dma_wait3A_195 = arith.constant 5 : i32
      %dma_wait3A_196 = arith.constant 640 : i32
      %dma_wait3A_197 = arith.constant 0 : i32
      %dma_wait3A_198 = tpu.memref_slice %arg6[%dma_wait3A_196, %dma_wait3A_197] : memref<1792x16xf32, #tpu.memory_space<vmem>> -> memref<128x16xf32, #tpu.memory_space<vmem>>
      %dma_wait3A_199 = arith.constant 0 : i32
      %dma_wait3A_200 = tpu.memref_slice %arg5[%dma_wait3A_195, %dma_wait3A_199] : memref<14x128xi32, #tpu.memory_space<vmem>> -> memref<1x128xi32, #tpu.memory_space<vmem>>
      %dma_wait3A_201 = tpu.memref_squeeze %dma_wait3A_200 : memref<1x128xi32, #tpu.memory_space<vmem>> -> memref<128xi32, #tpu.memory_space<vmem>>
      %dma_wait3A_202 = arith.constant 0 : i32
      %dma_wait3A_203 = arith.constant 0 : i32
      %dma_wait3A_204 = tpu.memref_slice %arg2[%dma_wait3A_202, %dma_wait3A_203] : memref<50176x16xf32, #tpu.memory_space<hbm>> -> memref<50176x16xf32, #tpu.memory_space<hbm>>
      tpu.wait_indirect_dma semaphore(%arg7 : memref<!tpu.dma_semaphore, #tpu.memory_space<semaphore_mem>>) src(%dma_wait3A_204 : memref<50176x16xf32, #tpu.memory_space<hbm>>) dst(%dma_wait3A_198 : memref<128x16xf32, #tpu.memory_space<vmem>>)
      %dma_wait3A_205 = arith.constant 6 : i32
      %dma_wait3A_206 = arith.constant 768 : i32
      %dma_wait3A_207 = arith.constant 0 : i32
      %dma_wait3A_208 = tpu.memref_slice %arg6[%dma_wait3A_206, %dma_wait3A_207] : memref<1792x16xf32, #tpu.memory_space<vmem>> -> memref<128x16xf32, #tpu.memory_space<vmem>>
      %dma_wait3A_209 = arith.constant 0 : i32
      %dma_wait3A_210 = tpu.memref_slice %arg5[%dma_wait3A_205, %dma_wait3A_209] : memref<14x128xi32, #tpu.memory_space<vmem>> -> memref<1x128xi32, #tpu.memory_space<vmem>>
      %dma_wait3A_211 = tpu.memref_squeeze %dma_wait3A_210 : memref<1x128xi32, #tpu.memory_space<vmem>> -> memref<128xi32, #tpu.memory_space<vmem>>
      %dma_wait3A_212 = arith.constant 0 : i32
      %dma_wait3A_213 = arith.constant 0 : i32
      %dma_wait3A_214 = tpu.memref_slice %arg2[%dma_wait3A_212, %dma_wait3A_213] : memref<50176x16xf32, #tpu.memory_space<hbm>> -> memref<50176x16xf32, #tpu.memory_space<hbm>>
      tpu.wait_indirect_dma semaphore(%arg7 : memref<!tpu.dma_semaphore, #tpu.memory_space<semaphore_mem>>) src(%dma_wait3A_214 : memref<50176x16xf32, #tpu.memory_space<hbm>>) dst(%dma_wait3A_208 : memref<128x16xf32, #tpu.memory_space<vmem>>)
      %dma_wait3A_215 = arith.constant 7 : i32
      %dma_wait3A_216 = arith.constant 896 : i32
      %dma_wait3A_217 = arith.constant 0 : i32
      %dma_wait3A_218 = tpu.memref_slice %arg6[%dma_wait3A_216, %dma_wait3A_217] : memref<1792x16xf32, #tpu.memory_space<vmem>> -> memref<128x16xf32, #tpu.memory_space<vmem>>
      %dma_wait3A_219 = arith.constant 0 : i32
      %dma_wait3A_220 = tpu.memref_slice %arg5[%dma_wait3A_215, %dma_wait3A_219] : memref<14x128xi32, #tpu.memory_space<vmem>> -> memref<1x128xi32, #tpu.memory_space<vmem>>
      %dma_wait3A_221 = tpu.memref_squeeze %dma_wait3A_220 : memref<1x128xi32, #tpu.memory_space<vmem>> -> memref<128xi32, #tpu.memory_space<vmem>>
      %dma_wait3A_222 = arith.constant 0 : i32
      %dma_wait3A_223 = arith.constant 0 : i32
      %dma_wait3A_224 = tpu.memref_slice %arg2[%dma_wait3A_222, %dma_wait3A_223] : memref<50176x16xf32, #tpu.memory_space<hbm>> -> memref<50176x16xf32, #tpu.memory_space<hbm>>
      tpu.wait_indirect_dma semaphore(%arg7 : memref<!tpu.dma_semaphore, #tpu.memory_space<semaphore_mem>>) src(%dma_wait3A_224 : memref<50176x16xf32, #tpu.memory_space<hbm>>) dst(%dma_wait3A_218 : memref<128x16xf32, #tpu.memory_space<vmem>>)
      %dma_wait3A_225 = arith.constant 8 : i32
      %dma_wait3A_226 = arith.constant 1024 : i32
      %dma_wait3A_227 = arith.constant 0 : i32
      %dma_wait3A_228 = tpu.memref_slice %arg6[%dma_wait3A_226, %dma_wait3A_227] : memref<1792x16xf32, #tpu.memory_space<vmem>> -> memref<128x16xf32, #tpu.memory_space<vmem>>
      %dma_wait3A_229 = arith.constant 0 : i32
      %dma_wait3A_230 = tpu.memref_slice %arg5[%dma_wait3A_225, %dma_wait3A_229] : memref<14x128xi32, #tpu.memory_space<vmem>> -> memref<1x128xi32, #tpu.memory_space<vmem>>
      %dma_wait3A_231 = tpu.memref_squeeze %dma_wait3A_230 : memref<1x128xi32, #tpu.memory_space<vmem>> -> memref<128xi32, #tpu.memory_space<vmem>>
      %dma_wait3A_232 = arith.constant 0 : i32
      %dma_wait3A_233 = arith.constant 0 : i32
      %dma_wait3A_234 = tpu.memref_slice %arg2[%dma_wait3A_232, %dma_wait3A_233] : memref<50176x16xf32, #tpu.memory_space<hbm>> -> memref<50176x16xf32, #tpu.memory_space<hbm>>
      tpu.wait_indirect_dma semaphore(%arg7 : memref<!tpu.dma_semaphore, #tpu.memory_space<semaphore_mem>>) src(%dma_wait3A_234 : memref<50176x16xf32, #tpu.memory_space<hbm>>) dst(%dma_wait3A_228 : memref<128x16xf32, #tpu.memory_space<vmem>>)
      %dma_wait3A_235 = arith.constant 9 : i32
      %dma_wait3A_236 = arith.constant 1152 : i32
      %dma_wait3A_237 = arith.constant 0 : i32
      %dma_wait3A_238 = tpu.memref_slice %arg6[%dma_wait3A_236, %dma_wait3A_237] : memref<1792x16xf32, #tpu.memory_space<vmem>> -> memref<128x16xf32, #tpu.memory_space<vmem>>
      %dma_wait3A_239 = arith.constant 0 : i32
      %dma_wait3A_240 = tpu.memref_slice %arg5[%dma_wait3A_235, %dma_wait3A_239] : memref<14x128xi32, #tpu.memory_space<vmem>> -> memref<1x128xi32, #tpu.memory_space<vmem>>
      %dma_wait3A_241 = tpu.memref_squeeze %dma_wait3A_240 : memref<1x128xi32, #tpu.memory_space<vmem>> -> memref<128xi32, #tpu.memory_space<vmem>>
      %dma_wait3A_242 = arith.constant 0 : i32
      %dma_wait3A_243 = arith.constant 0 : i32
      %dma_wait3A_244 = tpu.memref_slice %arg2[%dma_wait3A_242, %dma_wait3A_243] : memref<50176x16xf32, #tpu.memory_space<hbm>> -> memref<50176x16xf32, #tpu.memory_space<hbm>>
      tpu.wait_indirect_dma semaphore(%arg7 : memref<!tpu.dma_semaphore, #tpu.memory_space<semaphore_mem>>) src(%dma_wait3A_244 : memref<50176x16xf32, #tpu.memory_space<hbm>>) dst(%dma_wait3A_238 : memref<128x16xf32, #tpu.memory_space<vmem>>)
      %dma_wait3A_245 = arith.constant 10 : i32
      %dma_wait3A_246 = arith.constant 1280 : i32
      %dma_wait3A_247 = arith.constant 0 : i32
      %dma_wait3A_248 = tpu.memref_slice %arg6[%dma_wait3A_246, %dma_wait3A_247] : memref<1792x16xf32, #tpu.memory_space<vmem>> -> memref<128x16xf32, #tpu.memory_space<vmem>>
      %dma_wait3A_249 = arith.constant 0 : i32
      %dma_wait3A_250 = tpu.memref_slice %arg5[%dma_wait3A_245, %dma_wait3A_249] : memref<14x128xi32, #tpu.memory_space<vmem>> -> memref<1x128xi32, #tpu.memory_space<vmem>>
      %dma_wait3A_251 = tpu.memref_squeeze %dma_wait3A_250 : memref<1x128xi32, #tpu.memory_space<vmem>> -> memref<128xi32, #tpu.memory_space<vmem>>
      %dma_wait3A_252 = arith.constant 0 : i32
      %dma_wait3A_253 = arith.constant 0 : i32
      %dma_wait3A_254 = tpu.memref_slice %arg2[%dma_wait3A_252, %dma_wait3A_253] : memref<50176x16xf32, #tpu.memory_space<hbm>> -> memref<50176x16xf32, #tpu.memory_space<hbm>>
      tpu.wait_indirect_dma semaphore(%arg7 : memref<!tpu.dma_semaphore, #tpu.memory_space<semaphore_mem>>) src(%dma_wait3A_254 : memref<50176x16xf32, #tpu.memory_space<hbm>>) dst(%dma_wait3A_248 : memref<128x16xf32, #tpu.memory_space<vmem>>)
      %dma_wait3A_255 = arith.constant 11 : i32
      %dma_wait3A_256 = arith.constant 1408 : i32
      %dma_wait3A_257 = arith.constant 0 : i32
      %dma_wait3A_258 = tpu.memref_slice %arg6[%dma_wait3A_256, %dma_wait3A_257] : memref<1792x16xf32, #tpu.memory_space<vmem>> -> memref<128x16xf32, #tpu.memory_space<vmem>>
      %dma_wait3A_259 = arith.constant 0 : i32
      %dma_wait3A_260 = tpu.memref_slice %arg5[%dma_wait3A_255, %dma_wait3A_259] : memref<14x128xi32, #tpu.memory_space<vmem>> -> memref<1x128xi32, #tpu.memory_space<vmem>>
      %dma_wait3A_261 = tpu.memref_squeeze %dma_wait3A_260 : memref<1x128xi32, #tpu.memory_space<vmem>> -> memref<128xi32, #tpu.memory_space<vmem>>
      %dma_wait3A_262 = arith.constant 0 : i32
      %dma_wait3A_263 = arith.constant 0 : i32
      %dma_wait3A_264 = tpu.memref_slice %arg2[%dma_wait3A_262, %dma_wait3A_263] : memref<50176x16xf32, #tpu.memory_space<hbm>> -> memref<50176x16xf32, #tpu.memory_space<hbm>>
      tpu.wait_indirect_dma semaphore(%arg7 : memref<!tpu.dma_semaphore, #tpu.memory_space<semaphore_mem>>) src(%dma_wait3A_264 : memref<50176x16xf32, #tpu.memory_space<hbm>>) dst(%dma_wait3A_258 : memref<128x16xf32, #tpu.memory_space<vmem>>)
      %dma_wait3A_265 = arith.constant 12 : i32
      %dma_wait3A_266 = arith.constant 1536 : i32
      %dma_wait3A_267 = arith.constant 0 : i32
      %dma_wait3A_268 = tpu.memref_slice %arg6[%dma_wait3A_266, %dma_wait3A_267] : memref<1792x16xf32, #tpu.memory_space<vmem>> -> memref<128x16xf32, #tpu.memory_space<vmem>>
      %dma_wait3A_269 = arith.constant 0 : i32
      %dma_wait3A_270 = tpu.memref_slice %arg5[%dma_wait3A_265, %dma_wait3A_269] : memref<14x128xi32, #tpu.memory_space<vmem>> -> memref<1x128xi32, #tpu.memory_space<vmem>>
      %dma_wait3A_271 = tpu.memref_squeeze %dma_wait3A_270 : memref<1x128xi32, #tpu.memory_space<vmem>> -> memref<128xi32, #tpu.memory_space<vmem>>
      %dma_wait3A_272 = arith.constant 0 : i32
      %dma_wait3A_273 = arith.constant 0 : i32
      %dma_wait3A_274 = tpu.memref_slice %arg2[%dma_wait3A_272, %dma_wait3A_273] : memref<50176x16xf32, #tpu.memory_space<hbm>> -> memref<50176x16xf32, #tpu.memory_space<hbm>>
      tpu.wait_indirect_dma semaphore(%arg7 : memref<!tpu.dma_semaphore, #tpu.memory_space<semaphore_mem>>) src(%dma_wait3A_274 : memref<50176x16xf32, #tpu.memory_space<hbm>>) dst(%dma_wait3A_268 : memref<128x16xf32, #tpu.memory_space<vmem>>)
      %dma_wait3A_275 = arith.constant 13 : i32
      %dma_wait3A_276 = arith.constant 1664 : i32
      %dma_wait3A_277 = arith.constant 0 : i32
      %dma_wait3A_278 = tpu.memref_slice %arg6[%dma_wait3A_276, %dma_wait3A_277] : memref<1792x16xf32, #tpu.memory_space<vmem>> -> memref<128x16xf32, #tpu.memory_space<vmem>>
      %dma_wait3A_279 = arith.constant 0 : i32
      %dma_wait3A_280 = tpu.memref_slice %arg5[%dma_wait3A_275, %dma_wait3A_279] : memref<14x128xi32, #tpu.memory_space<vmem>> -> memref<1x128xi32, #tpu.memory_space<vmem>>
      %dma_wait3A_281 = tpu.memref_squeeze %dma_wait3A_280 : memref<1x128xi32, #tpu.memory_space<vmem>> -> memref<128xi32, #tpu.memory_space<vmem>>
      %dma_wait3A_282 = arith.constant 0 : i32
      %dma_wait3A_283 = arith.constant 0 : i32
      %dma_wait3A_284 = tpu.memref_slice %arg2[%dma_wait3A_282, %dma_wait3A_283] : memref<50176x16xf32, #tpu.memory_space<hbm>> -> memref<50176x16xf32, #tpu.memory_space<hbm>>
      tpu.wait_indirect_dma semaphore(%arg7 : memref<!tpu.dma_semaphore, #tpu.memory_space<semaphore_mem>>) src(%dma_wait3A_284 : memref<50176x16xf32, #tpu.memory_space<hbm>>) dst(%dma_wait3A_278 : memref<128x16xf32, #tpu.memory_space<vmem>>)
      %mul3A_285 = arith.constant 4 : i32
      %mul3A_286 = arith.muli %add3A, %mul3A_285 : i32
      %add3A_287 = arith.addi %mul3A_286, %scan3A_6 : i32
      %mul3A_288 = arith.constant 1792 : i32
      %mul3A_289 = arith.muli %add3A_287, %mul3A_288 : i32
      "tpu.region"() ({
        %run_scoped3A = tpu.sem_alloc : memref<!tpu.dma_semaphore, #tpu.memory_space<semaphore_mem>>
        %dma_start3A_290 = arith.constant 0 : i32
        %dma_start3A_291 = tpu.memref_slice %arg4[%mul3A_289, %dma_start3A_290] : memref<229376x16xf32, #tpu.memory_space<hbm>> -> memref<1792x16xf32, #tpu.memory_space<hbm>>
        %dma_start3A_292 = arith.constant 0 : i32
        %dma_start3A_293 = tpu.memref_slice %arg4[%mul3A_289, %dma_start3A_292] : memref<229376x16xf32, #tpu.memory_space<hbm>> -> memref<1792x16xf32, #tpu.memory_space<hbm>>
        tpu.enqueue_dma source(%arg6 : memref<1792x16xf32, #tpu.memory_space<vmem>>) target(%dma_start3A_293 : memref<1792x16xf32, #tpu.memory_space<hbm>>) target_semaphore(%run_scoped3A : memref<!tpu.dma_semaphore, #tpu.memory_space<semaphore_mem>>)
        %dma_wait3A_294 = arith.constant 0 : i32
        %dma_wait3A_295 = tpu.memref_slice %arg4[%mul3A_289, %dma_wait3A_294] : memref<229376x16xf32, #tpu.memory_space<hbm>> -> memref<1792x16xf32, #tpu.memory_space<hbm>>
        %dma_wait3A_296 = arith.constant 0 : i32
        %dma_wait3A_297 = tpu.memref_slice %arg4[%mul3A_289, %dma_wait3A_296] : memref<229376x16xf32, #tpu.memory_space<hbm>> -> memref<1792x16xf32, #tpu.memory_space<hbm>>
        tpu.wait_dma2 semaphore(%run_scoped3A : memref<!tpu.dma_semaphore, #tpu.memory_space<semaphore_mem>>) src(%arg6 : memref<1792x16xf32, #tpu.memory_space<vmem>>) dst(%dma_wait3A_297 : memref<1792x16xf32, #tpu.memory_space<hbm>>)
        tpu.yield
      }) : () -> ()
    }
    %scan3A_5 = arith.constant 4 : i32
    return
  }
}

#map = affine_map<(d0, d1) -> (0, 0)>
#map1 = affine_map<(d0, d1) -> (0, 0, 0, 0)>
module attributes {stable_mosaic.version = 14 : i64} {
  func.func @gk(%arg0: i32, %arg1: i32, %arg2: memref<200704x8xf32, #tpu.memory_space<hbm>>, %arg3: memref<32x56x14x128xi32, #tpu.memory_space<hbm>>, %arg4: memref<3211264x8xf32, #tpu.memory_space<hbm>>, %arg5: memref<14x128xi32, #tpu.memory_space<vmem>>, %arg6: memref<1792x8xf32, #tpu.memory_space<vmem>>, %arg7: memref<!tpu.dma_semaphore, #tpu.memory_space<semaphore_mem>>) attributes {dimension_semantics = [#tpu.dimension_semantics<core_parallel>, #tpu.dimension_semantics<subcore_parallel>], iteration_bounds = array<i64: 2, 16>, scalar_prefetch = 0 : i64, scratch_operands = 3 : i64, tpu.core_type = #tpu.core_type<sc_vector_subcore>, window_params = [{transform_indices = #map}, {transform_indices = #map1}, {transform_indices = #map}]} {
    %mul3A = arith.constant 2 : i32
    %mul3A_0 = arith.muli %arg1, %mul3A : i32
    %add3A = arith.addi %mul3A_0, %arg0 : i32
    %scan3A = arith.constant 0 : i32
    %scan3A_1 = arith.constant 0 : i32
    %scan3A_2 = arith.constant 56 : i32
    %scan3A_3 = arith.addi %scan3A_1, %scan3A_2 : i32
    %scan3A_4 = arith.constant 1 : i32
    scf.for %scan3A_6 = %scan3A_1 to %scan3A_3 step %scan3A_4  : i32 {
      "tpu.region"() ({
        %run_scoped3A = tpu.sem_alloc : memref<!tpu.dma_semaphore, #tpu.memory_space<semaphore_mem>>
        %dma_start3A_290 = arith.constant 0 : i32
        %dma_start3A_291 = arith.constant 0 : i32
        %dma_start3A_292 = tpu.memref_slice %arg3[%add3A, %scan3A_6, %dma_start3A_290, %dma_start3A_291] : memref<32x56x14x128xi32, #tpu.memory_space<hbm>> -> memref<1x1x14x128xi32, #tpu.memory_space<hbm>>
        %dma_start3A_293 = tpu.memref_squeeze %dma_start3A_292 : memref<1x1x14x128xi32, #tpu.memory_space<hbm>> -> memref<14x128xi32, #tpu.memory_space<hbm>>
        %dma_start3A_294 = arith.constant 0 : i32
        %dma_start3A_295 = arith.constant 0 : i32
        %dma_start3A_296 = tpu.memref_slice %arg3[%add3A, %scan3A_6, %dma_start3A_294, %dma_start3A_295] : memref<32x56x14x128xi32, #tpu.memory_space<hbm>> -> memref<1x1x14x128xi32, #tpu.memory_space<hbm>>
        %dma_start3A_297 = tpu.memref_squeeze %dma_start3A_296 : memref<1x1x14x128xi32, #tpu.memory_space<hbm>> -> memref<14x128xi32, #tpu.memory_space<hbm>>
        tpu.enqueue_dma source(%dma_start3A_297 : memref<14x128xi32, #tpu.memory_space<hbm>>) target(%arg5 : memref<14x128xi32, #tpu.memory_space<vmem>>) target_semaphore(%run_scoped3A : memref<!tpu.dma_semaphore, #tpu.memory_space<semaphore_mem>>)
        %dma_wait3A_298 = arith.constant 0 : i32
        %dma_wait3A_299 = arith.constant 0 : i32
        %dma_wait3A_300 = tpu.memref_slice %arg3[%add3A, %scan3A_6, %dma_wait3A_298, %dma_wait3A_299] : memref<32x56x14x128xi32, #tpu.memory_space<hbm>> -> memref<1x1x14x128xi32, #tpu.memory_space<hbm>>
        %dma_wait3A_301 = tpu.memref_squeeze %dma_wait3A_300 : memref<1x1x14x128xi32, #tpu.memory_space<hbm>> -> memref<14x128xi32, #tpu.memory_space<hbm>>
        %dma_wait3A_302 = arith.constant 0 : i32
        %dma_wait3A_303 = arith.constant 0 : i32
        %dma_wait3A_304 = tpu.memref_slice %arg3[%add3A, %scan3A_6, %dma_wait3A_302, %dma_wait3A_303] : memref<32x56x14x128xi32, #tpu.memory_space<hbm>> -> memref<1x1x14x128xi32, #tpu.memory_space<hbm>>
        %dma_wait3A_305 = tpu.memref_squeeze %dma_wait3A_304 : memref<1x1x14x128xi32, #tpu.memory_space<hbm>> -> memref<14x128xi32, #tpu.memory_space<hbm>>
        tpu.wait_dma2 semaphore(%run_scoped3A : memref<!tpu.dma_semaphore, #tpu.memory_space<semaphore_mem>>) src(%dma_wait3A_305 : memref<14x128xi32, #tpu.memory_space<hbm>>) dst(%arg5 : memref<14x128xi32, #tpu.memory_space<vmem>>)
        tpu.yield
      }) : () -> ()
      %dma_start3A = arith.constant 0 : i32
      %dma_start3A_7 = arith.constant 0 : i32
      %dma_start3A_8 = arith.constant 0 : i32
      %dma_start3A_9 = tpu.memref_slice %arg6[%dma_start3A_7, %dma_start3A_8] : memref<1792x8xf32, #tpu.memory_space<vmem>> -> memref<128x8xf32, #tpu.memory_space<vmem>>
      %dma_start3A_10 = arith.constant 0 : i32
      %dma_start3A_11 = tpu.memref_slice %arg5[%dma_start3A, %dma_start3A_10] : memref<14x128xi32, #tpu.memory_space<vmem>> -> memref<1x128xi32, #tpu.memory_space<vmem>>
      %dma_start3A_12 = tpu.memref_squeeze %dma_start3A_11 : memref<1x128xi32, #tpu.memory_space<vmem>> -> memref<128xi32, #tpu.memory_space<vmem>>
      %dma_start3A_13 = arith.constant 0 : i32
      %dma_start3A_14 = arith.constant 0 : i32
      %dma_start3A_15 = tpu.memref_slice %arg2[%dma_start3A_13, %dma_start3A_14] : memref<200704x8xf32, #tpu.memory_space<hbm>> -> memref<200704x8xf32, #tpu.memory_space<hbm>>
      tpu.enqueue_indirect_dma source(%dma_start3A_15 : memref<200704x8xf32, #tpu.memory_space<hbm>>) target(%dma_start3A_9 : memref<128x8xf32, #tpu.memory_space<vmem>>) offsets(%dma_start3A_12 : memref<128xi32, #tpu.memory_space<vmem>>) semaphore(%arg7 : memref<!tpu.dma_semaphore, #tpu.memory_space<semaphore_mem>>)
      %dma_start3A_16 = arith.constant 1 : i32
      %dma_start3A_17 = arith.constant 128 : i32
      %dma_start3A_18 = arith.constant 0 : i32
      %dma_start3A_19 = tpu.memref_slice %arg6[%dma_start3A_17, %dma_start3A_18] : memref<1792x8xf32, #tpu.memory_space<vmem>> -> memref<128x8xf32, #tpu.memory_space<vmem>>
      %dma_start3A_20 = arith.constant 0 : i32
      %dma_start3A_21 = tpu.memref_slice %arg5[%dma_start3A_16, %dma_start3A_20] : memref<14x128xi32, #tpu.memory_space<vmem>> -> memref<1x128xi32, #tpu.memory_space<vmem>>
      %dma_start3A_22 = tpu.memref_squeeze %dma_start3A_21 : memref<1x128xi32, #tpu.memory_space<vmem>> -> memref<128xi32, #tpu.memory_space<vmem>>
      %dma_start3A_23 = arith.constant 0 : i32
      %dma_start3A_24 = arith.constant 0 : i32
      %dma_start3A_25 = tpu.memref_slice %arg2[%dma_start3A_23, %dma_start3A_24] : memref<200704x8xf32, #tpu.memory_space<hbm>> -> memref<200704x8xf32, #tpu.memory_space<hbm>>
      tpu.enqueue_indirect_dma source(%dma_start3A_25 : memref<200704x8xf32, #tpu.memory_space<hbm>>) target(%dma_start3A_19 : memref<128x8xf32, #tpu.memory_space<vmem>>) offsets(%dma_start3A_22 : memref<128xi32, #tpu.memory_space<vmem>>) semaphore(%arg7 : memref<!tpu.dma_semaphore, #tpu.memory_space<semaphore_mem>>)
      %dma_start3A_26 = arith.constant 2 : i32
      %dma_start3A_27 = arith.constant 256 : i32
      %dma_start3A_28 = arith.constant 0 : i32
      %dma_start3A_29 = tpu.memref_slice %arg6[%dma_start3A_27, %dma_start3A_28] : memref<1792x8xf32, #tpu.memory_space<vmem>> -> memref<128x8xf32, #tpu.memory_space<vmem>>
      %dma_start3A_30 = arith.constant 0 : i32
      %dma_start3A_31 = tpu.memref_slice %arg5[%dma_start3A_26, %dma_start3A_30] : memref<14x128xi32, #tpu.memory_space<vmem>> -> memref<1x128xi32, #tpu.memory_space<vmem>>
      %dma_start3A_32 = tpu.memref_squeeze %dma_start3A_31 : memref<1x128xi32, #tpu.memory_space<vmem>> -> memref<128xi32, #tpu.memory_space<vmem>>
      %dma_start3A_33 = arith.constant 0 : i32
      %dma_start3A_34 = arith.constant 0 : i32
      %dma_start3A_35 = tpu.memref_slice %arg2[%dma_start3A_33, %dma_start3A_34] : memref<200704x8xf32, #tpu.memory_space<hbm>> -> memref<200704x8xf32, #tpu.memory_space<hbm>>
      tpu.enqueue_indirect_dma source(%dma_start3A_35 : memref<200704x8xf32, #tpu.memory_space<hbm>>) target(%dma_start3A_29 : memref<128x8xf32, #tpu.memory_space<vmem>>) offsets(%dma_start3A_32 : memref<128xi32, #tpu.memory_space<vmem>>) semaphore(%arg7 : memref<!tpu.dma_semaphore, #tpu.memory_space<semaphore_mem>>)
      %dma_start3A_36 = arith.constant 3 : i32
      %dma_start3A_37 = arith.constant 384 : i32
      %dma_start3A_38 = arith.constant 0 : i32
      %dma_start3A_39 = tpu.memref_slice %arg6[%dma_start3A_37, %dma_start3A_38] : memref<1792x8xf32, #tpu.memory_space<vmem>> -> memref<128x8xf32, #tpu.memory_space<vmem>>
      %dma_start3A_40 = arith.constant 0 : i32
      %dma_start3A_41 = tpu.memref_slice %arg5[%dma_start3A_36, %dma_start3A_40] : memref<14x128xi32, #tpu.memory_space<vmem>> -> memref<1x128xi32, #tpu.memory_space<vmem>>
      %dma_start3A_42 = tpu.memref_squeeze %dma_start3A_41 : memref<1x128xi32, #tpu.memory_space<vmem>> -> memref<128xi32, #tpu.memory_space<vmem>>
      %dma_start3A_43 = arith.constant 0 : i32
      %dma_start3A_44 = arith.constant 0 : i32
      %dma_start3A_45 = tpu.memref_slice %arg2[%dma_start3A_43, %dma_start3A_44] : memref<200704x8xf32, #tpu.memory_space<hbm>> -> memref<200704x8xf32, #tpu.memory_space<hbm>>
      tpu.enqueue_indirect_dma source(%dma_start3A_45 : memref<200704x8xf32, #tpu.memory_space<hbm>>) target(%dma_start3A_39 : memref<128x8xf32, #tpu.memory_space<vmem>>) offsets(%dma_start3A_42 : memref<128xi32, #tpu.memory_space<vmem>>) semaphore(%arg7 : memref<!tpu.dma_semaphore, #tpu.memory_space<semaphore_mem>>)
      %dma_start3A_46 = arith.constant 4 : i32
      %dma_start3A_47 = arith.constant 512 : i32
      %dma_start3A_48 = arith.constant 0 : i32
      %dma_start3A_49 = tpu.memref_slice %arg6[%dma_start3A_47, %dma_start3A_48] : memref<1792x8xf32, #tpu.memory_space<vmem>> -> memref<128x8xf32, #tpu.memory_space<vmem>>
      %dma_start3A_50 = arith.constant 0 : i32
      %dma_start3A_51 = tpu.memref_slice %arg5[%dma_start3A_46, %dma_start3A_50] : memref<14x128xi32, #tpu.memory_space<vmem>> -> memref<1x128xi32, #tpu.memory_space<vmem>>
      %dma_start3A_52 = tpu.memref_squeeze %dma_start3A_51 : memref<1x128xi32, #tpu.memory_space<vmem>> -> memref<128xi32, #tpu.memory_space<vmem>>
      %dma_start3A_53 = arith.constant 0 : i32
      %dma_start3A_54 = arith.constant 0 : i32
      %dma_start3A_55 = tpu.memref_slice %arg2[%dma_start3A_53, %dma_start3A_54] : memref<200704x8xf32, #tpu.memory_space<hbm>> -> memref<200704x8xf32, #tpu.memory_space<hbm>>
      tpu.enqueue_indirect_dma source(%dma_start3A_55 : memref<200704x8xf32, #tpu.memory_space<hbm>>) target(%dma_start3A_49 : memref<128x8xf32, #tpu.memory_space<vmem>>) offsets(%dma_start3A_52 : memref<128xi32, #tpu.memory_space<vmem>>) semaphore(%arg7 : memref<!tpu.dma_semaphore, #tpu.memory_space<semaphore_mem>>)
      %dma_start3A_56 = arith.constant 5 : i32
      %dma_start3A_57 = arith.constant 640 : i32
      %dma_start3A_58 = arith.constant 0 : i32
      %dma_start3A_59 = tpu.memref_slice %arg6[%dma_start3A_57, %dma_start3A_58] : memref<1792x8xf32, #tpu.memory_space<vmem>> -> memref<128x8xf32, #tpu.memory_space<vmem>>
      %dma_start3A_60 = arith.constant 0 : i32
      %dma_start3A_61 = tpu.memref_slice %arg5[%dma_start3A_56, %dma_start3A_60] : memref<14x128xi32, #tpu.memory_space<vmem>> -> memref<1x128xi32, #tpu.memory_space<vmem>>
      %dma_start3A_62 = tpu.memref_squeeze %dma_start3A_61 : memref<1x128xi32, #tpu.memory_space<vmem>> -> memref<128xi32, #tpu.memory_space<vmem>>
      %dma_start3A_63 = arith.constant 0 : i32
      %dma_start3A_64 = arith.constant 0 : i32
      %dma_start3A_65 = tpu.memref_slice %arg2[%dma_start3A_63, %dma_start3A_64] : memref<200704x8xf32, #tpu.memory_space<hbm>> -> memref<200704x8xf32, #tpu.memory_space<hbm>>
      tpu.enqueue_indirect_dma source(%dma_start3A_65 : memref<200704x8xf32, #tpu.memory_space<hbm>>) target(%dma_start3A_59 : memref<128x8xf32, #tpu.memory_space<vmem>>) offsets(%dma_start3A_62 : memref<128xi32, #tpu.memory_space<vmem>>) semaphore(%arg7 : memref<!tpu.dma_semaphore, #tpu.memory_space<semaphore_mem>>)
      %dma_start3A_66 = arith.constant 6 : i32
      %dma_start3A_67 = arith.constant 768 : i32
      %dma_start3A_68 = arith.constant 0 : i32
      %dma_start3A_69 = tpu.memref_slice %arg6[%dma_start3A_67, %dma_start3A_68] : memref<1792x8xf32, #tpu.memory_space<vmem>> -> memref<128x8xf32, #tpu.memory_space<vmem>>
      %dma_start3A_70 = arith.constant 0 : i32
      %dma_start3A_71 = tpu.memref_slice %arg5[%dma_start3A_66, %dma_start3A_70] : memref<14x128xi32, #tpu.memory_space<vmem>> -> memref<1x128xi32, #tpu.memory_space<vmem>>
      %dma_start3A_72 = tpu.memref_squeeze %dma_start3A_71 : memref<1x128xi32, #tpu.memory_space<vmem>> -> memref<128xi32, #tpu.memory_space<vmem>>
      %dma_start3A_73 = arith.constant 0 : i32
      %dma_start3A_74 = arith.constant 0 : i32
      %dma_start3A_75 = tpu.memref_slice %arg2[%dma_start3A_73, %dma_start3A_74] : memref<200704x8xf32, #tpu.memory_space<hbm>> -> memref<200704x8xf32, #tpu.memory_space<hbm>>
      tpu.enqueue_indirect_dma source(%dma_start3A_75 : memref<200704x8xf32, #tpu.memory_space<hbm>>) target(%dma_start3A_69 : memref<128x8xf32, #tpu.memory_space<vmem>>) offsets(%dma_start3A_72 : memref<128xi32, #tpu.memory_space<vmem>>) semaphore(%arg7 : memref<!tpu.dma_semaphore, #tpu.memory_space<semaphore_mem>>)
      %dma_start3A_76 = arith.constant 7 : i32
      %dma_start3A_77 = arith.constant 896 : i32
      %dma_start3A_78 = arith.constant 0 : i32
      %dma_start3A_79 = tpu.memref_slice %arg6[%dma_start3A_77, %dma_start3A_78] : memref<1792x8xf32, #tpu.memory_space<vmem>> -> memref<128x8xf32, #tpu.memory_space<vmem>>
      %dma_start3A_80 = arith.constant 0 : i32
      %dma_start3A_81 = tpu.memref_slice %arg5[%dma_start3A_76, %dma_start3A_80] : memref<14x128xi32, #tpu.memory_space<vmem>> -> memref<1x128xi32, #tpu.memory_space<vmem>>
      %dma_start3A_82 = tpu.memref_squeeze %dma_start3A_81 : memref<1x128xi32, #tpu.memory_space<vmem>> -> memref<128xi32, #tpu.memory_space<vmem>>
      %dma_start3A_83 = arith.constant 0 : i32
      %dma_start3A_84 = arith.constant 0 : i32
      %dma_start3A_85 = tpu.memref_slice %arg2[%dma_start3A_83, %dma_start3A_84] : memref<200704x8xf32, #tpu.memory_space<hbm>> -> memref<200704x8xf32, #tpu.memory_space<hbm>>
      tpu.enqueue_indirect_dma source(%dma_start3A_85 : memref<200704x8xf32, #tpu.memory_space<hbm>>) target(%dma_start3A_79 : memref<128x8xf32, #tpu.memory_space<vmem>>) offsets(%dma_start3A_82 : memref<128xi32, #tpu.memory_space<vmem>>) semaphore(%arg7 : memref<!tpu.dma_semaphore, #tpu.memory_space<semaphore_mem>>)
      %dma_start3A_86 = arith.constant 8 : i32
      %dma_start3A_87 = arith.constant 1024 : i32
      %dma_start3A_88 = arith.constant 0 : i32
      %dma_start3A_89 = tpu.memref_slice %arg6[%dma_start3A_87, %dma_start3A_88] : memref<1792x8xf32, #tpu.memory_space<vmem>> -> memref<128x8xf32, #tpu.memory_space<vmem>>
      %dma_start3A_90 = arith.constant 0 : i32
      %dma_start3A_91 = tpu.memref_slice %arg5[%dma_start3A_86, %dma_start3A_90] : memref<14x128xi32, #tpu.memory_space<vmem>> -> memref<1x128xi32, #tpu.memory_space<vmem>>
      %dma_start3A_92 = tpu.memref_squeeze %dma_start3A_91 : memref<1x128xi32, #tpu.memory_space<vmem>> -> memref<128xi32, #tpu.memory_space<vmem>>
      %dma_start3A_93 = arith.constant 0 : i32
      %dma_start3A_94 = arith.constant 0 : i32
      %dma_start3A_95 = tpu.memref_slice %arg2[%dma_start3A_93, %dma_start3A_94] : memref<200704x8xf32, #tpu.memory_space<hbm>> -> memref<200704x8xf32, #tpu.memory_space<hbm>>
      tpu.enqueue_indirect_dma source(%dma_start3A_95 : memref<200704x8xf32, #tpu.memory_space<hbm>>) target(%dma_start3A_89 : memref<128x8xf32, #tpu.memory_space<vmem>>) offsets(%dma_start3A_92 : memref<128xi32, #tpu.memory_space<vmem>>) semaphore(%arg7 : memref<!tpu.dma_semaphore, #tpu.memory_space<semaphore_mem>>)
      %dma_start3A_96 = arith.constant 9 : i32
      %dma_start3A_97 = arith.constant 1152 : i32
      %dma_start3A_98 = arith.constant 0 : i32
      %dma_start3A_99 = tpu.memref_slice %arg6[%dma_start3A_97, %dma_start3A_98] : memref<1792x8xf32, #tpu.memory_space<vmem>> -> memref<128x8xf32, #tpu.memory_space<vmem>>
      %dma_start3A_100 = arith.constant 0 : i32
      %dma_start3A_101 = tpu.memref_slice %arg5[%dma_start3A_96, %dma_start3A_100] : memref<14x128xi32, #tpu.memory_space<vmem>> -> memref<1x128xi32, #tpu.memory_space<vmem>>
      %dma_start3A_102 = tpu.memref_squeeze %dma_start3A_101 : memref<1x128xi32, #tpu.memory_space<vmem>> -> memref<128xi32, #tpu.memory_space<vmem>>
      %dma_start3A_103 = arith.constant 0 : i32
      %dma_start3A_104 = arith.constant 0 : i32
      %dma_start3A_105 = tpu.memref_slice %arg2[%dma_start3A_103, %dma_start3A_104] : memref<200704x8xf32, #tpu.memory_space<hbm>> -> memref<200704x8xf32, #tpu.memory_space<hbm>>
      tpu.enqueue_indirect_dma source(%dma_start3A_105 : memref<200704x8xf32, #tpu.memory_space<hbm>>) target(%dma_start3A_99 : memref<128x8xf32, #tpu.memory_space<vmem>>) offsets(%dma_start3A_102 : memref<128xi32, #tpu.memory_space<vmem>>) semaphore(%arg7 : memref<!tpu.dma_semaphore, #tpu.memory_space<semaphore_mem>>)
      %dma_start3A_106 = arith.constant 10 : i32
      %dma_start3A_107 = arith.constant 1280 : i32
      %dma_start3A_108 = arith.constant 0 : i32
      %dma_start3A_109 = tpu.memref_slice %arg6[%dma_start3A_107, %dma_start3A_108] : memref<1792x8xf32, #tpu.memory_space<vmem>> -> memref<128x8xf32, #tpu.memory_space<vmem>>
      %dma_start3A_110 = arith.constant 0 : i32
      %dma_start3A_111 = tpu.memref_slice %arg5[%dma_start3A_106, %dma_start3A_110] : memref<14x128xi32, #tpu.memory_space<vmem>> -> memref<1x128xi32, #tpu.memory_space<vmem>>
      %dma_start3A_112 = tpu.memref_squeeze %dma_start3A_111 : memref<1x128xi32, #tpu.memory_space<vmem>> -> memref<128xi32, #tpu.memory_space<vmem>>
      %dma_start3A_113 = arith.constant 0 : i32
      %dma_start3A_114 = arith.constant 0 : i32
      %dma_start3A_115 = tpu.memref_slice %arg2[%dma_start3A_113, %dma_start3A_114] : memref<200704x8xf32, #tpu.memory_space<hbm>> -> memref<200704x8xf32, #tpu.memory_space<hbm>>
      tpu.enqueue_indirect_dma source(%dma_start3A_115 : memref<200704x8xf32, #tpu.memory_space<hbm>>) target(%dma_start3A_109 : memref<128x8xf32, #tpu.memory_space<vmem>>) offsets(%dma_start3A_112 : memref<128xi32, #tpu.memory_space<vmem>>) semaphore(%arg7 : memref<!tpu.dma_semaphore, #tpu.memory_space<semaphore_mem>>)
      %dma_start3A_116 = arith.constant 11 : i32
      %dma_start3A_117 = arith.constant 1408 : i32
      %dma_start3A_118 = arith.constant 0 : i32
      %dma_start3A_119 = tpu.memref_slice %arg6[%dma_start3A_117, %dma_start3A_118] : memref<1792x8xf32, #tpu.memory_space<vmem>> -> memref<128x8xf32, #tpu.memory_space<vmem>>
      %dma_start3A_120 = arith.constant 0 : i32
      %dma_start3A_121 = tpu.memref_slice %arg5[%dma_start3A_116, %dma_start3A_120] : memref<14x128xi32, #tpu.memory_space<vmem>> -> memref<1x128xi32, #tpu.memory_space<vmem>>
      %dma_start3A_122 = tpu.memref_squeeze %dma_start3A_121 : memref<1x128xi32, #tpu.memory_space<vmem>> -> memref<128xi32, #tpu.memory_space<vmem>>
      %dma_start3A_123 = arith.constant 0 : i32
      %dma_start3A_124 = arith.constant 0 : i32
      %dma_start3A_125 = tpu.memref_slice %arg2[%dma_start3A_123, %dma_start3A_124] : memref<200704x8xf32, #tpu.memory_space<hbm>> -> memref<200704x8xf32, #tpu.memory_space<hbm>>
      tpu.enqueue_indirect_dma source(%dma_start3A_125 : memref<200704x8xf32, #tpu.memory_space<hbm>>) target(%dma_start3A_119 : memref<128x8xf32, #tpu.memory_space<vmem>>) offsets(%dma_start3A_122 : memref<128xi32, #tpu.memory_space<vmem>>) semaphore(%arg7 : memref<!tpu.dma_semaphore, #tpu.memory_space<semaphore_mem>>)
      %dma_start3A_126 = arith.constant 12 : i32
      %dma_start3A_127 = arith.constant 1536 : i32
      %dma_start3A_128 = arith.constant 0 : i32
      %dma_start3A_129 = tpu.memref_slice %arg6[%dma_start3A_127, %dma_start3A_128] : memref<1792x8xf32, #tpu.memory_space<vmem>> -> memref<128x8xf32, #tpu.memory_space<vmem>>
      %dma_start3A_130 = arith.constant 0 : i32
      %dma_start3A_131 = tpu.memref_slice %arg5[%dma_start3A_126, %dma_start3A_130] : memref<14x128xi32, #tpu.memory_space<vmem>> -> memref<1x128xi32, #tpu.memory_space<vmem>>
      %dma_start3A_132 = tpu.memref_squeeze %dma_start3A_131 : memref<1x128xi32, #tpu.memory_space<vmem>> -> memref<128xi32, #tpu.memory_space<vmem>>
      %dma_start3A_133 = arith.constant 0 : i32
      %dma_start3A_134 = arith.constant 0 : i32
      %dma_start3A_135 = tpu.memref_slice %arg2[%dma_start3A_133, %dma_start3A_134] : memref<200704x8xf32, #tpu.memory_space<hbm>> -> memref<200704x8xf32, #tpu.memory_space<hbm>>
      tpu.enqueue_indirect_dma source(%dma_start3A_135 : memref<200704x8xf32, #tpu.memory_space<hbm>>) target(%dma_start3A_129 : memref<128x8xf32, #tpu.memory_space<vmem>>) offsets(%dma_start3A_132 : memref<128xi32, #tpu.memory_space<vmem>>) semaphore(%arg7 : memref<!tpu.dma_semaphore, #tpu.memory_space<semaphore_mem>>)
      %dma_start3A_136 = arith.constant 13 : i32
      %dma_start3A_137 = arith.constant 1664 : i32
      %dma_start3A_138 = arith.constant 0 : i32
      %dma_start3A_139 = tpu.memref_slice %arg6[%dma_start3A_137, %dma_start3A_138] : memref<1792x8xf32, #tpu.memory_space<vmem>> -> memref<128x8xf32, #tpu.memory_space<vmem>>
      %dma_start3A_140 = arith.constant 0 : i32
      %dma_start3A_141 = tpu.memref_slice %arg5[%dma_start3A_136, %dma_start3A_140] : memref<14x128xi32, #tpu.memory_space<vmem>> -> memref<1x128xi32, #tpu.memory_space<vmem>>
      %dma_start3A_142 = tpu.memref_squeeze %dma_start3A_141 : memref<1x128xi32, #tpu.memory_space<vmem>> -> memref<128xi32, #tpu.memory_space<vmem>>
      %dma_start3A_143 = arith.constant 0 : i32
      %dma_start3A_144 = arith.constant 0 : i32
      %dma_start3A_145 = tpu.memref_slice %arg2[%dma_start3A_143, %dma_start3A_144] : memref<200704x8xf32, #tpu.memory_space<hbm>> -> memref<200704x8xf32, #tpu.memory_space<hbm>>
      tpu.enqueue_indirect_dma source(%dma_start3A_145 : memref<200704x8xf32, #tpu.memory_space<hbm>>) target(%dma_start3A_139 : memref<128x8xf32, #tpu.memory_space<vmem>>) offsets(%dma_start3A_142 : memref<128xi32, #tpu.memory_space<vmem>>) semaphore(%arg7 : memref<!tpu.dma_semaphore, #tpu.memory_space<semaphore_mem>>)
      %dma_wait3A = arith.constant 0 : i32
      %dma_wait3A_146 = arith.constant 0 : i32
      %dma_wait3A_147 = arith.constant 0 : i32
      %dma_wait3A_148 = tpu.memref_slice %arg6[%dma_wait3A_146, %dma_wait3A_147] : memref<1792x8xf32, #tpu.memory_space<vmem>> -> memref<128x8xf32, #tpu.memory_space<vmem>>
      %dma_wait3A_149 = arith.constant 0 : i32
      %dma_wait3A_150 = tpu.memref_slice %arg5[%dma_wait3A, %dma_wait3A_149] : memref<14x128xi32, #tpu.memory_space<vmem>> -> memref<1x128xi32, #tpu.memory_space<vmem>>
      %dma_wait3A_151 = tpu.memref_squeeze %dma_wait3A_150 : memref<1x128xi32, #tpu.memory_space<vmem>> -> memref<128xi32, #tpu.memory_space<vmem>>
      %dma_wait3A_152 = arith.constant 0 : i32
      %dma_wait3A_153 = arith.constant 0 : i32
      %dma_wait3A_154 = tpu.memref_slice %arg2[%dma_wait3A_152, %dma_wait3A_153] : memref<200704x8xf32, #tpu.memory_space<hbm>> -> memref<200704x8xf32, #tpu.memory_space<hbm>>
      tpu.wait_indirect_dma semaphore(%arg7 : memref<!tpu.dma_semaphore, #tpu.memory_space<semaphore_mem>>) src(%dma_wait3A_154 : memref<200704x8xf32, #tpu.memory_space<hbm>>) dst(%dma_wait3A_148 : memref<128x8xf32, #tpu.memory_space<vmem>>)
      %dma_wait3A_155 = arith.constant 1 : i32
      %dma_wait3A_156 = arith.constant 128 : i32
      %dma_wait3A_157 = arith.constant 0 : i32
      %dma_wait3A_158 = tpu.memref_slice %arg6[%dma_wait3A_156, %dma_wait3A_157] : memref<1792x8xf32, #tpu.memory_space<vmem>> -> memref<128x8xf32, #tpu.memory_space<vmem>>
      %dma_wait3A_159 = arith.constant 0 : i32
      %dma_wait3A_160 = tpu.memref_slice %arg5[%dma_wait3A_155, %dma_wait3A_159] : memref<14x128xi32, #tpu.memory_space<vmem>> -> memref<1x128xi32, #tpu.memory_space<vmem>>
      %dma_wait3A_161 = tpu.memref_squeeze %dma_wait3A_160 : memref<1x128xi32, #tpu.memory_space<vmem>> -> memref<128xi32, #tpu.memory_space<vmem>>
      %dma_wait3A_162 = arith.constant 0 : i32
      %dma_wait3A_163 = arith.constant 0 : i32
      %dma_wait3A_164 = tpu.memref_slice %arg2[%dma_wait3A_162, %dma_wait3A_163] : memref<200704x8xf32, #tpu.memory_space<hbm>> -> memref<200704x8xf32, #tpu.memory_space<hbm>>
      tpu.wait_indirect_dma semaphore(%arg7 : memref<!tpu.dma_semaphore, #tpu.memory_space<semaphore_mem>>) src(%dma_wait3A_164 : memref<200704x8xf32, #tpu.memory_space<hbm>>) dst(%dma_wait3A_158 : memref<128x8xf32, #tpu.memory_space<vmem>>)
      %dma_wait3A_165 = arith.constant 2 : i32
      %dma_wait3A_166 = arith.constant 256 : i32
      %dma_wait3A_167 = arith.constant 0 : i32
      %dma_wait3A_168 = tpu.memref_slice %arg6[%dma_wait3A_166, %dma_wait3A_167] : memref<1792x8xf32, #tpu.memory_space<vmem>> -> memref<128x8xf32, #tpu.memory_space<vmem>>
      %dma_wait3A_169 = arith.constant 0 : i32
      %dma_wait3A_170 = tpu.memref_slice %arg5[%dma_wait3A_165, %dma_wait3A_169] : memref<14x128xi32, #tpu.memory_space<vmem>> -> memref<1x128xi32, #tpu.memory_space<vmem>>
      %dma_wait3A_171 = tpu.memref_squeeze %dma_wait3A_170 : memref<1x128xi32, #tpu.memory_space<vmem>> -> memref<128xi32, #tpu.memory_space<vmem>>
      %dma_wait3A_172 = arith.constant 0 : i32
      %dma_wait3A_173 = arith.constant 0 : i32
      %dma_wait3A_174 = tpu.memref_slice %arg2[%dma_wait3A_172, %dma_wait3A_173] : memref<200704x8xf32, #tpu.memory_space<hbm>> -> memref<200704x8xf32, #tpu.memory_space<hbm>>
      tpu.wait_indirect_dma semaphore(%arg7 : memref<!tpu.dma_semaphore, #tpu.memory_space<semaphore_mem>>) src(%dma_wait3A_174 : memref<200704x8xf32, #tpu.memory_space<hbm>>) dst(%dma_wait3A_168 : memref<128x8xf32, #tpu.memory_space<vmem>>)
      %dma_wait3A_175 = arith.constant 3 : i32
      %dma_wait3A_176 = arith.constant 384 : i32
      %dma_wait3A_177 = arith.constant 0 : i32
      %dma_wait3A_178 = tpu.memref_slice %arg6[%dma_wait3A_176, %dma_wait3A_177] : memref<1792x8xf32, #tpu.memory_space<vmem>> -> memref<128x8xf32, #tpu.memory_space<vmem>>
      %dma_wait3A_179 = arith.constant 0 : i32
      %dma_wait3A_180 = tpu.memref_slice %arg5[%dma_wait3A_175, %dma_wait3A_179] : memref<14x128xi32, #tpu.memory_space<vmem>> -> memref<1x128xi32, #tpu.memory_space<vmem>>
      %dma_wait3A_181 = tpu.memref_squeeze %dma_wait3A_180 : memref<1x128xi32, #tpu.memory_space<vmem>> -> memref<128xi32, #tpu.memory_space<vmem>>
      %dma_wait3A_182 = arith.constant 0 : i32
      %dma_wait3A_183 = arith.constant 0 : i32
      %dma_wait3A_184 = tpu.memref_slice %arg2[%dma_wait3A_182, %dma_wait3A_183] : memref<200704x8xf32, #tpu.memory_space<hbm>> -> memref<200704x8xf32, #tpu.memory_space<hbm>>
      tpu.wait_indirect_dma semaphore(%arg7 : memref<!tpu.dma_semaphore, #tpu.memory_space<semaphore_mem>>) src(%dma_wait3A_184 : memref<200704x8xf32, #tpu.memory_space<hbm>>) dst(%dma_wait3A_178 : memref<128x8xf32, #tpu.memory_space<vmem>>)
      %dma_wait3A_185 = arith.constant 4 : i32
      %dma_wait3A_186 = arith.constant 512 : i32
      %dma_wait3A_187 = arith.constant 0 : i32
      %dma_wait3A_188 = tpu.memref_slice %arg6[%dma_wait3A_186, %dma_wait3A_187] : memref<1792x8xf32, #tpu.memory_space<vmem>> -> memref<128x8xf32, #tpu.memory_space<vmem>>
      %dma_wait3A_189 = arith.constant 0 : i32
      %dma_wait3A_190 = tpu.memref_slice %arg5[%dma_wait3A_185, %dma_wait3A_189] : memref<14x128xi32, #tpu.memory_space<vmem>> -> memref<1x128xi32, #tpu.memory_space<vmem>>
      %dma_wait3A_191 = tpu.memref_squeeze %dma_wait3A_190 : memref<1x128xi32, #tpu.memory_space<vmem>> -> memref<128xi32, #tpu.memory_space<vmem>>
      %dma_wait3A_192 = arith.constant 0 : i32
      %dma_wait3A_193 = arith.constant 0 : i32
      %dma_wait3A_194 = tpu.memref_slice %arg2[%dma_wait3A_192, %dma_wait3A_193] : memref<200704x8xf32, #tpu.memory_space<hbm>> -> memref<200704x8xf32, #tpu.memory_space<hbm>>
      tpu.wait_indirect_dma semaphore(%arg7 : memref<!tpu.dma_semaphore, #tpu.memory_space<semaphore_mem>>) src(%dma_wait3A_194 : memref<200704x8xf32, #tpu.memory_space<hbm>>) dst(%dma_wait3A_188 : memref<128x8xf32, #tpu.memory_space<vmem>>)
      %dma_wait3A_195 = arith.constant 5 : i32
      %dma_wait3A_196 = arith.constant 640 : i32
      %dma_wait3A_197 = arith.constant 0 : i32
      %dma_wait3A_198 = tpu.memref_slice %arg6[%dma_wait3A_196, %dma_wait3A_197] : memref<1792x8xf32, #tpu.memory_space<vmem>> -> memref<128x8xf32, #tpu.memory_space<vmem>>
      %dma_wait3A_199 = arith.constant 0 : i32
      %dma_wait3A_200 = tpu.memref_slice %arg5[%dma_wait3A_195, %dma_wait3A_199] : memref<14x128xi32, #tpu.memory_space<vmem>> -> memref<1x128xi32, #tpu.memory_space<vmem>>
      %dma_wait3A_201 = tpu.memref_squeeze %dma_wait3A_200 : memref<1x128xi32, #tpu.memory_space<vmem>> -> memref<128xi32, #tpu.memory_space<vmem>>
      %dma_wait3A_202 = arith.constant 0 : i32
      %dma_wait3A_203 = arith.constant 0 : i32
      %dma_wait3A_204 = tpu.memref_slice %arg2[%dma_wait3A_202, %dma_wait3A_203] : memref<200704x8xf32, #tpu.memory_space<hbm>> -> memref<200704x8xf32, #tpu.memory_space<hbm>>
      tpu.wait_indirect_dma semaphore(%arg7 : memref<!tpu.dma_semaphore, #tpu.memory_space<semaphore_mem>>) src(%dma_wait3A_204 : memref<200704x8xf32, #tpu.memory_space<hbm>>) dst(%dma_wait3A_198 : memref<128x8xf32, #tpu.memory_space<vmem>>)
      %dma_wait3A_205 = arith.constant 6 : i32
      %dma_wait3A_206 = arith.constant 768 : i32
      %dma_wait3A_207 = arith.constant 0 : i32
      %dma_wait3A_208 = tpu.memref_slice %arg6[%dma_wait3A_206, %dma_wait3A_207] : memref<1792x8xf32, #tpu.memory_space<vmem>> -> memref<128x8xf32, #tpu.memory_space<vmem>>
      %dma_wait3A_209 = arith.constant 0 : i32
      %dma_wait3A_210 = tpu.memref_slice %arg5[%dma_wait3A_205, %dma_wait3A_209] : memref<14x128xi32, #tpu.memory_space<vmem>> -> memref<1x128xi32, #tpu.memory_space<vmem>>
      %dma_wait3A_211 = tpu.memref_squeeze %dma_wait3A_210 : memref<1x128xi32, #tpu.memory_space<vmem>> -> memref<128xi32, #tpu.memory_space<vmem>>
      %dma_wait3A_212 = arith.constant 0 : i32
      %dma_wait3A_213 = arith.constant 0 : i32
      %dma_wait3A_214 = tpu.memref_slice %arg2[%dma_wait3A_212, %dma_wait3A_213] : memref<200704x8xf32, #tpu.memory_space<hbm>> -> memref<200704x8xf32, #tpu.memory_space<hbm>>
      tpu.wait_indirect_dma semaphore(%arg7 : memref<!tpu.dma_semaphore, #tpu.memory_space<semaphore_mem>>) src(%dma_wait3A_214 : memref<200704x8xf32, #tpu.memory_space<hbm>>) dst(%dma_wait3A_208 : memref<128x8xf32, #tpu.memory_space<vmem>>)
      %dma_wait3A_215 = arith.constant 7 : i32
      %dma_wait3A_216 = arith.constant 896 : i32
      %dma_wait3A_217 = arith.constant 0 : i32
      %dma_wait3A_218 = tpu.memref_slice %arg6[%dma_wait3A_216, %dma_wait3A_217] : memref<1792x8xf32, #tpu.memory_space<vmem>> -> memref<128x8xf32, #tpu.memory_space<vmem>>
      %dma_wait3A_219 = arith.constant 0 : i32
      %dma_wait3A_220 = tpu.memref_slice %arg5[%dma_wait3A_215, %dma_wait3A_219] : memref<14x128xi32, #tpu.memory_space<vmem>> -> memref<1x128xi32, #tpu.memory_space<vmem>>
      %dma_wait3A_221 = tpu.memref_squeeze %dma_wait3A_220 : memref<1x128xi32, #tpu.memory_space<vmem>> -> memref<128xi32, #tpu.memory_space<vmem>>
      %dma_wait3A_222 = arith.constant 0 : i32
      %dma_wait3A_223 = arith.constant 0 : i32
      %dma_wait3A_224 = tpu.memref_slice %arg2[%dma_wait3A_222, %dma_wait3A_223] : memref<200704x8xf32, #tpu.memory_space<hbm>> -> memref<200704x8xf32, #tpu.memory_space<hbm>>
      tpu.wait_indirect_dma semaphore(%arg7 : memref<!tpu.dma_semaphore, #tpu.memory_space<semaphore_mem>>) src(%dma_wait3A_224 : memref<200704x8xf32, #tpu.memory_space<hbm>>) dst(%dma_wait3A_218 : memref<128x8xf32, #tpu.memory_space<vmem>>)
      %dma_wait3A_225 = arith.constant 8 : i32
      %dma_wait3A_226 = arith.constant 1024 : i32
      %dma_wait3A_227 = arith.constant 0 : i32
      %dma_wait3A_228 = tpu.memref_slice %arg6[%dma_wait3A_226, %dma_wait3A_227] : memref<1792x8xf32, #tpu.memory_space<vmem>> -> memref<128x8xf32, #tpu.memory_space<vmem>>
      %dma_wait3A_229 = arith.constant 0 : i32
      %dma_wait3A_230 = tpu.memref_slice %arg5[%dma_wait3A_225, %dma_wait3A_229] : memref<14x128xi32, #tpu.memory_space<vmem>> -> memref<1x128xi32, #tpu.memory_space<vmem>>
      %dma_wait3A_231 = tpu.memref_squeeze %dma_wait3A_230 : memref<1x128xi32, #tpu.memory_space<vmem>> -> memref<128xi32, #tpu.memory_space<vmem>>
      %dma_wait3A_232 = arith.constant 0 : i32
      %dma_wait3A_233 = arith.constant 0 : i32
      %dma_wait3A_234 = tpu.memref_slice %arg2[%dma_wait3A_232, %dma_wait3A_233] : memref<200704x8xf32, #tpu.memory_space<hbm>> -> memref<200704x8xf32, #tpu.memory_space<hbm>>
      tpu.wait_indirect_dma semaphore(%arg7 : memref<!tpu.dma_semaphore, #tpu.memory_space<semaphore_mem>>) src(%dma_wait3A_234 : memref<200704x8xf32, #tpu.memory_space<hbm>>) dst(%dma_wait3A_228 : memref<128x8xf32, #tpu.memory_space<vmem>>)
      %dma_wait3A_235 = arith.constant 9 : i32
      %dma_wait3A_236 = arith.constant 1152 : i32
      %dma_wait3A_237 = arith.constant 0 : i32
      %dma_wait3A_238 = tpu.memref_slice %arg6[%dma_wait3A_236, %dma_wait3A_237] : memref<1792x8xf32, #tpu.memory_space<vmem>> -> memref<128x8xf32, #tpu.memory_space<vmem>>
      %dma_wait3A_239 = arith.constant 0 : i32
      %dma_wait3A_240 = tpu.memref_slice %arg5[%dma_wait3A_235, %dma_wait3A_239] : memref<14x128xi32, #tpu.memory_space<vmem>> -> memref<1x128xi32, #tpu.memory_space<vmem>>
      %dma_wait3A_241 = tpu.memref_squeeze %dma_wait3A_240 : memref<1x128xi32, #tpu.memory_space<vmem>> -> memref<128xi32, #tpu.memory_space<vmem>>
      %dma_wait3A_242 = arith.constant 0 : i32
      %dma_wait3A_243 = arith.constant 0 : i32
      %dma_wait3A_244 = tpu.memref_slice %arg2[%dma_wait3A_242, %dma_wait3A_243] : memref<200704x8xf32, #tpu.memory_space<hbm>> -> memref<200704x8xf32, #tpu.memory_space<hbm>>
      tpu.wait_indirect_dma semaphore(%arg7 : memref<!tpu.dma_semaphore, #tpu.memory_space<semaphore_mem>>) src(%dma_wait3A_244 : memref<200704x8xf32, #tpu.memory_space<hbm>>) dst(%dma_wait3A_238 : memref<128x8xf32, #tpu.memory_space<vmem>>)
      %dma_wait3A_245 = arith.constant 10 : i32
      %dma_wait3A_246 = arith.constant 1280 : i32
      %dma_wait3A_247 = arith.constant 0 : i32
      %dma_wait3A_248 = tpu.memref_slice %arg6[%dma_wait3A_246, %dma_wait3A_247] : memref<1792x8xf32, #tpu.memory_space<vmem>> -> memref<128x8xf32, #tpu.memory_space<vmem>>
      %dma_wait3A_249 = arith.constant 0 : i32
      %dma_wait3A_250 = tpu.memref_slice %arg5[%dma_wait3A_245, %dma_wait3A_249] : memref<14x128xi32, #tpu.memory_space<vmem>> -> memref<1x128xi32, #tpu.memory_space<vmem>>
      %dma_wait3A_251 = tpu.memref_squeeze %dma_wait3A_250 : memref<1x128xi32, #tpu.memory_space<vmem>> -> memref<128xi32, #tpu.memory_space<vmem>>
      %dma_wait3A_252 = arith.constant 0 : i32
      %dma_wait3A_253 = arith.constant 0 : i32
      %dma_wait3A_254 = tpu.memref_slice %arg2[%dma_wait3A_252, %dma_wait3A_253] : memref<200704x8xf32, #tpu.memory_space<hbm>> -> memref<200704x8xf32, #tpu.memory_space<hbm>>
      tpu.wait_indirect_dma semaphore(%arg7 : memref<!tpu.dma_semaphore, #tpu.memory_space<semaphore_mem>>) src(%dma_wait3A_254 : memref<200704x8xf32, #tpu.memory_space<hbm>>) dst(%dma_wait3A_248 : memref<128x8xf32, #tpu.memory_space<vmem>>)
      %dma_wait3A_255 = arith.constant 11 : i32
      %dma_wait3A_256 = arith.constant 1408 : i32
      %dma_wait3A_257 = arith.constant 0 : i32
      %dma_wait3A_258 = tpu.memref_slice %arg6[%dma_wait3A_256, %dma_wait3A_257] : memref<1792x8xf32, #tpu.memory_space<vmem>> -> memref<128x8xf32, #tpu.memory_space<vmem>>
      %dma_wait3A_259 = arith.constant 0 : i32
      %dma_wait3A_260 = tpu.memref_slice %arg5[%dma_wait3A_255, %dma_wait3A_259] : memref<14x128xi32, #tpu.memory_space<vmem>> -> memref<1x128xi32, #tpu.memory_space<vmem>>
      %dma_wait3A_261 = tpu.memref_squeeze %dma_wait3A_260 : memref<1x128xi32, #tpu.memory_space<vmem>> -> memref<128xi32, #tpu.memory_space<vmem>>
      %dma_wait3A_262 = arith.constant 0 : i32
      %dma_wait3A_263 = arith.constant 0 : i32
      %dma_wait3A_264 = tpu.memref_slice %arg2[%dma_wait3A_262, %dma_wait3A_263] : memref<200704x8xf32, #tpu.memory_space<hbm>> -> memref<200704x8xf32, #tpu.memory_space<hbm>>
      tpu.wait_indirect_dma semaphore(%arg7 : memref<!tpu.dma_semaphore, #tpu.memory_space<semaphore_mem>>) src(%dma_wait3A_264 : memref<200704x8xf32, #tpu.memory_space<hbm>>) dst(%dma_wait3A_258 : memref<128x8xf32, #tpu.memory_space<vmem>>)
      %dma_wait3A_265 = arith.constant 12 : i32
      %dma_wait3A_266 = arith.constant 1536 : i32
      %dma_wait3A_267 = arith.constant 0 : i32
      %dma_wait3A_268 = tpu.memref_slice %arg6[%dma_wait3A_266, %dma_wait3A_267] : memref<1792x8xf32, #tpu.memory_space<vmem>> -> memref<128x8xf32, #tpu.memory_space<vmem>>
      %dma_wait3A_269 = arith.constant 0 : i32
      %dma_wait3A_270 = tpu.memref_slice %arg5[%dma_wait3A_265, %dma_wait3A_269] : memref<14x128xi32, #tpu.memory_space<vmem>> -> memref<1x128xi32, #tpu.memory_space<vmem>>
      %dma_wait3A_271 = tpu.memref_squeeze %dma_wait3A_270 : memref<1x128xi32, #tpu.memory_space<vmem>> -> memref<128xi32, #tpu.memory_space<vmem>>
      %dma_wait3A_272 = arith.constant 0 : i32
      %dma_wait3A_273 = arith.constant 0 : i32
      %dma_wait3A_274 = tpu.memref_slice %arg2[%dma_wait3A_272, %dma_wait3A_273] : memref<200704x8xf32, #tpu.memory_space<hbm>> -> memref<200704x8xf32, #tpu.memory_space<hbm>>
      tpu.wait_indirect_dma semaphore(%arg7 : memref<!tpu.dma_semaphore, #tpu.memory_space<semaphore_mem>>) src(%dma_wait3A_274 : memref<200704x8xf32, #tpu.memory_space<hbm>>) dst(%dma_wait3A_268 : memref<128x8xf32, #tpu.memory_space<vmem>>)
      %dma_wait3A_275 = arith.constant 13 : i32
      %dma_wait3A_276 = arith.constant 1664 : i32
      %dma_wait3A_277 = arith.constant 0 : i32
      %dma_wait3A_278 = tpu.memref_slice %arg6[%dma_wait3A_276, %dma_wait3A_277] : memref<1792x8xf32, #tpu.memory_space<vmem>> -> memref<128x8xf32, #tpu.memory_space<vmem>>
      %dma_wait3A_279 = arith.constant 0 : i32
      %dma_wait3A_280 = tpu.memref_slice %arg5[%dma_wait3A_275, %dma_wait3A_279] : memref<14x128xi32, #tpu.memory_space<vmem>> -> memref<1x128xi32, #tpu.memory_space<vmem>>
      %dma_wait3A_281 = tpu.memref_squeeze %dma_wait3A_280 : memref<1x128xi32, #tpu.memory_space<vmem>> -> memref<128xi32, #tpu.memory_space<vmem>>
      %dma_wait3A_282 = arith.constant 0 : i32
      %dma_wait3A_283 = arith.constant 0 : i32
      %dma_wait3A_284 = tpu.memref_slice %arg2[%dma_wait3A_282, %dma_wait3A_283] : memref<200704x8xf32, #tpu.memory_space<hbm>> -> memref<200704x8xf32, #tpu.memory_space<hbm>>
      tpu.wait_indirect_dma semaphore(%arg7 : memref<!tpu.dma_semaphore, #tpu.memory_space<semaphore_mem>>) src(%dma_wait3A_284 : memref<200704x8xf32, #tpu.memory_space<hbm>>) dst(%dma_wait3A_278 : memref<128x8xf32, #tpu.memory_space<vmem>>)
      %mul3A_285 = arith.constant 56 : i32
      %mul3A_286 = arith.muli %add3A, %mul3A_285 : i32
      %add3A_287 = arith.addi %mul3A_286, %scan3A_6 : i32
      %mul3A_288 = arith.constant 1792 : i32
      %mul3A_289 = arith.muli %add3A_287, %mul3A_288 : i32
      "tpu.region"() ({
        %run_scoped3A = tpu.sem_alloc : memref<!tpu.dma_semaphore, #tpu.memory_space<semaphore_mem>>
        %dma_start3A_290 = arith.constant 0 : i32
        %dma_start3A_291 = tpu.memref_slice %arg4[%mul3A_289, %dma_start3A_290] : memref<3211264x8xf32, #tpu.memory_space<hbm>> -> memref<1792x8xf32, #tpu.memory_space<hbm>>
        %dma_start3A_292 = arith.constant 0 : i32
        %dma_start3A_293 = tpu.memref_slice %arg4[%mul3A_289, %dma_start3A_292] : memref<3211264x8xf32, #tpu.memory_space<hbm>> -> memref<1792x8xf32, #tpu.memory_space<hbm>>
        tpu.enqueue_dma source(%arg6 : memref<1792x8xf32, #tpu.memory_space<vmem>>) target(%dma_start3A_293 : memref<1792x8xf32, #tpu.memory_space<hbm>>) target_semaphore(%run_scoped3A : memref<!tpu.dma_semaphore, #tpu.memory_space<semaphore_mem>>)
        %dma_wait3A_294 = arith.constant 0 : i32
        %dma_wait3A_295 = tpu.memref_slice %arg4[%mul3A_289, %dma_wait3A_294] : memref<3211264x8xf32, #tpu.memory_space<hbm>> -> memref<1792x8xf32, #tpu.memory_space<hbm>>
        %dma_wait3A_296 = arith.constant 0 : i32
        %dma_wait3A_297 = tpu.memref_slice %arg4[%mul3A_289, %dma_wait3A_296] : memref<3211264x8xf32, #tpu.memory_space<hbm>> -> memref<1792x8xf32, #tpu.memory_space<hbm>>
        tpu.wait_dma2 semaphore(%run_scoped3A : memref<!tpu.dma_semaphore, #tpu.memory_space<semaphore_mem>>) src(%arg6 : memref<1792x8xf32, #tpu.memory_space<vmem>>) dst(%dma_wait3A_297 : memref<1792x8xf32, #tpu.memory_space<hbm>>)
        tpu.yield
      }) : () -> ()
    }
    %scan3A_5 = arith.constant 56 : i32
    return
  }
}

#map = affine_map<(d0, d1) -> (0, 0)>
#map1 = affine_map<(d0, d1) -> (0, 0, 0, 0)>
module attributes {stable_mosaic.version = 14 : i64} {
  func.func @gk(%arg0: i32, %arg1: i32, %arg2: memref<200704x32xf32, #tpu.memory_space<hbm>>, %arg3: memref<32x14x14x128xi32, #tpu.memory_space<hbm>>, %arg4: memref<802816x32xf32, #tpu.memory_space<hbm>>, %arg5: memref<14x128xi32, #tpu.memory_space<vmem>>, %arg6: memref<1792x32xf32, #tpu.memory_space<vmem>>, %arg7: memref<!tpu.dma_semaphore, #tpu.memory_space<semaphore_mem>>) attributes {dimension_semantics = [#tpu.dimension_semantics<core_parallel>, #tpu.dimension_semantics<subcore_parallel>], iteration_bounds = array<i64: 2, 16>, scalar_prefetch = 0 : i64, scratch_operands = 3 : i64, tpu.core_type = #tpu.core_type<sc_vector_subcore>, window_params = [{transform_indices = #map}, {transform_indices = #map1}, {transform_indices = #map}]} {
    %mul3A = arith.constant 2 : i32
    %mul3A_0 = arith.muli %arg1, %mul3A : i32
    %add3A = arith.addi %mul3A_0, %arg0 : i32
    %scan3A = arith.constant 0 : i32
    %scan3A_1 = arith.constant 0 : i32
    %scan3A_2 = arith.constant 14 : i32
    %scan3A_3 = arith.addi %scan3A_1, %scan3A_2 : i32
    %scan3A_4 = arith.constant 1 : i32
    scf.for %scan3A_6 = %scan3A_1 to %scan3A_3 step %scan3A_4  : i32 {
      "tpu.region"() ({
        %run_scoped3A = tpu.sem_alloc : memref<!tpu.dma_semaphore, #tpu.memory_space<semaphore_mem>>
        %dma_start3A_290 = arith.constant 0 : i32
        %dma_start3A_291 = arith.constant 0 : i32
        %dma_start3A_292 = tpu.memref_slice %arg3[%add3A, %scan3A_6, %dma_start3A_290, %dma_start3A_291] : memref<32x14x14x128xi32, #tpu.memory_space<hbm>> -> memref<1x1x14x128xi32, #tpu.memory_space<hbm>>
        %dma_start3A_293 = tpu.memref_squeeze %dma_start3A_292 : memref<1x1x14x128xi32, #tpu.memory_space<hbm>> -> memref<14x128xi32, #tpu.memory_space<hbm>>
        %dma_start3A_294 = arith.constant 0 : i32
        %dma_start3A_295 = arith.constant 0 : i32
        %dma_start3A_296 = tpu.memref_slice %arg3[%add3A, %scan3A_6, %dma_start3A_294, %dma_start3A_295] : memref<32x14x14x128xi32, #tpu.memory_space<hbm>> -> memref<1x1x14x128xi32, #tpu.memory_space<hbm>>
        %dma_start3A_297 = tpu.memref_squeeze %dma_start3A_296 : memref<1x1x14x128xi32, #tpu.memory_space<hbm>> -> memref<14x128xi32, #tpu.memory_space<hbm>>
        tpu.enqueue_dma source(%dma_start3A_297 : memref<14x128xi32, #tpu.memory_space<hbm>>) target(%arg5 : memref<14x128xi32, #tpu.memory_space<vmem>>) target_semaphore(%run_scoped3A : memref<!tpu.dma_semaphore, #tpu.memory_space<semaphore_mem>>)
        %dma_wait3A_298 = arith.constant 0 : i32
        %dma_wait3A_299 = arith.constant 0 : i32
        %dma_wait3A_300 = tpu.memref_slice %arg3[%add3A, %scan3A_6, %dma_wait3A_298, %dma_wait3A_299] : memref<32x14x14x128xi32, #tpu.memory_space<hbm>> -> memref<1x1x14x128xi32, #tpu.memory_space<hbm>>
        %dma_wait3A_301 = tpu.memref_squeeze %dma_wait3A_300 : memref<1x1x14x128xi32, #tpu.memory_space<hbm>> -> memref<14x128xi32, #tpu.memory_space<hbm>>
        %dma_wait3A_302 = arith.constant 0 : i32
        %dma_wait3A_303 = arith.constant 0 : i32
        %dma_wait3A_304 = tpu.memref_slice %arg3[%add3A, %scan3A_6, %dma_wait3A_302, %dma_wait3A_303] : memref<32x14x14x128xi32, #tpu.memory_space<hbm>> -> memref<1x1x14x128xi32, #tpu.memory_space<hbm>>
        %dma_wait3A_305 = tpu.memref_squeeze %dma_wait3A_304 : memref<1x1x14x128xi32, #tpu.memory_space<hbm>> -> memref<14x128xi32, #tpu.memory_space<hbm>>
        tpu.wait_dma2 semaphore(%run_scoped3A : memref<!tpu.dma_semaphore, #tpu.memory_space<semaphore_mem>>) src(%dma_wait3A_305 : memref<14x128xi32, #tpu.memory_space<hbm>>) dst(%arg5 : memref<14x128xi32, #tpu.memory_space<vmem>>)
        tpu.yield
      }) : () -> ()
      %dma_start3A = arith.constant 0 : i32
      %dma_start3A_7 = arith.constant 0 : i32
      %dma_start3A_8 = arith.constant 0 : i32
      %dma_start3A_9 = tpu.memref_slice %arg6[%dma_start3A_7, %dma_start3A_8] : memref<1792x32xf32, #tpu.memory_space<vmem>> -> memref<128x32xf32, #tpu.memory_space<vmem>>
      %dma_start3A_10 = arith.constant 0 : i32
      %dma_start3A_11 = tpu.memref_slice %arg5[%dma_start3A, %dma_start3A_10] : memref<14x128xi32, #tpu.memory_space<vmem>> -> memref<1x128xi32, #tpu.memory_space<vmem>>
      %dma_start3A_12 = tpu.memref_squeeze %dma_start3A_11 : memref<1x128xi32, #tpu.memory_space<vmem>> -> memref<128xi32, #tpu.memory_space<vmem>>
      %dma_start3A_13 = arith.constant 0 : i32
      %dma_start3A_14 = arith.constant 0 : i32
      %dma_start3A_15 = tpu.memref_slice %arg2[%dma_start3A_13, %dma_start3A_14] : memref<200704x32xf32, #tpu.memory_space<hbm>> -> memref<200704x32xf32, #tpu.memory_space<hbm>>
      tpu.enqueue_indirect_dma source(%dma_start3A_15 : memref<200704x32xf32, #tpu.memory_space<hbm>>) target(%dma_start3A_9 : memref<128x32xf32, #tpu.memory_space<vmem>>) offsets(%dma_start3A_12 : memref<128xi32, #tpu.memory_space<vmem>>) semaphore(%arg7 : memref<!tpu.dma_semaphore, #tpu.memory_space<semaphore_mem>>)
      %dma_start3A_16 = arith.constant 1 : i32
      %dma_start3A_17 = arith.constant 128 : i32
      %dma_start3A_18 = arith.constant 0 : i32
      %dma_start3A_19 = tpu.memref_slice %arg6[%dma_start3A_17, %dma_start3A_18] : memref<1792x32xf32, #tpu.memory_space<vmem>> -> memref<128x32xf32, #tpu.memory_space<vmem>>
      %dma_start3A_20 = arith.constant 0 : i32
      %dma_start3A_21 = tpu.memref_slice %arg5[%dma_start3A_16, %dma_start3A_20] : memref<14x128xi32, #tpu.memory_space<vmem>> -> memref<1x128xi32, #tpu.memory_space<vmem>>
      %dma_start3A_22 = tpu.memref_squeeze %dma_start3A_21 : memref<1x128xi32, #tpu.memory_space<vmem>> -> memref<128xi32, #tpu.memory_space<vmem>>
      %dma_start3A_23 = arith.constant 0 : i32
      %dma_start3A_24 = arith.constant 0 : i32
      %dma_start3A_25 = tpu.memref_slice %arg2[%dma_start3A_23, %dma_start3A_24] : memref<200704x32xf32, #tpu.memory_space<hbm>> -> memref<200704x32xf32, #tpu.memory_space<hbm>>
      tpu.enqueue_indirect_dma source(%dma_start3A_25 : memref<200704x32xf32, #tpu.memory_space<hbm>>) target(%dma_start3A_19 : memref<128x32xf32, #tpu.memory_space<vmem>>) offsets(%dma_start3A_22 : memref<128xi32, #tpu.memory_space<vmem>>) semaphore(%arg7 : memref<!tpu.dma_semaphore, #tpu.memory_space<semaphore_mem>>)
      %dma_start3A_26 = arith.constant 2 : i32
      %dma_start3A_27 = arith.constant 256 : i32
      %dma_start3A_28 = arith.constant 0 : i32
      %dma_start3A_29 = tpu.memref_slice %arg6[%dma_start3A_27, %dma_start3A_28] : memref<1792x32xf32, #tpu.memory_space<vmem>> -> memref<128x32xf32, #tpu.memory_space<vmem>>
      %dma_start3A_30 = arith.constant 0 : i32
      %dma_start3A_31 = tpu.memref_slice %arg5[%dma_start3A_26, %dma_start3A_30] : memref<14x128xi32, #tpu.memory_space<vmem>> -> memref<1x128xi32, #tpu.memory_space<vmem>>
      %dma_start3A_32 = tpu.memref_squeeze %dma_start3A_31 : memref<1x128xi32, #tpu.memory_space<vmem>> -> memref<128xi32, #tpu.memory_space<vmem>>
      %dma_start3A_33 = arith.constant 0 : i32
      %dma_start3A_34 = arith.constant 0 : i32
      %dma_start3A_35 = tpu.memref_slice %arg2[%dma_start3A_33, %dma_start3A_34] : memref<200704x32xf32, #tpu.memory_space<hbm>> -> memref<200704x32xf32, #tpu.memory_space<hbm>>
      tpu.enqueue_indirect_dma source(%dma_start3A_35 : memref<200704x32xf32, #tpu.memory_space<hbm>>) target(%dma_start3A_29 : memref<128x32xf32, #tpu.memory_space<vmem>>) offsets(%dma_start3A_32 : memref<128xi32, #tpu.memory_space<vmem>>) semaphore(%arg7 : memref<!tpu.dma_semaphore, #tpu.memory_space<semaphore_mem>>)
      %dma_start3A_36 = arith.constant 3 : i32
      %dma_start3A_37 = arith.constant 384 : i32
      %dma_start3A_38 = arith.constant 0 : i32
      %dma_start3A_39 = tpu.memref_slice %arg6[%dma_start3A_37, %dma_start3A_38] : memref<1792x32xf32, #tpu.memory_space<vmem>> -> memref<128x32xf32, #tpu.memory_space<vmem>>
      %dma_start3A_40 = arith.constant 0 : i32
      %dma_start3A_41 = tpu.memref_slice %arg5[%dma_start3A_36, %dma_start3A_40] : memref<14x128xi32, #tpu.memory_space<vmem>> -> memref<1x128xi32, #tpu.memory_space<vmem>>
      %dma_start3A_42 = tpu.memref_squeeze %dma_start3A_41 : memref<1x128xi32, #tpu.memory_space<vmem>> -> memref<128xi32, #tpu.memory_space<vmem>>
      %dma_start3A_43 = arith.constant 0 : i32
      %dma_start3A_44 = arith.constant 0 : i32
      %dma_start3A_45 = tpu.memref_slice %arg2[%dma_start3A_43, %dma_start3A_44] : memref<200704x32xf32, #tpu.memory_space<hbm>> -> memref<200704x32xf32, #tpu.memory_space<hbm>>
      tpu.enqueue_indirect_dma source(%dma_start3A_45 : memref<200704x32xf32, #tpu.memory_space<hbm>>) target(%dma_start3A_39 : memref<128x32xf32, #tpu.memory_space<vmem>>) offsets(%dma_start3A_42 : memref<128xi32, #tpu.memory_space<vmem>>) semaphore(%arg7 : memref<!tpu.dma_semaphore, #tpu.memory_space<semaphore_mem>>)
      %dma_start3A_46 = arith.constant 4 : i32
      %dma_start3A_47 = arith.constant 512 : i32
      %dma_start3A_48 = arith.constant 0 : i32
      %dma_start3A_49 = tpu.memref_slice %arg6[%dma_start3A_47, %dma_start3A_48] : memref<1792x32xf32, #tpu.memory_space<vmem>> -> memref<128x32xf32, #tpu.memory_space<vmem>>
      %dma_start3A_50 = arith.constant 0 : i32
      %dma_start3A_51 = tpu.memref_slice %arg5[%dma_start3A_46, %dma_start3A_50] : memref<14x128xi32, #tpu.memory_space<vmem>> -> memref<1x128xi32, #tpu.memory_space<vmem>>
      %dma_start3A_52 = tpu.memref_squeeze %dma_start3A_51 : memref<1x128xi32, #tpu.memory_space<vmem>> -> memref<128xi32, #tpu.memory_space<vmem>>
      %dma_start3A_53 = arith.constant 0 : i32
      %dma_start3A_54 = arith.constant 0 : i32
      %dma_start3A_55 = tpu.memref_slice %arg2[%dma_start3A_53, %dma_start3A_54] : memref<200704x32xf32, #tpu.memory_space<hbm>> -> memref<200704x32xf32, #tpu.memory_space<hbm>>
      tpu.enqueue_indirect_dma source(%dma_start3A_55 : memref<200704x32xf32, #tpu.memory_space<hbm>>) target(%dma_start3A_49 : memref<128x32xf32, #tpu.memory_space<vmem>>) offsets(%dma_start3A_52 : memref<128xi32, #tpu.memory_space<vmem>>) semaphore(%arg7 : memref<!tpu.dma_semaphore, #tpu.memory_space<semaphore_mem>>)
      %dma_start3A_56 = arith.constant 5 : i32
      %dma_start3A_57 = arith.constant 640 : i32
      %dma_start3A_58 = arith.constant 0 : i32
      %dma_start3A_59 = tpu.memref_slice %arg6[%dma_start3A_57, %dma_start3A_58] : memref<1792x32xf32, #tpu.memory_space<vmem>> -> memref<128x32xf32, #tpu.memory_space<vmem>>
      %dma_start3A_60 = arith.constant 0 : i32
      %dma_start3A_61 = tpu.memref_slice %arg5[%dma_start3A_56, %dma_start3A_60] : memref<14x128xi32, #tpu.memory_space<vmem>> -> memref<1x128xi32, #tpu.memory_space<vmem>>
      %dma_start3A_62 = tpu.memref_squeeze %dma_start3A_61 : memref<1x128xi32, #tpu.memory_space<vmem>> -> memref<128xi32, #tpu.memory_space<vmem>>
      %dma_start3A_63 = arith.constant 0 : i32
      %dma_start3A_64 = arith.constant 0 : i32
      %dma_start3A_65 = tpu.memref_slice %arg2[%dma_start3A_63, %dma_start3A_64] : memref<200704x32xf32, #tpu.memory_space<hbm>> -> memref<200704x32xf32, #tpu.memory_space<hbm>>
      tpu.enqueue_indirect_dma source(%dma_start3A_65 : memref<200704x32xf32, #tpu.memory_space<hbm>>) target(%dma_start3A_59 : memref<128x32xf32, #tpu.memory_space<vmem>>) offsets(%dma_start3A_62 : memref<128xi32, #tpu.memory_space<vmem>>) semaphore(%arg7 : memref<!tpu.dma_semaphore, #tpu.memory_space<semaphore_mem>>)
      %dma_start3A_66 = arith.constant 6 : i32
      %dma_start3A_67 = arith.constant 768 : i32
      %dma_start3A_68 = arith.constant 0 : i32
      %dma_start3A_69 = tpu.memref_slice %arg6[%dma_start3A_67, %dma_start3A_68] : memref<1792x32xf32, #tpu.memory_space<vmem>> -> memref<128x32xf32, #tpu.memory_space<vmem>>
      %dma_start3A_70 = arith.constant 0 : i32
      %dma_start3A_71 = tpu.memref_slice %arg5[%dma_start3A_66, %dma_start3A_70] : memref<14x128xi32, #tpu.memory_space<vmem>> -> memref<1x128xi32, #tpu.memory_space<vmem>>
      %dma_start3A_72 = tpu.memref_squeeze %dma_start3A_71 : memref<1x128xi32, #tpu.memory_space<vmem>> -> memref<128xi32, #tpu.memory_space<vmem>>
      %dma_start3A_73 = arith.constant 0 : i32
      %dma_start3A_74 = arith.constant 0 : i32
      %dma_start3A_75 = tpu.memref_slice %arg2[%dma_start3A_73, %dma_start3A_74] : memref<200704x32xf32, #tpu.memory_space<hbm>> -> memref<200704x32xf32, #tpu.memory_space<hbm>>
      tpu.enqueue_indirect_dma source(%dma_start3A_75 : memref<200704x32xf32, #tpu.memory_space<hbm>>) target(%dma_start3A_69 : memref<128x32xf32, #tpu.memory_space<vmem>>) offsets(%dma_start3A_72 : memref<128xi32, #tpu.memory_space<vmem>>) semaphore(%arg7 : memref<!tpu.dma_semaphore, #tpu.memory_space<semaphore_mem>>)
      %dma_start3A_76 = arith.constant 7 : i32
      %dma_start3A_77 = arith.constant 896 : i32
      %dma_start3A_78 = arith.constant 0 : i32
      %dma_start3A_79 = tpu.memref_slice %arg6[%dma_start3A_77, %dma_start3A_78] : memref<1792x32xf32, #tpu.memory_space<vmem>> -> memref<128x32xf32, #tpu.memory_space<vmem>>
      %dma_start3A_80 = arith.constant 0 : i32
      %dma_start3A_81 = tpu.memref_slice %arg5[%dma_start3A_76, %dma_start3A_80] : memref<14x128xi32, #tpu.memory_space<vmem>> -> memref<1x128xi32, #tpu.memory_space<vmem>>
      %dma_start3A_82 = tpu.memref_squeeze %dma_start3A_81 : memref<1x128xi32, #tpu.memory_space<vmem>> -> memref<128xi32, #tpu.memory_space<vmem>>
      %dma_start3A_83 = arith.constant 0 : i32
      %dma_start3A_84 = arith.constant 0 : i32
      %dma_start3A_85 = tpu.memref_slice %arg2[%dma_start3A_83, %dma_start3A_84] : memref<200704x32xf32, #tpu.memory_space<hbm>> -> memref<200704x32xf32, #tpu.memory_space<hbm>>
      tpu.enqueue_indirect_dma source(%dma_start3A_85 : memref<200704x32xf32, #tpu.memory_space<hbm>>) target(%dma_start3A_79 : memref<128x32xf32, #tpu.memory_space<vmem>>) offsets(%dma_start3A_82 : memref<128xi32, #tpu.memory_space<vmem>>) semaphore(%arg7 : memref<!tpu.dma_semaphore, #tpu.memory_space<semaphore_mem>>)
      %dma_start3A_86 = arith.constant 8 : i32
      %dma_start3A_87 = arith.constant 1024 : i32
      %dma_start3A_88 = arith.constant 0 : i32
      %dma_start3A_89 = tpu.memref_slice %arg6[%dma_start3A_87, %dma_start3A_88] : memref<1792x32xf32, #tpu.memory_space<vmem>> -> memref<128x32xf32, #tpu.memory_space<vmem>>
      %dma_start3A_90 = arith.constant 0 : i32
      %dma_start3A_91 = tpu.memref_slice %arg5[%dma_start3A_86, %dma_start3A_90] : memref<14x128xi32, #tpu.memory_space<vmem>> -> memref<1x128xi32, #tpu.memory_space<vmem>>
      %dma_start3A_92 = tpu.memref_squeeze %dma_start3A_91 : memref<1x128xi32, #tpu.memory_space<vmem>> -> memref<128xi32, #tpu.memory_space<vmem>>
      %dma_start3A_93 = arith.constant 0 : i32
      %dma_start3A_94 = arith.constant 0 : i32
      %dma_start3A_95 = tpu.memref_slice %arg2[%dma_start3A_93, %dma_start3A_94] : memref<200704x32xf32, #tpu.memory_space<hbm>> -> memref<200704x32xf32, #tpu.memory_space<hbm>>
      tpu.enqueue_indirect_dma source(%dma_start3A_95 : memref<200704x32xf32, #tpu.memory_space<hbm>>) target(%dma_start3A_89 : memref<128x32xf32, #tpu.memory_space<vmem>>) offsets(%dma_start3A_92 : memref<128xi32, #tpu.memory_space<vmem>>) semaphore(%arg7 : memref<!tpu.dma_semaphore, #tpu.memory_space<semaphore_mem>>)
      %dma_start3A_96 = arith.constant 9 : i32
      %dma_start3A_97 = arith.constant 1152 : i32
      %dma_start3A_98 = arith.constant 0 : i32
      %dma_start3A_99 = tpu.memref_slice %arg6[%dma_start3A_97, %dma_start3A_98] : memref<1792x32xf32, #tpu.memory_space<vmem>> -> memref<128x32xf32, #tpu.memory_space<vmem>>
      %dma_start3A_100 = arith.constant 0 : i32
      %dma_start3A_101 = tpu.memref_slice %arg5[%dma_start3A_96, %dma_start3A_100] : memref<14x128xi32, #tpu.memory_space<vmem>> -> memref<1x128xi32, #tpu.memory_space<vmem>>
      %dma_start3A_102 = tpu.memref_squeeze %dma_start3A_101 : memref<1x128xi32, #tpu.memory_space<vmem>> -> memref<128xi32, #tpu.memory_space<vmem>>
      %dma_start3A_103 = arith.constant 0 : i32
      %dma_start3A_104 = arith.constant 0 : i32
      %dma_start3A_105 = tpu.memref_slice %arg2[%dma_start3A_103, %dma_start3A_104] : memref<200704x32xf32, #tpu.memory_space<hbm>> -> memref<200704x32xf32, #tpu.memory_space<hbm>>
      tpu.enqueue_indirect_dma source(%dma_start3A_105 : memref<200704x32xf32, #tpu.memory_space<hbm>>) target(%dma_start3A_99 : memref<128x32xf32, #tpu.memory_space<vmem>>) offsets(%dma_start3A_102 : memref<128xi32, #tpu.memory_space<vmem>>) semaphore(%arg7 : memref<!tpu.dma_semaphore, #tpu.memory_space<semaphore_mem>>)
      %dma_start3A_106 = arith.constant 10 : i32
      %dma_start3A_107 = arith.constant 1280 : i32
      %dma_start3A_108 = arith.constant 0 : i32
      %dma_start3A_109 = tpu.memref_slice %arg6[%dma_start3A_107, %dma_start3A_108] : memref<1792x32xf32, #tpu.memory_space<vmem>> -> memref<128x32xf32, #tpu.memory_space<vmem>>
      %dma_start3A_110 = arith.constant 0 : i32
      %dma_start3A_111 = tpu.memref_slice %arg5[%dma_start3A_106, %dma_start3A_110] : memref<14x128xi32, #tpu.memory_space<vmem>> -> memref<1x128xi32, #tpu.memory_space<vmem>>
      %dma_start3A_112 = tpu.memref_squeeze %dma_start3A_111 : memref<1x128xi32, #tpu.memory_space<vmem>> -> memref<128xi32, #tpu.memory_space<vmem>>
      %dma_start3A_113 = arith.constant 0 : i32
      %dma_start3A_114 = arith.constant 0 : i32
      %dma_start3A_115 = tpu.memref_slice %arg2[%dma_start3A_113, %dma_start3A_114] : memref<200704x32xf32, #tpu.memory_space<hbm>> -> memref<200704x32xf32, #tpu.memory_space<hbm>>
      tpu.enqueue_indirect_dma source(%dma_start3A_115 : memref<200704x32xf32, #tpu.memory_space<hbm>>) target(%dma_start3A_109 : memref<128x32xf32, #tpu.memory_space<vmem>>) offsets(%dma_start3A_112 : memref<128xi32, #tpu.memory_space<vmem>>) semaphore(%arg7 : memref<!tpu.dma_semaphore, #tpu.memory_space<semaphore_mem>>)
      %dma_start3A_116 = arith.constant 11 : i32
      %dma_start3A_117 = arith.constant 1408 : i32
      %dma_start3A_118 = arith.constant 0 : i32
      %dma_start3A_119 = tpu.memref_slice %arg6[%dma_start3A_117, %dma_start3A_118] : memref<1792x32xf32, #tpu.memory_space<vmem>> -> memref<128x32xf32, #tpu.memory_space<vmem>>
      %dma_start3A_120 = arith.constant 0 : i32
      %dma_start3A_121 = tpu.memref_slice %arg5[%dma_start3A_116, %dma_start3A_120] : memref<14x128xi32, #tpu.memory_space<vmem>> -> memref<1x128xi32, #tpu.memory_space<vmem>>
      %dma_start3A_122 = tpu.memref_squeeze %dma_start3A_121 : memref<1x128xi32, #tpu.memory_space<vmem>> -> memref<128xi32, #tpu.memory_space<vmem>>
      %dma_start3A_123 = arith.constant 0 : i32
      %dma_start3A_124 = arith.constant 0 : i32
      %dma_start3A_125 = tpu.memref_slice %arg2[%dma_start3A_123, %dma_start3A_124] : memref<200704x32xf32, #tpu.memory_space<hbm>> -> memref<200704x32xf32, #tpu.memory_space<hbm>>
      tpu.enqueue_indirect_dma source(%dma_start3A_125 : memref<200704x32xf32, #tpu.memory_space<hbm>>) target(%dma_start3A_119 : memref<128x32xf32, #tpu.memory_space<vmem>>) offsets(%dma_start3A_122 : memref<128xi32, #tpu.memory_space<vmem>>) semaphore(%arg7 : memref<!tpu.dma_semaphore, #tpu.memory_space<semaphore_mem>>)
      %dma_start3A_126 = arith.constant 12 : i32
      %dma_start3A_127 = arith.constant 1536 : i32
      %dma_start3A_128 = arith.constant 0 : i32
      %dma_start3A_129 = tpu.memref_slice %arg6[%dma_start3A_127, %dma_start3A_128] : memref<1792x32xf32, #tpu.memory_space<vmem>> -> memref<128x32xf32, #tpu.memory_space<vmem>>
      %dma_start3A_130 = arith.constant 0 : i32
      %dma_start3A_131 = tpu.memref_slice %arg5[%dma_start3A_126, %dma_start3A_130] : memref<14x128xi32, #tpu.memory_space<vmem>> -> memref<1x128xi32, #tpu.memory_space<vmem>>
      %dma_start3A_132 = tpu.memref_squeeze %dma_start3A_131 : memref<1x128xi32, #tpu.memory_space<vmem>> -> memref<128xi32, #tpu.memory_space<vmem>>
      %dma_start3A_133 = arith.constant 0 : i32
      %dma_start3A_134 = arith.constant 0 : i32
      %dma_start3A_135 = tpu.memref_slice %arg2[%dma_start3A_133, %dma_start3A_134] : memref<200704x32xf32, #tpu.memory_space<hbm>> -> memref<200704x32xf32, #tpu.memory_space<hbm>>
      tpu.enqueue_indirect_dma source(%dma_start3A_135 : memref<200704x32xf32, #tpu.memory_space<hbm>>) target(%dma_start3A_129 : memref<128x32xf32, #tpu.memory_space<vmem>>) offsets(%dma_start3A_132 : memref<128xi32, #tpu.memory_space<vmem>>) semaphore(%arg7 : memref<!tpu.dma_semaphore, #tpu.memory_space<semaphore_mem>>)
      %dma_start3A_136 = arith.constant 13 : i32
      %dma_start3A_137 = arith.constant 1664 : i32
      %dma_start3A_138 = arith.constant 0 : i32
      %dma_start3A_139 = tpu.memref_slice %arg6[%dma_start3A_137, %dma_start3A_138] : memref<1792x32xf32, #tpu.memory_space<vmem>> -> memref<128x32xf32, #tpu.memory_space<vmem>>
      %dma_start3A_140 = arith.constant 0 : i32
      %dma_start3A_141 = tpu.memref_slice %arg5[%dma_start3A_136, %dma_start3A_140] : memref<14x128xi32, #tpu.memory_space<vmem>> -> memref<1x128xi32, #tpu.memory_space<vmem>>
      %dma_start3A_142 = tpu.memref_squeeze %dma_start3A_141 : memref<1x128xi32, #tpu.memory_space<vmem>> -> memref<128xi32, #tpu.memory_space<vmem>>
      %dma_start3A_143 = arith.constant 0 : i32
      %dma_start3A_144 = arith.constant 0 : i32
      %dma_start3A_145 = tpu.memref_slice %arg2[%dma_start3A_143, %dma_start3A_144] : memref<200704x32xf32, #tpu.memory_space<hbm>> -> memref<200704x32xf32, #tpu.memory_space<hbm>>
      tpu.enqueue_indirect_dma source(%dma_start3A_145 : memref<200704x32xf32, #tpu.memory_space<hbm>>) target(%dma_start3A_139 : memref<128x32xf32, #tpu.memory_space<vmem>>) offsets(%dma_start3A_142 : memref<128xi32, #tpu.memory_space<vmem>>) semaphore(%arg7 : memref<!tpu.dma_semaphore, #tpu.memory_space<semaphore_mem>>)
      %dma_wait3A = arith.constant 0 : i32
      %dma_wait3A_146 = arith.constant 0 : i32
      %dma_wait3A_147 = arith.constant 0 : i32
      %dma_wait3A_148 = tpu.memref_slice %arg6[%dma_wait3A_146, %dma_wait3A_147] : memref<1792x32xf32, #tpu.memory_space<vmem>> -> memref<128x32xf32, #tpu.memory_space<vmem>>
      %dma_wait3A_149 = arith.constant 0 : i32
      %dma_wait3A_150 = tpu.memref_slice %arg5[%dma_wait3A, %dma_wait3A_149] : memref<14x128xi32, #tpu.memory_space<vmem>> -> memref<1x128xi32, #tpu.memory_space<vmem>>
      %dma_wait3A_151 = tpu.memref_squeeze %dma_wait3A_150 : memref<1x128xi32, #tpu.memory_space<vmem>> -> memref<128xi32, #tpu.memory_space<vmem>>
      %dma_wait3A_152 = arith.constant 0 : i32
      %dma_wait3A_153 = arith.constant 0 : i32
      %dma_wait3A_154 = tpu.memref_slice %arg2[%dma_wait3A_152, %dma_wait3A_153] : memref<200704x32xf32, #tpu.memory_space<hbm>> -> memref<200704x32xf32, #tpu.memory_space<hbm>>
      tpu.wait_indirect_dma semaphore(%arg7 : memref<!tpu.dma_semaphore, #tpu.memory_space<semaphore_mem>>) src(%dma_wait3A_154 : memref<200704x32xf32, #tpu.memory_space<hbm>>) dst(%dma_wait3A_148 : memref<128x32xf32, #tpu.memory_space<vmem>>)
      %dma_wait3A_155 = arith.constant 1 : i32
      %dma_wait3A_156 = arith.constant 128 : i32
      %dma_wait3A_157 = arith.constant 0 : i32
      %dma_wait3A_158 = tpu.memref_slice %arg6[%dma_wait3A_156, %dma_wait3A_157] : memref<1792x32xf32, #tpu.memory_space<vmem>> -> memref<128x32xf32, #tpu.memory_space<vmem>>
      %dma_wait3A_159 = arith.constant 0 : i32
      %dma_wait3A_160 = tpu.memref_slice %arg5[%dma_wait3A_155, %dma_wait3A_159] : memref<14x128xi32, #tpu.memory_space<vmem>> -> memref<1x128xi32, #tpu.memory_space<vmem>>
      %dma_wait3A_161 = tpu.memref_squeeze %dma_wait3A_160 : memref<1x128xi32, #tpu.memory_space<vmem>> -> memref<128xi32, #tpu.memory_space<vmem>>
      %dma_wait3A_162 = arith.constant 0 : i32
      %dma_wait3A_163 = arith.constant 0 : i32
      %dma_wait3A_164 = tpu.memref_slice %arg2[%dma_wait3A_162, %dma_wait3A_163] : memref<200704x32xf32, #tpu.memory_space<hbm>> -> memref<200704x32xf32, #tpu.memory_space<hbm>>
      tpu.wait_indirect_dma semaphore(%arg7 : memref<!tpu.dma_semaphore, #tpu.memory_space<semaphore_mem>>) src(%dma_wait3A_164 : memref<200704x32xf32, #tpu.memory_space<hbm>>) dst(%dma_wait3A_158 : memref<128x32xf32, #tpu.memory_space<vmem>>)
      %dma_wait3A_165 = arith.constant 2 : i32
      %dma_wait3A_166 = arith.constant 256 : i32
      %dma_wait3A_167 = arith.constant 0 : i32
      %dma_wait3A_168 = tpu.memref_slice %arg6[%dma_wait3A_166, %dma_wait3A_167] : memref<1792x32xf32, #tpu.memory_space<vmem>> -> memref<128x32xf32, #tpu.memory_space<vmem>>
      %dma_wait3A_169 = arith.constant 0 : i32
      %dma_wait3A_170 = tpu.memref_slice %arg5[%dma_wait3A_165, %dma_wait3A_169] : memref<14x128xi32, #tpu.memory_space<vmem>> -> memref<1x128xi32, #tpu.memory_space<vmem>>
      %dma_wait3A_171 = tpu.memref_squeeze %dma_wait3A_170 : memref<1x128xi32, #tpu.memory_space<vmem>> -> memref<128xi32, #tpu.memory_space<vmem>>
      %dma_wait3A_172 = arith.constant 0 : i32
      %dma_wait3A_173 = arith.constant 0 : i32
      %dma_wait3A_174 = tpu.memref_slice %arg2[%dma_wait3A_172, %dma_wait3A_173] : memref<200704x32xf32, #tpu.memory_space<hbm>> -> memref<200704x32xf32, #tpu.memory_space<hbm>>
      tpu.wait_indirect_dma semaphore(%arg7 : memref<!tpu.dma_semaphore, #tpu.memory_space<semaphore_mem>>) src(%dma_wait3A_174 : memref<200704x32xf32, #tpu.memory_space<hbm>>) dst(%dma_wait3A_168 : memref<128x32xf32, #tpu.memory_space<vmem>>)
      %dma_wait3A_175 = arith.constant 3 : i32
      %dma_wait3A_176 = arith.constant 384 : i32
      %dma_wait3A_177 = arith.constant 0 : i32
      %dma_wait3A_178 = tpu.memref_slice %arg6[%dma_wait3A_176, %dma_wait3A_177] : memref<1792x32xf32, #tpu.memory_space<vmem>> -> memref<128x32xf32, #tpu.memory_space<vmem>>
      %dma_wait3A_179 = arith.constant 0 : i32
      %dma_wait3A_180 = tpu.memref_slice %arg5[%dma_wait3A_175, %dma_wait3A_179] : memref<14x128xi32, #tpu.memory_space<vmem>> -> memref<1x128xi32, #tpu.memory_space<vmem>>
      %dma_wait3A_181 = tpu.memref_squeeze %dma_wait3A_180 : memref<1x128xi32, #tpu.memory_space<vmem>> -> memref<128xi32, #tpu.memory_space<vmem>>
      %dma_wait3A_182 = arith.constant 0 : i32
      %dma_wait3A_183 = arith.constant 0 : i32
      %dma_wait3A_184 = tpu.memref_slice %arg2[%dma_wait3A_182, %dma_wait3A_183] : memref<200704x32xf32, #tpu.memory_space<hbm>> -> memref<200704x32xf32, #tpu.memory_space<hbm>>
      tpu.wait_indirect_dma semaphore(%arg7 : memref<!tpu.dma_semaphore, #tpu.memory_space<semaphore_mem>>) src(%dma_wait3A_184 : memref<200704x32xf32, #tpu.memory_space<hbm>>) dst(%dma_wait3A_178 : memref<128x32xf32, #tpu.memory_space<vmem>>)
      %dma_wait3A_185 = arith.constant 4 : i32
      %dma_wait3A_186 = arith.constant 512 : i32
      %dma_wait3A_187 = arith.constant 0 : i32
      %dma_wait3A_188 = tpu.memref_slice %arg6[%dma_wait3A_186, %dma_wait3A_187] : memref<1792x32xf32, #tpu.memory_space<vmem>> -> memref<128x32xf32, #tpu.memory_space<vmem>>
      %dma_wait3A_189 = arith.constant 0 : i32
      %dma_wait3A_190 = tpu.memref_slice %arg5[%dma_wait3A_185, %dma_wait3A_189] : memref<14x128xi32, #tpu.memory_space<vmem>> -> memref<1x128xi32, #tpu.memory_space<vmem>>
      %dma_wait3A_191 = tpu.memref_squeeze %dma_wait3A_190 : memref<1x128xi32, #tpu.memory_space<vmem>> -> memref<128xi32, #tpu.memory_space<vmem>>
      %dma_wait3A_192 = arith.constant 0 : i32
      %dma_wait3A_193 = arith.constant 0 : i32
      %dma_wait3A_194 = tpu.memref_slice %arg2[%dma_wait3A_192, %dma_wait3A_193] : memref<200704x32xf32, #tpu.memory_space<hbm>> -> memref<200704x32xf32, #tpu.memory_space<hbm>>
      tpu.wait_indirect_dma semaphore(%arg7 : memref<!tpu.dma_semaphore, #tpu.memory_space<semaphore_mem>>) src(%dma_wait3A_194 : memref<200704x32xf32, #tpu.memory_space<hbm>>) dst(%dma_wait3A_188 : memref<128x32xf32, #tpu.memory_space<vmem>>)
      %dma_wait3A_195 = arith.constant 5 : i32
      %dma_wait3A_196 = arith.constant 640 : i32
      %dma_wait3A_197 = arith.constant 0 : i32
      %dma_wait3A_198 = tpu.memref_slice %arg6[%dma_wait3A_196, %dma_wait3A_197] : memref<1792x32xf32, #tpu.memory_space<vmem>> -> memref<128x32xf32, #tpu.memory_space<vmem>>
      %dma_wait3A_199 = arith.constant 0 : i32
      %dma_wait3A_200 = tpu.memref_slice %arg5[%dma_wait3A_195, %dma_wait3A_199] : memref<14x128xi32, #tpu.memory_space<vmem>> -> memref<1x128xi32, #tpu.memory_space<vmem>>
      %dma_wait3A_201 = tpu.memref_squeeze %dma_wait3A_200 : memref<1x128xi32, #tpu.memory_space<vmem>> -> memref<128xi32, #tpu.memory_space<vmem>>
      %dma_wait3A_202 = arith.constant 0 : i32
      %dma_wait3A_203 = arith.constant 0 : i32
      %dma_wait3A_204 = tpu.memref_slice %arg2[%dma_wait3A_202, %dma_wait3A_203] : memref<200704x32xf32, #tpu.memory_space<hbm>> -> memref<200704x32xf32, #tpu.memory_space<hbm>>
      tpu.wait_indirect_dma semaphore(%arg7 : memref<!tpu.dma_semaphore, #tpu.memory_space<semaphore_mem>>) src(%dma_wait3A_204 : memref<200704x32xf32, #tpu.memory_space<hbm>>) dst(%dma_wait3A_198 : memref<128x32xf32, #tpu.memory_space<vmem>>)
      %dma_wait3A_205 = arith.constant 6 : i32
      %dma_wait3A_206 = arith.constant 768 : i32
      %dma_wait3A_207 = arith.constant 0 : i32
      %dma_wait3A_208 = tpu.memref_slice %arg6[%dma_wait3A_206, %dma_wait3A_207] : memref<1792x32xf32, #tpu.memory_space<vmem>> -> memref<128x32xf32, #tpu.memory_space<vmem>>
      %dma_wait3A_209 = arith.constant 0 : i32
      %dma_wait3A_210 = tpu.memref_slice %arg5[%dma_wait3A_205, %dma_wait3A_209] : memref<14x128xi32, #tpu.memory_space<vmem>> -> memref<1x128xi32, #tpu.memory_space<vmem>>
      %dma_wait3A_211 = tpu.memref_squeeze %dma_wait3A_210 : memref<1x128xi32, #tpu.memory_space<vmem>> -> memref<128xi32, #tpu.memory_space<vmem>>
      %dma_wait3A_212 = arith.constant 0 : i32
      %dma_wait3A_213 = arith.constant 0 : i32
      %dma_wait3A_214 = tpu.memref_slice %arg2[%dma_wait3A_212, %dma_wait3A_213] : memref<200704x32xf32, #tpu.memory_space<hbm>> -> memref<200704x32xf32, #tpu.memory_space<hbm>>
      tpu.wait_indirect_dma semaphore(%arg7 : memref<!tpu.dma_semaphore, #tpu.memory_space<semaphore_mem>>) src(%dma_wait3A_214 : memref<200704x32xf32, #tpu.memory_space<hbm>>) dst(%dma_wait3A_208 : memref<128x32xf32, #tpu.memory_space<vmem>>)
      %dma_wait3A_215 = arith.constant 7 : i32
      %dma_wait3A_216 = arith.constant 896 : i32
      %dma_wait3A_217 = arith.constant 0 : i32
      %dma_wait3A_218 = tpu.memref_slice %arg6[%dma_wait3A_216, %dma_wait3A_217] : memref<1792x32xf32, #tpu.memory_space<vmem>> -> memref<128x32xf32, #tpu.memory_space<vmem>>
      %dma_wait3A_219 = arith.constant 0 : i32
      %dma_wait3A_220 = tpu.memref_slice %arg5[%dma_wait3A_215, %dma_wait3A_219] : memref<14x128xi32, #tpu.memory_space<vmem>> -> memref<1x128xi32, #tpu.memory_space<vmem>>
      %dma_wait3A_221 = tpu.memref_squeeze %dma_wait3A_220 : memref<1x128xi32, #tpu.memory_space<vmem>> -> memref<128xi32, #tpu.memory_space<vmem>>
      %dma_wait3A_222 = arith.constant 0 : i32
      %dma_wait3A_223 = arith.constant 0 : i32
      %dma_wait3A_224 = tpu.memref_slice %arg2[%dma_wait3A_222, %dma_wait3A_223] : memref<200704x32xf32, #tpu.memory_space<hbm>> -> memref<200704x32xf32, #tpu.memory_space<hbm>>
      tpu.wait_indirect_dma semaphore(%arg7 : memref<!tpu.dma_semaphore, #tpu.memory_space<semaphore_mem>>) src(%dma_wait3A_224 : memref<200704x32xf32, #tpu.memory_space<hbm>>) dst(%dma_wait3A_218 : memref<128x32xf32, #tpu.memory_space<vmem>>)
      %dma_wait3A_225 = arith.constant 8 : i32
      %dma_wait3A_226 = arith.constant 1024 : i32
      %dma_wait3A_227 = arith.constant 0 : i32
      %dma_wait3A_228 = tpu.memref_slice %arg6[%dma_wait3A_226, %dma_wait3A_227] : memref<1792x32xf32, #tpu.memory_space<vmem>> -> memref<128x32xf32, #tpu.memory_space<vmem>>
      %dma_wait3A_229 = arith.constant 0 : i32
      %dma_wait3A_230 = tpu.memref_slice %arg5[%dma_wait3A_225, %dma_wait3A_229] : memref<14x128xi32, #tpu.memory_space<vmem>> -> memref<1x128xi32, #tpu.memory_space<vmem>>
      %dma_wait3A_231 = tpu.memref_squeeze %dma_wait3A_230 : memref<1x128xi32, #tpu.memory_space<vmem>> -> memref<128xi32, #tpu.memory_space<vmem>>
      %dma_wait3A_232 = arith.constant 0 : i32
      %dma_wait3A_233 = arith.constant 0 : i32
      %dma_wait3A_234 = tpu.memref_slice %arg2[%dma_wait3A_232, %dma_wait3A_233] : memref<200704x32xf32, #tpu.memory_space<hbm>> -> memref<200704x32xf32, #tpu.memory_space<hbm>>
      tpu.wait_indirect_dma semaphore(%arg7 : memref<!tpu.dma_semaphore, #tpu.memory_space<semaphore_mem>>) src(%dma_wait3A_234 : memref<200704x32xf32, #tpu.memory_space<hbm>>) dst(%dma_wait3A_228 : memref<128x32xf32, #tpu.memory_space<vmem>>)
      %dma_wait3A_235 = arith.constant 9 : i32
      %dma_wait3A_236 = arith.constant 1152 : i32
      %dma_wait3A_237 = arith.constant 0 : i32
      %dma_wait3A_238 = tpu.memref_slice %arg6[%dma_wait3A_236, %dma_wait3A_237] : memref<1792x32xf32, #tpu.memory_space<vmem>> -> memref<128x32xf32, #tpu.memory_space<vmem>>
      %dma_wait3A_239 = arith.constant 0 : i32
      %dma_wait3A_240 = tpu.memref_slice %arg5[%dma_wait3A_235, %dma_wait3A_239] : memref<14x128xi32, #tpu.memory_space<vmem>> -> memref<1x128xi32, #tpu.memory_space<vmem>>
      %dma_wait3A_241 = tpu.memref_squeeze %dma_wait3A_240 : memref<1x128xi32, #tpu.memory_space<vmem>> -> memref<128xi32, #tpu.memory_space<vmem>>
      %dma_wait3A_242 = arith.constant 0 : i32
      %dma_wait3A_243 = arith.constant 0 : i32
      %dma_wait3A_244 = tpu.memref_slice %arg2[%dma_wait3A_242, %dma_wait3A_243] : memref<200704x32xf32, #tpu.memory_space<hbm>> -> memref<200704x32xf32, #tpu.memory_space<hbm>>
      tpu.wait_indirect_dma semaphore(%arg7 : memref<!tpu.dma_semaphore, #tpu.memory_space<semaphore_mem>>) src(%dma_wait3A_244 : memref<200704x32xf32, #tpu.memory_space<hbm>>) dst(%dma_wait3A_238 : memref<128x32xf32, #tpu.memory_space<vmem>>)
      %dma_wait3A_245 = arith.constant 10 : i32
      %dma_wait3A_246 = arith.constant 1280 : i32
      %dma_wait3A_247 = arith.constant 0 : i32
      %dma_wait3A_248 = tpu.memref_slice %arg6[%dma_wait3A_246, %dma_wait3A_247] : memref<1792x32xf32, #tpu.memory_space<vmem>> -> memref<128x32xf32, #tpu.memory_space<vmem>>
      %dma_wait3A_249 = arith.constant 0 : i32
      %dma_wait3A_250 = tpu.memref_slice %arg5[%dma_wait3A_245, %dma_wait3A_249] : memref<14x128xi32, #tpu.memory_space<vmem>> -> memref<1x128xi32, #tpu.memory_space<vmem>>
      %dma_wait3A_251 = tpu.memref_squeeze %dma_wait3A_250 : memref<1x128xi32, #tpu.memory_space<vmem>> -> memref<128xi32, #tpu.memory_space<vmem>>
      %dma_wait3A_252 = arith.constant 0 : i32
      %dma_wait3A_253 = arith.constant 0 : i32
      %dma_wait3A_254 = tpu.memref_slice %arg2[%dma_wait3A_252, %dma_wait3A_253] : memref<200704x32xf32, #tpu.memory_space<hbm>> -> memref<200704x32xf32, #tpu.memory_space<hbm>>
      tpu.wait_indirect_dma semaphore(%arg7 : memref<!tpu.dma_semaphore, #tpu.memory_space<semaphore_mem>>) src(%dma_wait3A_254 : memref<200704x32xf32, #tpu.memory_space<hbm>>) dst(%dma_wait3A_248 : memref<128x32xf32, #tpu.memory_space<vmem>>)
      %dma_wait3A_255 = arith.constant 11 : i32
      %dma_wait3A_256 = arith.constant 1408 : i32
      %dma_wait3A_257 = arith.constant 0 : i32
      %dma_wait3A_258 = tpu.memref_slice %arg6[%dma_wait3A_256, %dma_wait3A_257] : memref<1792x32xf32, #tpu.memory_space<vmem>> -> memref<128x32xf32, #tpu.memory_space<vmem>>
      %dma_wait3A_259 = arith.constant 0 : i32
      %dma_wait3A_260 = tpu.memref_slice %arg5[%dma_wait3A_255, %dma_wait3A_259] : memref<14x128xi32, #tpu.memory_space<vmem>> -> memref<1x128xi32, #tpu.memory_space<vmem>>
      %dma_wait3A_261 = tpu.memref_squeeze %dma_wait3A_260 : memref<1x128xi32, #tpu.memory_space<vmem>> -> memref<128xi32, #tpu.memory_space<vmem>>
      %dma_wait3A_262 = arith.constant 0 : i32
      %dma_wait3A_263 = arith.constant 0 : i32
      %dma_wait3A_264 = tpu.memref_slice %arg2[%dma_wait3A_262, %dma_wait3A_263] : memref<200704x32xf32, #tpu.memory_space<hbm>> -> memref<200704x32xf32, #tpu.memory_space<hbm>>
      tpu.wait_indirect_dma semaphore(%arg7 : memref<!tpu.dma_semaphore, #tpu.memory_space<semaphore_mem>>) src(%dma_wait3A_264 : memref<200704x32xf32, #tpu.memory_space<hbm>>) dst(%dma_wait3A_258 : memref<128x32xf32, #tpu.memory_space<vmem>>)
      %dma_wait3A_265 = arith.constant 12 : i32
      %dma_wait3A_266 = arith.constant 1536 : i32
      %dma_wait3A_267 = arith.constant 0 : i32
      %dma_wait3A_268 = tpu.memref_slice %arg6[%dma_wait3A_266, %dma_wait3A_267] : memref<1792x32xf32, #tpu.memory_space<vmem>> -> memref<128x32xf32, #tpu.memory_space<vmem>>
      %dma_wait3A_269 = arith.constant 0 : i32
      %dma_wait3A_270 = tpu.memref_slice %arg5[%dma_wait3A_265, %dma_wait3A_269] : memref<14x128xi32, #tpu.memory_space<vmem>> -> memref<1x128xi32, #tpu.memory_space<vmem>>
      %dma_wait3A_271 = tpu.memref_squeeze %dma_wait3A_270 : memref<1x128xi32, #tpu.memory_space<vmem>> -> memref<128xi32, #tpu.memory_space<vmem>>
      %dma_wait3A_272 = arith.constant 0 : i32
      %dma_wait3A_273 = arith.constant 0 : i32
      %dma_wait3A_274 = tpu.memref_slice %arg2[%dma_wait3A_272, %dma_wait3A_273] : memref<200704x32xf32, #tpu.memory_space<hbm>> -> memref<200704x32xf32, #tpu.memory_space<hbm>>
      tpu.wait_indirect_dma semaphore(%arg7 : memref<!tpu.dma_semaphore, #tpu.memory_space<semaphore_mem>>) src(%dma_wait3A_274 : memref<200704x32xf32, #tpu.memory_space<hbm>>) dst(%dma_wait3A_268 : memref<128x32xf32, #tpu.memory_space<vmem>>)
      %dma_wait3A_275 = arith.constant 13 : i32
      %dma_wait3A_276 = arith.constant 1664 : i32
      %dma_wait3A_277 = arith.constant 0 : i32
      %dma_wait3A_278 = tpu.memref_slice %arg6[%dma_wait3A_276, %dma_wait3A_277] : memref<1792x32xf32, #tpu.memory_space<vmem>> -> memref<128x32xf32, #tpu.memory_space<vmem>>
      %dma_wait3A_279 = arith.constant 0 : i32
      %dma_wait3A_280 = tpu.memref_slice %arg5[%dma_wait3A_275, %dma_wait3A_279] : memref<14x128xi32, #tpu.memory_space<vmem>> -> memref<1x128xi32, #tpu.memory_space<vmem>>
      %dma_wait3A_281 = tpu.memref_squeeze %dma_wait3A_280 : memref<1x128xi32, #tpu.memory_space<vmem>> -> memref<128xi32, #tpu.memory_space<vmem>>
      %dma_wait3A_282 = arith.constant 0 : i32
      %dma_wait3A_283 = arith.constant 0 : i32
      %dma_wait3A_284 = tpu.memref_slice %arg2[%dma_wait3A_282, %dma_wait3A_283] : memref<200704x32xf32, #tpu.memory_space<hbm>> -> memref<200704x32xf32, #tpu.memory_space<hbm>>
      tpu.wait_indirect_dma semaphore(%arg7 : memref<!tpu.dma_semaphore, #tpu.memory_space<semaphore_mem>>) src(%dma_wait3A_284 : memref<200704x32xf32, #tpu.memory_space<hbm>>) dst(%dma_wait3A_278 : memref<128x32xf32, #tpu.memory_space<vmem>>)
      %mul3A_285 = arith.constant 14 : i32
      %mul3A_286 = arith.muli %add3A, %mul3A_285 : i32
      %add3A_287 = arith.addi %mul3A_286, %scan3A_6 : i32
      %mul3A_288 = arith.constant 1792 : i32
      %mul3A_289 = arith.muli %add3A_287, %mul3A_288 : i32
      "tpu.region"() ({
        %run_scoped3A = tpu.sem_alloc : memref<!tpu.dma_semaphore, #tpu.memory_space<semaphore_mem>>
        %dma_start3A_290 = arith.constant 0 : i32
        %dma_start3A_291 = tpu.memref_slice %arg4[%mul3A_289, %dma_start3A_290] : memref<802816x32xf32, #tpu.memory_space<hbm>> -> memref<1792x32xf32, #tpu.memory_space<hbm>>
        %dma_start3A_292 = arith.constant 0 : i32
        %dma_start3A_293 = tpu.memref_slice %arg4[%mul3A_289, %dma_start3A_292] : memref<802816x32xf32, #tpu.memory_space<hbm>> -> memref<1792x32xf32, #tpu.memory_space<hbm>>
        tpu.enqueue_dma source(%arg6 : memref<1792x32xf32, #tpu.memory_space<vmem>>) target(%dma_start3A_293 : memref<1792x32xf32, #tpu.memory_space<hbm>>) target_semaphore(%run_scoped3A : memref<!tpu.dma_semaphore, #tpu.memory_space<semaphore_mem>>)
        %dma_wait3A_294 = arith.constant 0 : i32
        %dma_wait3A_295 = tpu.memref_slice %arg4[%mul3A_289, %dma_wait3A_294] : memref<802816x32xf32, #tpu.memory_space<hbm>> -> memref<1792x32xf32, #tpu.memory_space<hbm>>
        %dma_wait3A_296 = arith.constant 0 : i32
        %dma_wait3A_297 = tpu.memref_slice %arg4[%mul3A_289, %dma_wait3A_296] : memref<802816x32xf32, #tpu.memory_space<hbm>> -> memref<1792x32xf32, #tpu.memory_space<hbm>>
        tpu.wait_dma2 semaphore(%run_scoped3A : memref<!tpu.dma_semaphore, #tpu.memory_space<semaphore_mem>>) src(%arg6 : memref<1792x32xf32, #tpu.memory_space<vmem>>) dst(%dma_wait3A_297 : memref<1792x32xf32, #tpu.memory_space<hbm>>)
        tpu.yield
      }) : () -> ()
    }
    %scan3A_5 = arith.constant 14 : i32
    return
  }
}

#map = affine_map<(d0, d1) -> (0, 0)>
#map1 = affine_map<(d0, d1) -> (0, 0, 0, 0)>
module attributes {stable_mosaic.version = 14 : i64} {
  func.func @gk(%arg0: i32, %arg1: i32, %arg2: memref<200000x16xf32, #tpu.memory_space<hbm>>, %arg3: memref<32x56x14x128xi32, #tpu.memory_space<hbm>>, %arg4: memref<3211264x16xf32, #tpu.memory_space<hbm>>, %arg5: memref<14x128xi32, #tpu.memory_space<vmem>>, %arg6: memref<1792x16xf32, #tpu.memory_space<vmem>>, %arg7: memref<!tpu.dma_semaphore, #tpu.memory_space<semaphore_mem>>) attributes {dimension_semantics = [#tpu.dimension_semantics<core_parallel>, #tpu.dimension_semantics<subcore_parallel>], iteration_bounds = array<i64: 2, 16>, scalar_prefetch = 0 : i64, scratch_operands = 3 : i64, tpu.core_type = #tpu.core_type<sc_vector_subcore>, window_params = [{transform_indices = #map}, {transform_indices = #map1}, {transform_indices = #map}]} {
    %mul3A = arith.constant 2 : i32
    %mul3A_0 = arith.muli %arg1, %mul3A : i32
    %add3A = arith.addi %mul3A_0, %arg0 : i32
    %scan3A = arith.constant 0 : i32
    %scan3A_1 = arith.constant 0 : i32
    %scan3A_2 = arith.constant 56 : i32
    %scan3A_3 = arith.addi %scan3A_1, %scan3A_2 : i32
    %scan3A_4 = arith.constant 1 : i32
    scf.for %scan3A_6 = %scan3A_1 to %scan3A_3 step %scan3A_4  : i32 {
      "tpu.region"() ({
        %run_scoped3A = tpu.sem_alloc : memref<!tpu.dma_semaphore, #tpu.memory_space<semaphore_mem>>
        %dma_start3A_290 = arith.constant 0 : i32
        %dma_start3A_291 = arith.constant 0 : i32
        %dma_start3A_292 = tpu.memref_slice %arg3[%add3A, %scan3A_6, %dma_start3A_290, %dma_start3A_291] : memref<32x56x14x128xi32, #tpu.memory_space<hbm>> -> memref<1x1x14x128xi32, #tpu.memory_space<hbm>>
        %dma_start3A_293 = tpu.memref_squeeze %dma_start3A_292 : memref<1x1x14x128xi32, #tpu.memory_space<hbm>> -> memref<14x128xi32, #tpu.memory_space<hbm>>
        %dma_start3A_294 = arith.constant 0 : i32
        %dma_start3A_295 = arith.constant 0 : i32
        %dma_start3A_296 = tpu.memref_slice %arg3[%add3A, %scan3A_6, %dma_start3A_294, %dma_start3A_295] : memref<32x56x14x128xi32, #tpu.memory_space<hbm>> -> memref<1x1x14x128xi32, #tpu.memory_space<hbm>>
        %dma_start3A_297 = tpu.memref_squeeze %dma_start3A_296 : memref<1x1x14x128xi32, #tpu.memory_space<hbm>> -> memref<14x128xi32, #tpu.memory_space<hbm>>
        tpu.enqueue_dma source(%dma_start3A_297 : memref<14x128xi32, #tpu.memory_space<hbm>>) target(%arg5 : memref<14x128xi32, #tpu.memory_space<vmem>>) target_semaphore(%run_scoped3A : memref<!tpu.dma_semaphore, #tpu.memory_space<semaphore_mem>>)
        %dma_wait3A_298 = arith.constant 0 : i32
        %dma_wait3A_299 = arith.constant 0 : i32
        %dma_wait3A_300 = tpu.memref_slice %arg3[%add3A, %scan3A_6, %dma_wait3A_298, %dma_wait3A_299] : memref<32x56x14x128xi32, #tpu.memory_space<hbm>> -> memref<1x1x14x128xi32, #tpu.memory_space<hbm>>
        %dma_wait3A_301 = tpu.memref_squeeze %dma_wait3A_300 : memref<1x1x14x128xi32, #tpu.memory_space<hbm>> -> memref<14x128xi32, #tpu.memory_space<hbm>>
        %dma_wait3A_302 = arith.constant 0 : i32
        %dma_wait3A_303 = arith.constant 0 : i32
        %dma_wait3A_304 = tpu.memref_slice %arg3[%add3A, %scan3A_6, %dma_wait3A_302, %dma_wait3A_303] : memref<32x56x14x128xi32, #tpu.memory_space<hbm>> -> memref<1x1x14x128xi32, #tpu.memory_space<hbm>>
        %dma_wait3A_305 = tpu.memref_squeeze %dma_wait3A_304 : memref<1x1x14x128xi32, #tpu.memory_space<hbm>> -> memref<14x128xi32, #tpu.memory_space<hbm>>
        tpu.wait_dma2 semaphore(%run_scoped3A : memref<!tpu.dma_semaphore, #tpu.memory_space<semaphore_mem>>) src(%dma_wait3A_305 : memref<14x128xi32, #tpu.memory_space<hbm>>) dst(%arg5 : memref<14x128xi32, #tpu.memory_space<vmem>>)
        tpu.yield
      }) : () -> ()
      %dma_start3A = arith.constant 0 : i32
      %dma_start3A_7 = arith.constant 0 : i32
      %dma_start3A_8 = arith.constant 0 : i32
      %dma_start3A_9 = tpu.memref_slice %arg6[%dma_start3A_7, %dma_start3A_8] : memref<1792x16xf32, #tpu.memory_space<vmem>> -> memref<128x16xf32, #tpu.memory_space<vmem>>
      %dma_start3A_10 = arith.constant 0 : i32
      %dma_start3A_11 = tpu.memref_slice %arg5[%dma_start3A, %dma_start3A_10] : memref<14x128xi32, #tpu.memory_space<vmem>> -> memref<1x128xi32, #tpu.memory_space<vmem>>
      %dma_start3A_12 = tpu.memref_squeeze %dma_start3A_11 : memref<1x128xi32, #tpu.memory_space<vmem>> -> memref<128xi32, #tpu.memory_space<vmem>>
      %dma_start3A_13 = arith.constant 0 : i32
      %dma_start3A_14 = arith.constant 0 : i32
      %dma_start3A_15 = tpu.memref_slice %arg2[%dma_start3A_13, %dma_start3A_14] : memref<200000x16xf32, #tpu.memory_space<hbm>> -> memref<200000x16xf32, #tpu.memory_space<hbm>>
      tpu.enqueue_indirect_dma source(%dma_start3A_15 : memref<200000x16xf32, #tpu.memory_space<hbm>>) target(%dma_start3A_9 : memref<128x16xf32, #tpu.memory_space<vmem>>) offsets(%dma_start3A_12 : memref<128xi32, #tpu.memory_space<vmem>>) semaphore(%arg7 : memref<!tpu.dma_semaphore, #tpu.memory_space<semaphore_mem>>)
      %dma_start3A_16 = arith.constant 1 : i32
      %dma_start3A_17 = arith.constant 128 : i32
      %dma_start3A_18 = arith.constant 0 : i32
      %dma_start3A_19 = tpu.memref_slice %arg6[%dma_start3A_17, %dma_start3A_18] : memref<1792x16xf32, #tpu.memory_space<vmem>> -> memref<128x16xf32, #tpu.memory_space<vmem>>
      %dma_start3A_20 = arith.constant 0 : i32
      %dma_start3A_21 = tpu.memref_slice %arg5[%dma_start3A_16, %dma_start3A_20] : memref<14x128xi32, #tpu.memory_space<vmem>> -> memref<1x128xi32, #tpu.memory_space<vmem>>
      %dma_start3A_22 = tpu.memref_squeeze %dma_start3A_21 : memref<1x128xi32, #tpu.memory_space<vmem>> -> memref<128xi32, #tpu.memory_space<vmem>>
      %dma_start3A_23 = arith.constant 0 : i32
      %dma_start3A_24 = arith.constant 0 : i32
      %dma_start3A_25 = tpu.memref_slice %arg2[%dma_start3A_23, %dma_start3A_24] : memref<200000x16xf32, #tpu.memory_space<hbm>> -> memref<200000x16xf32, #tpu.memory_space<hbm>>
      tpu.enqueue_indirect_dma source(%dma_start3A_25 : memref<200000x16xf32, #tpu.memory_space<hbm>>) target(%dma_start3A_19 : memref<128x16xf32, #tpu.memory_space<vmem>>) offsets(%dma_start3A_22 : memref<128xi32, #tpu.memory_space<vmem>>) semaphore(%arg7 : memref<!tpu.dma_semaphore, #tpu.memory_space<semaphore_mem>>)
      %dma_start3A_26 = arith.constant 2 : i32
      %dma_start3A_27 = arith.constant 256 : i32
      %dma_start3A_28 = arith.constant 0 : i32
      %dma_start3A_29 = tpu.memref_slice %arg6[%dma_start3A_27, %dma_start3A_28] : memref<1792x16xf32, #tpu.memory_space<vmem>> -> memref<128x16xf32, #tpu.memory_space<vmem>>
      %dma_start3A_30 = arith.constant 0 : i32
      %dma_start3A_31 = tpu.memref_slice %arg5[%dma_start3A_26, %dma_start3A_30] : memref<14x128xi32, #tpu.memory_space<vmem>> -> memref<1x128xi32, #tpu.memory_space<vmem>>
      %dma_start3A_32 = tpu.memref_squeeze %dma_start3A_31 : memref<1x128xi32, #tpu.memory_space<vmem>> -> memref<128xi32, #tpu.memory_space<vmem>>
      %dma_start3A_33 = arith.constant 0 : i32
      %dma_start3A_34 = arith.constant 0 : i32
      %dma_start3A_35 = tpu.memref_slice %arg2[%dma_start3A_33, %dma_start3A_34] : memref<200000x16xf32, #tpu.memory_space<hbm>> -> memref<200000x16xf32, #tpu.memory_space<hbm>>
      tpu.enqueue_indirect_dma source(%dma_start3A_35 : memref<200000x16xf32, #tpu.memory_space<hbm>>) target(%dma_start3A_29 : memref<128x16xf32, #tpu.memory_space<vmem>>) offsets(%dma_start3A_32 : memref<128xi32, #tpu.memory_space<vmem>>) semaphore(%arg7 : memref<!tpu.dma_semaphore, #tpu.memory_space<semaphore_mem>>)
      %dma_start3A_36 = arith.constant 3 : i32
      %dma_start3A_37 = arith.constant 384 : i32
      %dma_start3A_38 = arith.constant 0 : i32
      %dma_start3A_39 = tpu.memref_slice %arg6[%dma_start3A_37, %dma_start3A_38] : memref<1792x16xf32, #tpu.memory_space<vmem>> -> memref<128x16xf32, #tpu.memory_space<vmem>>
      %dma_start3A_40 = arith.constant 0 : i32
      %dma_start3A_41 = tpu.memref_slice %arg5[%dma_start3A_36, %dma_start3A_40] : memref<14x128xi32, #tpu.memory_space<vmem>> -> memref<1x128xi32, #tpu.memory_space<vmem>>
      %dma_start3A_42 = tpu.memref_squeeze %dma_start3A_41 : memref<1x128xi32, #tpu.memory_space<vmem>> -> memref<128xi32, #tpu.memory_space<vmem>>
      %dma_start3A_43 = arith.constant 0 : i32
      %dma_start3A_44 = arith.constant 0 : i32
      %dma_start3A_45 = tpu.memref_slice %arg2[%dma_start3A_43, %dma_start3A_44] : memref<200000x16xf32, #tpu.memory_space<hbm>> -> memref<200000x16xf32, #tpu.memory_space<hbm>>
      tpu.enqueue_indirect_dma source(%dma_start3A_45 : memref<200000x16xf32, #tpu.memory_space<hbm>>) target(%dma_start3A_39 : memref<128x16xf32, #tpu.memory_space<vmem>>) offsets(%dma_start3A_42 : memref<128xi32, #tpu.memory_space<vmem>>) semaphore(%arg7 : memref<!tpu.dma_semaphore, #tpu.memory_space<semaphore_mem>>)
      %dma_start3A_46 = arith.constant 4 : i32
      %dma_start3A_47 = arith.constant 512 : i32
      %dma_start3A_48 = arith.constant 0 : i32
      %dma_start3A_49 = tpu.memref_slice %arg6[%dma_start3A_47, %dma_start3A_48] : memref<1792x16xf32, #tpu.memory_space<vmem>> -> memref<128x16xf32, #tpu.memory_space<vmem>>
      %dma_start3A_50 = arith.constant 0 : i32
      %dma_start3A_51 = tpu.memref_slice %arg5[%dma_start3A_46, %dma_start3A_50] : memref<14x128xi32, #tpu.memory_space<vmem>> -> memref<1x128xi32, #tpu.memory_space<vmem>>
      %dma_start3A_52 = tpu.memref_squeeze %dma_start3A_51 : memref<1x128xi32, #tpu.memory_space<vmem>> -> memref<128xi32, #tpu.memory_space<vmem>>
      %dma_start3A_53 = arith.constant 0 : i32
      %dma_start3A_54 = arith.constant 0 : i32
      %dma_start3A_55 = tpu.memref_slice %arg2[%dma_start3A_53, %dma_start3A_54] : memref<200000x16xf32, #tpu.memory_space<hbm>> -> memref<200000x16xf32, #tpu.memory_space<hbm>>
      tpu.enqueue_indirect_dma source(%dma_start3A_55 : memref<200000x16xf32, #tpu.memory_space<hbm>>) target(%dma_start3A_49 : memref<128x16xf32, #tpu.memory_space<vmem>>) offsets(%dma_start3A_52 : memref<128xi32, #tpu.memory_space<vmem>>) semaphore(%arg7 : memref<!tpu.dma_semaphore, #tpu.memory_space<semaphore_mem>>)
      %dma_start3A_56 = arith.constant 5 : i32
      %dma_start3A_57 = arith.constant 640 : i32
      %dma_start3A_58 = arith.constant 0 : i32
      %dma_start3A_59 = tpu.memref_slice %arg6[%dma_start3A_57, %dma_start3A_58] : memref<1792x16xf32, #tpu.memory_space<vmem>> -> memref<128x16xf32, #tpu.memory_space<vmem>>
      %dma_start3A_60 = arith.constant 0 : i32
      %dma_start3A_61 = tpu.memref_slice %arg5[%dma_start3A_56, %dma_start3A_60] : memref<14x128xi32, #tpu.memory_space<vmem>> -> memref<1x128xi32, #tpu.memory_space<vmem>>
      %dma_start3A_62 = tpu.memref_squeeze %dma_start3A_61 : memref<1x128xi32, #tpu.memory_space<vmem>> -> memref<128xi32, #tpu.memory_space<vmem>>
      %dma_start3A_63 = arith.constant 0 : i32
      %dma_start3A_64 = arith.constant 0 : i32
      %dma_start3A_65 = tpu.memref_slice %arg2[%dma_start3A_63, %dma_start3A_64] : memref<200000x16xf32, #tpu.memory_space<hbm>> -> memref<200000x16xf32, #tpu.memory_space<hbm>>
      tpu.enqueue_indirect_dma source(%dma_start3A_65 : memref<200000x16xf32, #tpu.memory_space<hbm>>) target(%dma_start3A_59 : memref<128x16xf32, #tpu.memory_space<vmem>>) offsets(%dma_start3A_62 : memref<128xi32, #tpu.memory_space<vmem>>) semaphore(%arg7 : memref<!tpu.dma_semaphore, #tpu.memory_space<semaphore_mem>>)
      %dma_start3A_66 = arith.constant 6 : i32
      %dma_start3A_67 = arith.constant 768 : i32
      %dma_start3A_68 = arith.constant 0 : i32
      %dma_start3A_69 = tpu.memref_slice %arg6[%dma_start3A_67, %dma_start3A_68] : memref<1792x16xf32, #tpu.memory_space<vmem>> -> memref<128x16xf32, #tpu.memory_space<vmem>>
      %dma_start3A_70 = arith.constant 0 : i32
      %dma_start3A_71 = tpu.memref_slice %arg5[%dma_start3A_66, %dma_start3A_70] : memref<14x128xi32, #tpu.memory_space<vmem>> -> memref<1x128xi32, #tpu.memory_space<vmem>>
      %dma_start3A_72 = tpu.memref_squeeze %dma_start3A_71 : memref<1x128xi32, #tpu.memory_space<vmem>> -> memref<128xi32, #tpu.memory_space<vmem>>
      %dma_start3A_73 = arith.constant 0 : i32
      %dma_start3A_74 = arith.constant 0 : i32
      %dma_start3A_75 = tpu.memref_slice %arg2[%dma_start3A_73, %dma_start3A_74] : memref<200000x16xf32, #tpu.memory_space<hbm>> -> memref<200000x16xf32, #tpu.memory_space<hbm>>
      tpu.enqueue_indirect_dma source(%dma_start3A_75 : memref<200000x16xf32, #tpu.memory_space<hbm>>) target(%dma_start3A_69 : memref<128x16xf32, #tpu.memory_space<vmem>>) offsets(%dma_start3A_72 : memref<128xi32, #tpu.memory_space<vmem>>) semaphore(%arg7 : memref<!tpu.dma_semaphore, #tpu.memory_space<semaphore_mem>>)
      %dma_start3A_76 = arith.constant 7 : i32
      %dma_start3A_77 = arith.constant 896 : i32
      %dma_start3A_78 = arith.constant 0 : i32
      %dma_start3A_79 = tpu.memref_slice %arg6[%dma_start3A_77, %dma_start3A_78] : memref<1792x16xf32, #tpu.memory_space<vmem>> -> memref<128x16xf32, #tpu.memory_space<vmem>>
      %dma_start3A_80 = arith.constant 0 : i32
      %dma_start3A_81 = tpu.memref_slice %arg5[%dma_start3A_76, %dma_start3A_80] : memref<14x128xi32, #tpu.memory_space<vmem>> -> memref<1x128xi32, #tpu.memory_space<vmem>>
      %dma_start3A_82 = tpu.memref_squeeze %dma_start3A_81 : memref<1x128xi32, #tpu.memory_space<vmem>> -> memref<128xi32, #tpu.memory_space<vmem>>
      %dma_start3A_83 = arith.constant 0 : i32
      %dma_start3A_84 = arith.constant 0 : i32
      %dma_start3A_85 = tpu.memref_slice %arg2[%dma_start3A_83, %dma_start3A_84] : memref<200000x16xf32, #tpu.memory_space<hbm>> -> memref<200000x16xf32, #tpu.memory_space<hbm>>
      tpu.enqueue_indirect_dma source(%dma_start3A_85 : memref<200000x16xf32, #tpu.memory_space<hbm>>) target(%dma_start3A_79 : memref<128x16xf32, #tpu.memory_space<vmem>>) offsets(%dma_start3A_82 : memref<128xi32, #tpu.memory_space<vmem>>) semaphore(%arg7 : memref<!tpu.dma_semaphore, #tpu.memory_space<semaphore_mem>>)
      %dma_start3A_86 = arith.constant 8 : i32
      %dma_start3A_87 = arith.constant 1024 : i32
      %dma_start3A_88 = arith.constant 0 : i32
      %dma_start3A_89 = tpu.memref_slice %arg6[%dma_start3A_87, %dma_start3A_88] : memref<1792x16xf32, #tpu.memory_space<vmem>> -> memref<128x16xf32, #tpu.memory_space<vmem>>
      %dma_start3A_90 = arith.constant 0 : i32
      %dma_start3A_91 = tpu.memref_slice %arg5[%dma_start3A_86, %dma_start3A_90] : memref<14x128xi32, #tpu.memory_space<vmem>> -> memref<1x128xi32, #tpu.memory_space<vmem>>
      %dma_start3A_92 = tpu.memref_squeeze %dma_start3A_91 : memref<1x128xi32, #tpu.memory_space<vmem>> -> memref<128xi32, #tpu.memory_space<vmem>>
      %dma_start3A_93 = arith.constant 0 : i32
      %dma_start3A_94 = arith.constant 0 : i32
      %dma_start3A_95 = tpu.memref_slice %arg2[%dma_start3A_93, %dma_start3A_94] : memref<200000x16xf32, #tpu.memory_space<hbm>> -> memref<200000x16xf32, #tpu.memory_space<hbm>>
      tpu.enqueue_indirect_dma source(%dma_start3A_95 : memref<200000x16xf32, #tpu.memory_space<hbm>>) target(%dma_start3A_89 : memref<128x16xf32, #tpu.memory_space<vmem>>) offsets(%dma_start3A_92 : memref<128xi32, #tpu.memory_space<vmem>>) semaphore(%arg7 : memref<!tpu.dma_semaphore, #tpu.memory_space<semaphore_mem>>)
      %dma_start3A_96 = arith.constant 9 : i32
      %dma_start3A_97 = arith.constant 1152 : i32
      %dma_start3A_98 = arith.constant 0 : i32
      %dma_start3A_99 = tpu.memref_slice %arg6[%dma_start3A_97, %dma_start3A_98] : memref<1792x16xf32, #tpu.memory_space<vmem>> -> memref<128x16xf32, #tpu.memory_space<vmem>>
      %dma_start3A_100 = arith.constant 0 : i32
      %dma_start3A_101 = tpu.memref_slice %arg5[%dma_start3A_96, %dma_start3A_100] : memref<14x128xi32, #tpu.memory_space<vmem>> -> memref<1x128xi32, #tpu.memory_space<vmem>>
      %dma_start3A_102 = tpu.memref_squeeze %dma_start3A_101 : memref<1x128xi32, #tpu.memory_space<vmem>> -> memref<128xi32, #tpu.memory_space<vmem>>
      %dma_start3A_103 = arith.constant 0 : i32
      %dma_start3A_104 = arith.constant 0 : i32
      %dma_start3A_105 = tpu.memref_slice %arg2[%dma_start3A_103, %dma_start3A_104] : memref<200000x16xf32, #tpu.memory_space<hbm>> -> memref<200000x16xf32, #tpu.memory_space<hbm>>
      tpu.enqueue_indirect_dma source(%dma_start3A_105 : memref<200000x16xf32, #tpu.memory_space<hbm>>) target(%dma_start3A_99 : memref<128x16xf32, #tpu.memory_space<vmem>>) offsets(%dma_start3A_102 : memref<128xi32, #tpu.memory_space<vmem>>) semaphore(%arg7 : memref<!tpu.dma_semaphore, #tpu.memory_space<semaphore_mem>>)
      %dma_start3A_106 = arith.constant 10 : i32
      %dma_start3A_107 = arith.constant 1280 : i32
      %dma_start3A_108 = arith.constant 0 : i32
      %dma_start3A_109 = tpu.memref_slice %arg6[%dma_start3A_107, %dma_start3A_108] : memref<1792x16xf32, #tpu.memory_space<vmem>> -> memref<128x16xf32, #tpu.memory_space<vmem>>
      %dma_start3A_110 = arith.constant 0 : i32
      %dma_start3A_111 = tpu.memref_slice %arg5[%dma_start3A_106, %dma_start3A_110] : memref<14x128xi32, #tpu.memory_space<vmem>> -> memref<1x128xi32, #tpu.memory_space<vmem>>
      %dma_start3A_112 = tpu.memref_squeeze %dma_start3A_111 : memref<1x128xi32, #tpu.memory_space<vmem>> -> memref<128xi32, #tpu.memory_space<vmem>>
      %dma_start3A_113 = arith.constant 0 : i32
      %dma_start3A_114 = arith.constant 0 : i32
      %dma_start3A_115 = tpu.memref_slice %arg2[%dma_start3A_113, %dma_start3A_114] : memref<200000x16xf32, #tpu.memory_space<hbm>> -> memref<200000x16xf32, #tpu.memory_space<hbm>>
      tpu.enqueue_indirect_dma source(%dma_start3A_115 : memref<200000x16xf32, #tpu.memory_space<hbm>>) target(%dma_start3A_109 : memref<128x16xf32, #tpu.memory_space<vmem>>) offsets(%dma_start3A_112 : memref<128xi32, #tpu.memory_space<vmem>>) semaphore(%arg7 : memref<!tpu.dma_semaphore, #tpu.memory_space<semaphore_mem>>)
      %dma_start3A_116 = arith.constant 11 : i32
      %dma_start3A_117 = arith.constant 1408 : i32
      %dma_start3A_118 = arith.constant 0 : i32
      %dma_start3A_119 = tpu.memref_slice %arg6[%dma_start3A_117, %dma_start3A_118] : memref<1792x16xf32, #tpu.memory_space<vmem>> -> memref<128x16xf32, #tpu.memory_space<vmem>>
      %dma_start3A_120 = arith.constant 0 : i32
      %dma_start3A_121 = tpu.memref_slice %arg5[%dma_start3A_116, %dma_start3A_120] : memref<14x128xi32, #tpu.memory_space<vmem>> -> memref<1x128xi32, #tpu.memory_space<vmem>>
      %dma_start3A_122 = tpu.memref_squeeze %dma_start3A_121 : memref<1x128xi32, #tpu.memory_space<vmem>> -> memref<128xi32, #tpu.memory_space<vmem>>
      %dma_start3A_123 = arith.constant 0 : i32
      %dma_start3A_124 = arith.constant 0 : i32
      %dma_start3A_125 = tpu.memref_slice %arg2[%dma_start3A_123, %dma_start3A_124] : memref<200000x16xf32, #tpu.memory_space<hbm>> -> memref<200000x16xf32, #tpu.memory_space<hbm>>
      tpu.enqueue_indirect_dma source(%dma_start3A_125 : memref<200000x16xf32, #tpu.memory_space<hbm>>) target(%dma_start3A_119 : memref<128x16xf32, #tpu.memory_space<vmem>>) offsets(%dma_start3A_122 : memref<128xi32, #tpu.memory_space<vmem>>) semaphore(%arg7 : memref<!tpu.dma_semaphore, #tpu.memory_space<semaphore_mem>>)
      %dma_start3A_126 = arith.constant 12 : i32
      %dma_start3A_127 = arith.constant 1536 : i32
      %dma_start3A_128 = arith.constant 0 : i32
      %dma_start3A_129 = tpu.memref_slice %arg6[%dma_start3A_127, %dma_start3A_128] : memref<1792x16xf32, #tpu.memory_space<vmem>> -> memref<128x16xf32, #tpu.memory_space<vmem>>
      %dma_start3A_130 = arith.constant 0 : i32
      %dma_start3A_131 = tpu.memref_slice %arg5[%dma_start3A_126, %dma_start3A_130] : memref<14x128xi32, #tpu.memory_space<vmem>> -> memref<1x128xi32, #tpu.memory_space<vmem>>
      %dma_start3A_132 = tpu.memref_squeeze %dma_start3A_131 : memref<1x128xi32, #tpu.memory_space<vmem>> -> memref<128xi32, #tpu.memory_space<vmem>>
      %dma_start3A_133 = arith.constant 0 : i32
      %dma_start3A_134 = arith.constant 0 : i32
      %dma_start3A_135 = tpu.memref_slice %arg2[%dma_start3A_133, %dma_start3A_134] : memref<200000x16xf32, #tpu.memory_space<hbm>> -> memref<200000x16xf32, #tpu.memory_space<hbm>>
      tpu.enqueue_indirect_dma source(%dma_start3A_135 : memref<200000x16xf32, #tpu.memory_space<hbm>>) target(%dma_start3A_129 : memref<128x16xf32, #tpu.memory_space<vmem>>) offsets(%dma_start3A_132 : memref<128xi32, #tpu.memory_space<vmem>>) semaphore(%arg7 : memref<!tpu.dma_semaphore, #tpu.memory_space<semaphore_mem>>)
      %dma_start3A_136 = arith.constant 13 : i32
      %dma_start3A_137 = arith.constant 1664 : i32
      %dma_start3A_138 = arith.constant 0 : i32
      %dma_start3A_139 = tpu.memref_slice %arg6[%dma_start3A_137, %dma_start3A_138] : memref<1792x16xf32, #tpu.memory_space<vmem>> -> memref<128x16xf32, #tpu.memory_space<vmem>>
      %dma_start3A_140 = arith.constant 0 : i32
      %dma_start3A_141 = tpu.memref_slice %arg5[%dma_start3A_136, %dma_start3A_140] : memref<14x128xi32, #tpu.memory_space<vmem>> -> memref<1x128xi32, #tpu.memory_space<vmem>>
      %dma_start3A_142 = tpu.memref_squeeze %dma_start3A_141 : memref<1x128xi32, #tpu.memory_space<vmem>> -> memref<128xi32, #tpu.memory_space<vmem>>
      %dma_start3A_143 = arith.constant 0 : i32
      %dma_start3A_144 = arith.constant 0 : i32
      %dma_start3A_145 = tpu.memref_slice %arg2[%dma_start3A_143, %dma_start3A_144] : memref<200000x16xf32, #tpu.memory_space<hbm>> -> memref<200000x16xf32, #tpu.memory_space<hbm>>
      tpu.enqueue_indirect_dma source(%dma_start3A_145 : memref<200000x16xf32, #tpu.memory_space<hbm>>) target(%dma_start3A_139 : memref<128x16xf32, #tpu.memory_space<vmem>>) offsets(%dma_start3A_142 : memref<128xi32, #tpu.memory_space<vmem>>) semaphore(%arg7 : memref<!tpu.dma_semaphore, #tpu.memory_space<semaphore_mem>>)
      %dma_wait3A = arith.constant 0 : i32
      %dma_wait3A_146 = arith.constant 0 : i32
      %dma_wait3A_147 = arith.constant 0 : i32
      %dma_wait3A_148 = tpu.memref_slice %arg6[%dma_wait3A_146, %dma_wait3A_147] : memref<1792x16xf32, #tpu.memory_space<vmem>> -> memref<128x16xf32, #tpu.memory_space<vmem>>
      %dma_wait3A_149 = arith.constant 0 : i32
      %dma_wait3A_150 = tpu.memref_slice %arg5[%dma_wait3A, %dma_wait3A_149] : memref<14x128xi32, #tpu.memory_space<vmem>> -> memref<1x128xi32, #tpu.memory_space<vmem>>
      %dma_wait3A_151 = tpu.memref_squeeze %dma_wait3A_150 : memref<1x128xi32, #tpu.memory_space<vmem>> -> memref<128xi32, #tpu.memory_space<vmem>>
      %dma_wait3A_152 = arith.constant 0 : i32
      %dma_wait3A_153 = arith.constant 0 : i32
      %dma_wait3A_154 = tpu.memref_slice %arg2[%dma_wait3A_152, %dma_wait3A_153] : memref<200000x16xf32, #tpu.memory_space<hbm>> -> memref<200000x16xf32, #tpu.memory_space<hbm>>
      tpu.wait_indirect_dma semaphore(%arg7 : memref<!tpu.dma_semaphore, #tpu.memory_space<semaphore_mem>>) src(%dma_wait3A_154 : memref<200000x16xf32, #tpu.memory_space<hbm>>) dst(%dma_wait3A_148 : memref<128x16xf32, #tpu.memory_space<vmem>>)
      %dma_wait3A_155 = arith.constant 1 : i32
      %dma_wait3A_156 = arith.constant 128 : i32
      %dma_wait3A_157 = arith.constant 0 : i32
      %dma_wait3A_158 = tpu.memref_slice %arg6[%dma_wait3A_156, %dma_wait3A_157] : memref<1792x16xf32, #tpu.memory_space<vmem>> -> memref<128x16xf32, #tpu.memory_space<vmem>>
      %dma_wait3A_159 = arith.constant 0 : i32
      %dma_wait3A_160 = tpu.memref_slice %arg5[%dma_wait3A_155, %dma_wait3A_159] : memref<14x128xi32, #tpu.memory_space<vmem>> -> memref<1x128xi32, #tpu.memory_space<vmem>>
      %dma_wait3A_161 = tpu.memref_squeeze %dma_wait3A_160 : memref<1x128xi32, #tpu.memory_space<vmem>> -> memref<128xi32, #tpu.memory_space<vmem>>
      %dma_wait3A_162 = arith.constant 0 : i32
      %dma_wait3A_163 = arith.constant 0 : i32
      %dma_wait3A_164 = tpu.memref_slice %arg2[%dma_wait3A_162, %dma_wait3A_163] : memref<200000x16xf32, #tpu.memory_space<hbm>> -> memref<200000x16xf32, #tpu.memory_space<hbm>>
      tpu.wait_indirect_dma semaphore(%arg7 : memref<!tpu.dma_semaphore, #tpu.memory_space<semaphore_mem>>) src(%dma_wait3A_164 : memref<200000x16xf32, #tpu.memory_space<hbm>>) dst(%dma_wait3A_158 : memref<128x16xf32, #tpu.memory_space<vmem>>)
      %dma_wait3A_165 = arith.constant 2 : i32
      %dma_wait3A_166 = arith.constant 256 : i32
      %dma_wait3A_167 = arith.constant 0 : i32
      %dma_wait3A_168 = tpu.memref_slice %arg6[%dma_wait3A_166, %dma_wait3A_167] : memref<1792x16xf32, #tpu.memory_space<vmem>> -> memref<128x16xf32, #tpu.memory_space<vmem>>
      %dma_wait3A_169 = arith.constant 0 : i32
      %dma_wait3A_170 = tpu.memref_slice %arg5[%dma_wait3A_165, %dma_wait3A_169] : memref<14x128xi32, #tpu.memory_space<vmem>> -> memref<1x128xi32, #tpu.memory_space<vmem>>
      %dma_wait3A_171 = tpu.memref_squeeze %dma_wait3A_170 : memref<1x128xi32, #tpu.memory_space<vmem>> -> memref<128xi32, #tpu.memory_space<vmem>>
      %dma_wait3A_172 = arith.constant 0 : i32
      %dma_wait3A_173 = arith.constant 0 : i32
      %dma_wait3A_174 = tpu.memref_slice %arg2[%dma_wait3A_172, %dma_wait3A_173] : memref<200000x16xf32, #tpu.memory_space<hbm>> -> memref<200000x16xf32, #tpu.memory_space<hbm>>
      tpu.wait_indirect_dma semaphore(%arg7 : memref<!tpu.dma_semaphore, #tpu.memory_space<semaphore_mem>>) src(%dma_wait3A_174 : memref<200000x16xf32, #tpu.memory_space<hbm>>) dst(%dma_wait3A_168 : memref<128x16xf32, #tpu.memory_space<vmem>>)
      %dma_wait3A_175 = arith.constant 3 : i32
      %dma_wait3A_176 = arith.constant 384 : i32
      %dma_wait3A_177 = arith.constant 0 : i32
      %dma_wait3A_178 = tpu.memref_slice %arg6[%dma_wait3A_176, %dma_wait3A_177] : memref<1792x16xf32, #tpu.memory_space<vmem>> -> memref<128x16xf32, #tpu.memory_space<vmem>>
      %dma_wait3A_179 = arith.constant 0 : i32
      %dma_wait3A_180 = tpu.memref_slice %arg5[%dma_wait3A_175, %dma_wait3A_179] : memref<14x128xi32, #tpu.memory_space<vmem>> -> memref<1x128xi32, #tpu.memory_space<vmem>>
      %dma_wait3A_181 = tpu.memref_squeeze %dma_wait3A_180 : memref<1x128xi32, #tpu.memory_space<vmem>> -> memref<128xi32, #tpu.memory_space<vmem>>
      %dma_wait3A_182 = arith.constant 0 : i32
      %dma_wait3A_183 = arith.constant 0 : i32
      %dma_wait3A_184 = tpu.memref_slice %arg2[%dma_wait3A_182, %dma_wait3A_183] : memref<200000x16xf32, #tpu.memory_space<hbm>> -> memref<200000x16xf32, #tpu.memory_space<hbm>>
      tpu.wait_indirect_dma semaphore(%arg7 : memref<!tpu.dma_semaphore, #tpu.memory_space<semaphore_mem>>) src(%dma_wait3A_184 : memref<200000x16xf32, #tpu.memory_space<hbm>>) dst(%dma_wait3A_178 : memref<128x16xf32, #tpu.memory_space<vmem>>)
      %dma_wait3A_185 = arith.constant 4 : i32
      %dma_wait3A_186 = arith.constant 512 : i32
      %dma_wait3A_187 = arith.constant 0 : i32
      %dma_wait3A_188 = tpu.memref_slice %arg6[%dma_wait3A_186, %dma_wait3A_187] : memref<1792x16xf32, #tpu.memory_space<vmem>> -> memref<128x16xf32, #tpu.memory_space<vmem>>
      %dma_wait3A_189 = arith.constant 0 : i32
      %dma_wait3A_190 = tpu.memref_slice %arg5[%dma_wait3A_185, %dma_wait3A_189] : memref<14x128xi32, #tpu.memory_space<vmem>> -> memref<1x128xi32, #tpu.memory_space<vmem>>
      %dma_wait3A_191 = tpu.memref_squeeze %dma_wait3A_190 : memref<1x128xi32, #tpu.memory_space<vmem>> -> memref<128xi32, #tpu.memory_space<vmem>>
      %dma_wait3A_192 = arith.constant 0 : i32
      %dma_wait3A_193 = arith.constant 0 : i32
      %dma_wait3A_194 = tpu.memref_slice %arg2[%dma_wait3A_192, %dma_wait3A_193] : memref<200000x16xf32, #tpu.memory_space<hbm>> -> memref<200000x16xf32, #tpu.memory_space<hbm>>
      tpu.wait_indirect_dma semaphore(%arg7 : memref<!tpu.dma_semaphore, #tpu.memory_space<semaphore_mem>>) src(%dma_wait3A_194 : memref<200000x16xf32, #tpu.memory_space<hbm>>) dst(%dma_wait3A_188 : memref<128x16xf32, #tpu.memory_space<vmem>>)
      %dma_wait3A_195 = arith.constant 5 : i32
      %dma_wait3A_196 = arith.constant 640 : i32
      %dma_wait3A_197 = arith.constant 0 : i32
      %dma_wait3A_198 = tpu.memref_slice %arg6[%dma_wait3A_196, %dma_wait3A_197] : memref<1792x16xf32, #tpu.memory_space<vmem>> -> memref<128x16xf32, #tpu.memory_space<vmem>>
      %dma_wait3A_199 = arith.constant 0 : i32
      %dma_wait3A_200 = tpu.memref_slice %arg5[%dma_wait3A_195, %dma_wait3A_199] : memref<14x128xi32, #tpu.memory_space<vmem>> -> memref<1x128xi32, #tpu.memory_space<vmem>>
      %dma_wait3A_201 = tpu.memref_squeeze %dma_wait3A_200 : memref<1x128xi32, #tpu.memory_space<vmem>> -> memref<128xi32, #tpu.memory_space<vmem>>
      %dma_wait3A_202 = arith.constant 0 : i32
      %dma_wait3A_203 = arith.constant 0 : i32
      %dma_wait3A_204 = tpu.memref_slice %arg2[%dma_wait3A_202, %dma_wait3A_203] : memref<200000x16xf32, #tpu.memory_space<hbm>> -> memref<200000x16xf32, #tpu.memory_space<hbm>>
      tpu.wait_indirect_dma semaphore(%arg7 : memref<!tpu.dma_semaphore, #tpu.memory_space<semaphore_mem>>) src(%dma_wait3A_204 : memref<200000x16xf32, #tpu.memory_space<hbm>>) dst(%dma_wait3A_198 : memref<128x16xf32, #tpu.memory_space<vmem>>)
      %dma_wait3A_205 = arith.constant 6 : i32
      %dma_wait3A_206 = arith.constant 768 : i32
      %dma_wait3A_207 = arith.constant 0 : i32
      %dma_wait3A_208 = tpu.memref_slice %arg6[%dma_wait3A_206, %dma_wait3A_207] : memref<1792x16xf32, #tpu.memory_space<vmem>> -> memref<128x16xf32, #tpu.memory_space<vmem>>
      %dma_wait3A_209 = arith.constant 0 : i32
      %dma_wait3A_210 = tpu.memref_slice %arg5[%dma_wait3A_205, %dma_wait3A_209] : memref<14x128xi32, #tpu.memory_space<vmem>> -> memref<1x128xi32, #tpu.memory_space<vmem>>
      %dma_wait3A_211 = tpu.memref_squeeze %dma_wait3A_210 : memref<1x128xi32, #tpu.memory_space<vmem>> -> memref<128xi32, #tpu.memory_space<vmem>>
      %dma_wait3A_212 = arith.constant 0 : i32
      %dma_wait3A_213 = arith.constant 0 : i32
      %dma_wait3A_214 = tpu.memref_slice %arg2[%dma_wait3A_212, %dma_wait3A_213] : memref<200000x16xf32, #tpu.memory_space<hbm>> -> memref<200000x16xf32, #tpu.memory_space<hbm>>
      tpu.wait_indirect_dma semaphore(%arg7 : memref<!tpu.dma_semaphore, #tpu.memory_space<semaphore_mem>>) src(%dma_wait3A_214 : memref<200000x16xf32, #tpu.memory_space<hbm>>) dst(%dma_wait3A_208 : memref<128x16xf32, #tpu.memory_space<vmem>>)
      %dma_wait3A_215 = arith.constant 7 : i32
      %dma_wait3A_216 = arith.constant 896 : i32
      %dma_wait3A_217 = arith.constant 0 : i32
      %dma_wait3A_218 = tpu.memref_slice %arg6[%dma_wait3A_216, %dma_wait3A_217] : memref<1792x16xf32, #tpu.memory_space<vmem>> -> memref<128x16xf32, #tpu.memory_space<vmem>>
      %dma_wait3A_219 = arith.constant 0 : i32
      %dma_wait3A_220 = tpu.memref_slice %arg5[%dma_wait3A_215, %dma_wait3A_219] : memref<14x128xi32, #tpu.memory_space<vmem>> -> memref<1x128xi32, #tpu.memory_space<vmem>>
      %dma_wait3A_221 = tpu.memref_squeeze %dma_wait3A_220 : memref<1x128xi32, #tpu.memory_space<vmem>> -> memref<128xi32, #tpu.memory_space<vmem>>
      %dma_wait3A_222 = arith.constant 0 : i32
      %dma_wait3A_223 = arith.constant 0 : i32
      %dma_wait3A_224 = tpu.memref_slice %arg2[%dma_wait3A_222, %dma_wait3A_223] : memref<200000x16xf32, #tpu.memory_space<hbm>> -> memref<200000x16xf32, #tpu.memory_space<hbm>>
      tpu.wait_indirect_dma semaphore(%arg7 : memref<!tpu.dma_semaphore, #tpu.memory_space<semaphore_mem>>) src(%dma_wait3A_224 : memref<200000x16xf32, #tpu.memory_space<hbm>>) dst(%dma_wait3A_218 : memref<128x16xf32, #tpu.memory_space<vmem>>)
      %dma_wait3A_225 = arith.constant 8 : i32
      %dma_wait3A_226 = arith.constant 1024 : i32
      %dma_wait3A_227 = arith.constant 0 : i32
      %dma_wait3A_228 = tpu.memref_slice %arg6[%dma_wait3A_226, %dma_wait3A_227] : memref<1792x16xf32, #tpu.memory_space<vmem>> -> memref<128x16xf32, #tpu.memory_space<vmem>>
      %dma_wait3A_229 = arith.constant 0 : i32
      %dma_wait3A_230 = tpu.memref_slice %arg5[%dma_wait3A_225, %dma_wait3A_229] : memref<14x128xi32, #tpu.memory_space<vmem>> -> memref<1x128xi32, #tpu.memory_space<vmem>>
      %dma_wait3A_231 = tpu.memref_squeeze %dma_wait3A_230 : memref<1x128xi32, #tpu.memory_space<vmem>> -> memref<128xi32, #tpu.memory_space<vmem>>
      %dma_wait3A_232 = arith.constant 0 : i32
      %dma_wait3A_233 = arith.constant 0 : i32
      %dma_wait3A_234 = tpu.memref_slice %arg2[%dma_wait3A_232, %dma_wait3A_233] : memref<200000x16xf32, #tpu.memory_space<hbm>> -> memref<200000x16xf32, #tpu.memory_space<hbm>>
      tpu.wait_indirect_dma semaphore(%arg7 : memref<!tpu.dma_semaphore, #tpu.memory_space<semaphore_mem>>) src(%dma_wait3A_234 : memref<200000x16xf32, #tpu.memory_space<hbm>>) dst(%dma_wait3A_228 : memref<128x16xf32, #tpu.memory_space<vmem>>)
      %dma_wait3A_235 = arith.constant 9 : i32
      %dma_wait3A_236 = arith.constant 1152 : i32
      %dma_wait3A_237 = arith.constant 0 : i32
      %dma_wait3A_238 = tpu.memref_slice %arg6[%dma_wait3A_236, %dma_wait3A_237] : memref<1792x16xf32, #tpu.memory_space<vmem>> -> memref<128x16xf32, #tpu.memory_space<vmem>>
      %dma_wait3A_239 = arith.constant 0 : i32
      %dma_wait3A_240 = tpu.memref_slice %arg5[%dma_wait3A_235, %dma_wait3A_239] : memref<14x128xi32, #tpu.memory_space<vmem>> -> memref<1x128xi32, #tpu.memory_space<vmem>>
      %dma_wait3A_241 = tpu.memref_squeeze %dma_wait3A_240 : memref<1x128xi32, #tpu.memory_space<vmem>> -> memref<128xi32, #tpu.memory_space<vmem>>
      %dma_wait3A_242 = arith.constant 0 : i32
      %dma_wait3A_243 = arith.constant 0 : i32
      %dma_wait3A_244 = tpu.memref_slice %arg2[%dma_wait3A_242, %dma_wait3A_243] : memref<200000x16xf32, #tpu.memory_space<hbm>> -> memref<200000x16xf32, #tpu.memory_space<hbm>>
      tpu.wait_indirect_dma semaphore(%arg7 : memref<!tpu.dma_semaphore, #tpu.memory_space<semaphore_mem>>) src(%dma_wait3A_244 : memref<200000x16xf32, #tpu.memory_space<hbm>>) dst(%dma_wait3A_238 : memref<128x16xf32, #tpu.memory_space<vmem>>)
      %dma_wait3A_245 = arith.constant 10 : i32
      %dma_wait3A_246 = arith.constant 1280 : i32
      %dma_wait3A_247 = arith.constant 0 : i32
      %dma_wait3A_248 = tpu.memref_slice %arg6[%dma_wait3A_246, %dma_wait3A_247] : memref<1792x16xf32, #tpu.memory_space<vmem>> -> memref<128x16xf32, #tpu.memory_space<vmem>>
      %dma_wait3A_249 = arith.constant 0 : i32
      %dma_wait3A_250 = tpu.memref_slice %arg5[%dma_wait3A_245, %dma_wait3A_249] : memref<14x128xi32, #tpu.memory_space<vmem>> -> memref<1x128xi32, #tpu.memory_space<vmem>>
      %dma_wait3A_251 = tpu.memref_squeeze %dma_wait3A_250 : memref<1x128xi32, #tpu.memory_space<vmem>> -> memref<128xi32, #tpu.memory_space<vmem>>
      %dma_wait3A_252 = arith.constant 0 : i32
      %dma_wait3A_253 = arith.constant 0 : i32
      %dma_wait3A_254 = tpu.memref_slice %arg2[%dma_wait3A_252, %dma_wait3A_253] : memref<200000x16xf32, #tpu.memory_space<hbm>> -> memref<200000x16xf32, #tpu.memory_space<hbm>>
      tpu.wait_indirect_dma semaphore(%arg7 : memref<!tpu.dma_semaphore, #tpu.memory_space<semaphore_mem>>) src(%dma_wait3A_254 : memref<200000x16xf32, #tpu.memory_space<hbm>>) dst(%dma_wait3A_248 : memref<128x16xf32, #tpu.memory_space<vmem>>)
      %dma_wait3A_255 = arith.constant 11 : i32
      %dma_wait3A_256 = arith.constant 1408 : i32
      %dma_wait3A_257 = arith.constant 0 : i32
      %dma_wait3A_258 = tpu.memref_slice %arg6[%dma_wait3A_256, %dma_wait3A_257] : memref<1792x16xf32, #tpu.memory_space<vmem>> -> memref<128x16xf32, #tpu.memory_space<vmem>>
      %dma_wait3A_259 = arith.constant 0 : i32
      %dma_wait3A_260 = tpu.memref_slice %arg5[%dma_wait3A_255, %dma_wait3A_259] : memref<14x128xi32, #tpu.memory_space<vmem>> -> memref<1x128xi32, #tpu.memory_space<vmem>>
      %dma_wait3A_261 = tpu.memref_squeeze %dma_wait3A_260 : memref<1x128xi32, #tpu.memory_space<vmem>> -> memref<128xi32, #tpu.memory_space<vmem>>
      %dma_wait3A_262 = arith.constant 0 : i32
      %dma_wait3A_263 = arith.constant 0 : i32
      %dma_wait3A_264 = tpu.memref_slice %arg2[%dma_wait3A_262, %dma_wait3A_263] : memref<200000x16xf32, #tpu.memory_space<hbm>> -> memref<200000x16xf32, #tpu.memory_space<hbm>>
      tpu.wait_indirect_dma semaphore(%arg7 : memref<!tpu.dma_semaphore, #tpu.memory_space<semaphore_mem>>) src(%dma_wait3A_264 : memref<200000x16xf32, #tpu.memory_space<hbm>>) dst(%dma_wait3A_258 : memref<128x16xf32, #tpu.memory_space<vmem>>)
      %dma_wait3A_265 = arith.constant 12 : i32
      %dma_wait3A_266 = arith.constant 1536 : i32
      %dma_wait3A_267 = arith.constant 0 : i32
      %dma_wait3A_268 = tpu.memref_slice %arg6[%dma_wait3A_266, %dma_wait3A_267] : memref<1792x16xf32, #tpu.memory_space<vmem>> -> memref<128x16xf32, #tpu.memory_space<vmem>>
      %dma_wait3A_269 = arith.constant 0 : i32
      %dma_wait3A_270 = tpu.memref_slice %arg5[%dma_wait3A_265, %dma_wait3A_269] : memref<14x128xi32, #tpu.memory_space<vmem>> -> memref<1x128xi32, #tpu.memory_space<vmem>>
      %dma_wait3A_271 = tpu.memref_squeeze %dma_wait3A_270 : memref<1x128xi32, #tpu.memory_space<vmem>> -> memref<128xi32, #tpu.memory_space<vmem>>
      %dma_wait3A_272 = arith.constant 0 : i32
      %dma_wait3A_273 = arith.constant 0 : i32
      %dma_wait3A_274 = tpu.memref_slice %arg2[%dma_wait3A_272, %dma_wait3A_273] : memref<200000x16xf32, #tpu.memory_space<hbm>> -> memref<200000x16xf32, #tpu.memory_space<hbm>>
      tpu.wait_indirect_dma semaphore(%arg7 : memref<!tpu.dma_semaphore, #tpu.memory_space<semaphore_mem>>) src(%dma_wait3A_274 : memref<200000x16xf32, #tpu.memory_space<hbm>>) dst(%dma_wait3A_268 : memref<128x16xf32, #tpu.memory_space<vmem>>)
      %dma_wait3A_275 = arith.constant 13 : i32
      %dma_wait3A_276 = arith.constant 1664 : i32
      %dma_wait3A_277 = arith.constant 0 : i32
      %dma_wait3A_278 = tpu.memref_slice %arg6[%dma_wait3A_276, %dma_wait3A_277] : memref<1792x16xf32, #tpu.memory_space<vmem>> -> memref<128x16xf32, #tpu.memory_space<vmem>>
      %dma_wait3A_279 = arith.constant 0 : i32
      %dma_wait3A_280 = tpu.memref_slice %arg5[%dma_wait3A_275, %dma_wait3A_279] : memref<14x128xi32, #tpu.memory_space<vmem>> -> memref<1x128xi32, #tpu.memory_space<vmem>>
      %dma_wait3A_281 = tpu.memref_squeeze %dma_wait3A_280 : memref<1x128xi32, #tpu.memory_space<vmem>> -> memref<128xi32, #tpu.memory_space<vmem>>
      %dma_wait3A_282 = arith.constant 0 : i32
      %dma_wait3A_283 = arith.constant 0 : i32
      %dma_wait3A_284 = tpu.memref_slice %arg2[%dma_wait3A_282, %dma_wait3A_283] : memref<200000x16xf32, #tpu.memory_space<hbm>> -> memref<200000x16xf32, #tpu.memory_space<hbm>>
      tpu.wait_indirect_dma semaphore(%arg7 : memref<!tpu.dma_semaphore, #tpu.memory_space<semaphore_mem>>) src(%dma_wait3A_284 : memref<200000x16xf32, #tpu.memory_space<hbm>>) dst(%dma_wait3A_278 : memref<128x16xf32, #tpu.memory_space<vmem>>)
      %mul3A_285 = arith.constant 56 : i32
      %mul3A_286 = arith.muli %add3A, %mul3A_285 : i32
      %add3A_287 = arith.addi %mul3A_286, %scan3A_6 : i32
      %mul3A_288 = arith.constant 1792 : i32
      %mul3A_289 = arith.muli %add3A_287, %mul3A_288 : i32
      "tpu.region"() ({
        %run_scoped3A = tpu.sem_alloc : memref<!tpu.dma_semaphore, #tpu.memory_space<semaphore_mem>>
        %dma_start3A_290 = arith.constant 0 : i32
        %dma_start3A_291 = tpu.memref_slice %arg4[%mul3A_289, %dma_start3A_290] : memref<3211264x16xf32, #tpu.memory_space<hbm>> -> memref<1792x16xf32, #tpu.memory_space<hbm>>
        %dma_start3A_292 = arith.constant 0 : i32
        %dma_start3A_293 = tpu.memref_slice %arg4[%mul3A_289, %dma_start3A_292] : memref<3211264x16xf32, #tpu.memory_space<hbm>> -> memref<1792x16xf32, #tpu.memory_space<hbm>>
        tpu.enqueue_dma source(%arg6 : memref<1792x16xf32, #tpu.memory_space<vmem>>) target(%dma_start3A_293 : memref<1792x16xf32, #tpu.memory_space<hbm>>) target_semaphore(%run_scoped3A : memref<!tpu.dma_semaphore, #tpu.memory_space<semaphore_mem>>)
        %dma_wait3A_294 = arith.constant 0 : i32
        %dma_wait3A_295 = tpu.memref_slice %arg4[%mul3A_289, %dma_wait3A_294] : memref<3211264x16xf32, #tpu.memory_space<hbm>> -> memref<1792x16xf32, #tpu.memory_space<hbm>>
        %dma_wait3A_296 = arith.constant 0 : i32
        %dma_wait3A_297 = tpu.memref_slice %arg4[%mul3A_289, %dma_wait3A_296] : memref<3211264x16xf32, #tpu.memory_space<hbm>> -> memref<1792x16xf32, #tpu.memory_space<hbm>>
        tpu.wait_dma2 semaphore(%run_scoped3A : memref<!tpu.dma_semaphore, #tpu.memory_space<semaphore_mem>>) src(%arg6 : memref<1792x16xf32, #tpu.memory_space<vmem>>) dst(%dma_wait3A_297 : memref<1792x16xf32, #tpu.memory_space<hbm>>)
        tpu.yield
      }) : () -> ()
    }
    %scan3A_5 = arith.constant 56 : i32
    return
  }
}

module attributes {stable_mosaic.version = 14 : i64} {
  func.func @body(%arg0: i32, %arg1: memref<4096x256xf32, #tpu.memory_space<vmem>>, %arg2: memref<4096x16xf32, #tpu.memory_space<vmem>>, %arg3: memref<16x256xbf16, #tpu.memory_space<vmem>>, %arg4: memref<256x256xbf16, #tpu.memory_space<vmem>>, %arg5: memref<256x256xbf16, #tpu.memory_space<vmem>>, %arg6: memref<256x128xbf16, #tpu.memory_space<vmem>>, %arg7: memref<256x256xbf16, #tpu.memory_space<vmem>>, %arg8: memref<256x256xbf16, #tpu.memory_space<vmem>>, %arg9: memref<256x8xbf16, #tpu.memory_space<vmem>>, %arg10: memref<16x32xbf16, #tpu.memory_space<vmem>>, %arg11: memref<1x256xf32, #tpu.memory_space<vmem>>, %arg12: memref<1x256xf32, #tpu.memory_space<vmem>>, %arg13: memref<1x256xf32, #tpu.memory_space<vmem>>, %arg14: memref<1x128xf32, #tpu.memory_space<vmem>>, %arg15: memref<1x8xf32, #tpu.memory_space<vmem>>, %arg16: memref<1x32xf32, #tpu.memory_space<vmem>>, %arg17: memref<1x256xf32, #tpu.memory_space<vmem>>, %arg18: memref<4096x8xf32, #tpu.memory_space<vmem>>, %arg19: memref<4096x128xbf16, #tpu.memory_space<vmem>>, %arg20: memref<4096x32xbf16, #tpu.memory_space<vmem>>) attributes {dimension_semantics = [#tpu.dimension_semantics<arbitrary>], iteration_bounds = array<i64: 49>, scalar_prefetch = 0 : i64, scratch_operands = 0 : i64, tpu.core_type = #tpu.core_type<tc>, window_params = [{transform_indices = @transform_0, window_bounds = array<i64: 4096, 256>}, {transform_indices = @transform_1, window_bounds = array<i64: 4096, 16>}, {pipeline_mode = #tpu.pipeline_mode<synchronous>, transform_indices = @transform_2, window_bounds = array<i64: 16, 256>}, {pipeline_mode = #tpu.pipeline_mode<synchronous>, transform_indices = @transform_3, window_bounds = array<i64: 256, 256>}, {pipeline_mode = #tpu.pipeline_mode<synchronous>, transform_indices = @transform_4, window_bounds = array<i64: 256, 256>}, {pipeline_mode = #tpu.pipeline_mode<synchronous>, transform_indices = @transform_5, window_bounds = array<i64: 256, 128>}, {pipeline_mode = #tpu.pipeline_mode<synchronous>, transform_indices = @transform_6, window_bounds = array<i64: 256, 256>}, {pipeline_mode = #tpu.pipeline_mode<synchronous>, transform_indices = @transform_7, window_bounds = array<i64: 256, 256>}, {pipeline_mode = #tpu.pipeline_mode<synchronous>, transform_indices = @transform_8, window_bounds = array<i64: 256, 8>}, {pipeline_mode = #tpu.pipeline_mode<synchronous>, transform_indices = @transform_9, window_bounds = array<i64: 16, 32>}, {pipeline_mode = #tpu.pipeline_mode<synchronous>, transform_indices = @transform_10, window_bounds = array<i64: 1, 256>}, {pipeline_mode = #tpu.pipeline_mode<synchronous>, transform_indices = @transform_11, window_bounds = array<i64: 1, 256>}, {pipeline_mode = #tpu.pipeline_mode<synchronous>, transform_indices = @transform_12, window_bounds = array<i64: 1, 256>}, {pipeline_mode = #tpu.pipeline_mode<synchronous>, transform_indices = @transform_13, window_bounds = array<i64: 1, 128>}, {pipeline_mode = #tpu.pipeline_mode<synchronous>, transform_indices = @transform_14, window_bounds = array<i64: 1, 8>}, {pipeline_mode = #tpu.pipeline_mode<synchronous>, transform_indices = @transform_15, window_bounds = array<i64: 1, 32>}, {pipeline_mode = #tpu.pipeline_mode<synchronous>, transform_indices = @transform_16, window_bounds = array<i64: 1, 256>}, {transform_indices = @transform_17, window_bounds = array<i64: 4096, 8>}, {transform_indices = @transform_18, window_bounds = array<i64: 4096, 128>}, {transform_indices = @transform_19, window_bounds = array<i64: 4096, 32>}]} {
    %get3A = arith.constant 0 : index
    %get3A_0 = arith.constant 0 : index
    %get3A_1 = vector.load %arg1[%get3A, %get3A_0] : memref<4096x256xf32, #tpu.memory_space<vmem>>, vector<4096x256xf32>
    %get3A_2 = arith.constant 0 : index
    %get3A_3 = arith.constant 0 : index
    %get3A_4 = vector.load %arg2[%get3A_2, %get3A_3] : memref<4096x16xf32, #tpu.memory_space<vmem>>, vector<4096x16xf32>
    %convert_element_type3A = arith.truncf %get3A_4 : vector<4096x16xf32> to vector<4096x16xbf16>
    %tile3A = tpu.concatenate %get3A_4, %get3A_4, %get3A_4, %get3A_4, %get3A_4, %get3A_4, %get3A_4, %get3A_4, %get3A_4, %get3A_4, %get3A_4, %get3A_4, %get3A_4, %get3A_4, %get3A_4, %get3A_4 in 1 : vector<4096x16xf32>, vector<4096x16xf32>, vector<4096x16xf32>, vector<4096x16xf32>, vector<4096x16xf32>, vector<4096x16xf32>, vector<4096x16xf32>, vector<4096x16xf32>, vector<4096x16xf32>, vector<4096x16xf32>, vector<4096x16xf32>, vector<4096x16xf32>, vector<4096x16xf32>, vector<4096x16xf32>, vector<4096x16xf32>, vector<4096x16xf32> -> vector<4096x256xf32>
    %sub3A = arith.subf %tile3A, %get3A_1 : vector<4096x256xf32>
    %get3A_5 = arith.constant 0 : index
    %get3A_6 = arith.constant 0 : index
    %get3A_7 = vector.load %arg17[%get3A_5, %get3A_6] : memref<1x256xf32, #tpu.memory_space<vmem>>, vector<1x256xf32>
    %mul3A = vector.broadcast %get3A_7 : vector<1x256xf32> to vector<4096x256xf32>
    %mul3A_8 = arith.mulf %sub3A, %mul3A : vector<4096x256xf32>
    %mul3A_9 = arith.mulf %mul3A_8, %mul3A_8 : vector<4096x256xf32>
    %convert_element_type3A_10 = arith.truncf %mul3A_9 : vector<4096x256xf32> to vector<4096x256xbf16>
    %get3A_11 = arith.constant 0 : index
    %get3A_12 = arith.constant 0 : index
    %get3A_13 = vector.load %arg8[%get3A_11, %get3A_12] : memref<256x256xbf16, #tpu.memory_space<vmem>>, vector<256x256xbf16>
    %dot_general3A = arith.constant dense<0.000000e+00> : vector<4096x256xf32>
    %dot_general3A_14 = tpu.matmul %convert_element_type3A_10, %get3A_13, %dot_general3A {dimension_numbers = #tpu.dot_dimension_numbers<[1], [0], [0], [1], [0, 0, 1, 1], [], []>, transpose_lhs_hint = false} : vector<4096x256xbf16>, vector<256x256xbf16>, vector<4096x256xf32> -> vector<4096x256xf32>
    %add3A = arith.constant 9.99999996E-13 : f32
    %add3A_15 = vector.broadcast %add3A : f32 to vector<4096x256xf32>
    %add3A_16 = arith.addf %dot_general3A_14, %add3A_15 : vector<4096x256xf32>
    %sqrt3A = math.sqrt %add3A_16 : vector<4096x256xf32>
    %convert_element_type3A_17 = arith.truncf %get3A_1 : vector<4096x256xf32> to vector<4096x256xbf16>
    %get3A_18 = arith.constant 0 : index
    %get3A_19 = arith.constant 0 : index
    %get3A_20 = vector.load %arg4[%get3A_18, %get3A_19] : memref<256x256xbf16, #tpu.memory_space<vmem>>, vector<256x256xbf16>
    %dot_general3A_21 = arith.constant dense<0.000000e+00> : vector<4096x256xf32>
    %dot_general3A_22 = tpu.matmul %convert_element_type3A_17, %get3A_20, %dot_general3A_21 {dimension_numbers = #tpu.dot_dimension_numbers<[1], [0], [0], [1], [0, 0, 1, 1], [], []>, transpose_lhs_hint = false} : vector<4096x256xbf16>, vector<256x256xbf16>, vector<4096x256xf32> -> vector<4096x256xf32>
    %get3A_23 = arith.constant 0 : index
    %get3A_24 = arith.constant 0 : index
    %get3A_25 = vector.load %arg11[%get3A_23, %get3A_24] : memref<1x256xf32, #tpu.memory_space<vmem>>, vector<1x256xf32>
    %mul3A_26 = vector.broadcast %get3A_25 : vector<1x256xf32> to vector<4096x256xf32>
    %mul3A_27 = arith.mulf %sqrt3A, %mul3A_26 : vector<4096x256xf32>
    %add3A_28 = arith.addf %dot_general3A_22, %mul3A_27 : vector<4096x256xf32>
    %get3A_29 = arith.constant 0 : index
    %get3A_30 = arith.constant 0 : index
    %get3A_31 = vector.load %arg3[%get3A_29, %get3A_30] : memref<16x256xbf16, #tpu.memory_space<vmem>>, vector<16x256xbf16>
    %dot_general3A_32 = arith.constant dense<0.000000e+00> : vector<4096x256xf32>
    %dot_general3A_33 = tpu.matmul %convert_element_type3A, %get3A_31, %dot_general3A_32 {dimension_numbers = #tpu.dot_dimension_numbers<[1], [0], [0], [1], [0, 0, 1, 1], [], []>, transpose_lhs_hint = false} : vector<4096x16xbf16>, vector<16x256xbf16>, vector<4096x256xf32> -> vector<4096x256xf32>
    %add3A_34 = arith.addf %add3A_28, %dot_general3A_33 : vector<4096x256xf32>
    %get3A_35 = arith.constant 0 : index
    %get3A_36 = arith.constant 0 : index
    %get3A_37 = vector.load %arg12[%get3A_35, %get3A_36] : memref<1x256xf32, #tpu.memory_space<vmem>>, vector<1x256xf32>
    %add3A_38 = vector.broadcast %get3A_37 : vector<1x256xf32> to vector<4096x256xf32>
    %add3A_39 = arith.addf %add3A_34, %add3A_38 : vector<4096x256xf32>
    %jit3A = arith.constant 2.000000e-01 : f32
    %ge3A = arith.constant 0.000000e+00 : f32
    %ge3A_40 = vector.broadcast %ge3A : f32 to vector<4096x256xf32>
    %ge3A_41 = arith.cmpf oge, %add3A_39, %ge3A_40 : vector<4096x256xf32>
    %mul3A_42 = vector.broadcast %jit3A : f32 to vector<4096x256xf32>
    %mul3A_43 = arith.mulf %mul3A_42, %add3A_39 : vector<4096x256xf32>
    %select_n3A = arith.select %ge3A_41, %add3A_39, %mul3A_43 : vector<4096x256xi1>, vector<4096x256xf32>
    %convert_element_type3A_44 = arith.truncf %select_n3A : vector<4096x256xf32> to vector<4096x256xbf16>
    %get3A_45 = arith.constant 0 : index
    %get3A_46 = arith.constant 0 : index
    %get3A_47 = vector.load %arg5[%get3A_45, %get3A_46] : memref<256x256xbf16, #tpu.memory_space<vmem>>, vector<256x256xbf16>
    %dot_general3A_48 = arith.constant dense<0.000000e+00> : vector<4096x256xf32>
    %dot_general3A_49 = tpu.matmul %convert_element_type3A_44, %get3A_47, %dot_general3A_48 {dimension_numbers = #tpu.dot_dimension_numbers<[1], [0], [0], [1], [0, 0, 1, 1], [], []>, transpose_lhs_hint = false} : vector<4096x256xbf16>, vector<256x256xbf16>, vector<4096x256xf32> -> vector<4096x256xf32>
    %get3A_50 = arith.constant 0 : index
    %get3A_51 = arith.constant 0 : index
    %get3A_52 = vector.load %arg13[%get3A_50, %get3A_51] : memref<1x256xf32, #tpu.memory_space<vmem>>, vector<1x256xf32>
    %add3A_53 = vector.broadcast %get3A_52 : vector<1x256xf32> to vector<4096x256xf32>
    %add3A_54 = arith.addf %dot_general3A_49, %add3A_53 : vector<4096x256xf32>
    %roll3A = arith.constant 16 : i32
    %roll3A_55 = tpu.dynamic_rotate %add3A_54 by %roll3A dim 1 : vector<4096x256xf32>, i32 -> vector<4096x256xf32>
    %max3A = arith.maximumf %add3A_54, %roll3A_55 : vector<4096x256xf32>
    %roll3A_56 = arith.constant 32 : i32
    %roll3A_57 = tpu.dynamic_rotate %max3A by %roll3A_56 dim 1 : vector<4096x256xf32>, i32 -> vector<4096x256xf32>
    %max3A_58 = arith.maximumf %max3A, %roll3A_57 : vector<4096x256xf32>
    %roll3A_59 = arith.constant 64 : i32
    %roll3A_60 = tpu.dynamic_rotate %max3A_58 by %roll3A_59 dim 1 : vector<4096x256xf32>, i32 -> vector<4096x256xf32>
    %max3A_61 = arith.maximumf %max3A_58, %roll3A_60 : vector<4096x256xf32>
    %roll3A_62 = arith.constant 128 : i32
    %roll3A_63 = tpu.dynamic_rotate %max3A_61 by %roll3A_62 dim 1 : vector<4096x256xf32>, i32 -> vector<4096x256xf32>
    %max3A_64 = arith.maximumf %max3A_61, %roll3A_63 : vector<4096x256xf32>
    %sub3A_65 = arith.subf %add3A_54, %max3A_64 : vector<4096x256xf32>
    %exp3A = math.exp %sub3A_65 : vector<4096x256xf32>
    %convert_element_type3A_66 = arith.truncf %exp3A : vector<4096x256xf32> to vector<4096x256xbf16>
    %get3A_67 = arith.constant 0 : index
    %get3A_68 = arith.constant 0 : index
    %get3A_69 = vector.load %arg7[%get3A_67, %get3A_68] : memref<256x256xbf16, #tpu.memory_space<vmem>>, vector<256x256xbf16>
    %dot_general3A_70 = arith.constant dense<0.000000e+00> : vector<4096x256xf32>
    %dot_general3A_71 = tpu.matmul %convert_element_type3A_66, %get3A_69, %dot_general3A_70 {dimension_numbers = #tpu.dot_dimension_numbers<[1], [0], [0], [1], [0, 0, 1, 1], [], []>, transpose_lhs_hint = false} : vector<4096x256xbf16>, vector<256x256xbf16>, vector<4096x256xf32> -> vector<4096x256xf32>
    %mul3A_72 = arith.mulf %exp3A, %select_n3A : vector<4096x256xf32>
    %convert_element_type3A_73 = arith.truncf %mul3A_72 : vector<4096x256xf32> to vector<4096x256xbf16>
    %get3A_74 = arith.constant 0 : index
    %get3A_75 = arith.constant 0 : index
    %get3A_76 = vector.load %arg7[%get3A_74, %get3A_75] : memref<256x256xbf16, #tpu.memory_space<vmem>>, vector<256x256xbf16>
    %dot_general3A_77 = arith.constant dense<0.000000e+00> : vector<4096x256xf32>
    %dot_general3A_78 = tpu.matmul %convert_element_type3A_73, %get3A_76, %dot_general3A_77 {dimension_numbers = #tpu.dot_dimension_numbers<[1], [0], [0], [1], [0, 0, 1, 1], [], []>, transpose_lhs_hint = false} : vector<4096x256xbf16>, vector<256x256xbf16>, vector<4096x256xf32> -> vector<4096x256xf32>
    %div3A = arith.constant 1.000000e+00 : f32
    %div3A_79 = vector.broadcast %div3A : f32 to vector<4096x256xf32>
    %div3A_80 = arith.divf %div3A_79, %dot_general3A_71 : vector<4096x256xf32>
    %mul3A_81 = arith.mulf %dot_general3A_78, %div3A_80 : vector<4096x256xf32>
    %convert_element_type3A_82 = arith.truncf %mul3A_81 : vector<4096x256xf32> to vector<4096x256xbf16>
    %get3A_83 = arith.constant 0 : index
    %get3A_84 = arith.constant 0 : index
    %get3A_85 = vector.load %arg9[%get3A_83, %get3A_84] : memref<256x8xbf16, #tpu.memory_space<vmem>>, vector<256x8xbf16>
    %dot_general3A_86 = arith.constant dense<0.000000e+00> : vector<4096x8xf32>
    %dot_general3A_87 = tpu.matmul %convert_element_type3A_82, %get3A_85, %dot_general3A_86 {dimension_numbers = #tpu.dot_dimension_numbers<[1], [0], [0], [1], [0, 0, 1, 1], [], []>, transpose_lhs_hint = false} : vector<4096x256xbf16>, vector<256x8xbf16>, vector<4096x8xf32> -> vector<4096x8xf32>
    %get3A_88 = arith.constant 0 : index
    %get3A_89 = arith.constant 0 : index
    %get3A_90 = vector.load %arg15[%get3A_88, %get3A_89] : memref<1x8xf32, #tpu.memory_space<vmem>>, vector<1x8xf32>
    %add3A_91 = vector.broadcast %get3A_90 : vector<1x8xf32> to vector<4096x8xf32>
    %add3A_92 = arith.addf %dot_general3A_87, %add3A_91 : vector<4096x8xf32>
    %jit3A_93 = arith.constant 2.000000e-01 : f32
    %ge3A_94 = arith.constant 0.000000e+00 : f32
    %ge3A_95 = vector.broadcast %ge3A_94 : f32 to vector<4096x8xf32>
    %ge3A_96 = arith.cmpf oge, %add3A_92, %ge3A_95 : vector<4096x8xf32>
    %mul3A_97 = vector.broadcast %jit3A_93 : f32 to vector<4096x8xf32>
    %mul3A_98 = arith.mulf %mul3A_97, %add3A_92 : vector<4096x8xf32>
    %select_n3A_99 = arith.select %ge3A_96, %add3A_92, %mul3A_98 : vector<4096x8xi1>, vector<4096x8xf32>
    %swap3A = arith.constant 0 : index
    %swap3A_100 = arith.constant 0 : index
    %swap3A_101 = vector.load %arg18[%swap3A, %swap3A_100] : memref<4096x8xf32, #tpu.memory_space<vmem>>, vector<4096x8xf32>
    tpu.vector_store %arg18[%swap3A, %swap3A_100], %select_n3A_99 {strides = array<i32>} : memref<4096x8xf32, #tpu.memory_space<vmem>>, vector<4096x8xf32>,
    %get3A_102 = arith.constant 0 : index
    %get3A_103 = arith.constant 0 : index
    %get3A_104 = vector.load %arg6[%get3A_102, %get3A_103] : memref<256x128xbf16, #tpu.memory_space<vmem>>, vector<256x128xbf16>
    %dot_general3A_105 = arith.constant dense<0.000000e+00> : vector<4096x128xf32>
    %dot_general3A_106 = tpu.matmul %convert_element_type3A_44, %get3A_104, %dot_general3A_105 {dimension_numbers = #tpu.dot_dimension_numbers<[1], [0], [0], [1], [0, 0, 1, 1], [], []>, transpose_lhs_hint = false} : vector<4096x256xbf16>, vector<256x128xbf16>, vector<4096x128xf32> -> vector<4096x128xf32>
    %get3A_107 = arith.constant 0 : index
    %get3A_108 = arith.constant 0 : index
    %get3A_109 = vector.load %arg14[%get3A_107, %get3A_108] : memref<1x128xf32, #tpu.memory_space<vmem>>, vector<1x128xf32>
    %add3A_110 = vector.broadcast %get3A_109 : vector<1x128xf32> to vector<4096x128xf32>
    %add3A_111 = arith.addf %dot_general3A_106, %add3A_110 : vector<4096x128xf32>
    %jit3A_112 = arith.constant 2.000000e-01 : f32
    %ge3A_113 = arith.constant 0.000000e+00 : f32
    %ge3A_114 = vector.broadcast %ge3A_113 : f32 to vector<4096x128xf32>
    %ge3A_115 = arith.cmpf oge, %add3A_111, %ge3A_114 : vector<4096x128xf32>
    %mul3A_116 = vector.broadcast %jit3A_112 : f32 to vector<4096x128xf32>
    %mul3A_117 = arith.mulf %mul3A_116, %add3A_111 : vector<4096x128xf32>
    %select_n3A_118 = arith.select %ge3A_115, %add3A_111, %mul3A_117 : vector<4096x128xi1>, vector<4096x128xf32>
    %convert_element_type3A_119 = arith.truncf %select_n3A_118 : vector<4096x128xf32> to vector<4096x128xbf16>
    %swap3A_120 = arith.constant 0 : index
    %swap3A_121 = arith.constant 0 : index
    %swap3A_122 = vector.load %arg19[%swap3A_120, %swap3A_121] : memref<4096x128xbf16, #tpu.memory_space<vmem>>, vector<4096x128xbf16>
    tpu.vector_store %arg19[%swap3A_120, %swap3A_121], %convert_element_type3A_119 {strides = array<i32>} : memref<4096x128xbf16, #tpu.memory_space<vmem>>, vector<4096x128xbf16>,
    %get3A_123 = arith.constant 0 : index
    %get3A_124 = arith.constant 0 : index
    %get3A_125 = vector.load %arg10[%get3A_123, %get3A_124] : memref<16x32xbf16, #tpu.memory_space<vmem>>, vector<16x32xbf16>
    %dot_general3A_126 = arith.constant dense<0.000000e+00> : vector<4096x32xf32>
    %dot_general3A_127 = tpu.matmul %convert_element_type3A, %get3A_125, %dot_general3A_126 {dimension_numbers = #tpu.dot_dimension_numbers<[1], [0], [0], [1], [0, 0, 1, 1], [], []>, transpose_lhs_hint = false} : vector<4096x16xbf16>, vector<16x32xbf16>, vector<4096x32xf32> -> vector<4096x32xf32>
    %get3A_128 = arith.constant 0 : index
    %get3A_129 = arith.constant 0 : index
    %get3A_130 = vector.load %arg16[%get3A_128, %get3A_129] : memref<1x32xf32, #tpu.memory_space<vmem>>, vector<1x32xf32>
    %add3A_131 = vector.broadcast %get3A_130 : vector<1x32xf32> to vector<4096x32xf32>
    %add3A_132 = arith.addf %dot_general3A_127, %add3A_131 : vector<4096x32xf32>
    %convert_element_type3A_133 = arith.truncf %add3A_132 : vector<4096x32xf32> to vector<4096x32xbf16>
    %swap3A_134 = arith.constant 0 : index
    %swap3A_135 = arith.constant 0 : index
    %swap3A_136 = vector.load %arg20[%swap3A_134, %swap3A_135] : memref<4096x32xbf16, #tpu.memory_space<vmem>>, vector<4096x32xbf16>
    tpu.vector_store %arg20[%swap3A_134, %swap3A_135], %convert_element_type3A_133 {strides = array<i32>} : memref<4096x32xbf16, #tpu.memory_space<vmem>>, vector<4096x32xbf16>,
    return
  }
  func.func @transform_0(%arg0: i32) -> (i32, i32) {
    %c0_i32 = arith.constant 0 : i32
    %c0_i32_0 = arith.constant 0 : i32
    return %arg0, %c0_i32 : i32, i32
  }
  func.func @transform_1(%arg0: i32) -> (i32, i32) {
    %c0_i32 = arith.constant 0 : i32
    %c0_i32_0 = arith.constant 0 : i32
    return %arg0, %c0_i32 : i32, i32
  }
  func.func @transform_2(%arg0: i32) -> (i32, i32) {
    %c0_i32 = arith.constant 0 : i32
    %c0_i32_0 = arith.constant 0 : i32
    %c0_i32_1 = arith.constant 0 : i32
    return %c0_i32, %c0_i32_0 : i32, i32
  }
  func.func @transform_3(%arg0: i32) -> (i32, i32) {
    %c0_i32 = arith.constant 0 : i32
    %c0_i32_0 = arith.constant 0 : i32
    %c0_i32_1 = arith.constant 0 : i32
    return %c0_i32, %c0_i32_0 : i32, i32
  }
  func.func @transform_4(%arg0: i32) -> (i32, i32) {
    %c0_i32 = arith.constant 0 : i32
    %c0_i32_0 = arith.constant 0 : i32
    %c0_i32_1 = arith.constant 0 : i32
    return %c0_i32, %c0_i32_0 : i32, i32
  }
  func.func @transform_5(%arg0: i32) -> (i32, i32) {
    %c0_i32 = arith.constant 0 : i32
    %c0_i32_0 = arith.constant 0 : i32
    %c0_i32_1 = arith.constant 0 : i32
    return %c0_i32, %c0_i32_0 : i32, i32
  }
  func.func @transform_6(%arg0: i32) -> (i32, i32) {
    %c0_i32 = arith.constant 0 : i32
    %c0_i32_0 = arith.constant 0 : i32
    %c0_i32_1 = arith.constant 0 : i32
    return %c0_i32, %c0_i32_0 : i32, i32
  }
  func.func @transform_7(%arg0: i32) -> (i32, i32) {
    %c0_i32 = arith.constant 0 : i32
    %c0_i32_0 = arith.constant 0 : i32
    %c0_i32_1 = arith.constant 0 : i32
    return %c0_i32, %c0_i32_0 : i32, i32
  }
  func.func @transform_8(%arg0: i32) -> (i32, i32) {
    %c0_i32 = arith.constant 0 : i32
    %c0_i32_0 = arith.constant 0 : i32
    %c0_i32_1 = arith.constant 0 : i32
    return %c0_i32, %c0_i32_0 : i32, i32
  }
  func.func @transform_9(%arg0: i32) -> (i32, i32) {
    %c0_i32 = arith.constant 0 : i32
    %c0_i32_0 = arith.constant 0 : i32
    %c0_i32_1 = arith.constant 0 : i32
    return %c0_i32, %c0_i32_0 : i32, i32
  }
  func.func @transform_10(%arg0: i32) -> (i32, i32) {
    %c0_i32 = arith.constant 0 : i32
    %c0_i32_0 = arith.constant 0 : i32
    %c0_i32_1 = arith.constant 0 : i32
    return %c0_i32, %c0_i32_0 : i32, i32
  }
  func.func @transform_11(%arg0: i32) -> (i32, i32) {
    %c0_i32 = arith.constant 0 : i32
    %c0_i32_0 = arith.constant 0 : i32
    %c0_i32_1 = arith.constant 0 : i32
    return %c0_i32, %c0_i32_0 : i32, i32
  }
  func.func @transform_12(%arg0: i32) -> (i32, i32) {
    %c0_i32 = arith.constant 0 : i32
    %c0_i32_0 = arith.constant 0 : i32
    %c0_i32_1 = arith.constant 0 : i32
    return %c0_i32, %c0_i32_0 : i32, i32
  }
  func.func @transform_13(%arg0: i32) -> (i32, i32) {
    %c0_i32 = arith.constant 0 : i32
    %c0_i32_0 = arith.constant 0 : i32
    %c0_i32_1 = arith.constant 0 : i32
    return %c0_i32, %c0_i32_0 : i32, i32
  }
  func.func @transform_14(%arg0: i32) -> (i32, i32) {
    %c0_i32 = arith.constant 0 : i32
    %c0_i32_0 = arith.constant 0 : i32
    %c0_i32_1 = arith.constant 0 : i32
    return %c0_i32, %c0_i32_0 : i32, i32
  }
  func.func @transform_15(%arg0: i32) -> (i32, i32) {
    %c0_i32 = arith.constant 0 : i32
    %c0_i32_0 = arith.constant 0 : i32
    %c0_i32_1 = arith.constant 0 : i32
    return %c0_i32, %c0_i32_0 : i32, i32
  }
  func.func @transform_16(%arg0: i32) -> (i32, i32) {
    %c0_i32 = arith.constant 0 : i32
    %c0_i32_0 = arith.constant 0 : i32
    %c0_i32_1 = arith.constant 0 : i32
    return %c0_i32, %c0_i32_0 : i32, i32
  }
  func.func @transform_17(%arg0: i32) -> (i32, i32) {
    %c0_i32 = arith.constant 0 : i32
    %c0_i32_0 = arith.constant 0 : i32
    return %arg0, %c0_i32 : i32, i32
  }
  func.func @transform_18(%arg0: i32) -> (i32, i32) {
    %c0_i32 = arith.constant 0 : i32
    %c0_i32_0 = arith.constant 0 : i32
    return %arg0, %c0_i32 : i32, i32
  }
  func.func @transform_19(%arg0: i32) -> (i32, i32) {
    %c0_i32 = arith.constant 0 : i32
    %c0_i32_0 = arith.constant 0 : i32
    return %arg0, %c0_i32 : i32, i32
  }
}

module attributes {stable_mosaic.version = 14 : i64} {
  func.func @body(%arg0: i32, %arg1: memref<4096x128xf32, #tpu.memory_space<vmem>>, %arg2: memref<4096x128xbf16, #tpu.memory_space<vmem>>, %arg3: memref<4096x32xbf16, #tpu.memory_space<vmem>>, %arg4: memref<128x256xbf16, #tpu.memory_space<vmem>>, %arg5: memref<128x256xbf16, #tpu.memory_space<vmem>>, %arg6: memref<256x256xbf16, #tpu.memory_space<vmem>>, %arg7: memref<256x256xbf16, #tpu.memory_space<vmem>>, %arg8: memref<256x16xbf16, #tpu.memory_space<vmem>>, %arg9: memref<16x32xbf16, #tpu.memory_space<vmem>>, %arg10: memref<1x256xf32, #tpu.memory_space<vmem>>, %arg11: memref<1x16xf32, #tpu.memory_space<vmem>>, %arg12: memref<1x32xf32, #tpu.memory_space<vmem>>, %arg13: memref<4096x32xf32, #tpu.memory_space<vmem>>) attributes {dimension_semantics = [#tpu.dimension_semantics<arbitrary>], iteration_bounds = array<i64: 49>, scalar_prefetch = 0 : i64, scratch_operands = 0 : i64, tpu.core_type = #tpu.core_type<tc>, window_params = [{transform_indices = @transform_0, window_bounds = array<i64: 4096, 128>}, {transform_indices = @transform_1, window_bounds = array<i64: 4096, 128>}, {transform_indices = @transform_2, window_bounds = array<i64: 4096, 32>}, {pipeline_mode = #tpu.pipeline_mode<synchronous>, transform_indices = @transform_3, window_bounds = array<i64: 128, 256>}, {pipeline_mode = #tpu.pipeline_mode<synchronous>, transform_indices = @transform_4, window_bounds = array<i64: 128, 256>}, {pipeline_mode = #tpu.pipeline_mode<synchronous>, transform_indices = @transform_5, window_bounds = array<i64: 256, 256>}, {pipeline_mode = #tpu.pipeline_mode<synchronous>, transform_indices = @transform_6, window_bounds = array<i64: 256, 256>}, {pipeline_mode = #tpu.pipeline_mode<synchronous>, transform_indices = @transform_7, window_bounds = array<i64: 256, 16>}, {pipeline_mode = #tpu.pipeline_mode<synchronous>, transform_indices = @transform_8, window_bounds = array<i64: 16, 32>}, {pipeline_mode = #tpu.pipeline_mode<synchronous>, transform_indices = @transform_9, window_bounds = array<i64: 1, 256>}, {pipeline_mode = #tpu.pipeline_mode<synchronous>, transform_indices = @transform_10, window_bounds = array<i64: 1, 16>}, {pipeline_mode = #tpu.pipeline_mode<synchronous>, transform_indices = @transform_11, window_bounds = array<i64: 1, 32>}, {transform_indices = @transform_12, window_bounds = array<i64: 4096, 32>}]} {
    %get3A = arith.constant 0 : index
    %get3A_0 = arith.constant 0 : index
    %get3A_1 = vector.load %arg1[%get3A, %get3A_0] : memref<4096x128xf32, #tpu.memory_space<vmem>>, vector<4096x128xf32>
    %convert_element_type3A = arith.truncf %get3A_1 : vector<4096x128xf32> to vector<4096x128xbf16>
    %get3A_2 = arith.constant 0 : index
    %get3A_3 = arith.constant 0 : index
    %get3A_4 = vector.load %arg4[%get3A_2, %get3A_3] : memref<128x256xbf16, #tpu.memory_space<vmem>>, vector<128x256xbf16>
    %dot_general3A = arith.constant dense<0.000000e+00> : vector<4096x256xf32>
    %dot_general3A_5 = tpu.matmul %convert_element_type3A, %get3A_4, %dot_general3A {dimension_numbers = #tpu.dot_dimension_numbers<[1], [0], [0], [1], [0, 0, 1, 1], [], []>, transpose_lhs_hint = false} : vector<4096x128xbf16>, vector<128x256xbf16>, vector<4096x256xf32> -> vector<4096x256xf32>
    %get3A_6 = arith.constant 0 : index
    %get3A_7 = arith.constant 0 : index
    %get3A_8 = vector.load %arg2[%get3A_6, %get3A_7] : memref<4096x128xbf16, #tpu.memory_space<vmem>>, vector<4096x128xbf16>
    %get3A_9 = arith.constant 0 : index
    %get3A_10 = arith.constant 0 : index
    %get3A_11 = vector.load %arg5[%get3A_9, %get3A_10] : memref<128x256xbf16, #tpu.memory_space<vmem>>, vector<128x256xbf16>
    %dot_general3A_12 = arith.constant dense<0.000000e+00> : vector<4096x256xf32>
    %dot_general3A_13 = tpu.matmul %get3A_8, %get3A_11, %dot_general3A_12 {dimension_numbers = #tpu.dot_dimension_numbers<[1], [0], [0], [1], [0, 0, 1, 1], [], []>, transpose_lhs_hint = false} : vector<4096x128xbf16>, vector<128x256xbf16>, vector<4096x256xf32> -> vector<4096x256xf32>
    %add3A = arith.addf %dot_general3A_5, %dot_general3A_13 : vector<4096x256xf32>
    %convert_element_type3A_14 = arith.truncf %add3A : vector<4096x256xf32> to vector<4096x256xbf16>
    %get3A_15 = arith.constant 0 : index
    %get3A_16 = arith.constant 0 : index
    %get3A_17 = vector.load %arg6[%get3A_15, %get3A_16] : memref<256x256xbf16, #tpu.memory_space<vmem>>, vector<256x256xbf16>
    %dot_general3A_18 = arith.constant dense<0.000000e+00> : vector<4096x256xf32>
    %dot_general3A_19 = tpu.matmul %convert_element_type3A_14, %get3A_17, %dot_general3A_18 {dimension_numbers = #tpu.dot_dimension_numbers<[1], [0], [0], [1], [0, 0, 1, 1], [], []>, transpose_lhs_hint = false} : vector<4096x256xbf16>, vector<256x256xbf16>, vector<4096x256xf32> -> vector<4096x256xf32>
    %get3A_20 = arith.constant 0 : index
    %get3A_21 = arith.constant 0 : index
    %get3A_22 = vector.load %arg10[%get3A_20, %get3A_21] : memref<1x256xf32, #tpu.memory_space<vmem>>, vector<1x256xf32>
    %add3A_23 = vector.broadcast %get3A_22 : vector<1x256xf32> to vector<4096x256xf32>
    %add3A_24 = arith.addf %dot_general3A_19, %add3A_23 : vector<4096x256xf32>
    %roll3A = arith.constant 16 : i32
    %roll3A_25 = tpu.dynamic_rotate %add3A_24 by %roll3A dim 1 : vector<4096x256xf32>, i32 -> vector<4096x256xf32>
    %max3A = arith.maximumf %add3A_24, %roll3A_25 : vector<4096x256xf32>
    %roll3A_26 = arith.constant 32 : i32
    %roll3A_27 = tpu.dynamic_rotate %max3A by %roll3A_26 dim 1 : vector<4096x256xf32>, i32 -> vector<4096x256xf32>
    %max3A_28 = arith.maximumf %max3A, %roll3A_27 : vector<4096x256xf32>
    %roll3A_29 = arith.constant 64 : i32
    %roll3A_30 = tpu.dynamic_rotate %max3A_28 by %roll3A_29 dim 1 : vector<4096x256xf32>, i32 -> vector<4096x256xf32>
    %max3A_31 = arith.maximumf %max3A_28, %roll3A_30 : vector<4096x256xf32>
    %roll3A_32 = arith.constant 128 : i32
    %roll3A_33 = tpu.dynamic_rotate %max3A_31 by %roll3A_32 dim 1 : vector<4096x256xf32>, i32 -> vector<4096x256xf32>
    %max3A_34 = arith.maximumf %max3A_31, %roll3A_33 : vector<4096x256xf32>
    %sub3A = arith.subf %add3A_24, %max3A_34 : vector<4096x256xf32>
    %exp3A = math.exp %sub3A : vector<4096x256xf32>
    %convert_element_type3A_35 = arith.truncf %exp3A : vector<4096x256xf32> to vector<4096x256xbf16>
    %get3A_36 = arith.constant 0 : index
    %get3A_37 = arith.constant 0 : index
    %get3A_38 = vector.load %arg7[%get3A_36, %get3A_37] : memref<256x256xbf16, #tpu.memory_space<vmem>>, vector<256x256xbf16>
    %dot_general3A_39 = arith.constant dense<0.000000e+00> : vector<4096x256xf32>
    %dot_general3A_40 = tpu.matmul %convert_element_type3A_35, %get3A_38, %dot_general3A_39 {dimension_numbers = #tpu.dot_dimension_numbers<[1], [0], [0], [1], [0, 0, 1, 1], [], []>, transpose_lhs_hint = false} : vector<4096x256xbf16>, vector<256x256xbf16>, vector<4096x256xf32> -> vector<4096x256xf32>
    %mul3A = arith.mulf %exp3A, %add3A : vector<4096x256xf32>
    %convert_element_type3A_41 = arith.truncf %mul3A : vector<4096x256xf32> to vector<4096x256xbf16>
    %get3A_42 = arith.constant 0 : index
    %get3A_43 = arith.constant 0 : index
    %get3A_44 = vector.load %arg7[%get3A_42, %get3A_43] : memref<256x256xbf16, #tpu.memory_space<vmem>>, vector<256x256xbf16>
    %dot_general3A_45 = arith.constant dense<0.000000e+00> : vector<4096x256xf32>
    %dot_general3A_46 = tpu.matmul %convert_element_type3A_41, %get3A_44, %dot_general3A_45 {dimension_numbers = #tpu.dot_dimension_numbers<[1], [0], [0], [1], [0, 0, 1, 1], [], []>, transpose_lhs_hint = false} : vector<4096x256xbf16>, vector<256x256xbf16>, vector<4096x256xf32> -> vector<4096x256xf32>
    %div3A = arith.constant 1.000000e+00 : f32
    %div3A_47 = vector.broadcast %div3A : f32 to vector<4096x256xf32>
    %div3A_48 = arith.divf %div3A_47, %dot_general3A_40 : vector<4096x256xf32>
    %mul3A_49 = arith.mulf %dot_general3A_46, %div3A_48 : vector<4096x256xf32>
    %convert_element_type3A_50 = arith.truncf %mul3A_49 : vector<4096x256xf32> to vector<4096x256xbf16>
    %get3A_51 = arith.constant 0 : index
    %get3A_52 = arith.constant 0 : index
    %get3A_53 = vector.load %arg8[%get3A_51, %get3A_52] : memref<256x16xbf16, #tpu.memory_space<vmem>>, vector<256x16xbf16>
    %dot_general3A_54 = arith.constant dense<0.000000e+00> : vector<4096x16xf32>
    %dot_general3A_55 = tpu.matmul %convert_element_type3A_50, %get3A_53, %dot_general3A_54 {dimension_numbers = #tpu.dot_dimension_numbers<[1], [0], [0], [1], [0, 0, 1, 1], [], []>, transpose_lhs_hint = false} : vector<4096x256xbf16>, vector<256x16xbf16>, vector<4096x16xf32> -> vector<4096x16xf32>
    %get3A_56 = arith.constant 0 : index
    %get3A_57 = arith.constant 0 : index
    %get3A_58 = vector.load %arg11[%get3A_56, %get3A_57] : memref<1x16xf32, #tpu.memory_space<vmem>>, vector<1x16xf32>
    %add3A_59 = vector.broadcast %get3A_58 : vector<1x16xf32> to vector<4096x16xf32>
    %add3A_60 = arith.addf %dot_general3A_55, %add3A_59 : vector<4096x16xf32>
    %jit3A = arith.constant 2.000000e-01 : f32
    %ge3A = arith.constant 0.000000e+00 : f32
    %ge3A_61 = vector.broadcast %ge3A : f32 to vector<4096x16xf32>
    %ge3A_62 = arith.cmpf oge, %add3A_60, %ge3A_61 : vector<4096x16xf32>
    %mul3A_63 = vector.broadcast %jit3A : f32 to vector<4096x16xf32>
    %mul3A_64 = arith.mulf %mul3A_63, %add3A_60 : vector<4096x16xf32>
    %select_n3A = arith.select %ge3A_62, %add3A_60, %mul3A_64 : vector<4096x16xi1>, vector<4096x16xf32>
    %convert_element_type3A_65 = arith.truncf %select_n3A : vector<4096x16xf32> to vector<4096x16xbf16>
    %get3A_66 = arith.constant 0 : index
    %get3A_67 = arith.constant 0 : index
    %get3A_68 = vector.load %arg9[%get3A_66, %get3A_67] : memref<16x32xbf16, #tpu.memory_space<vmem>>, vector<16x32xbf16>
    %dot_general3A_69 = arith.constant dense<0.000000e+00> : vector<4096x32xf32>
    %dot_general3A_70 = tpu.matmul %convert_element_type3A_65, %get3A_68, %dot_general3A_69 {dimension_numbers = #tpu.dot_dimension_numbers<[1], [0], [0], [1], [0, 0, 1, 1], [], []>, transpose_lhs_hint = false} : vector<4096x16xbf16>, vector<16x32xbf16>, vector<4096x32xf32> -> vector<4096x32xf32>
    %get3A_71 = arith.constant 0 : index
    %get3A_72 = arith.constant 0 : index
    %get3A_73 = vector.load %arg12[%get3A_71, %get3A_72] : memref<1x32xf32, #tpu.memory_space<vmem>>, vector<1x32xf32>
    %add3A_74 = vector.broadcast %get3A_73 : vector<1x32xf32> to vector<4096x32xf32>
    %add3A_75 = arith.addf %dot_general3A_70, %add3A_74 : vector<4096x32xf32>
    %get3A_76 = arith.constant 0 : index
    %get3A_77 = arith.constant 0 : index
    %get3A_78 = vector.load %arg3[%get3A_76, %get3A_77] : memref<4096x32xbf16, #tpu.memory_space<vmem>>, vector<4096x32xbf16>
    %convert_element_type3A_79 = arith.extf %get3A_78 : vector<4096x32xbf16> to vector<4096x32xf32>
    %add3A_80 = arith.addf %add3A_75, %convert_element_type3A_79 : vector<4096x32xf32>
    %jit3A_81 = arith.constant 2.000000e-01 : f32
    %ge3A_82 = arith.constant 0.000000e+00 : f32
    %ge3A_83 = vector.broadcast %ge3A_82 : f32 to vector<4096x32xf32>
    %ge3A_84 = arith.cmpf oge, %add3A_80, %ge3A_83 : vector<4096x32xf32>
    %mul3A_85 = vector.broadcast %jit3A_81 : f32 to vector<4096x32xf32>
    %mul3A_86 = arith.mulf %mul3A_85, %add3A_80 : vector<4096x32xf32>
    %select_n3A_87 = arith.select %ge3A_84, %add3A_80, %mul3A_86 : vector<4096x32xi1>, vector<4096x32xf32>
    %swap3A = arith.constant 0 : index
    %swap3A_88 = arith.constant 0 : index
    %swap3A_89 = vector.load %arg13[%swap3A, %swap3A_88] : memref<4096x32xf32, #tpu.memory_space<vmem>>, vector<4096x32xf32>
    tpu.vector_store %arg13[%swap3A, %swap3A_88], %select_n3A_87 {strides = array<i32>} : memref<4096x32xf32, #tpu.memory_space<vmem>>, vector<4096x32xf32>,
    return
  }
  func.func @transform_0(%arg0: i32) -> (i32, i32) {
    %c0_i32 = arith.constant 0 : i32
    %c0_i32_0 = arith.constant 0 : i32
    return %arg0, %c0_i32 : i32, i32
  }
  func.func @transform_1(%arg0: i32) -> (i32, i32) {
    %c0_i32 = arith.constant 0 : i32
    %c0_i32_0 = arith.constant 0 : i32
    return %arg0, %c0_i32 : i32, i32
  }
  func.func @transform_2(%arg0: i32) -> (i32, i32) {
    %c0_i32 = arith.constant 0 : i32
    %c0_i32_0 = arith.constant 0 : i32
    return %arg0, %c0_i32 : i32, i32
  }
  func.func @transform_3(%arg0: i32) -> (i32, i32) {
    %c0_i32 = arith.constant 0 : i32
    %c0_i32_0 = arith.constant 0 : i32
    %c0_i32_1 = arith.constant 0 : i32
    return %c0_i32, %c0_i32_0 : i32, i32
  }
  func.func @transform_4(%arg0: i32) -> (i32, i32) {
    %c0_i32 = arith.constant 0 : i32
    %c0_i32_0 = arith.constant 0 : i32
    %c0_i32_1 = arith.constant 0 : i32
    return %c0_i32, %c0_i32_0 : i32, i32
  }
  func.func @transform_5(%arg0: i32) -> (i32, i32) {
    %c0_i32 = arith.constant 0 : i32
    %c0_i32_0 = arith.constant 0 : i32
    %c0_i32_1 = arith.constant 0 : i32
    return %c0_i32, %c0_i32_0 : i32, i32
  }
  func.func @transform_6(%arg0: i32) -> (i32, i32) {
    %c0_i32 = arith.constant 0 : i32
    %c0_i32_0 = arith.constant 0 : i32
    %c0_i32_1 = arith.constant 0 : i32
    return %c0_i32, %c0_i32_0 : i32, i32
  }
  func.func @transform_7(%arg0: i32) -> (i32, i32) {
    %c0_i32 = arith.constant 0 : i32
    %c0_i32_0 = arith.constant 0 : i32
    %c0_i32_1 = arith.constant 0 : i32
    return %c0_i32, %c0_i32_0 : i32, i32
  }
  func.func @transform_8(%arg0: i32) -> (i32, i32) {
    %c0_i32 = arith.constant 0 : i32
    %c0_i32_0 = arith.constant 0 : i32
    %c0_i32_1 = arith.constant 0 : i32
    return %c0_i32, %c0_i32_0 : i32, i32
  }
  func.func @transform_9(%arg0: i32) -> (i32, i32) {
    %c0_i32 = arith.constant 0 : i32
    %c0_i32_0 = arith.constant 0 : i32
    %c0_i32_1 = arith.constant 0 : i32
    return %c0_i32, %c0_i32_0 : i32, i32
  }
  func.func @transform_10(%arg0: i32) -> (i32, i32) {
    %c0_i32 = arith.constant 0 : i32
    %c0_i32_0 = arith.constant 0 : i32
    %c0_i32_1 = arith.constant 0 : i32
    return %c0_i32, %c0_i32_0 : i32, i32
  }
  func.func @transform_11(%arg0: i32) -> (i32, i32) {
    %c0_i32 = arith.constant 0 : i32
    %c0_i32_0 = arith.constant 0 : i32
    %c0_i32_1 = arith.constant 0 : i32
    return %c0_i32, %c0_i32_0 : i32, i32
  }
  func.func @transform_12(%arg0: i32) -> (i32, i32) {
    %c0_i32 = arith.constant 0 : i32
    %c0_i32_0 = arith.constant 0 : i32
    return %arg0, %c0_i32 : i32, i32
  }
}

module attributes {stable_mosaic.version = 14 : i64} {
  func.func @body(%arg0: i32, %arg1: memref<16384x32xf32, #tpu.memory_space<vmem>>, %arg2: memref<32x16xbf16, #tpu.memory_space<vmem>>, %arg3: memref<1x16xf32, #tpu.memory_space<vmem>>, %arg4: memref<1024x16xf32, #tpu.memory_space<vmem>>) attributes {dimension_semantics = [#tpu.dimension_semantics<arbitrary>], iteration_bounds = array<i64: 49>, scalar_prefetch = 0 : i64, scratch_operands = 0 : i64, tpu.core_type = #tpu.core_type<tc>, window_params = [{transform_indices = @transform_0, window_bounds = array<i64: 16384, 32>}, {pipeline_mode = #tpu.pipeline_mode<synchronous>, transform_indices = @transform_1, window_bounds = array<i64: 32, 16>}, {pipeline_mode = #tpu.pipeline_mode<synchronous>, transform_indices = @transform_2, window_bounds = array<i64: 1, 16>}, {transform_indices = @transform_3, window_bounds = array<i64: 1024, 16>}]} {
    %get3A = arith.constant 0 : index
    %get3A_0 = arith.constant 0 : index
    %get3A_1 = vector.load %arg1[%get3A, %get3A_0] : memref<16384x32xf32, #tpu.memory_space<vmem>>, vector<16384x32xf32>
    %reshape3A = vector.shape_cast %get3A_1 : vector<16384x32xf32> to vector<1024x16x32xf32>
    %reduce_max3A = arith.constant dense<0xFF800000> : vector<1024x32xf32>
    %reduce_max3A_2 = vector.multi_reduction <maximumf>, %reshape3A, %reduce_max3A [1] : vector<1024x16x32xf32> to vector<1024x32xf32>
    %convert_element_type3A = arith.truncf %reduce_max3A_2 : vector<1024x32xf32> to vector<1024x32xbf16>
    %get3A_3 = arith.constant 0 : index
    %get3A_4 = arith.constant 0 : index
    %get3A_5 = vector.load %arg2[%get3A_3, %get3A_4] : memref<32x16xbf16, #tpu.memory_space<vmem>>, vector<32x16xbf16>
    %dot_general3A = arith.constant dense<0.000000e+00> : vector<1024x16xf32>
    %dot_general3A_6 = tpu.matmul %convert_element_type3A, %get3A_5, %dot_general3A {dimension_numbers = #tpu.dot_dimension_numbers<[1], [0], [0], [1], [0, 0, 1, 1], [], []>, transpose_lhs_hint = false} : vector<1024x32xbf16>, vector<32x16xbf16>, vector<1024x16xf32> -> vector<1024x16xf32>
    %get3A_7 = arith.constant 0 : index
    %get3A_8 = arith.constant 0 : index
    %get3A_9 = vector.load %arg3[%get3A_7, %get3A_8] : memref<1x16xf32, #tpu.memory_space<vmem>>, vector<1x16xf32>
    %add3A = vector.broadcast %get3A_9 : vector<1x16xf32> to vector<1024x16xf32>
    %add3A_10 = arith.addf %dot_general3A_6, %add3A : vector<1024x16xf32>
    %swap3A = arith.constant 0 : index
    %swap3A_11 = arith.constant 0 : index
    %swap3A_12 = vector.load %arg4[%swap3A, %swap3A_11] : memref<1024x16xf32, #tpu.memory_space<vmem>>, vector<1024x16xf32>
    tpu.vector_store %arg4[%swap3A, %swap3A_11], %add3A_10 {strides = array<i32>} : memref<1024x16xf32, #tpu.memory_space<vmem>>, vector<1024x16xf32>,
    return
  }
  func.func @transform_0(%arg0: i32) -> (i32, i32) {
    %c0_i32 = arith.constant 0 : i32
    %c0_i32_0 = arith.constant 0 : i32
    return %arg0, %c0_i32 : i32, i32
  }
  func.func @transform_1(%arg0: i32) -> (i32, i32) {
    %c0_i32 = arith.constant 0 : i32
    %c0_i32_0 = arith.constant 0 : i32
    %c0_i32_1 = arith.constant 0 : i32
    return %c0_i32, %c0_i32_0 : i32, i32
  }
  func.func @transform_2(%arg0: i32) -> (i32, i32) {
    %c0_i32 = arith.constant 0 : i32
    %c0_i32_0 = arith.constant 0 : i32
    %c0_i32_1 = arith.constant 0 : i32
    return %c0_i32, %c0_i32_0 : i32, i32
  }
  func.func @transform_3(%arg0: i32) -> (i32, i32) {
    %c0_i32 = arith.constant 0 : i32
    %c0_i32_0 = arith.constant 0 : i32
    return %arg0, %c0_i32 : i32, i32
  }
}

module attributes {stable_mosaic.version = 14 : i64} {
  func.func @body(%arg0: i32, %arg1: memref<2000x16xf32, #tpu.memory_space<vmem>>, %arg2: memref<2000x13xf32, #tpu.memory_space<vmem>>) attributes {dimension_semantics = [#tpu.dimension_semantics<arbitrary>], iteration_bounds = array<i64: 100>, scalar_prefetch = 0 : i64, scratch_operands = 0 : i64, tpu.core_type = #tpu.core_type<tc>, window_params = [{transform_indices = @transform_0, window_bounds = array<i64: 2000, 16>}, {transform_indices = @transform_1, window_bounds = array<i64: 2000, 13>}]} {
    %get3A = arith.constant 0 : index
    %get3A_0 = arith.constant 0 : index
    %get3A_1 = vector.load %arg1[%get3A, %get3A_0] : memref<2000x16xf32, #tpu.memory_space<vmem>>, vector<2000x13xf32>
    %swap3A = arith.constant 0 : index
    %swap3A_2 = arith.constant 0 : index
    %swap3A_3 = vector.load %arg2[%swap3A, %swap3A_2] : memref<2000x13xf32, #tpu.memory_space<vmem>>, vector<2000x13xf32>
    tpu.vector_store %arg2[%swap3A, %swap3A_2], %get3A_1 {strides = array<i32>} : memref<2000x13xf32, #tpu.memory_space<vmem>>, vector<2000x13xf32>,
    return
  }
  func.func @transform_0(%arg0: i32) -> (i32, i32) {
    %c0_i32 = arith.constant 0 : i32
    %c0_i32_0 = arith.constant 0 : i32
    return %arg0, %c0_i32 : i32, i32
  }
  func.func @transform_1(%arg0: i32) -> (i32, i32) {
    %c0_i32 = arith.constant 0 : i32
    %c0_i32_0 = arith.constant 0 : i32
    return %arg0, %c0_i32 : i32, i32
  }
}

</mosaic_0001>

<sc_bundles>
// kernel: kernel.10.cloned.1.call-start
scs
__scs_entry_jumppad:
0x0: {  	(pc) =	sbr.rel $0x88, $3  }
0x1: {  	(tag) =	ssettag $0x0;
	lr =	simm.s32 $0x1  }
0x2: {  	[smem:$0x3F88] =	sst lr;
	_ =	strace $0xD0000000  }
0x3: {  	_ = 	snop  }
0x4: {  	_ = 	snop  }
0x5: {  	_ = 	snop  }
0x6: {  	_ = 	snop  }
0x7: {  	_ = 	snop  }
__scs_overlays_trampoline_lowered:
0x8: {  	[smem:$0x3F97] =	sst s0  }
0x9: {  	[smem:$0x3F98] =	sst s1  }
0xa: {  	[smem:$0x3F99] =	sst s2  }
0xb: {  	[smem:$0x3F9A] =	sst s3  }
0xc: {  	[smem:$0x3F9B] =	sst s4  }
0xd: {  	[smem:$0x3F9C] =	sst s5  }
0xe: {  	[smem:$0x3F9D] =	sst s6  }
0xf: {  	[smem:$0x3F9E] =	sst s7  }
0x10: {  	[smem:$0x3F9F] =	sst s8  }
0x11: {  	[smem:$0x3FA0] =	sst s9;
	s0 =	simm.s32 @!p0 $0x0  }
0x12: {  	s1 =	sld [smem:$0x3F86];
	s0 =	simm.s32 @p0 $0x1  }
0x13: {  	[smem:$0x3FA1] =	sst s0;
	s0 =	simm.s32 @!p1 $0x0  }
0x14: {  	s2 =	sld [smem:$0x3F85];
	s0 =	simm.s32 @p1 $0x1  }
0x15: {  	[smem:$0x3FA2] =	sst s0;
	s0 =	simm.s32 @!p2 $0x0  }
0x16: {  	s3 =	sld [smem:$0x3FDB];
	s0 =	simm.s32 @p2 $0x1  }
0x17: {  	s4 =	simm.s32 $0x1BF5;
	[smem:$0x3FA4] =	sst s0  }
0x18: {  	s0 =	sld [smem:$0x3F87];
	_ =	swait.ge [sflag:s4], $0x0  }
0x19: {  	s7 =	sld [smem:$0x3F88]  }
0x1a: {  	s8 =	sadd.s32 $0xFFFFE003, lr  }
0x1b: {  	s9 =	sadd.s32 $0xFFFFFEF7, lr;
	s5 =	simm.s32 $0xFFFFFFFF;
	p2 =	slt.u32 s8, $0xFFFFF086  }
0x1c: {  	p1 =	slt.u32 s9, $0xF7A;
	s5 =	simm.s32 @!p2 $0x0  }
0x1d: {  	s5 =	simm.s32 @p1 $0x1;
	p0 =	seq.s32 s7, s2  }
0x1e: {  	s7 =	smul.u32 @!p0 $0xF7A, s2;
	p2 =	seq.s32 @!p0 s5, $0x0  }
0x1f: {  	s9 =	smul.u32 $0xF7A, s1;
	s8 =	simm.s32 @!p0 $0x1BF5;
	p2 =	por !p2, p0  }
0x20: {  	[sflag:s8] =	ssyncset.s32 @!p0 $0xFFFFF086;
	s6 =	sadd.s32 @!p0 s3, s7;
	s7 =	simm.s32 @!p0 $0x108  }
0x21: {  	s3 =	sadd.s32 s3, s9;
	s6 =	sadd.s32 @!p0 $0x88, s6;
	s7 =	simm.s32 @p2 $0x1082  }
0x22: {  	[simem:s7], [sflag:s8] =	dma.local @!p0 [hbm:s6], $0xF7A  }
0x23: {  	s9 =	sor.u32 $0xD0000000, s2;
	s6 =	simm.s32 $0x108;
	_ =	swait.ge @!p0 [sflag:s8], $0x0  }
0x24: {  	s3 =	sadd.s32 $0x88, s3;
	s6 =	simm.s32 @!p1 $0x1082;
	[sflag:s4] =	ssyncset.s32 $0xFFFFF086  }
0x25: {  	[simem:s6], [sflag:s4] =	dma.local [hbm:s3], $0xF7A  }
0x26: {  	[smem:$0x3F88] =	sst s1;
	(tag) =	ssettag s2;
	_ =	strace s9  }
0x27: {  	s1 =	sld [smem:$0x3F98]  }
0x28: {  	s2 =	sld [smem:$0x3F99]  }
0x29: {  	s4 =	sld [smem:$0x3F9B]  }
0x2a: {  	p0 =	seq.s32 s5, $0x0;
	s5 =	sld [smem:$0x3F9C]  }
0x2b: {  	s6 =	sld [smem:$0x3F9D]  }
0x2c: {  	s7 =	sld [smem:$0x3F9E]  }
0x2d: {  	s3 =	simm.s32 $0x108;
	s8 =	sld [smem:$0x3F9F]  }
0x2e: {  	s3 =	simm.s32 @!p0 $0x1082;
	s9 =	sld [smem:$0x3FA0]  }
0x2f: {  	lr =	sadd.s32 s0, s3;
	s0 =	sld [smem:$0x3F97]  }
0x30: {  	s3 =	sld [smem:$0x3F9A]  }
0x31: {  	[smem:$0x3FA3] =	sst s10  }
0x32: {  	s10 =	sld [smem:$0x3FA1];
	_ =	sdelay $0x3  }
0x33: {  	p0 =	seq.s32 s10, $0x1;
	s10 =	sld [smem:$0x3FA3];
	_ =	sdelay $0x3  }
0x34: {  	[smem:$0x3FA3] =	sst s10  }
0x35: {  	s10 =	sld [smem:$0x3FA2];
	_ =	sdelay $0x3  }
0x36: {  	p1 =	seq.s32 s10, $0x1;
	s10 =	sld [smem:$0x3FA3];
	_ =	sdelay $0x3  }
0x37: {  	[smem:$0x3FA3] =	sst s10  }
0x38: {  	s10 =	sld [smem:$0x3FA4]  }
0x39: {  	_ = 	snop;
	(pc) =	sbr.ind lr, $3  }
0x3a: {  	_ = 	snop  }
0x3b: {  	_ = 	snop  }
0x3c: {  	p2 =	seq.s32 s10, $0x1;
	s10 =	sld [smem:$0x3FA3]  }
0x3d: {  	_ =	shalt  }
0x3e: {  	_ =	shalt  }
0x3f: {  	_ =	shalt  }
0x40: {  	_ =	shalt  }
0x41: {  	_ =	shalt  }
0x42: {  	_ =	shalt  }
0x43: {  	_ =	shalt  }
0x44: {  	_ =	shalt  }
0x45: {  	_ =	shalt  }
0x46: {  	_ =	shalt  }
0x47: {  	_ =	shalt  }
0x48: {  	_ =	shalt  }
0x49: {  	_ =	shalt  }
0x4a: {  	_ =	shalt  }
0x4b: {  	_ =	shalt  }
0x4c: {  	_ =	shalt  }
0x4d: {  	_ =	shalt  }
0x4e: {  	_ =	shalt  }
0x4f: {  	_ =	shalt  }
0x50: {  	_ =	shalt  }
0x51: {  	_ =	shalt  }
0x52: {  	_ =	shalt  }
0x53: {  	_ =	shalt  }
0x54: {  	_ =	shalt  }
0x55: {  	_ =	shalt  }
0x56: {  	_ =	shalt  }
0x57: {  	_ =	shalt  }
0x58: {  	_ =	shalt  }
0x59: {  	_ =	shalt  }
0x5a: {  	_ =	shalt  }
0x5b: {  	_ =	shalt  }
0x5c: {  	_ =	shalt  }
0x5d: {  	_ =	shalt  }
0x5e: {  	_ =	shalt  }
0x5f: {  	_ =	shalt  }
0x60: {  	_ =	shalt  }
0x61: {  	_ =	shalt  }
0x62: {  	_ =	shalt  }
0x63: {  	_ =	shalt  }
0x64: {  	_ =	shalt  }
0x65: {  	_ =	shalt  }
0x66: {  	_ =	shalt  }
0x67: {  	_ =	shalt  }
0x68: {  	_ =	shalt  }
0x69: {  	_ =	shalt  }
0x6a: {  	_ =	shalt  }
0x6b: {  	_ =	shalt  }
0x6c: {  	_ =	shalt  }
0x6d: {  	_ =	shalt  }
0x6e: {  	_ =	shalt  }
0x6f: {  	_ =	shalt  }
0x70: {  	_ =	shalt  }
0x71: {  	_ =	shalt  }
0x72: {  	_ =	shalt  }
0x73: {  	_ =	shalt  }
0x74: {  	_ =	shalt  }
0x75: {  	_ =	shalt  }
0x76: {  	_ =	shalt  }
0x77: {  	_ =	shalt  }
0x78: {  	_ =	shalt  }
0x79: {  	_ =	shalt  }
0x7a: {  	_ =	shalt  }
0x7b: {  	_ =	shalt  }
0x7c: {  	_ =	shalt  }
0x7d: {  	_ =	shalt  }
0x7e: {  	_ =	shalt  }
0x7f: {  	_ =	shalt  }
0x80: {  	_ =	shalt  }
0x81: {  	_ =	shalt  }
0x82: {  	_ =	shalt  }
0x83: {  	_ =	shalt  }
0x84: {  	_ =	shalt  }
0x85: {  	_ =	shalt  }
0x86: {  	_ =	shalt  }
0x87: {  	_ =	shalt  }
.Lfunc_end0:
.L_simem_size_0:
called_computation_lowered:
.L_overlay_start_0:
0x88: {  	s2 =	sld [smem:$0x3FD9]  }
0x89: {  	s3 =	sld [smem:$0x3FFE];
	_ =	sdelay $0x1  }
0x8a: {  	s1 =	srdreg.scid  }
0x8b: {  	s0 =	sand.u32 $0x1, s1  }
0x8c: {  	s16 =	sshll.u32 s0, $0xA;
	s2 =	sadd.s32 s3, s2  }
0x8d: {  	s2 =	sadd.s32 s2, s16  }
0x8e: {  	[smem:$0x3FAF] =	sst s2  }
0x8f: {  	_ = 	snop  }
0x90: {  	(tm) =	ssettm $0x1  }
0x91: {  	s17 =	sld [smem:$0x3FFB];
	_ =	sdelay $0x3  }
0x92: {  	_ =	strace s17  }
0x93: {  	s2 =	sld [smem:$0x3FFC];
	_ =	sdelay $0x3  }
0x94: {  	_ =	strace s2  }
0x95: {  	s2 =	sld [smem:$0x3FFD];
	_ =	sdelay $0x3  }
0x96: {  	_ =	strace s2  }
0x97: {  	_ =	strace $0x8FFFFFFF  }
0x98: {  	s18 =	sld [smem:$0x3FDB];
	_ =	sdelay $0x1  }
0x99: {  	s19 =	simm.s32 $_scs_section_size  }
0x9a: {  	s4 =	simm.s32 $_size__tile_overlayer_lowered;
	s5 =	simm.s32 $_tile_overlayer_lowered  }
0x9b: {  	s22 =	simm.s32 $0x1BFF;
	s21 =	sshll.u32 s5, $0x1;
	s2 =	sadd.s32 s19, s18  }
0x9c: {  	s6 =	simm.s32 $0x0;
	s20 =	sshll.u32 s4, $0x1;
	s4 =	sadd.s32 s21, s2  }
0x9d: {  	[timem:s6], [sflag:s22] =	dma.local [hbm:s4], s20  }
0x9e: {  	_ =	swait.ge [sflag:s22], s20  }
0x9f: {  	s3 =	ssub.s32 $0x0, s20;
	[sflag:s22] =	ssyncset.done $0x0  }
0xa0: {  	[sflag:s22] =	ssyncadd.s32 s3;
	_ =	sdelay $0x1  }
0xa1: {  	s23 =	simm.s32 $0x1B8B  }
0xa2: {  	_ =	swait.ge [sflag:s23], $0x1  }
0xa3: {  	[sflag:s23] =	ssyncset.done $0x0  }
0xa4: {  	s25 =	simm.s32 $0x1B8E;
	s24 =	sld [smem:$0x3FFE];
	[sflag:s23] =	ssyncadd.s32 $0xFFFFFFFF  }
0xa5: {  	s26 =	simm.s32 $execute0_lowered;
	[smem:$0x3FD2] =	sst s25  }
0xa6: {  	s4 =	sshll.u32 s26, $0x1;
	_ =	strace $0x80000046;
	[dreg:$0x1] =	wrdreg $0xFFFFFFFF  }
0xa7: {  	s28 =	simm.s32 $_size_execute0_lowered;
	s2 =	sadd.s32 s2, s4;
	[dreg:$0x0] =	wrdreg $0x0  }
0xa8: {  	s4 =	sshll.u32 s28, $0x1;
	[dreg:$0x2] =	wrdreg s2  }
0xa9: {  	[dreg:$0x3] =	wrdreg s4  }
0xaa: {  	[dreg:$0x4] =	wrdreg $0xC0  }
0xab: {  	_ =	task [dreg:s6], $0x5FFFF  }
0xac: {  	[dreg:$0x1] =	wrdreg $0xFFFFFFFF  }
0xad: {  	[dreg:$0x0] =	wrdreg $0x60  }
0xae: {  	[dreg:$0x2] =	wrdreg s24  }
0xaf: {  	[dreg:$0x3] =	wrdreg $0x9  }
0xb0: {  	_ =	task.clear_ibuf [dreg:s6], $0x4FFFF;
	_ =	strace $0x90000046  }
0xb1: {  	s29 =	simm.s32 $0x9;
	_ =	strace $0x80000048  }
0xb2: {  	_ =	swait.ge [sflag:s29], $0x1  }
0xb3: {  	[sflag:s29] =	ssyncadd.s32 $0xFFFFFFFF  }
0xb4: {  	_ =	strace $0x90000048  }
0xb5: {  	_ =	sfence  }
0xb6: {  	s30 =	sld [smem:$0x0];
	_ =	sdelay $0x2  }
0xb7: {  	s31 =	sshll.u32 s1, $0xD;
	s1 =	sshrl.u32 s1, $0x2  }
0xb8: {  	s3 =	sand.u32 $0x4000, s31;
	s1 =	sadd.s32 s1, s30  }
0xb9: {  	s0 =	sor.u32 s3, s0;
	s1 =	sshll.u32 s1, $0x11  }
0xba: {  	s0 =	sor.u32 s1, s0  }
0xbb: {  	s0 =	sadd.s32 $0x8F2B, s0  }
0xbc: {  	[sflag:s0] =	ssyncadd.remote.s32 $0x1  }
0xbd: {  	_ =	sfence.sel $0xFFFF  }
0xbe: {  	[dreg:$0x0] =	wrdreg $0xFFFFFFFF;
	(pc) =	sbr.abs _section_cstart, $3  }
0xbf: {  	[dreg:$0x1] =	wrdreg $0xFFFFFFFF  }
0xc0: {  	_ =	task.clear_ibuf [dreg:s6], $0x2FFFF;
	_ =	strace $0x9FFFFFFF  }
0xc1: {  	(tm) =	ssettm $0x7FFFFFFF  }
tec
execute0_lowered:
.L_overlay_start_1:
0x0: {  	(tag) =	ssettag $0x1  }
0x1: {  	s0 =	srdreg.scid;
	s5 =	stileid.u32  }
0x2: {  	s1 =	rddreg [dreg:$0x0];
	s2 =	simm.s32 $0x0;
	s23 =	simm.s32 $0xF00  }
0x3: {  	s24 =	simm.s32 $0x100;
	s25 =	simm.s32 $0x1700;
	s26 =	simm.s32 $0x180  }
0x4: {  	s7 =	simm.s32 $0x80;
	s31 =	simm.s32 $0x1F00;
	s8 =	simm.s32 $0x700  }
0x5: {  	s11 =	simm.s32 $0x280;
	s12 =	simm.s32 $0x2F00;
	s13 =	simm.s32 $0x300  }
0x6: {  	s14 =	simm.s32 $0x3700;
	s15 =	simm.s32 $0x380;
	s16 =	simm.s32 $0x3F00  }
0x7: {  	s17 =	simm.s32 $0x400;
	s18 =	simm.s32 $0x4700;
	s19 =	simm.s32 $0x480  }
0x8: {  	s20 =	simm.s32 $0x4F00;
	s21 =	simm.s32 $0x500;
	[smem:$0x7FF] =	sst s2  }
0x9: {  	s28 =	simm.s32 $0x680;
	_ =	strace $0x80000047;
	[dreg:$0x3] =	wrdreg s23  }
0xa: {  	s29 =	simm.s32 $0x6F00;
	s3 =	smul.u32 $0x31000, s5;
	[dreg:$0x4] =	wrdreg s24  }
0xb: {  	s0 =	sand.u32 $0x1, s0;
	s5 =	smul.u32 $0x62000, s5;
	[dreg:$0x5] =	wrdreg s25  }
0xc: {  	s30 =	simm.s32 $0x1;
	s4 =	smul.u32 $0x18800, s0;
	[dreg:$0x6] =	wrdreg s26  }
0xd: {  	s6 =	ssub.s32 $0x2, s0;
	s0 =	smul.u32 $0x31000, s0;
	[dreg:$0x7] =	wrdreg s31  }
0xe: {  	s23 =	simm.s32 $0x580;
	s24 =	simm.s32 $0x5F00;
	s4 =	sadd.s32 s4, s3  }
0xf: {  	s22 =	sshrl.u32 s6, $0x1;
	s3 =	sadd.s32 $0x312200, s1;
	s4 =	sshrl.u32 s4, $0x3  }
0x10: {  	s4 =	sadd.s32 s4, s1;
	s1 =	sadd.s32 s5, s1;
	s5 =	ssub.s32 s6, s22  }
0x11: {  	s25 =	simm.s32 $0x600;
	s26 =	simm.s32 $0x6700;
	s5 =	smax.u32 s5, $0x1  }
0x12: {  	s4 =	sadd.s32 $0x373E00, s4;
	s0 =	sadd.s32 s0, s1;
	[dreg:$0x8] =	wrdreg s5  }
0x13: {  	s6 =	simm.s32 $0x2;
	[dreg:$0x2] =	wrdreg s4;
	s0 =	sadd.s32 $0x3D5E00, s0  }
0x14: {  	s22 =	simm.s32 $0x5700;
	s1 =	simm.s32 $0x0;
	[dreg:$0x9] =	wrdreg s0  }
.LBB2_1:
0x15: {  	s0 =	rddreg [dreg:$0x2]  }
0x16: {  	[dreg:$0xa] =	wrdreg s1;
	s0 =	sadd.s32 $0x0, s0  }
0x17: {  	[tilespmem:s2], [sflag:$0x2] =	stream.linear.gather [hbm4b:s0+s2], $0x700, $0x38;
	[tilespmem:$0x7700] =	vst v63  }
0x18: {  	_ =	swait.ge [sflag:s6], $0x700  }
0x19: {  	s10 =	rddreg [dreg:$0x4];
	[sflag:s6] =	ssyncset.done $0x0  }
0x1a: {  	s4 =	rddreg [dreg:$0x3];
	[sflag:s6] =	ssyncadd.s32 $0xFFFFF900  }
0x1b: {  	[tilespmem:s8], [sflag:$0x1] =	stream.indirect.gather [hbm4b:s3+s7], $0x10, s2, s7, $0xb8;
	[tilespmem:$0x7700] =	vst v63  }
0x1c: {  	s5 =	rddreg [dreg:$0x5]  }
0x1d: {  	[tilespmem:s4], [sflag:$0x1] =	stream.indirect.gather [hbm4b:s3+s7], $0x10, s7, s7, $0xb8;
	[tilespmem:$0x7700] =	vst v63  }
0x1e: {  	s31 =	rddreg [dreg:$0x7]  }
0x1f: {  	[tilespmem:s5], [sflag:$0x1] =	stream.indirect.gather [hbm4b:s3+s7], $0x10, s10, s7, $0xb8;
	[tilespmem:$0x7700] =	vst v63  }
0x20: {  	s9 =	rddreg [dreg:$0x6]  }
0x21: {  	[tilespmem:s31], [sflag:$0x1] =	stream.indirect.gather [hbm4b:s3+s7], $0x10, s9, s7, $0xb8;
	[tilespmem:$0x7700] =	vst v63  }
0x22: {  	s10 =	simm.s32 $0x200;
	s31 =	simm.s32 $0x2700  }
0x23: {  	[tilespmem:s31], [sflag:$0x1] =	stream.indirect.gather [hbm4b:s3+s7], $0x10, s10, s7, $0xb8;
	[tilespmem:$0x7700] =	vst v63  }
0x24: {  	_ = 	snop  }
0x25: {  	[tilespmem:s12], [sflag:$0x1] =	stream.indirect.gather [hbm4b:s3+s7], $0x10, s11, s7, $0xb8;
	[tilespmem:$0x7700] =	vst v63  }
0x26: {  	_ = 	snop  }
0x27: {  	[tilespmem:s14], [sflag:$0x1] =	stream.indirect.gather [hbm4b:s3+s7], $0x10, s13, s7, $0xb8;
	[tilespmem:$0x7700] =	vst v63  }
0x28: {  	_ = 	snop  }
0x29: {  	[tilespmem:s16], [sflag:$0x1] =	stream.indirect.gather [hbm4b:s3+s7], $0x10, s15, s7, $0xb8;
	[tilespmem:$0x7700] =	vst v63  }
0x2a: {  	_ = 	snop  }
0x2b: {  	[tilespmem:s18], [sflag:$0x1] =	stream.indirect.gather [hbm4b:s3+s7], $0x10, s17, s7, $0xb8;
	[tilespmem:$0x7700] =	vst v63  }
0x2c: {  	_ = 	snop  }
0x2d: {  	[tilespmem:s20], [sflag:$0x1] =	stream.indirect.gather [hbm4b:s3+s7], $0x10, s19, s7, $0xb8;
	[tilespmem:$0x7700] =	vst v63  }
0x2e: {  	_ = 	snop  }
0x2f: {  	[tilespmem:s22], [sflag:$0x1] =	stream.indirect.gather [hbm4b:s3+s7], $0x10, s21, s7, $0xb8;
	[tilespmem:$0x7700] =	vst v63  }
0x30: {  	_ = 	snop  }
0x31: {  	[tilespmem:s24], [sflag:$0x1] =	stream.indirect.gather [hbm4b:s3+s7], $0x10, s23, s7, $0xb8;
	[tilespmem:$0x7700] =	vst v63  }
0x32: {  	_ = 	snop  }
0x33: {  	[tilespmem:s26], [sflag:$0x1] =	stream.indirect.gather [hbm4b:s3+s7], $0x10, s25, s7, $0xb8;
	[tilespmem:$0x7700] =	vst v63  }
0x34: {  	_ = 	snop  }
0x35: {  	[tilespmem:s29], [sflag:$0x1] =	stream.indirect.gather [hbm4b:s3+s7], $0x10, s28, s7, $0xb8;
	[tilespmem:$0x7700] =	vst v63  }
0x36: {  	_ =	swait.ge [sflag:s30], $0x800  }
0x37: {  	[sflag:s30] =	ssyncset.done $0x0  }
0x38: {  	[sflag:s30] =	ssyncadd.s32 $0xFFFFF800  }
0x39: {  	_ =	swait.ge [sflag:s30], $0x800  }
0x3a: {  	[sflag:s30] =	ssyncset.done $0x0  }
0x3b: {  	[sflag:s30] =	ssyncadd.s32 $0xFFFFF800  }
0x3c: {  	_ =	swait.ge [sflag:s30], $0x800  }
0x3d: {  	[sflag:s30] =	ssyncset.done $0x0  }
0x3e: {  	[sflag:s30] =	ssyncadd.s32 $0xFFFFF800  }
0x3f: {  	_ =	swait.ge [sflag:s30], $0x800  }
0x40: {  	[sflag:s30] =	ssyncset.done $0x0  }
0x41: {  	[sflag:s30] =	ssyncadd.s32 $0xFFFFF800  }
0x42: {  	_ =	swait.ge [sflag:s30], $0x800  }
0x43: {  	[sflag:s30] =	ssyncset.done $0x0  }
0x44: {  	[sflag:s30] =	ssyncadd.s32 $0xFFFFF800  }
0x45: {  	_ =	swait.ge [sflag:s30], $0x800  }
0x46: {  	[sflag:s30] =	ssyncset.done $0x0  }
0x47: {  	[sflag:s30] =	ssyncadd.s32 $0xFFFFF800  }
0x48: {  	_ =	swait.ge [sflag:s30], $0x800  }
0x49: {  	[sflag:s30] =	ssyncset.done $0x0  }
0x4a: {  	[sflag:s30] =	ssyncadd.s32 $0xFFFFF800  }
0x4b: {  	_ =	swait.ge [sflag:s30], $0x800  }
0x4c: {  	[sflag:s30] =	ssyncset.done $0x0  }
0x4d: {  	[sflag:s30] =	ssyncadd.s32 $0xFFFFF800  }
0x4e: {  	_ =	swait.ge [sflag:s30], $0x800  }
0x4f: {  	[sflag:s30] =	ssyncset.done $0x0  }
0x50: {  	[sflag:s30] =	ssyncadd.s32 $0xFFFFF800  }
0x51: {  	_ =	swait.ge [sflag:s30], $0x800  }
0x52: {  	[sflag:s30] =	ssyncset.done $0x0  }
0x53: {  	[sflag:s30] =	ssyncadd.s32 $0xFFFFF800  }
0x54: {  	_ =	swait.ge [sflag:s30], $0x800  }
0x55: {  	[sflag:s30] =	ssyncset.done $0x0  }
0x56: {  	[sflag:s30] =	ssyncadd.s32 $0xFFFFF800  }
0x57: {  	_ =	swait.ge [sflag:s30], $0x800  }
0x58: {  	[sflag:s30] =	ssyncset.done $0x0  }
0x59: {  	[sflag:s30] =	ssyncadd.s32 $0xFFFFF800  }
0x5a: {  	_ =	swait.ge [sflag:s30], $0x800  }
0x5b: {  	[sflag:s30] =	ssyncset.done $0x0  }
0x5c: {  	[sflag:s30] =	ssyncadd.s32 $0xFFFFF800  }
0x5d: {  	_ =	swait.ge [sflag:s30], $0x800  }
0x5e: {  	[sflag:s30] =	ssyncset.done $0x0  }
0x5f: {  	s5 =	rddreg [dreg:$0x9];
	[sflag:s30] =	ssyncadd.s32 $0xFFFFF800  }
0x60: {  	[hbm4b:s5+s2] =	stream.linear.scatter [tilespmem:s8], [sflag:$0x2], $0x7000, $0x38;
	[tilespmem:$0x7700] =	vst v63  }
0x61: {  	s0 =	simm.s32 $0xE0;
	s4 =	simm.s32 $0x1C0;
	_ =	swait.ge [sflag:s6], $0x7000  }
.LBB2_2:
0x62: {  	s1 =	rddreg [dreg:$0x2];
	[sflag:s6] =	ssyncset.done $0x0  }
0x63: {  	[sflag:s6] =	ssyncadd.s32 $0xFFFF9000;
	s1 =	sadd.s32 s0, s1  }
0x64: {  	[tilespmem:s2], [sflag:$0x2] =	stream.linear.gather [hbm4b:s1+s2], $0x700, $0x38;
	[tilespmem:$0x7700] =	vst v63  }
0x65: {  	_ =	swait.ge [sflag:s6], $0x700  }
0x66: {  	s31 =	smov.u32 s4;
	[sflag:s6] =	ssyncset.done $0x0;
	s1 =	rddreg [dreg:$0x4]  }
0x67: {  	s0 =	smov.u32 s31;
	s31 =	rddreg [dreg:$0x3];
	[sflag:s6] =	ssyncadd.s32 $0xFFFFF900  }
0x68: {  	[tilespmem:s8], [sflag:$0x1] =	stream.indirect.gather [hbm4b:s3+s7], $0x10, s2, s7, $0xb8;
	[tilespmem:$0x7700] =	vst v63  }
0x69: {  	s9 =	rddreg [dreg:$0x5]  }
0x6a: {  	[tilespmem:s31], [sflag:$0x1] =	stream.indirect.gather [hbm4b:s3+s7], $0x10, s7, s7, $0xb8;
	[tilespmem:$0x7700] =	vst v63  }
0x6b: {  	s10 =	rddreg [dreg:$0x7]  }
0x6c: {  	[tilespmem:s9], [sflag:$0x1] =	stream.indirect.gather [hbm4b:s3+s7], $0x10, s1, s7, $0xb8;
	[tilespmem:$0x7700] =	vst v63  }
0x6d: {  	s31 =	rddreg [dreg:$0x6]  }
0x6e: {  	[tilespmem:s10], [sflag:$0x1] =	stream.indirect.gather [hbm4b:s3+s7], $0x10, s31, s7, $0xb8;
	[tilespmem:$0x7700] =	vst v63  }
0x6f: {  	s10 =	simm.s32 $0x200;
	s31 =	simm.s32 $0x2700  }
0x70: {  	[tilespmem:s31], [sflag:$0x1] =	stream.indirect.gather [hbm4b:s3+s7], $0x10, s10, s7, $0xb8;
	[tilespmem:$0x7700] =	vst v63  }
0x71: {  	_ = 	snop  }
0x72: {  	[tilespmem:s12], [sflag:$0x1] =	stream.indirect.gather [hbm4b:s3+s7], $0x10, s11, s7, $0xb8;
	[tilespmem:$0x7700] =	vst v63  }
0x73: {  	_ = 	snop  }
0x74: {  	[tilespmem:s14], [sflag:$0x1] =	stream.indirect.gather [hbm4b:s3+s7], $0x10, s13, s7, $0xb8;
	[tilespmem:$0x7700] =	vst v63  }
0x75: {  	_ = 	snop  }
0x76: {  	[tilespmem:s16], [sflag:$0x1] =	stream.indirect.gather [hbm4b:s3+s7], $0x10, s15, s7, $0xb8;
	[tilespmem:$0x7700] =	vst v63  }
0x77: {  	_ = 	snop  }
0x78: {  	[tilespmem:s18], [sflag:$0x1] =	stream.indirect.gather [hbm4b:s3+s7], $0x10, s17, s7, $0xb8;
	[tilespmem:$0x7700] =	vst v63  }
0x79: {  	_ = 	snop  }
0x7a: {  	[tilespmem:s20], [sflag:$0x1] =	stream.indirect.gather [hbm4b:s3+s7], $0x10, s19, s7, $0xb8;
	[tilespmem:$0x7700] =	vst v63  }
0x7b: {  	_ = 	snop  }
0x7c: {  	[tilespmem:s22], [sflag:$0x1] =	stream.indirect.gather [hbm4b:s3+s7], $0x10, s21, s7, $0xb8;
	[tilespmem:$0x7700] =	vst v63  }
0x7d: {  	_ = 	snop  }
0x7e: {  	[tilespmem:s24], [sflag:$0x1] =	stream.indirect.gather [hbm4b:s3+s7], $0x10, s23, s7, $0xb8;
	[tilespmem:$0x7700] =	vst v63  }
0x7f: {  	_ = 	snop  }
0x80: {  	[tilespmem:s26], [sflag:$0x1] =	stream.indirect.gather [hbm4b:s3+s7], $0x10, s25, s7, $0xb8;
	[tilespmem:$0x7700] =	vst v63  }
0x81: {  	_ = 	snop  }
0x82: {  	[tilespmem:s29], [sflag:$0x1] =	stream.indirect.gather [hbm4b:s3+s7], $0x10, s28, s7, $0xb8;
	[tilespmem:$0x7700] =	vst v63  }
0x83: {  	_ =	swait.ge [sflag:s30], $0x800  }
0x84: {  	[sflag:s30] =	ssyncset.done $0x0  }
0x85: {  	[sflag:s30] =	ssyncadd.s32 $0xFFFFF800  }
0x86: {  	_ =	swait.ge [sflag:s30], $0x800  }
0x87: {  	[sflag:s30] =	ssyncset.done $0x0  }
0x88: {  	[sflag:s30] =	ssyncadd.s32 $0xFFFFF800  }
0x89: {  	_ =	swait.ge [sflag:s30], $0x800  }
0x8a: {  	[sflag:s30] =	ssyncset.done $0x0  }
0x8b: {  	[sflag:s30] =	ssyncadd.s32 $0xFFFFF800  }
0x8c: {  	_ =	swait.ge [sflag:s30], $0x800  }
0x8d: {  	[sflag:s30] =	ssyncset.done $0x0  }
0x8e: {  	[sflag:s30] =	ssyncadd.s32 $0xFFFFF800  }
0x8f: {  	_ =	swait.ge [sflag:s30], $0x800  }
0x90: {  	[sflag:s30] =	ssyncset.done $0x0  }
0x91: {  	[sflag:s30] =	ssyncadd.s32 $0xFFFFF800  }
0x92: {  	_ =	swait.ge [sflag:s30], $0x800  }
0x93: {  	[sflag:s30] =	ssyncset.done $0x0  }
0x94: {  	[sflag:s30] =	ssyncadd.s32 $0xFFFFF800  }
0x95: {  	_ =	swait.ge [sflag:s30], $0x800  }
0x96: {  	[sflag:s30] =	ssyncset.done $0x0  }
0x97: {  	[sflag:s30] =	ssyncadd.s32 $0xFFFFF800  }
0x98: {  	_ =	swait.ge [sflag:s30], $0x800  }
0x99: {  	[sflag:s30] =	ssyncset.done $0x0  }
0x9a: {  	[sflag:s30] =	ssyncadd.s32 $0xFFFFF800  }
0x9b: {  	_ =	swait.ge [sflag:s30], $0x800  }
0x9c: {  	[sflag:s30] =	ssyncset.done $0x0  }
0x9d: {  	[sflag:s30] =	ssyncadd.s32 $0xFFFFF800  }
0x9e: {  	_ =	swait.ge [sflag:s30], $0x800  }
0x9f: {  	[sflag:s30] =	ssyncset.done $0x0  }
0xa0: {  	[sflag:s30] =	ssyncadd.s32 $0xFFFFF800  }
0xa1: {  	_ =	swait.ge [sflag:s30], $0x800  }
0xa2: {  	[sflag:s30] =	ssyncset.done $0x0  }
0xa3: {  	[sflag:s30] =	ssyncadd.s32 $0xFFFFF800  }
0xa4: {  	_ =	swait.ge [sflag:s30], $0x800  }
0xa5: {  	[sflag:s30] =	ssyncset.done $0x0  }
0xa6: {  	[sflag:s30] =	ssyncadd.s32 $0xFFFFF800  }
0xa7: {  	_ =	swait.ge [sflag:s30], $0x800  }
0xa8: {  	[sflag:s30] =	ssyncset.done $0x0  }
0xa9: {  	p0 =	sne.s32 s4, $0x3020;
	[sflag:s30] =	ssyncadd.s32 $0xFFFFF800  }
.Ltmp0:
0xaa: {  	_ =	swait.ge [sflag:s30], $0x800;
	(pc) =	sbr.rel @p0 .LBB2_2-.Ltmp0, $4  }
0xab: {  	[sflag:s30] =	ssyncset.done $0x0  }
0xac: {  	s5 =	sadd.s32 $0xE00, s5;
	[sflag:s30] =	ssyncadd.s32 $0xFFFFF800  }
0xad: {  	[hbm4b:s5+s2] =	stream.linear.scatter [tilespmem:s8], [sflag:$0x2], $0x7000, $0x38;
	[tilespmem:$0x7700] =	vst v63  }
0xae: {  	s4 =	sadd.s32 $0xE0, s4;
	_ =	swait.ge [sflag:s6], $0x7000  }
0xaf: {  	s1 =	rddreg [dreg:$0x2];
	[sflag:s6] =	ssyncset.done $0x0  }
0xb0: {  	[sflag:s6] =	ssyncadd.s32 $0xFFFF9000;
	s0 =	sadd.s32 s0, s1  }
0xb1: {  	[tilespmem:s2], [sflag:$0x2] =	stream.linear.gather [hbm4b:s0+s2], $0x700, $0x38;
	[tilespmem:$0x7700] =	vst v63  }
0xb2: {  	_ =	swait.ge [sflag:s6], $0x700  }
0xb3: {  	s0 =	rddreg [dreg:$0x4];
	[sflag:s6] =	ssyncset.done $0x0  }
0xb4: {  	s10 =	rddreg [dreg:$0x3];
	[sflag:s6] =	ssyncadd.s32 $0xFFFFF900  }
0xb5: {  	[tilespmem:s8], [sflag:$0x1] =	stream.indirect.gather [hbm4b:s3+s7], $0x10, s2, s7, $0xb8;
	[tilespmem:$0x7700] =	vst v63  }
0xb6: {  	s4 =	rddreg [dreg:$0x5]  }
0xb7: {  	[tilespmem:s10], [sflag:$0x1] =	stream.indirect.gather [hbm4b:s3+s7], $0x10, s7, s7, $0xb8;
	[tilespmem:$0x7700] =	vst v63  }
0xb8: {  	s9 =	rddreg [dreg:$0x7]  }
0xb9: {  	[tilespmem:s4], [sflag:$0x1] =	stream.indirect.gather [hbm4b:s3+s7], $0x10, s0, s7, $0xb8;
	[tilespmem:$0x7700] =	vst v63  }
0xba: {  	s31 =	rddreg [dreg:$0x6]  }
0xbb: {  	[tilespmem:s9], [sflag:$0x1] =	stream.indirect.gather [hbm4b:s3+s7], $0x10, s31, s7, $0xb8;
	[tilespmem:$0x7700] =	vst v63  }
0xbc: {  	s1 =	simm.s32 $0x200;
	s4 =	simm.s32 $0x2700  }
0xbd: {  	[tilespmem:s4], [sflag:$0x1] =	stream.indirect.gather [hbm4b:s3+s7], $0x10, s1, s7, $0xb8;
	[tilespmem:$0x7700] =	vst v63  }
0xbe: {  	_ = 	snop  }
0xbf: {  	[tilespmem:s12], [sflag:$0x1] =	stream.indirect.gather [hbm4b:s3+s7], $0x10, s11, s7, $0xb8;
	[tilespmem:$0x7700] =	vst v63  }
0xc0: {  	_ = 	snop  }
0xc1: {  	[tilespmem:s14], [sflag:$0x1] =	stream.indirect.gather [hbm4b:s3+s7], $0x10, s13, s7, $0xb8;
	[tilespmem:$0x7700] =	vst v63  }
0xc2: {  	_ = 	snop  }
0xc3: {  	[tilespmem:s16], [sflag:$0x1] =	stream.indirect.gather [hbm4b:s3+s7], $0x10, s15, s7, $0xb8;
	[tilespmem:$0x7700] =	vst v63  }
0xc4: {  	_ = 	snop  }
0xc5: {  	[tilespmem:s18], [sflag:$0x1] =	stream.indirect.gather [hbm4b:s3+s7], $0x10, s17, s7, $0xb8;
	[tilespmem:$0x7700] =	vst v63  }
0xc6: {  	_ = 	snop  }
0xc7: {  	[tilespmem:s20], [sflag:$0x1] =	stream.indirect.gather [hbm4b:s3+s7], $0x10, s19, s7, $0xb8;
	[tilespmem:$0x7700] =	vst v63  }
0xc8: {  	_ = 	snop  }
0xc9: {  	[tilespmem:s22], [sflag:$0x1] =	stream.indirect.gather [hbm4b:s3+s7], $0x10, s21, s7, $0xb8;
	[tilespmem:$0x7700] =	vst v63  }
0xca: {  	_ = 	snop  }
0xcb: {  	[tilespmem:s24], [sflag:$0x1] =	stream.indirect.gather [hbm4b:s3+s7], $0x10, s23, s7, $0xb8;
	[tilespmem:$0x7700] =	vst v63  }
0xcc: {  	_ = 	snop  }
0xcd: {  	[tilespmem:s26], [sflag:$0x1] =	stream.indirect.gather [hbm4b:s3+s7], $0x10, s25, s7, $0xb8;
	[tilespmem:$0x7700] =	vst v63  }
0xce: {  	_ = 	snop  }
0xcf: {  	[tilespmem:s29], [sflag:$0x1] =	stream.indirect.gather [hbm4b:s3+s7], $0x10, s28, s7, $0xb8;
	[tilespmem:$0x7700] =	vst v63  }
0xd0: {  	_ =	swait.ge [sflag:s30], $0x800  }
0xd1: {  	[sflag:s30] =	ssyncset.done $0x0  }
0xd2: {  	[sflag:s30] =	ssyncadd.s32 $0xFFFFF800  }
0xd3: {  	_ =	swait.ge [sflag:s30], $0x800  }
0xd4: {  	[sflag:s30] =	ssyncset.done $0x0  }
0xd5: {  	[sflag:s30] =	ssyncadd.s32 $0xFFFFF800  }
0xd6: {  	_ =	swait.ge [sflag:s30], $0x800  }
0xd7: {  	[sflag:s30] =	ssyncset.done $0x0  }
0xd8: {  	[sflag:s30] =	ssyncadd.s32 $0xFFFFF800  }
0xd9: {  	_ =	swait.ge [sflag:s30], $0x800  }
0xda: {  	[sflag:s30] =	ssyncset.done $0x0  }
0xdb: {  	[sflag:s30] =	ssyncadd.s32 $0xFFFFF800  }
0xdc: {  	_ =	swait.ge [sflag:s30], $0x800  }
0xdd: {  	[sflag:s30] =	ssyncset.done $0x0  }
0xde: {  	[sflag:s30] =	ssyncadd.s32 $0xFFFFF800  }
0xdf: {  	_ =	swait.ge [sflag:s30], $0x800  }
0xe0: {  	[sflag:s30] =	ssyncset.done $0x0  }
0xe1: {  	[sflag:s30] =	ssyncadd.s32 $0xFFFFF800  }
0xe2: {  	_ =	swait.ge [sflag:s30], $0x800  }
0xe3: {  	[sflag:s30] =	ssyncset.done $0x0  }
0xe4: {  	[sflag:s30] =	ssyncadd.s32 $0xFFFFF800  }
0xe5: {  	_ =	swait.ge [sflag:s30], $0x800  }
0xe6: {  	[sflag:s30] =	ssyncset.done $0x0  }
0xe7: {  	[sflag:s30] =	ssyncadd.s32 $0xFFFFF800  }
0xe8: {  	_ =	swait.ge [sflag:s30], $0x800  }
0xe9: {  	[sflag:s30] =	ssyncset.done $0x0  }
0xea: {  	[sflag:s30] =	ssyncadd.s32 $0xFFFFF800  }
0xeb: {  	_ =	swait.ge [sflag:s30], $0x800  }
0xec: {  	[sflag:s30] =	ssyncset.done $0x0  }
0xed: {  	[sflag:s30] =	ssyncadd.s32 $0xFFFFF800  }
0xee: {  	_ =	swait.ge [sflag:s30], $0x800  }
0xef: {  	[sflag:s30] =	ssyncset.done $0x0  }
0xf0: {  	[sflag:s30] =	ssyncadd.s32 $0xFFFFF800  }
0xf1: {  	_ =	swait.ge [sflag:s30], $0x800  }
0xf2: {  	[sflag:s30] =	ssyncset.done $0x0  }
0xf3: {  	[sflag:s30] =	ssyncadd.s32 $0xFFFFF800  }
0xf4: {  	_ =	swait.ge [sflag:s30], $0x800  }
0xf5: {  	[sflag:s30] =	ssyncset.done $0x0  }
0xf6: {  	[sflag:s30] =	ssyncadd.s32 $0xFFFFF800  }
0xf7: {  	_ =	swait.ge [sflag:s30], $0x800  }
0xf8: {  	[sflag:s30] =	ssyncset.done $0x0  }
0xf9: {  	s9 =	sadd.s32 $0xE00, s5;
	[sflag:s30] =	ssyncadd.s32 $0xFFFFF800  }
0xfa: {  	[hbm4b:s9+s2] =	stream.linear.scatter [tilespmem:s8], [sflag:$0x2], $0x7000, $0x38;
	[tilespmem:$0x7700] =	vst v63  }
0xfb: {  	_ =	swait.ge [sflag:s6], $0x7000  }
0xfc: {  	s10 =	rddreg [dreg:$0xa]  }
0xfd: {  	s31 =	rddreg [dreg:$0x8];
	s1 =	sadd.s32 $0x1, s10  }
0xfe: {  	p0 =	sne.s32 s1, s31  }
.Ltmp1:
0xff: {  	_ = 	snop;
	(pc) =	sbr.rel @p0 .LBB2_1-.Ltmp1, $3  }
0x100: {  	_ =	sdelay $0x1  }
0x101: {  	[sflag:s6] =	ssyncset.done $0x0  }
0x102: {  	[sflag:s6] =	ssyncadd.s32 $0xFFFF9000  }
0x103: {  	_ =	sfence.sel $0x180000  }
0x104: {  	[bflag:$0x0] =	sbarrier.arrive $0xFFFF  }
0x105: {  	_ =	strace $0x90000047  }
0x106: {  	s0 =	stileid.u32;
	[bflag:$0x2] =	sbarrier.arrive $0xFFFF  }
0x107: {  	p0 =	sne.s32 s0, $0x0;
	s0 =	rddreg [dreg:$0x1]  }
0x108: {  	s0 =	sadd.s32 @!p0 $0x100000, s0  }
0x109: {  	[sflag:s0] =	ssyncadd.tile.s32 @!p0 $0x1;
	_ =	shalt  }
.Lfunc_end2:
_tile_overlayer_lowered:
.L_overlay_start_2:
0x10a: {  	(tag) =	ssettag $0x2  }
0x10b: {  	s0 =	rddreg [dreg:$0x0];
	s2 =	stileid.u32  }
0x10c: {  	s1 =	rddreg [dreg:$0x1];
	p0 =	sne.s32 s2, $0x0  }
0x10d: {  	s3 =	rddreg [dreg:$0x2];
	[bflag:$0x3] =	sbarrier.arrive $0xFFFF;
	s2 =	simm.s32 @!p0 $0x1C02  }
0x10e: {  	[timem:s3], [sflag:s2] =	dma.local @!p0 [hbm:s0], s1  }
0x10f: {  	s0 =	simm.s32 @!p0 $0x2  }
0x110: {  	_ =	swait.ge @!p0 [sflag:s0], s1  }
0x111: {  	s1 =	ssub.s32 @!p0 $0x0, s1;
	[sflag:s0] =	ssyncset.done @!p0 $0x0  }
0x112: {  	[sflag:s0] =	ssyncadd.s32 @!p0 s1  }
0x113: {  	[bflag:$0x3] =	sbarrier.arrive $0xFFFF  }
0x114: {  	_ =	shalt  }

// kernel: kernel.13.cloned.1.call-start
scs
__scs_entry_jumppad:
0x0: {  	(pc) =	sbr.rel $0x88, $3  }
0x1: {  	(tag) =	ssettag $0x0;
	lr =	simm.s32 $0x1  }
0x2: {  	[smem:$0x3F88] =	sst lr;
	_ =	strace $0xD0000000  }
0x3: {  	_ = 	snop  }
0x4: {  	_ = 	snop  }
0x5: {  	_ = 	snop  }
0x6: {  	_ = 	snop  }
0x7: {  	_ = 	snop  }
__scs_overlays_trampoline_lowered:
0x8: {  	[smem:$0x3F97] =	sst s0  }
0x9: {  	[smem:$0x3F98] =	sst s1  }
0xa: {  	[smem:$0x3F99] =	sst s2  }
0xb: {  	[smem:$0x3F9A] =	sst s3  }
0xc: {  	[smem:$0x3F9B] =	sst s4  }
0xd: {  	[smem:$0x3F9C] =	sst s5  }
0xe: {  	[smem:$0x3F9D] =	sst s6  }
0xf: {  	[smem:$0x3F9E] =	sst s7  }
0x10: {  	[smem:$0x3F9F] =	sst s8  }
0x11: {  	[smem:$0x3FA0] =	sst s9;
	s0 =	simm.s32 @!p0 $0x0  }
0x12: {  	s1 =	sld [smem:$0x3F86];
	s0 =	simm.s32 @p0 $0x1  }
0x13: {  	[smem:$0x3FA1] =	sst s0;
	s0 =	simm.s32 @!p1 $0x0  }
0x14: {  	s2 =	sld [smem:$0x3F85];
	s0 =	simm.s32 @p1 $0x1  }
0x15: {  	[smem:$0x3FA2] =	sst s0;
	s0 =	simm.s32 @!p2 $0x0  }
0x16: {  	s3 =	sld [smem:$0x3FDB];
	s0 =	simm.s32 @p2 $0x1  }
0x17: {  	s4 =	simm.s32 $0x1BF5;
	[smem:$0x3FA4] =	sst s0  }
0x18: {  	s0 =	sld [smem:$0x3F87];
	_ =	swait.ge [sflag:s4], $0x0  }
0x19: {  	s7 =	sld [smem:$0x3F88]  }
0x1a: {  	s8 =	sadd.s32 $0xFFFFE003, lr  }
0x1b: {  	s9 =	sadd.s32 $0xFFFFFEF7, lr;
	s5 =	simm.s32 $0xFFFFFFFF;
	p2 =	slt.u32 s8, $0xFFFFF086  }
0x1c: {  	p1 =	slt.u32 s9, $0xF7A;
	s5 =	simm.s32 @!p2 $0x0  }
0x1d: {  	s5 =	simm.s32 @p1 $0x1;
	p0 =	seq.s32 s7, s2  }
0x1e: {  	s7 =	smul.u32 @!p0 $0xF7A, s2;
	p2 =	seq.s32 @!p0 s5, $0x0  }
0x1f: {  	s9 =	smul.u32 $0xF7A, s1;
	s8 =	simm.s32 @!p0 $0x1BF5;
	p2 =	por !p2, p0  }
0x20: {  	[sflag:s8] =	ssyncset.s32 @!p0 $0xFFFFF086;
	s6 =	sadd.s32 @!p0 s3, s7;
	s7 =	simm.s32 @!p0 $0x108  }
0x21: {  	s3 =	sadd.s32 s3, s9;
	s6 =	sadd.s32 @!p0 $0x88, s6;
	s7 =	simm.s32 @p2 $0x1082  }
0x22: {  	[simem:s7], [sflag:s8] =	dma.local @!p0 [hbm:s6], $0xF7A  }
0x23: {  	s9 =	sor.u32 $0xD0000000, s2;
	s6 =	simm.s32 $0x108;
	_ =	swait.ge @!p0 [sflag:s8], $0x0  }
0x24: {  	s3 =	sadd.s32 $0x88, s3;
	s6 =	simm.s32 @!p1 $0x1082;
	[sflag:s4] =	ssyncset.s32 $0xFFFFF086  }
0x25: {  	[simem:s6], [sflag:s4] =	dma.local [hbm:s3], $0xF7A  }
0x26: {  	[smem:$0x3F88] =	sst s1;
	(tag) =	ssettag s2;
	_ =	strace s9  }
0x27: {  	s1 =	sld [smem:$0x3F98]  }
0x28: {  	s2 =	sld [smem:$0x3F99]  }
0x29: {  	s4 =	sld [smem:$0x3F9B]  }
0x2a: {  	p0 =	seq.s32 s5, $0x0;
	s5 =	sld [smem:$0x3F9C]  }
0x2b: {  	s6 =	sld [smem:$0x3F9D]  }
0x2c: {  	s7 =	sld [smem:$0x3F9E]  }
0x2d: {  	s3 =	simm.s32 $0x108;
	s8 =	sld [smem:$0x3F9F]  }
0x2e: {  	s3 =	simm.s32 @!p0 $0x1082;
	s9 =	sld [smem:$0x3FA0]  }
0x2f: {  	lr =	sadd.s32 s0, s3;
	s0 =	sld [smem:$0x3F97]  }
0x30: {  	s3 =	sld [smem:$0x3F9A]  }
0x31: {  	[smem:$0x3FA3] =	sst s10  }
0x32: {  	s10 =	sld [smem:$0x3FA1];
	_ =	sdelay $0x3  }
0x33: {  	p0 =	seq.s32 s10, $0x1;
	s10 =	sld [smem:$0x3FA3];
	_ =	sdelay $0x3  }
0x34: {  	[smem:$0x3FA3] =	sst s10  }
0x35: {  	s10 =	sld [smem:$0x3FA2];
	_ =	sdelay $0x3  }
0x36: {  	p1 =	seq.s32 s10, $0x1;
	s10 =	sld [smem:$0x3FA3];
	_ =	sdelay $0x3  }
0x37: {  	[smem:$0x3FA3] =	sst s10  }
0x38: {  	s10 =	sld [smem:$0x3FA4]  }
0x39: {  	_ = 	snop;
	(pc) =	sbr.ind lr, $3  }
0x3a: {  	_ = 	snop  }
0x3b: {  	_ = 	snop  }
0x3c: {  	p2 =	seq.s32 s10, $0x1;
	s10 =	sld [smem:$0x3FA3]  }
0x3d: {  	_ =	shalt  }
0x3e: {  	_ =	shalt  }
0x3f: {  	_ =	shalt  }
0x40: {  	_ =	shalt  }
0x41: {  	_ =	shalt  }
0x42: {  	_ =	shalt  }
0x43: {  	_ =	shalt  }
0x44: {  	_ =	shalt  }
0x45: {  	_ =	shalt  }
0x46: {  	_ =	shalt  }
0x47: {  	_ =	shalt  }
0x48: {  	_ =	shalt  }
0x49: {  	_ =	shalt  }
0x4a: {  	_ =	shalt  }
0x4b: {  	_ =	shalt  }
0x4c: {  	_ =	shalt  }
0x4d: {  	_ =	shalt  }
0x4e: {  	_ =	shalt  }
0x4f: {  	_ =	shalt  }
0x50: {  	_ =	shalt  }
0x51: {  	_ =	shalt  }
0x52: {  	_ =	shalt  }
0x53: {  	_ =	shalt  }
0x54: {  	_ =	shalt  }
0x55: {  	_ =	shalt  }
0x56: {  	_ =	shalt  }
0x57: {  	_ =	shalt  }
0x58: {  	_ =	shalt  }
0x59: {  	_ =	shalt  }
0x5a: {  	_ =	shalt  }
0x5b: {  	_ =	shalt  }
0x5c: {  	_ =	shalt  }
0x5d: {  	_ =	shalt  }
0x5e: {  	_ =	shalt  }
0x5f: {  	_ =	shalt  }
0x60: {  	_ =	shalt  }
0x61: {  	_ =	shalt  }
0x62: {  	_ =	shalt  }
0x63: {  	_ =	shalt  }
0x64: {  	_ =	shalt  }
0x65: {  	_ =	shalt  }
0x66: {  	_ =	shalt  }
0x67: {  	_ =	shalt  }
0x68: {  	_ =	shalt  }
0x69: {  	_ =	shalt  }
0x6a: {  	_ =	shalt  }
0x6b: {  	_ =	shalt  }
0x6c: {  	_ =	shalt  }
0x6d: {  	_ =	shalt  }
0x6e: {  	_ =	shalt  }
0x6f: {  	_ =	shalt  }
0x70: {  	_ =	shalt  }
0x71: {  	_ =	shalt  }
0x72: {  	_ =	shalt  }
0x73: {  	_ =	shalt  }
0x74: {  	_ =	shalt  }
0x75: {  	_ =	shalt  }
0x76: {  	_ =	shalt  }
0x77: {  	_ =	shalt  }
0x78: {  	_ =	shalt  }
0x79: {  	_ =	shalt  }
0x7a: {  	_ =	shalt  }
0x7b: {  	_ =	shalt  }
0x7c: {  	_ =	shalt  }
0x7d: {  	_ =	shalt  }
0x7e: {  	_ =	shalt  }
0x7f: {  	_ =	shalt  }
0x80: {  	_ =	shalt  }
0x81: {  	_ =	shalt  }
0x82: {  	_ =	shalt  }
0x83: {  	_ =	shalt  }
0x84: {  	_ =	shalt  }
0x85: {  	_ =	shalt  }
0x86: {  	_ =	shalt  }
0x87: {  	_ =	shalt  }
.Lfunc_end0:
.L_simem_size_0:
called_computation.1_lowered:
.L_overlay_start_0:
0x88: {  	s2 =	sld [smem:$0x3FD9]  }
0x89: {  	s3 =	sld [smem:$0x3FFE];
	_ =	sdelay $0x1  }
0x8a: {  	s1 =	srdreg.scid  }
0x8b: {  	s0 =	sand.u32 $0x1, s1  }
0x8c: {  	s17 =	sshll.u32 s0, $0xA;
	s2 =	sadd.s32 s3, s2  }
0x8d: {  	s2 =	sadd.s32 s2, s17  }
0x8e: {  	[smem:$0x3FAF] =	sst s2  }
0x8f: {  	_ = 	snop  }
0x90: {  	s2 =	sld [smem:$0x3FD0];
	(tm) =	ssettm $0x1  }
0x91: {  	s18 =	sld [smem:$0x3FFB];
	_ =	sdelay $0x3  }
0x92: {  	_ =	strace s18  }
0x93: {  	s3 =	sld [smem:$0x3FFC];
	_ =	sdelay $0x3  }
0x94: {  	_ =	strace s3  }
0x95: {  	s3 =	sld [smem:$0x3FFD];
	_ =	sdelay $0x3  }
0x96: {  	_ =	strace s3  }
0x97: {  	_ =	strace $0x8FFFFFFF  }
0x98: {  	s19 =	sld [smem:$0x3FDB];
	_ =	sdelay $0x1  }
0x99: {  	s4 =	simm.s32 $_scs_section_size  }
0x9a: {  	s5 =	simm.s32 $_size__tile_overlayer_lowered;
	s6 =	simm.s32 $_tile_overlayer_lowered  }
0x9b: {  	s22 =	simm.s32 $0x1BFF;
	s21 =	sshll.u32 s6, $0x1;
	s3 =	sadd.s32 s4, s19  }
0x9c: {  	s7 =	simm.s32 $0x0;
	s20 =	sshll.u32 s5, $0x1;
	s5 =	sadd.s32 s21, s3  }
0x9d: {  	[timem:s7], [sflag:s22] =	dma.local [hbm:s5], s20  }
0x9e: {  	_ =	swait.ge [sflag:s22], s20  }
0x9f: {  	s4 =	ssub.s32 $0x0, s20;
	[sflag:s22] =	ssyncset.done $0x0  }
0xa0: {  	[sflag:s22] =	ssyncadd.s32 s4;
	_ =	sdelay $0x1  }
0xa1: {  	s23 =	simm.s32 $0x1B8B  }
0xa2: {  	_ =	swait.ge [sflag:s23], $0x1  }
0xa3: {  	[sflag:s23] =	ssyncset.done $0x0  }
0xa4: {  	s25 =	simm.s32 $0x1B8E;
	s24 =	sld [smem:$0x3FFE];
	[sflag:s23] =	ssyncadd.s32 $0xFFFFFFFF  }
0xa5: {  	s26 =	simm.s32 $execute0_lowered;
	[smem:$0x3FD2] =	sst s25  }
0xa6: {  	s5 =	sshll.u32 s26, $0x1;
	_ =	strace $0x80000049;
	[dreg:$0x1] =	wrdreg $0xFFFFFFFF  }
0xa7: {  	s28 =	simm.s32 $_size_execute0_lowered;
	s3 =	sadd.s32 s3, s5;
	[dreg:$0x0] =	wrdreg $0x0  }
0xa8: {  	s5 =	sshll.u32 s28, $0x1;
	[dreg:$0x2] =	wrdreg s3  }
0xa9: {  	[dreg:$0x3] =	wrdreg s5  }
0xaa: {  	[dreg:$0x4] =	wrdreg $0xC0  }
0xab: {  	_ =	task [dreg:s7], $0x5FFFF  }
0xac: {  	[dreg:$0x1] =	wrdreg $0xFFFFFFFF  }
0xad: {  	[dreg:$0x0] =	wrdreg $0x60  }
0xae: {  	[dreg:$0x2] =	wrdreg s2  }
0xaf: {  	[dreg:$0x3] =	wrdreg s24  }
0xb0: {  	[dreg:$0x4] =	wrdreg $0x9  }
0xb1: {  	_ =	task.clear_ibuf [dreg:s7], $0x5FFFF;
	_ =	strace $0x90000049  }
0xb2: {  	s29 =	simm.s32 $0x9;
	_ =	strace $0x8000004B  }
0xb3: {  	_ =	swait.ge [sflag:s29], $0x1  }
0xb4: {  	[sflag:s29] =	ssyncadd.s32 $0xFFFFFFFF  }
0xb5: {  	_ =	strace $0x9000004B  }
0xb6: {  	_ =	sfence  }
0xb7: {  	s30 =	sld [smem:$0x0];
	_ =	sdelay $0x2  }
0xb8: {  	s31 =	sshll.u32 s1, $0xD;
	s1 =	sshrl.u32 s1, $0x2  }
0xb9: {  	s3 =	sand.u32 $0x4000, s31;
	s1 =	sadd.s32 s1, s30  }
0xba: {  	s0 =	sor.u32 s3, s0;
	s1 =	sshll.u32 s1, $0x11  }
0xbb: {  	s0 =	sor.u32 s1, s0  }
0xbc: {  	s0 =	sadd.s32 $0x8F2B, s0  }
0xbd: {  	[sflag:s0] =	ssyncadd.remote.s32 $0x1  }
0xbe: {  	_ =	sfence.sel $0xFFFF  }
0xbf: {  	[dreg:$0x0] =	wrdreg $0xFFFFFFFF;
	(pc) =	sbr.abs _section_cstart, $3  }
0xc0: {  	[dreg:$0x1] =	wrdreg $0xFFFFFFFF  }
0xc1: {  	_ =	task.clear_ibuf [dreg:s7], $0x2FFFF;
	_ =	strace $0x9FFFFFFF  }
0xc2: {  	(tm) =	ssettm $0x7FFFFFFF  }
0xc3: {  	_ =	shalt  }
tec
execute0_lowered:
.L_overlay_start_1:
0x0: {  	(tag) =	ssettag $0x1  }
0x1: {  	s0 =	srdreg.scid;
	s2 =	rddreg [dreg:$0x0]  }
0x2: {  	s1 =	stileid.u32;
	s5 =	rddreg [dreg:$0x1];
	s3 =	simm.s32 $0x0  }
0x3: {  	s23 =	simm.s32 $0xB00;
	s24 =	simm.s32 $0x100;
	s25 =	simm.s32 $0xF00  }
0x4: {  	s6 =	simm.s32 $0x2;
	s26 =	simm.s32 $0x180;
	s7 =	simm.s32 $0x80  }
0x5: {  	s31 =	simm.s32 $0x1300;
	s8 =	simm.s32 $0x700;
	s11 =	simm.s32 $0x280  }
0x6: {  	s12 =	simm.s32 $0x1B00;
	s13 =	simm.s32 $0x300;
	s14 =	simm.s32 $0x1F00  }
0x7: {  	s15 =	simm.s32 $0x380;
	s16 =	simm.s32 $0x2300;
	s17 =	simm.s32 $0x400  }
0x8: {  	s18 =	simm.s32 $0x2700;
	s19 =	simm.s32 $0x480;
	[smem:$0x7FF] =	sst s3  }
0x9: {  	s20 =	simm.s32 $0x2B00;
	_ =	strace $0x8000004A;
	[dreg:$0x4] =	wrdreg s23  }
0xa: {  	s21 =	simm.s32 $0x500;
	s28 =	simm.s32 $0x680;
	[dreg:$0x5] =	wrdreg s24  }
0xb: {  	s29 =	simm.s32 $0x3B00;
	s30 =	simm.s32 $0x1;
	[dreg:$0x6] =	wrdreg s25  }
0xc: {  	s0 =	sand.u32 $0x1, s0;
	s1 =	smul.u32 $0x31000, s1;
	[dreg:$0x7] =	wrdreg s26  }
0xd: {  	s4 =	smul.u32 $0x18800, s0;
	s0 =	ssub.s32 $0x2, s0;
	[dreg:$0x8] =	wrdreg s31  }
0xe: {  	s23 =	simm.s32 $0x580;
	s24 =	simm.s32 $0x3300;
	s22 =	sshrl.u32 s0, $0x1  }
0xf: {  	s25 =	simm.s32 $0x600;
	s1 =	sadd.s32 s4, s1;
	s0 =	ssub.s32 s0, s22  }
0x10: {  	s4 =	sshrl.u32 s1, $0x3;
	s1 =	sadd.s32 s1, s5;
	s0 =	smax.u32 s0, $0x1  }
0x11: {  	s4 =	sadd.s32 s4, s5;
	[dreg:$0x9] =	wrdreg s0;
	s1 =	sadd.s32 $0x3D5E00, s1  }
0x12: {  	s26 =	simm.s32 $0x3700;
	s4 =	sadd.s32 $0x373E00, s4;
	[dreg:$0xa] =	wrdreg s1  }
0x13: {  	s22 =	simm.s32 $0x2F00;
	s1 =	simm.s32 $0x0;
	[dreg:$0x3] =	wrdreg s4  }
.LBB2_1:
0x14: {  	s0 =	rddreg [dreg:$0x3]  }
0x15: {  	[dreg:$0xb] =	wrdreg s1;
	s0 =	sadd.s32 $0x0, s0  }
0x16: {  	[tilespmem:s3], [sflag:$0x2] =	stream.linear.gather [hbm4b:s0+s3], $0x700, $0x38;
	[tilespmem:$0x3F00] =	vst v63  }
0x17: {  	_ =	swait.ge [sflag:s6], $0x700  }
0x18: {  	s10 =	rddreg [dreg:$0x5];
	[sflag:s6] =	ssyncset.done $0x0  }
0x19: {  	s4 =	rddreg [dreg:$0x4];
	[sflag:s6] =	ssyncadd.s32 $0xFFFFF900  }
0x1a: {  	[tilespmem:s8], [sflag:$0x1] =	stream.indirect.gather [hbm4b:s2+s7], $0x8, s3, s7, $0xb8;
	[tilespmem:$0x3F00] =	vst v63  }
0x1b: {  	s5 =	rddreg [dreg:$0x6]  }
0x1c: {  	[tilespmem:s4], [sflag:$0x1] =	stream.indirect.gather [hbm4b:s2+s7], $0x8, s7, s7, $0xb8;
	[tilespmem:$0x3F00] =	vst v63  }
0x1d: {  	s31 =	rddreg [dreg:$0x8]  }
0x1e: {  	[tilespmem:s5], [sflag:$0x1] =	stream.indirect.gather [hbm4b:s2+s7], $0x8, s10, s7, $0xb8;
	[tilespmem:$0x3F00] =	vst v63  }
0x1f: {  	s9 =	rddreg [dreg:$0x7]  }
0x20: {  	[tilespmem:s31], [sflag:$0x1] =	stream.indirect.gather [hbm4b:s2+s7], $0x8, s9, s7, $0xb8;
	[tilespmem:$0x3F00] =	vst v63  }
0x21: {  	s10 =	simm.s32 $0x200;
	s31 =	simm.s32 $0x1700  }
0x22: {  	[tilespmem:s31], [sflag:$0x1] =	stream.indirect.gather [hbm4b:s2+s7], $0x8, s10, s7, $0xb8;
	[tilespmem:$0x3F00] =	vst v63  }
0x23: {  	_ = 	snop  }
0x24: {  	[tilespmem:s12], [sflag:$0x1] =	stream.indirect.gather [hbm4b:s2+s7], $0x8, s11, s7, $0xb8;
	[tilespmem:$0x3F00] =	vst v63  }
0x25: {  	_ = 	snop  }
0x26: {  	[tilespmem:s14], [sflag:$0x1] =	stream.indirect.gather [hbm4b:s2+s7], $0x8, s13, s7, $0xb8;
	[tilespmem:$0x3F00] =	vst v63  }
0x27: {  	_ = 	snop  }
0x28: {  	[tilespmem:s16], [sflag:$0x1] =	stream.indirect.gather [hbm4b:s2+s7], $0x8, s15, s7, $0xb8;
	[tilespmem:$0x3F00] =	vst v63  }
0x29: {  	_ = 	snop  }
0x2a: {  	[tilespmem:s18], [sflag:$0x1] =	stream.indirect.gather [hbm4b:s2+s7], $0x8, s17, s7, $0xb8;
	[tilespmem:$0x3F00] =	vst v63  }
0x2b: {  	_ = 	snop  }
0x2c: {  	[tilespmem:s20], [sflag:$0x1] =	stream.indirect.gather [hbm4b:s2+s7], $0x8, s19, s7, $0xb8;
	[tilespmem:$0x3F00] =	vst v63  }
0x2d: {  	_ = 	snop  }
0x2e: {  	[tilespmem:s22], [sflag:$0x1] =	stream.indirect.gather [hbm4b:s2+s7], $0x8, s21, s7, $0xb8;
	[tilespmem:$0x3F00] =	vst v63  }
0x2f: {  	_ = 	snop  }
0x30: {  	[tilespmem:s24], [sflag:$0x1] =	stream.indirect.gather [hbm4b:s2+s7], $0x8, s23, s7, $0xb8;
	[tilespmem:$0x3F00] =	vst v63  }
0x31: {  	_ = 	snop  }
0x32: {  	[tilespmem:s26], [sflag:$0x1] =	stream.indirect.gather [hbm4b:s2+s7], $0x8, s25, s7, $0xb8;
	[tilespmem:$0x3F00] =	vst v63  }
0x33: {  	_ = 	snop  }
0x34: {  	[tilespmem:s29], [sflag:$0x1] =	stream.indirect.gather [hbm4b:s2+s7], $0x8, s28, s7, $0xb8;
	[tilespmem:$0x3F00] =	vst v63  }
0x35: {  	_ =	swait.ge [sflag:s30], $0x400  }
0x36: {  	[sflag:s30] =	ssyncset.done $0x0  }
0x37: {  	[sflag:s30] =	ssyncadd.s32 $0xFFFFFC00  }
0x38: {  	_ =	swait.ge [sflag:s30], $0x400  }
0x39: {  	[sflag:s30] =	ssyncset.done $0x0  }
0x3a: {  	[sflag:s30] =	ssyncadd.s32 $0xFFFFFC00  }
0x3b: {  	_ =	swait.ge [sflag:s30], $0x400  }
0x3c: {  	[sflag:s30] =	ssyncset.done $0x0  }
0x3d: {  	[sflag:s30] =	ssyncadd.s32 $0xFFFFFC00  }
0x3e: {  	_ =	swait.ge [sflag:s30], $0x400  }
0x3f: {  	[sflag:s30] =	ssyncset.done $0x0  }
0x40: {  	[sflag:s30] =	ssyncadd.s32 $0xFFFFFC00  }
0x41: {  	_ =	swait.ge [sflag:s30], $0x400  }
0x42: {  	[sflag:s30] =	ssyncset.done $0x0  }
0x43: {  	[sflag:s30] =	ssyncadd.s32 $0xFFFFFC00  }
0x44: {  	_ =	swait.ge [sflag:s30], $0x400  }
0x45: {  	[sflag:s30] =	ssyncset.done $0x0  }
0x46: {  	[sflag:s30] =	ssyncadd.s32 $0xFFFFFC00  }
0x47: {  	_ =	swait.ge [sflag:s30], $0x400  }
0x48: {  	[sflag:s30] =	ssyncset.done $0x0  }
0x49: {  	[sflag:s30] =	ssyncadd.s32 $0xFFFFFC00  }
0x4a: {  	_ =	swait.ge [sflag:s30], $0x400  }
0x4b: {  	[sflag:s30] =	ssyncset.done $0x0  }
0x4c: {  	[sflag:s30] =	ssyncadd.s32 $0xFFFFFC00  }
0x4d: {  	_ =	swait.ge [sflag:s30], $0x400  }
0x4e: {  	[sflag:s30] =	ssyncset.done $0x0  }
0x4f: {  	[sflag:s30] =	ssyncadd.s32 $0xFFFFFC00  }
0x50: {  	_ =	swait.ge [sflag:s30], $0x400  }
0x51: {  	[sflag:s30] =	ssyncset.done $0x0  }
0x52: {  	[sflag:s30] =	ssyncadd.s32 $0xFFFFFC00  }
0x53: {  	_ =	swait.ge [sflag:s30], $0x400  }
0x54: {  	[sflag:s30] =	ssyncset.done $0x0  }
0x55: {  	[sflag:s30] =	ssyncadd.s32 $0xFFFFFC00  }
0x56: {  	_ =	swait.ge [sflag:s30], $0x400  }
0x57: {  	[sflag:s30] =	ssyncset.done $0x0  }
0x58: {  	[sflag:s30] =	ssyncadd.s32 $0xFFFFFC00  }
0x59: {  	_ =	swait.ge [sflag:s30], $0x400  }
0x5a: {  	[sflag:s30] =	ssyncset.done $0x0  }
0x5b: {  	[sflag:s30] =	ssyncadd.s32 $0xFFFFFC00  }
0x5c: {  	_ =	swait.ge [sflag:s30], $0x400  }
0x5d: {  	[sflag:s30] =	ssyncset.done $0x0  }
0x5e: {  	s5 =	rddreg [dreg:$0xa];
	[sflag:s30] =	ssyncadd.s32 $0xFFFFFC00  }
0x5f: {  	[hbm4b:s5+s3] =	stream.linear.scatter [tilespmem:s8], [sflag:$0x2], $0x3800, $0x38;
	[tilespmem:$0x3F00] =	vst v63  }
0x60: {  	s0 =	simm.s32 $0xE0;
	s4 =	simm.s32 $0x1C0;
	_ =	swait.ge [sflag:s6], $0x3800  }
.LBB2_2:
0x61: {  	s1 =	rddreg [dreg:$0x3];
	[sflag:s6] =	ssyncset.done $0x0  }
0x62: {  	[sflag:s6] =	ssyncadd.s32 $0xFFFFC800;
	s1 =	sadd.s32 s0, s1  }
0x63: {  	[tilespmem:s3], [sflag:$0x2] =	stream.linear.gather [hbm4b:s1+s3], $0x700, $0x38;
	[tilespmem:$0x3F00] =	vst v63  }
0x64: {  	_ =	swait.ge [sflag:s6], $0x700  }
0x65: {  	s31 =	smov.u32 s4;
	[sflag:s6] =	ssyncset.done $0x0;
	s1 =	rddreg [dreg:$0x5]  }
0x66: {  	s0 =	smov.u32 s31;
	s31 =	rddreg [dreg:$0x4];
	[sflag:s6] =	ssyncadd.s32 $0xFFFFF900  }
0x67: {  	[tilespmem:s8], [sflag:$0x1] =	stream.indirect.gather [hbm4b:s2+s7], $0x8, s3, s7, $0xb8;
	[tilespmem:$0x3F00] =	vst v63  }
0x68: {  	s9 =	rddreg [dreg:$0x6]  }
0x69: {  	[tilespmem:s31], [sflag:$0x1] =	stream.indirect.gather [hbm4b:s2+s7], $0x8, s7, s7, $0xb8;
	[tilespmem:$0x3F00] =	vst v63  }
0x6a: {  	s10 =	rddreg [dreg:$0x8]  }
0x6b: {  	[tilespmem:s9], [sflag:$0x1] =	stream.indirect.gather [hbm4b:s2+s7], $0x8, s1, s7, $0xb8;
	[tilespmem:$0x3F00] =	vst v63  }
0x6c: {  	s31 =	rddreg [dreg:$0x7]  }
0x6d: {  	[tilespmem:s10], [sflag:$0x1] =	stream.indirect.gather [hbm4b:s2+s7], $0x8, s31, s7, $0xb8;
	[tilespmem:$0x3F00] =	vst v63  }
0x6e: {  	s10 =	simm.s32 $0x200;
	s31 =	simm.s32 $0x1700  }
0x6f: {  	[tilespmem:s31], [sflag:$0x1] =	stream.indirect.gather [hbm4b:s2+s7], $0x8, s10, s7, $0xb8;
	[tilespmem:$0x3F00] =	vst v63  }
0x70: {  	_ = 	snop  }
0x71: {  	[tilespmem:s12], [sflag:$0x1] =	stream.indirect.gather [hbm4b:s2+s7], $0x8, s11, s7, $0xb8;
	[tilespmem:$0x3F00] =	vst v63  }
0x72: {  	_ = 	snop  }
0x73: {  	[tilespmem:s14], [sflag:$0x1] =	stream.indirect.gather [hbm4b:s2+s7], $0x8, s13, s7, $0xb8;
	[tilespmem:$0x3F00] =	vst v63  }
0x74: {  	_ = 	snop  }
0x75: {  	[tilespmem:s16], [sflag:$0x1] =	stream.indirect.gather [hbm4b:s2+s7], $0x8, s15, s7, $0xb8;
	[tilespmem:$0x3F00] =	vst v63  }
0x76: {  	_ = 	snop  }
0x77: {  	[tilespmem:s18], [sflag:$0x1] =	stream.indirect.gather [hbm4b:s2+s7], $0x8, s17, s7, $0xb8;
	[tilespmem:$0x3F00] =	vst v63  }
0x78: {  	_ = 	snop  }
0x79: {  	[tilespmem:s20], [sflag:$0x1] =	stream.indirect.gather [hbm4b:s2+s7], $0x8, s19, s7, $0xb8;
	[tilespmem:$0x3F00] =	vst v63  }
0x7a: {  	_ = 	snop  }
0x7b: {  	[tilespmem:s22], [sflag:$0x1] =	stream.indirect.gather [hbm4b:s2+s7], $0x8, s21, s7, $0xb8;
	[tilespmem:$0x3F00] =	vst v63  }
0x7c: {  	_ = 	snop  }
0x7d: {  	[tilespmem:s24], [sflag:$0x1] =	stream.indirect.gather [hbm4b:s2+s7], $0x8, s23, s7, $0xb8;
	[tilespmem:$0x3F00] =	vst v63  }
0x7e: {  	_ = 	snop  }
0x7f: {  	[tilespmem:s26], [sflag:$0x1] =	stream.indirect.gather [hbm4b:s2+s7], $0x8, s25, s7, $0xb8;
	[tilespmem:$0x3F00] =	vst v63  }
0x80: {  	_ = 	snop  }
0x81: {  	[tilespmem:s29], [sflag:$0x1] =	stream.indirect.gather [hbm4b:s2+s7], $0x8, s28, s7, $0xb8;
	[tilespmem:$0x3F00] =	vst v63  }
0x82: {  	_ =	swait.ge [sflag:s30], $0x400  }
0x83: {  	[sflag:s30] =	ssyncset.done $0x0  }
0x84: {  	[sflag:s30] =	ssyncadd.s32 $0xFFFFFC00  }
0x85: {  	_ =	swait.ge [sflag:s30], $0x400  }
0x86: {  	[sflag:s30] =	ssyncset.done $0x0  }
0x87: {  	[sflag:s30] =	ssyncadd.s32 $0xFFFFFC00  }
0x88: {  	_ =	swait.ge [sflag:s30], $0x400  }
0x89: {  	[sflag:s30] =	ssyncset.done $0x0  }
0x8a: {  	[sflag:s30] =	ssyncadd.s32 $0xFFFFFC00  }
0x8b: {  	_ =	swait.ge [sflag:s30], $0x400  }
0x8c: {  	[sflag:s30] =	ssyncset.done $0x0  }
0x8d: {  	[sflag:s30] =	ssyncadd.s32 $0xFFFFFC00  }
0x8e: {  	_ =	swait.ge [sflag:s30], $0x400  }
0x8f: {  	[sflag:s30] =	ssyncset.done $0x0  }
0x90: {  	[sflag:s30] =	ssyncadd.s32 $0xFFFFFC00  }
0x91: {  	_ =	swait.ge [sflag:s30], $0x400  }
0x92: {  	[sflag:s30] =	ssyncset.done $0x0  }
0x93: {  	[sflag:s30] =	ssyncadd.s32 $0xFFFFFC00  }
0x94: {  	_ =	swait.ge [sflag:s30], $0x400  }
0x95: {  	[sflag:s30] =	ssyncset.done $0x0  }
0x96: {  	[sflag:s30] =	ssyncadd.s32 $0xFFFFFC00  }
0x97: {  	_ =	swait.ge [sflag:s30], $0x400  }
0x98: {  	[sflag:s30] =	ssyncset.done $0x0  }
0x99: {  	[sflag:s30] =	ssyncadd.s32 $0xFFFFFC00  }
0x9a: {  	_ =	swait.ge [sflag:s30], $0x400  }
0x9b: {  	[sflag:s30] =	ssyncset.done $0x0  }
0x9c: {  	[sflag:s30] =	ssyncadd.s32 $0xFFFFFC00  }
0x9d: {  	_ =	swait.ge [sflag:s30], $0x400  }
0x9e: {  	[sflag:s30] =	ssyncset.done $0x0  }
0x9f: {  	[sflag:s30] =	ssyncadd.s32 $0xFFFFFC00  }
0xa0: {  	_ =	swait.ge [sflag:s30], $0x400  }
0xa1: {  	[sflag:s30] =	ssyncset.done $0x0  }
0xa2: {  	[sflag:s30] =	ssyncadd.s32 $0xFFFFFC00  }
0xa3: {  	_ =	swait.ge [sflag:s30], $0x400  }
0xa4: {  	[sflag:s30] =	ssyncset.done $0x0  }
0xa5: {  	[sflag:s30] =	ssyncadd.s32 $0xFFFFFC00  }
0xa6: {  	_ =	swait.ge [sflag:s30], $0x400  }
0xa7: {  	[sflag:s30] =	ssyncset.done $0x0  }
0xa8: {  	p0 =	sne.s32 s4, $0x3020;
	[sflag:s30] =	ssyncadd.s32 $0xFFFFFC00  }
.Ltmp0:
0xa9: {  	_ =	swait.ge [sflag:s30], $0x400;
	(pc) =	sbr.rel @p0 .LBB2_2-.Ltmp0, $4  }
0xaa: {  	[sflag:s30] =	ssyncset.done $0x0  }
0xab: {  	s5 =	sadd.s32 $0x700, s5;
	[sflag:s30] =	ssyncadd.s32 $0xFFFFFC00  }
0xac: {  	[hbm4b:s5+s3] =	stream.linear.scatter [tilespmem:s8], [sflag:$0x2], $0x3800, $0x38;
	[tilespmem:$0x3F00] =	vst v63  }
0xad: {  	s4 =	sadd.s32 $0xE0, s4;
	_ =	swait.ge [sflag:s6], $0x3800  }
0xae: {  	s1 =	rddreg [dreg:$0x3];
	[sflag:s6] =	ssyncset.done $0x0  }
0xaf: {  	[sflag:s6] =	ssyncadd.s32 $0xFFFFC800;
	s0 =	sadd.s32 s0, s1  }
0xb0: {  	[tilespmem:s3], [sflag:$0x2] =	stream.linear.gather [hbm4b:s0+s3], $0x700, $0x38;
	[tilespmem:$0x3F00] =	vst v63  }
0xb1: {  	_ =	swait.ge [sflag:s6], $0x700  }
0xb2: {  	s0 =	rddreg [dreg:$0x5];
	[sflag:s6] =	ssyncset.done $0x0  }
0xb3: {  	s10 =	rddreg [dreg:$0x4];
	[sflag:s6] =	ssyncadd.s32 $0xFFFFF900  }
0xb4: {  	[tilespmem:s8], [sflag:$0x1] =	stream.indirect.gather [hbm4b:s2+s7], $0x8, s3, s7, $0xb8;
	[tilespmem:$0x3F00] =	vst v63  }
0xb5: {  	s4 =	rddreg [dreg:$0x6]  }
0xb6: {  	[tilespmem:s10], [sflag:$0x1] =	stream.indirect.gather [hbm4b:s2+s7], $0x8, s7, s7, $0xb8;
	[tilespmem:$0x3F00] =	vst v63  }
0xb7: {  	s9 =	rddreg [dreg:$0x8]  }
0xb8: {  	[tilespmem:s4], [sflag:$0x1] =	stream.indirect.gather [hbm4b:s2+s7], $0x8, s0, s7, $0xb8;
	[tilespmem:$0x3F00] =	vst v63  }
0xb9: {  	s31 =	rddreg [dreg:$0x7]  }
0xba: {  	[tilespmem:s9], [sflag:$0x1] =	stream.indirect.gather [hbm4b:s2+s7], $0x8, s31, s7, $0xb8;
	[tilespmem:$0x3F00] =	vst v63  }
0xbb: {  	s1 =	simm.s32 $0x200;
	s4 =	simm.s32 $0x1700  }
0xbc: {  	[tilespmem:s4], [sflag:$0x1] =	stream.indirect.gather [hbm4b:s2+s7], $0x8, s1, s7, $0xb8;
	[tilespmem:$0x3F00] =	vst v63  }
0xbd: {  	_ = 	snop  }
0xbe: {  	[tilespmem:s12], [sflag:$0x1] =	stream.indirect.gather [hbm4b:s2+s7], $0x8, s11, s7, $0xb8;
	[tilespmem:$0x3F00] =	vst v63  }
0xbf: {  	_ = 	snop  }
0xc0: {  	[tilespmem:s14], [sflag:$0x1] =	stream.indirect.gather [hbm4b:s2+s7], $0x8, s13, s7, $0xb8;
	[tilespmem:$0x3F00] =	vst v63  }
0xc1: {  	_ = 	snop  }
0xc2: {  	[tilespmem:s16], [sflag:$0x1] =	stream.indirect.gather [hbm4b:s2+s7], $0x8, s15, s7, $0xb8;
	[tilespmem:$0x3F00] =	vst v63  }
0xc3: {  	_ = 	snop  }
0xc4: {  	[tilespmem:s18], [sflag:$0x1] =	stream.indirect.gather [hbm4b:s2+s7], $0x8, s17, s7, $0xb8;
	[tilespmem:$0x3F00] =	vst v63  }
0xc5: {  	_ = 	snop  }
0xc6: {  	[tilespmem:s20], [sflag:$0x1] =	stream.indirect.gather [hbm4b:s2+s7], $0x8, s19, s7, $0xb8;
	[tilespmem:$0x3F00] =	vst v63  }
0xc7: {  	_ = 	snop  }
0xc8: {  	[tilespmem:s22], [sflag:$0x1] =	stream.indirect.gather [hbm4b:s2+s7], $0x8, s21, s7, $0xb8;
	[tilespmem:$0x3F00] =	vst v63  }
0xc9: {  	_ = 	snop  }
0xca: {  	[tilespmem:s24], [sflag:$0x1] =	stream.indirect.gather [hbm4b:s2+s7], $0x8, s23, s7, $0xb8;
	[tilespmem:$0x3F00] =	vst v63  }
0xcb: {  	_ = 	snop  }
0xcc: {  	[tilespmem:s26], [sflag:$0x1] =	stream.indirect.gather [hbm4b:s2+s7], $0x8, s25, s7, $0xb8;
	[tilespmem:$0x3F00] =	vst v63  }
0xcd: {  	_ = 	snop  }
0xce: {  	[tilespmem:s29], [sflag:$0x1] =	stream.indirect.gather [hbm4b:s2+s7], $0x8, s28, s7, $0xb8;
	[tilespmem:$0x3F00] =	vst v63  }
0xcf: {  	_ =	swait.ge [sflag:s30], $0x400  }
0xd0: {  	[sflag:s30] =	ssyncset.done $0x0  }
0xd1: {  	[sflag:s30] =	ssyncadd.s32 $0xFFFFFC00  }
0xd2: {  	_ =	swait.ge [sflag:s30], $0x400  }
0xd3: {  	[sflag:s30] =	ssyncset.done $0x0  }
0xd4: {  	[sflag:s30] =	ssyncadd.s32 $0xFFFFFC00  }
0xd5: {  	_ =	swait.ge [sflag:s30], $0x400  }
0xd6: {  	[sflag:s30] =	ssyncset.done $0x0  }
0xd7: {  	[sflag:s30] =	ssyncadd.s32 $0xFFFFFC00  }
0xd8: {  	_ =	swait.ge [sflag:s30], $0x400  }
0xd9: {  	[sflag:s30] =	ssyncset.done $0x0  }
0xda: {  	[sflag:s30] =	ssyncadd.s32 $0xFFFFFC00  }
0xdb: {  	_ =	swait.ge [sflag:s30], $0x400  }
0xdc: {  	[sflag:s30] =	ssyncset.done $0x0  }
0xdd: {  	[sflag:s30] =	ssyncadd.s32 $0xFFFFFC00  }
0xde: {  	_ =	swait.ge [sflag:s30], $0x400  }
0xdf: {  	[sflag:s30] =	ssyncset.done $0x0  }
0xe0: {  	[sflag:s30] =	ssyncadd.s32 $0xFFFFFC00  }
0xe1: {  	_ =	swait.ge [sflag:s30], $0x400  }
0xe2: {  	[sflag:s30] =	ssyncset.done $0x0  }
0xe3: {  	[sflag:s30] =	ssyncadd.s32 $0xFFFFFC00  }
0xe4: {  	_ =	swait.ge [sflag:s30], $0x400  }
0xe5: {  	[sflag:s30] =	ssyncset.done $0x0  }
0xe6: {  	[sflag:s30] =	ssyncadd.s32 $0xFFFFFC00  }
0xe7: {  	_ =	swait.ge [sflag:s30], $0x400  }
0xe8: {  	[sflag:s30] =	ssyncset.done $0x0  }
0xe9: {  	[sflag:s30] =	ssyncadd.s32 $0xFFFFFC00  }
0xea: {  	_ =	swait.ge [sflag:s30], $0x400  }
0xeb: {  	[sflag:s30] =	ssyncset.done $0x0  }
0xec: {  	[sflag:s30] =	ssyncadd.s32 $0xFFFFFC00  }
0xed: {  	_ =	swait.ge [sflag:s30], $0x400  }
0xee: {  	[sflag:s30] =	ssyncset.done $0x0  }
0xef: {  	[sflag:s30] =	ssyncadd.s32 $0xFFFFFC00  }
0xf0: {  	_ =	swait.ge [sflag:s30], $0x400  }
0xf1: {  	[sflag:s30] =	ssyncset.done $0x0  }
0xf2: {  	[sflag:s30] =	ssyncadd.s32 $0xFFFFFC00  }
0xf3: {  	_ =	swait.ge [sflag:s30], $0x400  }
0xf4: {  	[sflag:s30] =	ssyncset.done $0x0  }
0xf5: {  	[sflag:s30] =	ssyncadd.s32 $0xFFFFFC00  }
0xf6: {  	_ =	swait.ge [sflag:s30], $0x400  }
0xf7: {  	[sflag:s30] =	ssyncset.done $0x0  }
0xf8: {  	s9 =	sadd.s32 $0x700, s5;
	[sflag:s30] =	ssyncadd.s32 $0xFFFFFC00  }
0xf9: {  	[hbm4b:s9+s3] =	stream.linear.scatter [tilespmem:s8], [sflag:$0x2], $0x3800, $0x38;
	[tilespmem:$0x3F00] =	vst v63  }
0xfa: {  	_ =	swait.ge [sflag:s6], $0x3800  }
0xfb: {  	s10 =	rddreg [dreg:$0xb]  }
0xfc: {  	s31 =	rddreg [dreg:$0x9];
	s1 =	sadd.s32 $0x1, s10  }
0xfd: {  	p0 =	sne.s32 s1, s31  }
.Ltmp1:
0xfe: {  	_ = 	snop;
	(pc) =	sbr.rel @p0 .LBB2_1-.Ltmp1, $3  }
0xff: {  	_ =	sdelay $0x1  }
0x100: {  	[sflag:s6] =	ssyncset.done $0x0  }
0x101: {  	[sflag:s6] =	ssyncadd.s32 $0xFFFFC800  }
0x102: {  	_ =	sfence.sel $0x180000  }
0x103: {  	[bflag:$0x0] =	sbarrier.arrive $0xFFFF  }
0x104: {  	_ =	strace $0x9000004A  }
0x105: {  	s0 =	stileid.u32;
	[bflag:$0x2] =	sbarrier.arrive $0xFFFF  }
0x106: {  	p0 =	sne.s32 s0, $0x0;
	s0 =	rddreg [dreg:$0x2]  }
0x107: {  	s0 =	sadd.s32 @!p0 $0x100000, s0  }
0x108: {  	[sflag:s0] =	ssyncadd.tile.s32 @!p0 $0x1;
	_ =	shalt  }
.Lfunc_end2:
_tile_overlayer_lowered:
.L_overlay_start_2:
0x109: {  	(tag) =	ssettag $0x2  }
0x10a: {  	s0 =	rddreg [dreg:$0x0];
	s2 =	stileid.u32  }
0x10b: {  	s1 =	rddreg [dreg:$0x1];
	p0 =	sne.s32 s2, $0x0  }
0x10c: {  	s3 =	rddreg [dreg:$0x2];
	[bflag:$0x3] =	sbarrier.arrive $0xFFFF;
	s2 =	simm.s32 @!p0 $0x1C02  }
0x10d: {  	[timem:s3], [sflag:s2] =	dma.local @!p0 [hbm:s0], s1  }
0x10e: {  	s0 =	simm.s32 @!p0 $0x2  }
0x10f: {  	_ =	swait.ge @!p0 [sflag:s0], s1  }
0x110: {  	s1 =	ssub.s32 @!p0 $0x0, s1;
	[sflag:s0] =	ssyncset.done @!p0 $0x0  }
0x111: {  	[sflag:s0] =	ssyncadd.s32 @!p0 s1  }
0x112: {  	[bflag:$0x3] =	sbarrier.arrive $0xFFFF  }
0x113: {  	_ =	shalt  }

// kernel: kernel.16.cloned.1.call-start
scs
__scs_entry_jumppad:
0x0: {  	(pc) =	sbr.rel $0x88, $3  }
0x1: {  	(tag) =	ssettag $0x0;
	lr =	simm.s32 $0x1  }
0x2: {  	[smem:$0x3F88] =	sst lr;
	_ =	strace $0xD0000000  }
0x3: {  	_ = 	snop  }
0x4: {  	_ = 	snop  }
0x5: {  	_ = 	snop  }
0x6: {  	_ = 	snop  }
0x7: {  	_ = 	snop  }
__scs_overlays_trampoline_lowered:
0x8: {  	[smem:$0x3F97] =	sst s0  }
0x9: {  	[smem:$0x3F98] =	sst s1  }
0xa: {  	[smem:$0x3F99] =	sst s2  }
0xb: {  	[smem:$0x3F9A] =	sst s3  }
0xc: {  	[smem:$0x3F9B] =	sst s4  }
0xd: {  	[smem:$0x3F9C] =	sst s5  }
0xe: {  	[smem:$0x3F9D] =	sst s6  }
0xf: {  	[smem:$0x3F9E] =	sst s7  }
0x10: {  	[smem:$0x3F9F] =	sst s8  }
0x11: {  	[smem:$0x3FA0] =	sst s9;
	s0 =	simm.s32 @!p0 $0x0  }
0x12: {  	s1 =	sld [smem:$0x3F86];
	s0 =	simm.s32 @p0 $0x1  }
0x13: {  	[smem:$0x3FA1] =	sst s0;
	s0 =	simm.s32 @!p1 $0x0  }
0x14: {  	s2 =	sld [smem:$0x3F85];
	s0 =	simm.s32 @p1 $0x1  }
0x15: {  	[smem:$0x3FA2] =	sst s0;
	s0 =	simm.s32 @!p2 $0x0  }
0x16: {  	s3 =	sld [smem:$0x3FDB];
	s0 =	simm.s32 @p2 $0x1  }
0x17: {  	s4 =	simm.s32 $0x1BF5;
	[smem:$0x3FA4] =	sst s0  }
0x18: {  	s0 =	sld [smem:$0x3F87];
	_ =	swait.ge [sflag:s4], $0x0  }
0x19: {  	s7 =	sld [smem:$0x3F88]  }
0x1a: {  	s8 =	sadd.s32 $0xFFFFE003, lr  }
0x1b: {  	s9 =	sadd.s32 $0xFFFFFEF7, lr;
	s5 =	simm.s32 $0xFFFFFFFF;
	p2 =	slt.u32 s8, $0xFFFFF086  }
0x1c: {  	p1 =	slt.u32 s9, $0xF7A;
	s5 =	simm.s32 @!p2 $0x0  }
0x1d: {  	s5 =	simm.s32 @p1 $0x1;
	p0 =	seq.s32 s7, s2  }
0x1e: {  	s7 =	smul.u32 @!p0 $0xF7A, s2;
	p2 =	seq.s32 @!p0 s5, $0x0  }
0x1f: {  	s9 =	smul.u32 $0xF7A, s1;
	s8 =	simm.s32 @!p0 $0x1BF5;
	p2 =	por !p2, p0  }
0x20: {  	[sflag:s8] =	ssyncset.s32 @!p0 $0xFFFFF086;
	s6 =	sadd.s32 @!p0 s3, s7;
	s7 =	simm.s32 @!p0 $0x108  }
0x21: {  	s3 =	sadd.s32 s3, s9;
	s6 =	sadd.s32 @!p0 $0x88, s6;
	s7 =	simm.s32 @p2 $0x1082  }
0x22: {  	[simem:s7], [sflag:s8] =	dma.local @!p0 [hbm:s6], $0xF7A  }
0x23: {  	s9 =	sor.u32 $0xD0000000, s2;
	s6 =	simm.s32 $0x108;
	_ =	swait.ge @!p0 [sflag:s8], $0x0  }
0x24: {  	s3 =	sadd.s32 $0x88, s3;
	s6 =	simm.s32 @!p1 $0x1082;
	[sflag:s4] =	ssyncset.s32 $0xFFFFF086  }
0x25: {  	[simem:s6], [sflag:s4] =	dma.local [hbm:s3], $0xF7A  }
0x26: {  	[smem:$0x3F88] =	sst s1;
	(tag) =	ssettag s2;
	_ =	strace s9  }
0x27: {  	s1 =	sld [smem:$0x3F98]  }
0x28: {  	s2 =	sld [smem:$0x3F99]  }
0x29: {  	s4 =	sld [smem:$0x3F9B]  }
0x2a: {  	p0 =	seq.s32 s5, $0x0;
	s5 =	sld [smem:$0x3F9C]  }
0x2b: {  	s6 =	sld [smem:$0x3F9D]  }
0x2c: {  	s7 =	sld [smem:$0x3F9E]  }
0x2d: {  	s3 =	simm.s32 $0x108;
	s8 =	sld [smem:$0x3F9F]  }
0x2e: {  	s3 =	simm.s32 @!p0 $0x1082;
	s9 =	sld [smem:$0x3FA0]  }
0x2f: {  	lr =	sadd.s32 s0, s3;
	s0 =	sld [smem:$0x3F97]  }
0x30: {  	s3 =	sld [smem:$0x3F9A]  }
0x31: {  	[smem:$0x3FA3] =	sst s10  }
0x32: {  	s10 =	sld [smem:$0x3FA1];
	_ =	sdelay $0x3  }
0x33: {  	p0 =	seq.s32 s10, $0x1;
	s10 =	sld [smem:$0x3FA3];
	_ =	sdelay $0x3  }
0x34: {  	[smem:$0x3FA3] =	sst s10  }
0x35: {  	s10 =	sld [smem:$0x3FA2];
	_ =	sdelay $0x3  }
0x36: {  	p1 =	seq.s32 s10, $0x1;
	s10 =	sld [smem:$0x3FA3];
	_ =	sdelay $0x3  }
0x37: {  	[smem:$0x3FA3] =	sst s10  }
0x38: {  	s10 =	sld [smem:$0x3FA4]  }
0x39: {  	_ = 	snop;
	(pc) =	sbr.ind lr, $3  }
0x3a: {  	_ = 	snop  }
0x3b: {  	_ = 	snop  }
0x3c: {  	p2 =	seq.s32 s10, $0x1;
	s10 =	sld [smem:$0x3FA3]  }
0x3d: {  	_ =	shalt  }
0x3e: {  	_ =	shalt  }
0x3f: {  	_ =	shalt  }
0x40: {  	_ =	shalt  }
0x41: {  	_ =	shalt  }
0x42: {  	_ =	shalt  }
0x43: {  	_ =	shalt  }
0x44: {  	_ =	shalt  }
0x45: {  	_ =	shalt  }
0x46: {  	_ =	shalt  }
0x47: {  	_ =	shalt  }
0x48: {  	_ =	shalt  }
0x49: {  	_ =	shalt  }
0x4a: {  	_ =	shalt  }
0x4b: {  	_ =	shalt  }
0x4c: {  	_ =	shalt  }
0x4d: {  	_ =	shalt  }
0x4e: {  	_ =	shalt  }
0x4f: {  	_ =	shalt  }
0x50: {  	_ =	shalt  }
0x51: {  	_ =	shalt  }
0x52: {  	_ =	shalt  }
0x53: {  	_ =	shalt  }
0x54: {  	_ =	shalt  }
0x55: {  	_ =	shalt  }
0x56: {  	_ =	shalt  }
0x57: {  	_ =	shalt  }
0x58: {  	_ =	shalt  }
0x59: {  	_ =	shalt  }
0x5a: {  	_ =	shalt  }
0x5b: {  	_ =	shalt  }
0x5c: {  	_ =	shalt  }
0x5d: {  	_ =	shalt  }
0x5e: {  	_ =	shalt  }
0x5f: {  	_ =	shalt  }
0x60: {  	_ =	shalt  }
0x61: {  	_ =	shalt  }
0x62: {  	_ =	shalt  }
0x63: {  	_ =	shalt  }
0x64: {  	_ =	shalt  }
0x65: {  	_ =	shalt  }
0x66: {  	_ =	shalt  }
0x67: {  	_ =	shalt  }
0x68: {  	_ =	shalt  }
0x69: {  	_ =	shalt  }
0x6a: {  	_ =	shalt  }
0x6b: {  	_ =	shalt  }
0x6c: {  	_ =	shalt  }
0x6d: {  	_ =	shalt  }
0x6e: {  	_ =	shalt  }
0x6f: {  	_ =	shalt  }
0x70: {  	_ =	shalt  }
0x71: {  	_ =	shalt  }
0x72: {  	_ =	shalt  }
0x73: {  	_ =	shalt  }
0x74: {  	_ =	shalt  }
0x75: {  	_ =	shalt  }
0x76: {  	_ =	shalt  }
0x77: {  	_ =	shalt  }
0x78: {  	_ =	shalt  }
0x79: {  	_ =	shalt  }
0x7a: {  	_ =	shalt  }
0x7b: {  	_ =	shalt  }
0x7c: {  	_ =	shalt  }
0x7d: {  	_ =	shalt  }
0x7e: {  	_ =	shalt  }
0x7f: {  	_ =	shalt  }
0x80: {  	_ =	shalt  }
0x81: {  	_ =	shalt  }
0x82: {  	_ =	shalt  }
0x83: {  	_ =	shalt  }
0x84: {  	_ =	shalt  }
0x85: {  	_ =	shalt  }
0x86: {  	_ =	shalt  }
0x87: {  	_ =	shalt  }
.Lfunc_end0:
.L_simem_size_0:
called_computation.2_lowered:
.L_overlay_start_0:
0x88: {  	s2 =	sld [smem:$0x3FD9]  }
0x89: {  	s3 =	sld [smem:$0x3FFE];
	_ =	sdelay $0x1  }
0x8a: {  	s1 =	srdreg.scid  }
0x8b: {  	s0 =	sand.u32 $0x1, s1  }
0x8c: {  	s16 =	sshll.u32 s0, $0xA;
	s2 =	sadd.s32 s3, s2  }
0x8d: {  	s2 =	sadd.s32 s2, s16  }
0x8e: {  	[smem:$0x3FAF] =	sst s2  }
0x8f: {  	_ = 	snop  }
0x90: {  	(tm) =	ssettm $0x1  }
0x91: {  	s17 =	sld [smem:$0x3FFB];
	_ =	sdelay $0x3  }
0x92: {  	_ =	strace s17  }
0x93: {  	s2 =	sld [smem:$0x3FFC];
	_ =	sdelay $0x3  }
0x94: {  	_ =	strace s2  }
0x95: {  	s2 =	sld [smem:$0x3FFD];
	_ =	sdelay $0x3  }
0x96: {  	_ =	strace s2  }
0x97: {  	_ =	strace $0x8FFFFFFF  }
0x98: {  	s18 =	sld [smem:$0x3FDB];
	_ =	sdelay $0x1  }
0x99: {  	s19 =	simm.s32 $_scs_section_size  }
0x9a: {  	s4 =	simm.s32 $_size__tile_overlayer_lowered;
	s5 =	simm.s32 $_tile_overlayer_lowered  }
0x9b: {  	s22 =	simm.s32 $0x1BFF;
	s21 =	sshll.u32 s5, $0x1;
	s2 =	sadd.s32 s19, s18  }
0x9c: {  	s6 =	simm.s32 $0x0;
	s20 =	sshll.u32 s4, $0x1;
	s4 =	sadd.s32 s21, s2  }
0x9d: {  	[timem:s6], [sflag:s22] =	dma.local [hbm:s4], s20  }
0x9e: {  	_ =	swait.ge [sflag:s22], s20  }
0x9f: {  	s3 =	ssub.s32 $0x0, s20;
	[sflag:s22] =	ssyncset.done $0x0  }
0xa0: {  	[sflag:s22] =	ssyncadd.s32 s3;
	_ =	sdelay $0x1  }
0xa1: {  	s23 =	simm.s32 $0x1B8B  }
0xa2: {  	_ =	swait.ge [sflag:s23], $0x1  }
0xa3: {  	[sflag:s23] =	ssyncset.done $0x0  }
0xa4: {  	s25 =	simm.s32 $0x1B8E;
	s24 =	sld [smem:$0x3FFE];
	[sflag:s23] =	ssyncadd.s32 $0xFFFFFFFF  }
0xa5: {  	s26 =	simm.s32 $execute0_lowered;
	[smem:$0x3FD2] =	sst s25  }
0xa6: {  	s4 =	sshll.u32 s26, $0x1;
	_ =	strace $0x8000004C;
	[dreg:$0x1] =	wrdreg $0xFFFFFFFF  }
0xa7: {  	s28 =	simm.s32 $_size_execute0_lowered;
	s2 =	sadd.s32 s2, s4;
	[dreg:$0x0] =	wrdreg $0x0  }
0xa8: {  	s4 =	sshll.u32 s28, $0x1;
	[dreg:$0x2] =	wrdreg s2  }
0xa9: {  	[dreg:$0x3] =	wrdreg s4  }
0xaa: {  	[dreg:$0x4] =	wrdreg $0xC0  }
0xab: {  	_ =	task [dreg:s6], $0x5FFFF  }
0xac: {  	[dreg:$0x1] =	wrdreg $0xFFFFFFFF  }
0xad: {  	[dreg:$0x0] =	wrdreg $0x60  }
0xae: {  	[dreg:$0x2] =	wrdreg s24  }
0xaf: {  	[dreg:$0x3] =	wrdreg $0x9  }
0xb0: {  	_ =	task.clear_ibuf [dreg:s6], $0x4FFFF;
	_ =	strace $0x9000004C  }
0xb1: {  	s29 =	simm.s32 $0x9;
	_ =	strace $0x8000004E  }
0xb2: {  	_ =	swait.ge [sflag:s29], $0x1  }
0xb3: {  	[sflag:s29] =	ssyncadd.s32 $0xFFFFFFFF  }
0xb4: {  	_ =	strace $0x9000004E  }
0xb5: {  	_ =	sfence  }
0xb6: {  	s30 =	sld [smem:$0x0];
	_ =	sdelay $0x2  }
0xb7: {  	s31 =	sshll.u32 s1, $0xD;
	s1 =	sshrl.u32 s1, $0x2  }
0xb8: {  	s3 =	sand.u32 $0x4000, s31;
	s1 =	sadd.s32 s1, s30  }
0xb9: {  	s0 =	sor.u32 s3, s0;
	s1 =	sshll.u32 s1, $0x11  }
0xba: {  	s0 =	sor.u32 s1, s0  }
0xbb: {  	s0 =	sadd.s32 $0x8F2B, s0  }
0xbc: {  	[sflag:s0] =	ssyncadd.remote.s32 $0x1  }
0xbd: {  	_ =	sfence.sel $0xFFFF  }
0xbe: {  	[dreg:$0x0] =	wrdreg $0xFFFFFFFF;
	(pc) =	sbr.abs _section_cstart, $3  }
0xbf: {  	[dreg:$0x1] =	wrdreg $0xFFFFFFFF  }
0xc0: {  	_ =	task.clear_ibuf [dreg:s6], $0x2FFFF;
	_ =	strace $0x9FFFFFFF  }
0xc1: {  	(tm) =	ssettm $0x7FFFFFFF  }
tec
execute0_lowered:
.L_overlay_start_1:
0x0: {  	(tag) =	ssettag $0x1  }
0x1: {  	s0 =	srdreg.scid;
	s5 =	stileid.u32  }
0x2: {  	s1 =	rddreg [dreg:$0x0];
	s2 =	simm.s32 $0x0;
	s23 =	simm.s32 $0x1700  }
0x3: {  	s24 =	simm.s32 $0x100;
	s25 =	simm.s32 $0x2700;
	s26 =	simm.s32 $0x180  }
0x4: {  	s7 =	simm.s32 $0x80;
	s31 =	simm.s32 $0x3700;
	s8 =	simm.s32 $0x700  }
0x5: {  	s11 =	simm.s32 $0x280;
	s12 =	simm.s32 $0x5700;
	s13 =	simm.s32 $0x300  }
0x6: {  	s14 =	simm.s32 $0x6700;
	s15 =	simm.s32 $0x380;
	s16 =	simm.s32 $0x7700  }
0x7: {  	s17 =	simm.s32 $0x400;
	s18 =	simm.s32 $0x8700;
	s19 =	simm.s32 $0x480  }
0x8: {  	s20 =	simm.s32 $0x9700;
	s21 =	simm.s32 $0x500;
	[smem:$0x7FF] =	sst s2  }
0x9: {  	s28 =	simm.s32 $0x680;
	_ =	strace $0x8000004D;
	[dreg:$0x3] =	wrdreg s23  }
0xa: {  	s29 =	simm.s32 $0xD700;
	s3 =	smul.u32 $0xC400, s5;
	[dreg:$0x4] =	wrdreg s24  }
0xb: {  	s0 =	sand.u32 $0x1, s0;
	s5 =	smul.u32 $0x31000, s5;
	[dreg:$0x5] =	wrdreg s25  }
0xc: {  	s30 =	simm.s32 $0x1;
	s4 =	smul.u32 $0x6200, s0;
	[dreg:$0x6] =	wrdreg s26  }
0xd: {  	s6 =	ssub.s32 $0x2, s0;
	s0 =	smul.u32 $0x18800, s0;
	[dreg:$0x7] =	wrdreg s31  }
0xe: {  	s23 =	simm.s32 $0x580;
	s24 =	simm.s32 $0xB700;
	s4 =	sadd.s32 s4, s3  }
0xf: {  	s22 =	sshrl.u32 s6, $0x1;
	s3 =	sadd.s32 $0x32D400, s1;
	s4 =	sshrl.u32 s4, $0x3  }
0x10: {  	s4 =	sadd.s32 s4, s1;
	s1 =	sadd.s32 s5, s1;
	s5 =	ssub.s32 s6, s22  }
0x11: {  	s25 =	simm.s32 $0x600;
	s26 =	simm.s32 $0xC700;
	s5 =	smax.u32 s5, $0x1  }
0x12: {  	s4 =	sadd.s32 $0x4C00, s4;
	s0 =	sadd.s32 s0, s1;
	[dreg:$0x8] =	wrdreg s5  }
0x13: {  	s6 =	simm.s32 $0x2;
	[dreg:$0x2] =	wrdreg s4;
	s0 =	sadd.s32 $0x1D400, s0  }
0x14: {  	s22 =	simm.s32 $0xA700;
	s1 =	simm.s32 $0x0;
	[dreg:$0x9] =	wrdreg s0  }
.LBB2_1:
0x15: {  	s0 =	rddreg [dreg:$0x2]  }
0x16: {  	[dreg:$0xa] =	wrdreg s1;
	s0 =	sadd.s32 $0x0, s0  }
0x17: {  	[tilespmem:s2], [sflag:$0x2] =	stream.linear.gather [hbm4b:s0+s2], $0x700, $0x38;
	[tilespmem:$0xE700] =	vst v63  }
0x18: {  	_ =	swait.ge [sflag:s6], $0x700  }
0x19: {  	s10 =	rddreg [dreg:$0x4];
	[sflag:s6] =	ssyncset.done $0x0  }
0x1a: {  	s4 =	rddreg [dreg:$0x3];
	[sflag:s6] =	ssyncadd.s32 $0xFFFFF900  }
0x1b: {  	[tilespmem:s8], [sflag:$0x1] =	stream.indirect.gather [hbm4b:s3+s7], $0x20, s2, s7, $0xb8;
	[tilespmem:$0xE700] =	vst v63  }
0x1c: {  	s5 =	rddreg [dreg:$0x5]  }
0x1d: {  	[tilespmem:s4], [sflag:$0x1] =	stream.indirect.gather [hbm4b:s3+s7], $0x20, s7, s7, $0xb8;
	[tilespmem:$0xE700] =	vst v63  }
0x1e: {  	s31 =	rddreg [dreg:$0x7]  }
0x1f: {  	[tilespmem:s5], [sflag:$0x1] =	stream.indirect.gather [hbm4b:s3+s7], $0x20, s10, s7, $0xb8;
	[tilespmem:$0xE700] =	vst v63  }
0x20: {  	s9 =	rddreg [dreg:$0x6]  }
0x21: {  	[tilespmem:s31], [sflag:$0x1] =	stream.indirect.gather [hbm4b:s3+s7], $0x20, s9, s7, $0xb8;
	[tilespmem:$0xE700] =	vst v63  }
0x22: {  	s10 =	simm.s32 $0x200;
	s31 =	simm.s32 $0x4700  }
0x23: {  	[tilespmem:s31], [sflag:$0x1] =	stream.indirect.gather [hbm4b:s3+s7], $0x20, s10, s7, $0xb8;
	[tilespmem:$0xE700] =	vst v63  }
0x24: {  	_ = 	snop  }
0x25: {  	[tilespmem:s12], [sflag:$0x1] =	stream.indirect.gather [hbm4b:s3+s7], $0x20, s11, s7, $0xb8;
	[tilespmem:$0xE700] =	vst v63  }
0x26: {  	_ = 	snop  }
0x27: {  	[tilespmem:s14], [sflag:$0x1] =	stream.indirect.gather [hbm4b:s3+s7], $0x20, s13, s7, $0xb8;
	[tilespmem:$0xE700] =	vst v63  }
0x28: {  	_ = 	snop  }
0x29: {  	[tilespmem:s16], [sflag:$0x1] =	stream.indirect.gather [hbm4b:s3+s7], $0x20, s15, s7, $0xb8;
	[tilespmem:$0xE700] =	vst v63  }
0x2a: {  	_ = 	snop  }
0x2b: {  	[tilespmem:s18], [sflag:$0x1] =	stream.indirect.gather [hbm4b:s3+s7], $0x20, s17, s7, $0xb8;
	[tilespmem:$0xE700] =	vst v63  }
0x2c: {  	_ = 	snop  }
0x2d: {  	[tilespmem:s20], [sflag:$0x1] =	stream.indirect.gather [hbm4b:s3+s7], $0x20, s19, s7, $0xb8;
	[tilespmem:$0xE700] =	vst v63  }
0x2e: {  	_ = 	snop  }
0x2f: {  	[tilespmem:s22], [sflag:$0x1] =	stream.indirect.gather [hbm4b:s3+s7], $0x20, s21, s7, $0xb8;
	[tilespmem:$0xE700] =	vst v63  }
0x30: {  	_ = 	snop  }
0x31: {  	[tilespmem:s24], [sflag:$0x1] =	stream.indirect.gather [hbm4b:s3+s7], $0x20, s23, s7, $0xb8;
	[tilespmem:$0xE700] =	vst v63  }
0x32: {  	_ = 	snop  }
0x33: {  	[tilespmem:s26], [sflag:$0x1] =	stream.indirect.gather [hbm4b:s3+s7], $0x20, s25, s7, $0xb8;
	[tilespmem:$0xE700] =	vst v63  }
0x34: {  	_ = 	snop  }
0x35: {  	[tilespmem:s29], [sflag:$0x1] =	stream.indirect.gather [hbm4b:s3+s7], $0x20, s28, s7, $0xb8;
	[tilespmem:$0xE700] =	vst v63  }
0x36: {  	_ =	swait.ge [sflag:s30], $0x1000  }
0x37: {  	[sflag:s30] =	ssyncset.done $0x0  }
0x38: {  	[sflag:s30] =	ssyncadd.s32 $0xFFFFF000  }
0x39: {  	_ =	swait.ge [sflag:s30], $0x1000  }
0x3a: {  	[sflag:s30] =	ssyncset.done $0x0  }
0x3b: {  	[sflag:s30] =	ssyncadd.s32 $0xFFFFF000  }
0x3c: {  	_ =	swait.ge [sflag:s30], $0x1000  }
0x3d: {  	[sflag:s30] =	ssyncset.done $0x0  }
0x3e: {  	[sflag:s30] =	ssyncadd.s32 $0xFFFFF000  }
0x3f: {  	_ =	swait.ge [sflag:s30], $0x1000  }
0x40: {  	[sflag:s30] =	ssyncset.done $0x0  }
0x41: {  	[sflag:s30] =	ssyncadd.s32 $0xFFFFF000  }
0x42: {  	_ =	swait.ge [sflag:s30], $0x1000  }
0x43: {  	[sflag:s30] =	ssyncset.done $0x0  }
0x44: {  	[sflag:s30] =	ssyncadd.s32 $0xFFFFF000  }
0x45: {  	_ =	swait.ge [sflag:s30], $0x1000  }
0x46: {  	[sflag:s30] =	ssyncset.done $0x0  }
0x47: {  	[sflag:s30] =	ssyncadd.s32 $0xFFFFF000  }
0x48: {  	_ =	swait.ge [sflag:s30], $0x1000  }
0x49: {  	[sflag:s30] =	ssyncset.done $0x0  }
0x4a: {  	[sflag:s30] =	ssyncadd.s32 $0xFFFFF000  }
0x4b: {  	_ =	swait.ge [sflag:s30], $0x1000  }
0x4c: {  	[sflag:s30] =	ssyncset.done $0x0  }
0x4d: {  	[sflag:s30] =	ssyncadd.s32 $0xFFFFF000  }
0x4e: {  	_ =	swait.ge [sflag:s30], $0x1000  }
0x4f: {  	[sflag:s30] =	ssyncset.done $0x0  }
0x50: {  	[sflag:s30] =	ssyncadd.s32 $0xFFFFF000  }
0x51: {  	_ =	swait.ge [sflag:s30], $0x1000  }
0x52: {  	[sflag:s30] =	ssyncset.done $0x0  }
0x53: {  	[sflag:s30] =	ssyncadd.s32 $0xFFFFF000  }
0x54: {  	_ =	swait.ge [sflag:s30], $0x1000  }
0x55: {  	[sflag:s30] =	ssyncset.done $0x0  }
0x56: {  	[sflag:s30] =	ssyncadd.s32 $0xFFFFF000  }
0x57: {  	_ =	swait.ge [sflag:s30], $0x1000  }
0x58: {  	[sflag:s30] =	ssyncset.done $0x0  }
0x59: {  	[sflag:s30] =	ssyncadd.s32 $0xFFFFF000  }
0x5a: {  	_ =	swait.ge [sflag:s30], $0x1000  }
0x5b: {  	[sflag:s30] =	ssyncset.done $0x0  }
0x5c: {  	[sflag:s30] =	ssyncadd.s32 $0xFFFFF000  }
0x5d: {  	_ =	swait.ge [sflag:s30], $0x1000  }
0x5e: {  	[sflag:s30] =	ssyncset.done $0x0  }
0x5f: {  	s5 =	rddreg [dreg:$0x9];
	[sflag:s30] =	ssyncadd.s32 $0xFFFFF000  }
0x60: {  	[hbm4b:s5+s2] =	stream.linear.scatter [tilespmem:s8], [sflag:$0x2], $0xE000, $0x38;
	[tilespmem:$0xE700] =	vst v63  }
0x61: {  	s0 =	simm.s32 $0xE0;
	s4 =	simm.s32 $0x1C0;
	_ =	swait.ge [sflag:s6], $0xE000  }
.LBB2_2:
0x62: {  	s1 =	rddreg [dreg:$0x2];
	[sflag:s6] =	ssyncset.done $0x0  }
0x63: {  	[sflag:s6] =	ssyncadd.s32 $0xFFFF2000;
	s1 =	sadd.s32 s0, s1  }
0x64: {  	[tilespmem:s2], [sflag:$0x2] =	stream.linear.gather [hbm4b:s1+s2], $0x700, $0x38;
	[tilespmem:$0xE700] =	vst v63  }
0x65: {  	_ =	swait.ge [sflag:s6], $0x700  }
0x66: {  	s31 =	smov.u32 s4;
	[sflag:s6] =	ssyncset.done $0x0;
	s1 =	rddreg [dreg:$0x4]  }
0x67: {  	s0 =	smov.u32 s31;
	s31 =	rddreg [dreg:$0x3];
	[sflag:s6] =	ssyncadd.s32 $0xFFFFF900  }
0x68: {  	[tilespmem:s8], [sflag:$0x1] =	stream.indirect.gather [hbm4b:s3+s7], $0x20, s2, s7, $0xb8;
	[tilespmem:$0xE700] =	vst v63  }
0x69: {  	s9 =	rddreg [dreg:$0x5]  }
0x6a: {  	[tilespmem:s31], [sflag:$0x1] =	stream.indirect.gather [hbm4b:s3+s7], $0x20, s7, s7, $0xb8;
	[tilespmem:$0xE700] =	vst v63  }
0x6b: {  	s10 =	rddreg [dreg:$0x7]  }
0x6c: {  	[tilespmem:s9], [sflag:$0x1] =	stream.indirect.gather [hbm4b:s3+s7], $0x20, s1, s7, $0xb8;
	[tilespmem:$0xE700] =	vst v63  }
0x6d: {  	s31 =	rddreg [dreg:$0x6]  }
0x6e: {  	[tilespmem:s10], [sflag:$0x1] =	stream.indirect.gather [hbm4b:s3+s7], $0x20, s31, s7, $0xb8;
	[tilespmem:$0xE700] =	vst v63  }
0x6f: {  	s10 =	simm.s32 $0x200;
	s31 =	simm.s32 $0x4700  }
0x70: {  	[tilespmem:s31], [sflag:$0x1] =	stream.indirect.gather [hbm4b:s3+s7], $0x20, s10, s7, $0xb8;
	[tilespmem:$0xE700] =	vst v63  }
0x71: {  	_ = 	snop  }
0x72: {  	[tilespmem:s12], [sflag:$0x1] =	stream.indirect.gather [hbm4b:s3+s7], $0x20, s11, s7, $0xb8;
	[tilespmem:$0xE700] =	vst v63  }
0x73: {  	_ = 	snop  }
0x74: {  	[tilespmem:s14], [sflag:$0x1] =	stream.indirect.gather [hbm4b:s3+s7], $0x20, s13, s7, $0xb8;
	[tilespmem:$0xE700] =	vst v63  }
0x75: {  	_ = 	snop  }
0x76: {  	[tilespmem:s16], [sflag:$0x1] =	stream.indirect.gather [hbm4b:s3+s7], $0x20, s15, s7, $0xb8;
	[tilespmem:$0xE700] =	vst v63  }
0x77: {  	_ = 	snop  }
0x78: {  	[tilespmem:s18], [sflag:$0x1] =	stream.indirect.gather [hbm4b:s3+s7], $0x20, s17, s7, $0xb8;
	[tilespmem:$0xE700] =	vst v63  }
0x79: {  	_ = 	snop  }
0x7a: {  	[tilespmem:s20], [sflag:$0x1] =	stream.indirect.gather [hbm4b:s3+s7], $0x20, s19, s7, $0xb8;
	[tilespmem:$0xE700] =	vst v63  }
0x7b: {  	_ = 	snop  }
0x7c: {  	[tilespmem:s22], [sflag:$0x1] =	stream.indirect.gather [hbm4b:s3+s7], $0x20, s21, s7, $0xb8;
	[tilespmem:$0xE700] =	vst v63  }
0x7d: {  	_ = 	snop  }
0x7e: {  	[tilespmem:s24], [sflag:$0x1] =	stream.indirect.gather [hbm4b:s3+s7], $0x20, s23, s7, $0xb8;
	[tilespmem:$0xE700] =	vst v63  }
0x7f: {  	_ = 	snop  }
0x80: {  	[tilespmem:s26], [sflag:$0x1] =	stream.indirect.gather [hbm4b:s3+s7], $0x20, s25, s7, $0xb8;
	[tilespmem:$0xE700] =	vst v63  }
0x81: {  	_ = 	snop  }
0x82: {  	[tilespmem:s29], [sflag:$0x1] =	stream.indirect.gather [hbm4b:s3+s7], $0x20, s28, s7, $0xb8;
	[tilespmem:$0xE700] =	vst v63  }
0x83: {  	_ =	swait.ge [sflag:s30], $0x1000  }
0x84: {  	[sflag:s30] =	ssyncset.done $0x0  }
0x85: {  	[sflag:s30] =	ssyncadd.s32 $0xFFFFF000  }
0x86: {  	_ =	swait.ge [sflag:s30], $0x1000  }
0x87: {  	[sflag:s30] =	ssyncset.done $0x0  }
0x88: {  	[sflag:s30] =	ssyncadd.s32 $0xFFFFF000  }
0x89: {  	_ =	swait.ge [sflag:s30], $0x1000  }
0x8a: {  	[sflag:s30] =	ssyncset.done $0x0  }
0x8b: {  	[sflag:s30] =	ssyncadd.s32 $0xFFFFF000  }
0x8c: {  	_ =	swait.ge [sflag:s30], $0x1000  }
0x8d: {  	[sflag:s30] =	ssyncset.done $0x0  }
0x8e: {  	[sflag:s30] =	ssyncadd.s32 $0xFFFFF000  }
0x8f: {  	_ =	swait.ge [sflag:s30], $0x1000  }
0x90: {  	[sflag:s30] =	ssyncset.done $0x0  }
0x91: {  	[sflag:s30] =	ssyncadd.s32 $0xFFFFF000  }
0x92: {  	_ =	swait.ge [sflag:s30], $0x1000  }
0x93: {  	[sflag:s30] =	ssyncset.done $0x0  }
0x94: {  	[sflag:s30] =	ssyncadd.s32 $0xFFFFF000  }
0x95: {  	_ =	swait.ge [sflag:s30], $0x1000  }
0x96: {  	[sflag:s30] =	ssyncset.done $0x0  }
0x97: {  	[sflag:s30] =	ssyncadd.s32 $0xFFFFF000  }
0x98: {  	_ =	swait.ge [sflag:s30], $0x1000  }
0x99: {  	[sflag:s30] =	ssyncset.done $0x0  }
0x9a: {  	[sflag:s30] =	ssyncadd.s32 $0xFFFFF000  }
0x9b: {  	_ =	swait.ge [sflag:s30], $0x1000  }
0x9c: {  	[sflag:s30] =	ssyncset.done $0x0  }
0x9d: {  	[sflag:s30] =	ssyncadd.s32 $0xFFFFF000  }
0x9e: {  	_ =	swait.ge [sflag:s30], $0x1000  }
0x9f: {  	[sflag:s30] =	ssyncset.done $0x0  }
0xa0: {  	[sflag:s30] =	ssyncadd.s32 $0xFFFFF000  }
0xa1: {  	_ =	swait.ge [sflag:s30], $0x1000  }
0xa2: {  	[sflag:s30] =	ssyncset.done $0x0  }
0xa3: {  	[sflag:s30] =	ssyncadd.s32 $0xFFFFF000  }
0xa4: {  	_ =	swait.ge [sflag:s30], $0x1000  }
0xa5: {  	[sflag:s30] =	ssyncset.done $0x0  }
0xa6: {  	[sflag:s30] =	ssyncadd.s32 $0xFFFFF000  }
0xa7: {  	_ =	swait.ge [sflag:s30], $0x1000  }
0xa8: {  	[sflag:s30] =	ssyncset.done $0x0  }
0xa9: {  	p0 =	sne.s32 s4, $0xB60;
	[sflag:s30] =	ssyncadd.s32 $0xFFFFF000  }
.Ltmp0:
0xaa: {  	_ =	swait.ge [sflag:s30], $0x1000;
	(pc) =	sbr.rel @p0 .LBB2_2-.Ltmp0, $4  }
0xab: {  	[sflag:s30] =	ssyncset.done $0x0  }
0xac: {  	s5 =	sadd.s32 $0x1C00, s5;
	[sflag:s30] =	ssyncadd.s32 $0xFFFFF000  }
0xad: {  	[hbm4b:s5+s2] =	stream.linear.scatter [tilespmem:s8], [sflag:$0x2], $0xE000, $0x38;
	[tilespmem:$0xE700] =	vst v63  }
0xae: {  	s4 =	sadd.s32 $0xE0, s4;
	_ =	swait.ge [sflag:s6], $0xE000  }
0xaf: {  	s1 =	rddreg [dreg:$0x2];
	[sflag:s6] =	ssyncset.done $0x0  }
0xb0: {  	[sflag:s6] =	ssyncadd.s32 $0xFFFF2000;
	s0 =	sadd.s32 s0, s1  }
0xb1: {  	[tilespmem:s2], [sflag:$0x2] =	stream.linear.gather [hbm4b:s0+s2], $0x700, $0x38;
	[tilespmem:$0xE700] =	vst v63  }
0xb2: {  	_ =	swait.ge [sflag:s6], $0x700  }
0xb3: {  	s0 =	rddreg [dreg:$0x4];
	[sflag:s6] =	ssyncset.done $0x0  }
0xb4: {  	s10 =	rddreg [dreg:$0x3];
	[sflag:s6] =	ssyncadd.s32 $0xFFFFF900  }
0xb5: {  	[tilespmem:s8], [sflag:$0x1] =	stream.indirect.gather [hbm4b:s3+s7], $0x20, s2, s7, $0xb8;
	[tilespmem:$0xE700] =	vst v63  }
0xb6: {  	s4 =	rddreg [dreg:$0x5]  }
0xb7: {  	[tilespmem:s10], [sflag:$0x1] =	stream.indirect.gather [hbm4b:s3+s7], $0x20, s7, s7, $0xb8;
	[tilespmem:$0xE700] =	vst v63  }
0xb8: {  	s9 =	rddreg [dreg:$0x7]  }
0xb9: {  	[tilespmem:s4], [sflag:$0x1] =	stream.indirect.gather [hbm4b:s3+s7], $0x20, s0, s7, $0xb8;
	[tilespmem:$0xE700] =	vst v63  }
0xba: {  	s31 =	rddreg [dreg:$0x6]  }
0xbb: {  	[tilespmem:s9], [sflag:$0x1] =	stream.indirect.gather [hbm4b:s3+s7], $0x20, s31, s7, $0xb8;
	[tilespmem:$0xE700] =	vst v63  }
0xbc: {  	s1 =	simm.s32 $0x200;
	s4 =	simm.s32 $0x4700  }
0xbd: {  	[tilespmem:s4], [sflag:$0x1] =	stream.indirect.gather [hbm4b:s3+s7], $0x20, s1, s7, $0xb8;
	[tilespmem:$0xE700] =	vst v63  }
0xbe: {  	_ = 	snop  }
0xbf: {  	[tilespmem:s12], [sflag:$0x1] =	stream.indirect.gather [hbm4b:s3+s7], $0x20, s11, s7, $0xb8;
	[tilespmem:$0xE700] =	vst v63  }
0xc0: {  	_ = 	snop  }
0xc1: {  	[tilespmem:s14], [sflag:$0x1] =	stream.indirect.gather [hbm4b:s3+s7], $0x20, s13, s7, $0xb8;
	[tilespmem:$0xE700] =	vst v63  }
0xc2: {  	_ = 	snop  }
0xc3: {  	[tilespmem:s16], [sflag:$0x1] =	stream.indirect.gather [hbm4b:s3+s7], $0x20, s15, s7, $0xb8;
	[tilespmem:$0xE700] =	vst v63  }
0xc4: {  	_ = 	snop  }
0xc5: {  	[tilespmem:s18], [sflag:$0x1] =	stream.indirect.gather [hbm4b:s3+s7], $0x20, s17, s7, $0xb8;
	[tilespmem:$0xE700] =	vst v63  }
0xc6: {  	_ = 	snop  }
0xc7: {  	[tilespmem:s20], [sflag:$0x1] =	stream.indirect.gather [hbm4b:s3+s7], $0x20, s19, s7, $0xb8;
	[tilespmem:$0xE700] =	vst v63  }
0xc8: {  	_ = 	snop  }
0xc9: {  	[tilespmem:s22], [sflag:$0x1] =	stream.indirect.gather [hbm4b:s3+s7], $0x20, s21, s7, $0xb8;
	[tilespmem:$0xE700] =	vst v63  }
0xca: {  	_ = 	snop  }
0xcb: {  	[tilespmem:s24], [sflag:$0x1] =	stream.indirect.gather [hbm4b:s3+s7], $0x20, s23, s7, $0xb8;
	[tilespmem:$0xE700] =	vst v63  }
0xcc: {  	_ = 	snop  }
0xcd: {  	[tilespmem:s26], [sflag:$0x1] =	stream.indirect.gather [hbm4b:s3+s7], $0x20, s25, s7, $0xb8;
	[tilespmem:$0xE700] =	vst v63  }
0xce: {  	_ = 	snop  }
0xcf: {  	[tilespmem:s29], [sflag:$0x1] =	stream.indirect.gather [hbm4b:s3+s7], $0x20, s28, s7, $0xb8;
	[tilespmem:$0xE700] =	vst v63  }
0xd0: {  	_ =	swait.ge [sflag:s30], $0x1000  }
0xd1: {  	[sflag:s30] =	ssyncset.done $0x0  }
0xd2: {  	[sflag:s30] =	ssyncadd.s32 $0xFFFFF000  }
0xd3: {  	_ =	swait.ge [sflag:s30], $0x1000  }
0xd4: {  	[sflag:s30] =	ssyncset.done $0x0  }
0xd5: {  	[sflag:s30] =	ssyncadd.s32 $0xFFFFF000  }
0xd6: {  	_ =	swait.ge [sflag:s30], $0x1000  }
0xd7: {  	[sflag:s30] =	ssyncset.done $0x0  }
0xd8: {  	[sflag:s30] =	ssyncadd.s32 $0xFFFFF000  }
0xd9: {  	_ =	swait.ge [sflag:s30], $0x1000  }
0xda: {  	[sflag:s30] =	ssyncset.done $0x0  }
0xdb: {  	[sflag:s30] =	ssyncadd.s32 $0xFFFFF000  }
0xdc: {  	_ =	swait.ge [sflag:s30], $0x1000  }
0xdd: {  	[sflag:s30] =	ssyncset.done $0x0  }
0xde: {  	[sflag:s30] =	ssyncadd.s32 $0xFFFFF000  }
0xdf: {  	_ =	swait.ge [sflag:s30], $0x1000  }
0xe0: {  	[sflag:s30] =	ssyncset.done $0x0  }
0xe1: {  	[sflag:s30] =	ssyncadd.s32 $0xFFFFF000  }
0xe2: {  	_ =	swait.ge [sflag:s30], $0x1000  }
0xe3: {  	[sflag:s30] =	ssyncset.done $0x0  }
0xe4: {  	[sflag:s30] =	ssyncadd.s32 $0xFFFFF000  }
0xe5: {  	_ =	swait.ge [sflag:s30], $0x1000  }
0xe6: {  	[sflag:s30] =	ssyncset.done $0x0  }
0xe7: {  	[sflag:s30] =	ssyncadd.s32 $0xFFFFF000  }
0xe8: {  	_ =	swait.ge [sflag:s30], $0x1000  }
0xe9: {  	[sflag:s30] =	ssyncset.done $0x0  }
0xea: {  	[sflag:s30] =	ssyncadd.s32 $0xFFFFF000  }
0xeb: {  	_ =	swait.ge [sflag:s30], $0x1000  }
0xec: {  	[sflag:s30] =	ssyncset.done $0x0  }
0xed: {  	[sflag:s30] =	ssyncadd.s32 $0xFFFFF000  }
0xee: {  	_ =	swait.ge [sflag:s30], $0x1000  }
0xef: {  	[sflag:s30] =	ssyncset.done $0x0  }
0xf0: {  	[sflag:s30] =	ssyncadd.s32 $0xFFFFF000  }
0xf1: {  	_ =	swait.ge [sflag:s30], $0x1000  }
0xf2: {  	[sflag:s30] =	ssyncset.done $0x0  }
0xf3: {  	[sflag:s30] =	ssyncadd.s32 $0xFFFFF000  }
0xf4: {  	_ =	swait.ge [sflag:s30], $0x1000  }
0xf5: {  	[sflag:s30] =	ssyncset.done $0x0  }
0xf6: {  	[sflag:s30] =	ssyncadd.s32 $0xFFFFF000  }
0xf7: {  	_ =	swait.ge [sflag:s30], $0x1000  }
0xf8: {  	[sflag:s30] =	ssyncset.done $0x0  }
0xf9: {  	s9 =	sadd.s32 $0x1C00, s5;
	[sflag:s30] =	ssyncadd.s32 $0xFFFFF000  }
0xfa: {  	[hbm4b:s9+s2] =	stream.linear.scatter [tilespmem:s8], [sflag:$0x2], $0xE000, $0x38;
	[tilespmem:$0xE700] =	vst v63  }
0xfb: {  	_ =	swait.ge [sflag:s6], $0xE000  }
0xfc: {  	s10 =	rddreg [dreg:$0xa]  }
0xfd: {  	s31 =	rddreg [dreg:$0x8];
	s1 =	sadd.s32 $0x1, s10  }
0xfe: {  	p0 =	sne.s32 s1, s31  }
.Ltmp1:
0xff: {  	_ = 	snop;
	(pc) =	sbr.rel @p0 .LBB2_1-.Ltmp1, $3  }
0x100: {  	_ =	sdelay $0x1  }
0x101: {  	[sflag:s6] =	ssyncset.done $0x0  }
0x102: {  	[sflag:s6] =	ssyncadd.s32 $0xFFFF2000  }
0x103: {  	_ =	sfence.sel $0x180000  }
0x104: {  	[bflag:$0x0] =	sbarrier.arrive $0xFFFF  }
0x105: {  	_ =	strace $0x9000004D  }
0x106: {  	s0 =	stileid.u32;
	[bflag:$0x2] =	sbarrier.arrive $0xFFFF  }
0x107: {  	p0 =	sne.s32 s0, $0x0;
	s0 =	rddreg [dreg:$0x1]  }
0x108: {  	s0 =	sadd.s32 @!p0 $0x100000, s0  }
0x109: {  	[sflag:s0] =	ssyncadd.tile.s32 @!p0 $0x1;
	_ =	shalt  }
.Lfunc_end2:
_tile_overlayer_lowered:
.L_overlay_start_2:
0x10a: {  	(tag) =	ssettag $0x2  }
0x10b: {  	s0 =	rddreg [dreg:$0x0];
	s2 =	stileid.u32  }
0x10c: {  	s1 =	rddreg [dreg:$0x1];
	p0 =	sne.s32 s2, $0x0  }
0x10d: {  	s3 =	rddreg [dreg:$0x2];
	[bflag:$0x3] =	sbarrier.arrive $0xFFFF;
	s2 =	simm.s32 @!p0 $0x1C02  }
0x10e: {  	[timem:s3], [sflag:s2] =	dma.local @!p0 [hbm:s0], s1  }
0x10f: {  	s0 =	simm.s32 @!p0 $0x2  }
0x110: {  	_ =	swait.ge @!p0 [sflag:s0], s1  }
0x111: {  	s1 =	ssub.s32 @!p0 $0x0, s1;
	[sflag:s0] =	ssyncset.done @!p0 $0x0  }
0x112: {  	[sflag:s0] =	ssyncadd.s32 @!p0 s1  }
0x113: {  	[bflag:$0x3] =	sbarrier.arrive $0xFFFF  }
0x114: {  	_ =	shalt  }

// kernel: kernel.19.cloned.1.call-start
scs
__scs_entry_jumppad:
0x0: {  	(pc) =	sbr.rel $0x88, $3  }
0x1: {  	(tag) =	ssettag $0x0;
	lr =	simm.s32 $0x1  }
0x2: {  	[smem:$0x3F88] =	sst lr;
	_ =	strace $0xD0000000  }
0x3: {  	_ = 	snop  }
0x4: {  	_ = 	snop  }
0x5: {  	_ = 	snop  }
0x6: {  	_ = 	snop  }
0x7: {  	_ = 	snop  }
__scs_overlays_trampoline_lowered:
0x8: {  	[smem:$0x3F97] =	sst s0  }
0x9: {  	[smem:$0x3F98] =	sst s1  }
0xa: {  	[smem:$0x3F99] =	sst s2  }
0xb: {  	[smem:$0x3F9A] =	sst s3  }
0xc: {  	[smem:$0x3F9B] =	sst s4  }
0xd: {  	[smem:$0x3F9C] =	sst s5  }
0xe: {  	[smem:$0x3F9D] =	sst s6  }
0xf: {  	[smem:$0x3F9E] =	sst s7  }
0x10: {  	[smem:$0x3F9F] =	sst s8  }
0x11: {  	[smem:$0x3FA0] =	sst s9;
	s0 =	simm.s32 @!p0 $0x0  }
0x12: {  	s1 =	sld [smem:$0x3F86];
	s0 =	simm.s32 @p0 $0x1  }
0x13: {  	[smem:$0x3FA1] =	sst s0;
	s0 =	simm.s32 @!p1 $0x0  }
0x14: {  	s2 =	sld [smem:$0x3F85];
	s0 =	simm.s32 @p1 $0x1  }
0x15: {  	[smem:$0x3FA2] =	sst s0;
	s0 =	simm.s32 @!p2 $0x0  }
0x16: {  	s3 =	sld [smem:$0x3FDB];
	s0 =	simm.s32 @p2 $0x1  }
0x17: {  	s4 =	simm.s32 $0x1BF5;
	[smem:$0x3FA4] =	sst s0  }
0x18: {  	s0 =	sld [smem:$0x3F87];
	_ =	swait.ge [sflag:s4], $0x0  }
0x19: {  	s7 =	sld [smem:$0x3F88]  }
0x1a: {  	s8 =	sadd.s32 $0xFFFFE003, lr  }
0x1b: {  	s9 =	sadd.s32 $0xFFFFFEF7, lr;
	s5 =	simm.s32 $0xFFFFFFFF;
	p2 =	slt.u32 s8, $0xFFFFF086  }
0x1c: {  	p1 =	slt.u32 s9, $0xF7A;
	s5 =	simm.s32 @!p2 $0x0  }
0x1d: {  	s5 =	simm.s32 @p1 $0x1;
	p0 =	seq.s32 s7, s2  }
0x1e: {  	s7 =	smul.u32 @!p0 $0xF7A, s2;
	p2 =	seq.s32 @!p0 s5, $0x0  }
0x1f: {  	s9 =	smul.u32 $0xF7A, s1;
	s8 =	simm.s32 @!p0 $0x1BF5;
	p2 =	por !p2, p0  }
0x20: {  	[sflag:s8] =	ssyncset.s32 @!p0 $0xFFFFF086;
	s6 =	sadd.s32 @!p0 s3, s7;
	s7 =	simm.s32 @!p0 $0x108  }
0x21: {  	s3 =	sadd.s32 s3, s9;
	s6 =	sadd.s32 @!p0 $0x88, s6;
	s7 =	simm.s32 @p2 $0x1082  }
0x22: {  	[simem:s7], [sflag:s8] =	dma.local @!p0 [hbm:s6], $0xF7A  }
0x23: {  	s9 =	sor.u32 $0xD0000000, s2;
	s6 =	simm.s32 $0x108;
	_ =	swait.ge @!p0 [sflag:s8], $0x0  }
0x24: {  	s3 =	sadd.s32 $0x88, s3;
	s6 =	simm.s32 @!p1 $0x1082;
	[sflag:s4] =	ssyncset.s32 $0xFFFFF086  }
0x25: {  	[simem:s6], [sflag:s4] =	dma.local [hbm:s3], $0xF7A  }
0x26: {  	[smem:$0x3F88] =	sst s1;
	(tag) =	ssettag s2;
	_ =	strace s9  }
0x27: {  	s1 =	sld [smem:$0x3F98]  }
0x28: {  	s2 =	sld [smem:$0x3F99]  }
0x29: {  	s4 =	sld [smem:$0x3F9B]  }
0x2a: {  	p0 =	seq.s32 s5, $0x0;
	s5 =	sld [smem:$0x3F9C]  }
0x2b: {  	s6 =	sld [smem:$0x3F9D]  }
0x2c: {  	s7 =	sld [smem:$0x3F9E]  }
0x2d: {  	s3 =	simm.s32 $0x108;
	s8 =	sld [smem:$0x3F9F]  }
0x2e: {  	s3 =	simm.s32 @!p0 $0x1082;
	s9 =	sld [smem:$0x3FA0]  }
0x2f: {  	lr =	sadd.s32 s0, s3;
	s0 =	sld [smem:$0x3F97]  }
0x30: {  	s3 =	sld [smem:$0x3F9A]  }
0x31: {  	[smem:$0x3FA3] =	sst s10  }
0x32: {  	s10 =	sld [smem:$0x3FA1];
	_ =	sdelay $0x3  }
0x33: {  	p0 =	seq.s32 s10, $0x1;
	s10 =	sld [smem:$0x3FA3];
	_ =	sdelay $0x3  }
0x34: {  	[smem:$0x3FA3] =	sst s10  }
0x35: {  	s10 =	sld [smem:$0x3FA2];
	_ =	sdelay $0x3  }
0x36: {  	p1 =	seq.s32 s10, $0x1;
	s10 =	sld [smem:$0x3FA3];
	_ =	sdelay $0x3  }
0x37: {  	[smem:$0x3FA3] =	sst s10  }
0x38: {  	s10 =	sld [smem:$0x3FA4]  }
0x39: {  	_ = 	snop;
	(pc) =	sbr.ind lr, $3  }
0x3a: {  	_ = 	snop  }
0x3b: {  	_ = 	snop  }
0x3c: {  	p2 =	seq.s32 s10, $0x1;
	s10 =	sld [smem:$0x3FA3]  }
0x3d: {  	_ =	shalt  }
0x3e: {  	_ =	shalt  }
0x3f: {  	_ =	shalt  }
0x40: {  	_ =	shalt  }
0x41: {  	_ =	shalt  }
0x42: {  	_ =	shalt  }
0x43: {  	_ =	shalt  }
0x44: {  	_ =	shalt  }
0x45: {  	_ =	shalt  }
0x46: {  	_ =	shalt  }
0x47: {  	_ =	shalt  }
0x48: {  	_ =	shalt  }
0x49: {  	_ =	shalt  }
0x4a: {  	_ =	shalt  }
0x4b: {  	_ =	shalt  }
0x4c: {  	_ =	shalt  }
0x4d: {  	_ =	shalt  }
0x4e: {  	_ =	shalt  }
0x4f: {  	_ =	shalt  }
0x50: {  	_ =	shalt  }
0x51: {  	_ =	shalt  }
0x52: {  	_ =	shalt  }
0x53: {  	_ =	shalt  }
0x54: {  	_ =	shalt  }
0x55: {  	_ =	shalt  }
0x56: {  	_ =	shalt  }
0x57: {  	_ =	shalt  }
0x58: {  	_ =	shalt  }
0x59: {  	_ =	shalt  }
0x5a: {  	_ =	shalt  }
0x5b: {  	_ =	shalt  }
0x5c: {  	_ =	shalt  }
0x5d: {  	_ =	shalt  }
0x5e: {  	_ =	shalt  }
0x5f: {  	_ =	shalt  }
0x60: {  	_ =	shalt  }
0x61: {  	_ =	shalt  }
0x62: {  	_ =	shalt  }
0x63: {  	_ =	shalt  }
0x64: {  	_ =	shalt  }
0x65: {  	_ =	shalt  }
0x66: {  	_ =	shalt  }
0x67: {  	_ =	shalt  }
0x68: {  	_ =	shalt  }
0x69: {  	_ =	shalt  }
0x6a: {  	_ =	shalt  }
0x6b: {  	_ =	shalt  }
0x6c: {  	_ =	shalt  }
0x6d: {  	_ =	shalt  }
0x6e: {  	_ =	shalt  }
0x6f: {  	_ =	shalt  }
0x70: {  	_ =	shalt  }
0x71: {  	_ =	shalt  }
0x72: {  	_ =	shalt  }
0x73: {  	_ =	shalt  }
0x74: {  	_ =	shalt  }
0x75: {  	_ =	shalt  }
0x76: {  	_ =	shalt  }
0x77: {  	_ =	shalt  }
0x78: {  	_ =	shalt  }
0x79: {  	_ =	shalt  }
0x7a: {  	_ =	shalt  }
0x7b: {  	_ =	shalt  }
0x7c: {  	_ =	shalt  }
0x7d: {  	_ =	shalt  }
0x7e: {  	_ =	shalt  }
0x7f: {  	_ =	shalt  }
0x80: {  	_ =	shalt  }
0x81: {  	_ =	shalt  }
0x82: {  	_ =	shalt  }
0x83: {  	_ =	shalt  }
0x84: {  	_ =	shalt  }
0x85: {  	_ =	shalt  }
0x86: {  	_ =	shalt  }
0x87: {  	_ =	shalt  }
.Lfunc_end0:
.L_simem_size_0:
called_computation.3_lowered:
.L_overlay_start_0:
0x88: {  	s2 =	sld [smem:$0x3FD9]  }
0x89: {  	s3 =	sld [smem:$0x3FFE];
	_ =	sdelay $0x1  }
0x8a: {  	s1 =	srdreg.scid  }
0x8b: {  	s0 =	sand.u32 $0x1, s1  }
0x8c: {  	s17 =	sshll.u32 s0, $0xA;
	s2 =	sadd.s32 s3, s2  }
0x8d: {  	s2 =	sadd.s32 s2, s17  }
0x8e: {  	[smem:$0x3FAF] =	sst s2  }
0x8f: {  	_ = 	snop  }
0x90: {  	s2 =	sld [smem:$0x3FD0];
	(tm) =	ssettm $0x1  }
0x91: {  	s18 =	sld [smem:$0x3FFB];
	_ =	sdelay $0x3  }
0x92: {  	_ =	strace s18  }
0x93: {  	s3 =	sld [smem:$0x3FFC];
	_ =	sdelay $0x3  }
0x94: {  	_ =	strace s3  }
0x95: {  	s3 =	sld [smem:$0x3FFD];
	_ =	sdelay $0x3  }
0x96: {  	_ =	strace s3  }
0x97: {  	_ =	strace $0x8FFFFFFF  }
0x98: {  	s19 =	sld [smem:$0x3FDB];
	_ =	sdelay $0x1  }
0x99: {  	s4 =	simm.s32 $_scs_section_size  }
0x9a: {  	s5 =	simm.s32 $_size__tile_overlayer_lowered;
	s6 =	simm.s32 $_tile_overlayer_lowered  }
0x9b: {  	s22 =	simm.s32 $0x1BFF;
	s21 =	sshll.u32 s6, $0x1;
	s3 =	sadd.s32 s4, s19  }
0x9c: {  	s7 =	simm.s32 $0x0;
	s20 =	sshll.u32 s5, $0x1;
	s5 =	sadd.s32 s21, s3  }
0x9d: {  	[timem:s7], [sflag:s22] =	dma.local [hbm:s5], s20  }
0x9e: {  	_ =	swait.ge [sflag:s22], s20  }
0x9f: {  	s4 =	ssub.s32 $0x0, s20;
	[sflag:s22] =	ssyncset.done $0x0  }
0xa0: {  	[sflag:s22] =	ssyncadd.s32 s4;
	_ =	sdelay $0x1  }
0xa1: {  	s23 =	simm.s32 $0x1B8B  }
0xa2: {  	_ =	swait.ge [sflag:s23], $0x1  }
0xa3: {  	[sflag:s23] =	ssyncset.done $0x0  }
0xa4: {  	s25 =	simm.s32 $0x1B8E;
	s24 =	sld [smem:$0x3FFE];
	[sflag:s23] =	ssyncadd.s32 $0xFFFFFFFF  }
0xa5: {  	s26 =	simm.s32 $execute0_lowered;
	[smem:$0x3FD2] =	sst s25  }
0xa6: {  	s5 =	sshll.u32 s26, $0x1;
	_ =	strace $0x8000004F;
	[dreg:$0x1] =	wrdreg $0xFFFFFFFF  }
0xa7: {  	s28 =	simm.s32 $_size_execute0_lowered;
	s3 =	sadd.s32 s3, s5;
	[dreg:$0x0] =	wrdreg $0x0  }
0xa8: {  	s5 =	sshll.u32 s28, $0x1;
	[dreg:$0x2] =	wrdreg s3  }
0xa9: {  	[dreg:$0x3] =	wrdreg s5  }
0xaa: {  	[dreg:$0x4] =	wrdreg $0xC0  }
0xab: {  	_ =	task [dreg:s7], $0x5FFFF  }
0xac: {  	[dreg:$0x1] =	wrdreg $0xFFFFFFFF  }
0xad: {  	[dreg:$0x0] =	wrdreg $0x60  }
0xae: {  	[dreg:$0x2] =	wrdreg s2  }
0xaf: {  	[dreg:$0x3] =	wrdreg s24  }
0xb0: {  	[dreg:$0x4] =	wrdreg $0x9  }
0xb1: {  	_ =	task.clear_ibuf [dreg:s7], $0x5FFFF;
	_ =	strace $0x9000004F  }
0xb2: {  	s29 =	simm.s32 $0x9;
	_ =	strace $0x80000051  }
0xb3: {  	_ =	swait.ge [sflag:s29], $0x1  }
0xb4: {  	[sflag:s29] =	ssyncadd.s32 $0xFFFFFFFF  }
0xb5: {  	_ =	strace $0x90000051  }
0xb6: {  	_ =	sfence  }
0xb7: {  	s30 =	sld [smem:$0x0];
	_ =	sdelay $0x2  }
0xb8: {  	s31 =	sshll.u32 s1, $0xD;
	s1 =	sshrl.u32 s1, $0x2  }
0xb9: {  	s3 =	sand.u32 $0x4000, s31;
	s1 =	sadd.s32 s1, s30  }
0xba: {  	s0 =	sor.u32 s3, s0;
	s1 =	sshll.u32 s1, $0x11  }
0xbb: {  	s0 =	sor.u32 s1, s0  }
0xbc: {  	s0 =	sadd.s32 $0x8F2B, s0  }
0xbd: {  	[sflag:s0] =	ssyncadd.remote.s32 $0x1  }
0xbe: {  	_ =	sfence.sel $0xFFFF  }
0xbf: {  	[dreg:$0x0] =	wrdreg $0xFFFFFFFF;
	(pc) =	sbr.abs _section_cstart, $3  }
0xc0: {  	[dreg:$0x1] =	wrdreg $0xFFFFFFFF  }
0xc1: {  	_ =	task.clear_ibuf [dreg:s7], $0x2FFFF;
	_ =	strace $0x9FFFFFFF  }
0xc2: {  	(tm) =	ssettm $0x7FFFFFFF  }
0xc3: {  	_ =	shalt  }
tec
execute0_lowered:
.L_overlay_start_1:
0x0: {  	(tag) =	ssettag $0x1  }
0x1: {  	s0 =	srdreg.scid;
	s2 =	rddreg [dreg:$0x0]  }
0x2: {  	s6 =	stileid.u32;
	s4 =	rddreg [dreg:$0x1];
	s3 =	simm.s32 $0x0  }
0x3: {  	s23 =	simm.s32 $0xF00;
	s24 =	simm.s32 $0x100;
	s25 =	simm.s32 $0x1700  }
0x4: {  	s26 =	simm.s32 $0x180;
	s7 =	simm.s32 $0x80;
	s31 =	simm.s32 $0x1F00  }
0x5: {  	s8 =	simm.s32 $0x700;
	s11 =	simm.s32 $0x280;
	s12 =	simm.s32 $0x2F00  }
0x6: {  	s13 =	simm.s32 $0x300;
	s14 =	simm.s32 $0x3700;
	s15 =	simm.s32 $0x380  }
0x7: {  	s16 =	simm.s32 $0x3F00;
	s17 =	simm.s32 $0x400;
	s18 =	simm.s32 $0x4700  }
0x8: {  	s19 =	simm.s32 $0x480;
	s28 =	simm.s32 $0x680;
	[smem:$0x7FF] =	sst s3  }
0x9: {  	s29 =	simm.s32 $0x6F00;
	_ =	strace $0x80000050;
	[dreg:$0x4] =	wrdreg s23  }
0xa: {  	s30 =	simm.s32 $0x1;
	s1 =	smul.u32 $0x3800, s6;
	[dreg:$0x5] =	wrdreg s24  }
0xb: {  	s0 =	sand.u32 $0x1, s0;
	s20 =	smul.u32 $0x7000, s6;
	[dreg:$0x6] =	wrdreg s25  }
0xc: {  	s6 =	simm.s32 $0x2;
	s5 =	smul.u32 $0x1C00, s0;
	[dreg:$0x7] =	wrdreg s26  }
0xd: {  	s21 =	ssub.s32 $0x2, s0;
	s0 =	smul.u32 $0x3800, s0;
	[dreg:$0x8] =	wrdreg s31  }
0xe: {  	s23 =	simm.s32 $0x580;
	s24 =	simm.s32 $0x5F00;
	s25 =	simm.s32 $0x600  }
0xf: {  	s26 =	simm.s32 $0x6700;
	s22 =	sshrl.u32 s21, $0x1;
	s1 =	sadd.s32 s5, s1  }
0x10: {  	s5 =	ssub.s32 s21, s22;
	s21 =	simm.s32 $0x500;
	s1 =	sshrl.u32 s1, $0x3  }
0x11: {  	s5 =	smax.u32 s5, $0x1;
	s1 =	sadd.s32 s1, s4;
	s4 =	sadd.s32 s20, s4  }
0x12: {  	[dreg:$0x9] =	wrdreg s5;
	s1 =	sadd.s32 $0x3F1400, s1;
	s0 =	sadd.s32 s0, s4  }
0x13: {  	s22 =	simm.s32 $0x5700;
	[dreg:$0x3] =	wrdreg s1;
	s0 =	sadd.s32 $0x4C00, s0  }
0x14: {  	s20 =	simm.s32 $0x4F00;
	s1 =	simm.s32 $0x0;
	[dreg:$0xa] =	wrdreg s0  }
.LBB2_1:
0x15: {  	s0 =	rddreg [dreg:$0x3]  }
0x16: {  	[dreg:$0xb] =	wrdreg s1;
	s0 =	sadd.s32 $0x0, s0  }
0x17: {  	[tilespmem:s3], [sflag:$0x2] =	stream.linear.gather [hbm4b:s0+s3], $0x700, $0x38;
	[tilespmem:$0x7700] =	vst v63  }
0x18: {  	_ =	swait.ge [sflag:s6], $0x700  }
0x19: {  	s10 =	rddreg [dreg:$0x5];
	[sflag:s6] =	ssyncset.done $0x0  }
0x1a: {  	s4 =	rddreg [dreg:$0x4];
	[sflag:s6] =	ssyncadd.s32 $0xFFFFF900  }
0x1b: {  	[tilespmem:s8], [sflag:$0x1] =	stream.indirect.gather [hbm4b:s2+s7], $0x10, s3, s7, $0xb8;
	[tilespmem:$0x7700] =	vst v63  }
0x1c: {  	s5 =	rddreg [dreg:$0x6]  }
0x1d: {  	[tilespmem:s4], [sflag:$0x1] =	stream.indirect.gather [hbm4b:s2+s7], $0x10, s7, s7, $0xb8;
	[tilespmem:$0x7700] =	vst v63  }
0x1e: {  	s31 =	rddreg [dreg:$0x8]  }
0x1f: {  	[tilespmem:s5], [sflag:$0x1] =	stream.indirect.gather [hbm4b:s2+s7], $0x10, s10, s7, $0xb8;
	[tilespmem:$0x7700] =	vst v63  }
0x20: {  	s9 =	rddreg [dreg:$0x7]  }
0x21: {  	[tilespmem:s31], [sflag:$0x1] =	stream.indirect.gather [hbm4b:s2+s7], $0x10, s9, s7, $0xb8;
	[tilespmem:$0x7700] =	vst v63  }
0x22: {  	s10 =	simm.s32 $0x200;
	s31 =	simm.s32 $0x2700  }
0x23: {  	[tilespmem:s31], [sflag:$0x1] =	stream.indirect.gather [hbm4b:s2+s7], $0x10, s10, s7, $0xb8;
	[tilespmem:$0x7700] =	vst v63  }
0x24: {  	_ = 	snop  }
0x25: {  	[tilespmem:s12], [sflag:$0x1] =	stream.indirect.gather [hbm4b:s2+s7], $0x10, s11, s7, $0xb8;
	[tilespmem:$0x7700] =	vst v63  }
0x26: {  	_ = 	snop  }
0x27: {  	[tilespmem:s14], [sflag:$0x1] =	stream.indirect.gather [hbm4b:s2+s7], $0x10, s13, s7, $0xb8;
	[tilespmem:$0x7700] =	vst v63  }
0x28: {  	_ = 	snop  }
0x29: {  	[tilespmem:s16], [sflag:$0x1] =	stream.indirect.gather [hbm4b:s2+s7], $0x10, s15, s7, $0xb8;
	[tilespmem:$0x7700] =	vst v63  }
0x2a: {  	_ = 	snop  }
0x2b: {  	[tilespmem:s18], [sflag:$0x1] =	stream.indirect.gather [hbm4b:s2+s7], $0x10, s17, s7, $0xb8;
	[tilespmem:$0x7700] =	vst v63  }
0x2c: {  	_ = 	snop  }
0x2d: {  	[tilespmem:s20], [sflag:$0x1] =	stream.indirect.gather [hbm4b:s2+s7], $0x10, s19, s7, $0xb8;
	[tilespmem:$0x7700] =	vst v63  }
0x2e: {  	_ = 	snop  }
0x2f: {  	[tilespmem:s22], [sflag:$0x1] =	stream.indirect.gather [hbm4b:s2+s7], $0x10, s21, s7, $0xb8;
	[tilespmem:$0x7700] =	vst v63  }
0x30: {  	_ = 	snop  }
0x31: {  	[tilespmem:s24], [sflag:$0x1] =	stream.indirect.gather [hbm4b:s2+s7], $0x10, s23, s7, $0xb8;
	[tilespmem:$0x7700] =	vst v63  }
0x32: {  	_ = 	snop  }
0x33: {  	[tilespmem:s26], [sflag:$0x1] =	stream.indirect.gather [hbm4b:s2+s7], $0x10, s25, s7, $0xb8;
	[tilespmem:$0x7700] =	vst v63  }
0x34: {  	_ = 	snop  }
0x35: {  	[tilespmem:s29], [sflag:$0x1] =	stream.indirect.gather [hbm4b:s2+s7], $0x10, s28, s7, $0xb8;
	[tilespmem:$0x7700] =	vst v63  }
0x36: {  	_ =	swait.ge [sflag:s30], $0x800  }
0x37: {  	[sflag:s30] =	ssyncset.done $0x0  }
0x38: {  	[sflag:s30] =	ssyncadd.s32 $0xFFFFF800  }
0x39: {  	_ =	swait.ge [sflag:s30], $0x800  }
0x3a: {  	[sflag:s30] =	ssyncset.done $0x0  }
0x3b: {  	[sflag:s30] =	ssyncadd.s32 $0xFFFFF800  }
0x3c: {  	_ =	swait.ge [sflag:s30], $0x800  }
0x3d: {  	[sflag:s30] =	ssyncset.done $0x0  }
0x3e: {  	[sflag:s30] =	ssyncadd.s32 $0xFFFFF800  }
0x3f: {  	_ =	swait.ge [sflag:s30], $0x800  }
0x40: {  	[sflag:s30] =	ssyncset.done $0x0  }
0x41: {  	[sflag:s30] =	ssyncadd.s32 $0xFFFFF800  }
0x42: {  	_ =	swait.ge [sflag:s30], $0x800  }
0x43: {  	[sflag:s30] =	ssyncset.done $0x0  }
0x44: {  	[sflag:s30] =	ssyncadd.s32 $0xFFFFF800  }
0x45: {  	_ =	swait.ge [sflag:s30], $0x800  }
0x46: {  	[sflag:s30] =	ssyncset.done $0x0  }
0x47: {  	[sflag:s30] =	ssyncadd.s32 $0xFFFFF800  }
0x48: {  	_ =	swait.ge [sflag:s30], $0x800  }
0x49: {  	[sflag:s30] =	ssyncset.done $0x0  }
0x4a: {  	[sflag:s30] =	ssyncadd.s32 $0xFFFFF800  }
0x4b: {  	_ =	swait.ge [sflag:s30], $0x800  }
0x4c: {  	[sflag:s30] =	ssyncset.done $0x0  }
0x4d: {  	[sflag:s30] =	ssyncadd.s32 $0xFFFFF800  }
0x4e: {  	_ =	swait.ge [sflag:s30], $0x800  }
0x4f: {  	[sflag:s30] =	ssyncset.done $0x0  }
0x50: {  	[sflag:s30] =	ssyncadd.s32 $0xFFFFF800  }
0x51: {  	_ =	swait.ge [sflag:s30], $0x800  }
0x52: {  	[sflag:s30] =	ssyncset.done $0x0  }
0x53: {  	[sflag:s30] =	ssyncadd.s32 $0xFFFFF800  }
0x54: {  	_ =	swait.ge [sflag:s30], $0x800  }
0x55: {  	[sflag:s30] =	ssyncset.done $0x0  }
0x56: {  	[sflag:s30] =	ssyncadd.s32 $0xFFFFF800  }
0x57: {  	_ =	swait.ge [sflag:s30], $0x800  }
0x58: {  	[sflag:s30] =	ssyncset.done $0x0  }
0x59: {  	[sflag:s30] =	ssyncadd.s32 $0xFFFFF800  }
0x5a: {  	_ =	swait.ge [sflag:s30], $0x800  }
0x5b: {  	[sflag:s30] =	ssyncset.done $0x0  }
0x5c: {  	[sflag:s30] =	ssyncadd.s32 $0xFFFFF800  }
0x5d: {  	_ =	swait.ge [sflag:s30], $0x800  }
0x5e: {  	[sflag:s30] =	ssyncset.done $0x0  }
0x5f: {  	s5 =	rddreg [dreg:$0xa];
	[sflag:s30] =	ssyncadd.s32 $0xFFFFF800  }
0x60: {  	[hbm4b:s5+s3] =	stream.linear.scatter [tilespmem:s8], [sflag:$0x2], $0x7000, $0x38;
	[tilespmem:$0x7700] =	vst v63  }
0x61: {  	s0 =	simm.s32 $0xE0;
	s4 =	simm.s32 $0x1C0;
	_ =	swait.ge [sflag:s6], $0x7000  }
.LBB2_2:
0x62: {  	s1 =	rddreg [dreg:$0x3];
	[sflag:s6] =	ssyncset.done $0x0  }
0x63: {  	[sflag:s6] =	ssyncadd.s32 $0xFFFF9000;
	s1 =	sadd.s32 s0, s1  }
0x64: {  	[tilespmem:s3], [sflag:$0x2] =	stream.linear.gather [hbm4b:s1+s3], $0x700, $0x38;
	[tilespmem:$0x7700] =	vst v63  }
0x65: {  	_ =	swait.ge [sflag:s6], $0x700  }
0x66: {  	s31 =	smov.u32 s4;
	[sflag:s6] =	ssyncset.done $0x0;
	s1 =	rddreg [dreg:$0x5]  }
0x67: {  	s0 =	smov.u32 s31;
	s31 =	rddreg [dreg:$0x4];
	[sflag:s6] =	ssyncadd.s32 $0xFFFFF900  }
0x68: {  	[tilespmem:s8], [sflag:$0x1] =	stream.indirect.gather [hbm4b:s2+s7], $0x10, s3, s7, $0xb8;
	[tilespmem:$0x7700] =	vst v63  }
0x69: {  	s9 =	rddreg [dreg:$0x6]  }
0x6a: {  	[tilespmem:s31], [sflag:$0x1] =	stream.indirect.gather [hbm4b:s2+s7], $0x10, s7, s7, $0xb8;
	[tilespmem:$0x7700] =	vst v63  }
0x6b: {  	s10 =	rddreg [dreg:$0x8]  }
0x6c: {  	[tilespmem:s9], [sflag:$0x1] =	stream.indirect.gather [hbm4b:s2+s7], $0x10, s1, s7, $0xb8;
	[tilespmem:$0x7700] =	vst v63  }
0x6d: {  	s31 =	rddreg [dreg:$0x7]  }
0x6e: {  	[tilespmem:s10], [sflag:$0x1] =	stream.indirect.gather [hbm4b:s2+s7], $0x10, s31, s7, $0xb8;
	[tilespmem:$0x7700] =	vst v63  }
0x6f: {  	s10 =	simm.s32 $0x200;
	s31 =	simm.s32 $0x2700  }
0x70: {  	[tilespmem:s31], [sflag:$0x1] =	stream.indirect.gather [hbm4b:s2+s7], $0x10, s10, s7, $0xb8;
	[tilespmem:$0x7700] =	vst v63  }
0x71: {  	_ = 	snop  }
0x72: {  	[tilespmem:s12], [sflag:$0x1] =	stream.indirect.gather [hbm4b:s2+s7], $0x10, s11, s7, $0xb8;
	[tilespmem:$0x7700] =	vst v63  }
0x73: {  	_ = 	snop  }
0x74: {  	[tilespmem:s14], [sflag:$0x1] =	stream.indirect.gather [hbm4b:s2+s7], $0x10, s13, s7, $0xb8;
	[tilespmem:$0x7700] =	vst v63  }
0x75: {  	_ = 	snop  }
0x76: {  	[tilespmem:s16], [sflag:$0x1] =	stream.indirect.gather [hbm4b:s2+s7], $0x10, s15, s7, $0xb8;
	[tilespmem:$0x7700] =	vst v63  }
0x77: {  	_ = 	snop  }
0x78: {  	[tilespmem:s18], [sflag:$0x1] =	stream.indirect.gather [hbm4b:s2+s7], $0x10, s17, s7, $0xb8;
	[tilespmem:$0x7700] =	vst v63  }
0x79: {  	_ = 	snop  }
0x7a: {  	[tilespmem:s20], [sflag:$0x1] =	stream.indirect.gather [hbm4b:s2+s7], $0x10, s19, s7, $0xb8;
	[tilespmem:$0x7700] =	vst v63  }
0x7b: {  	_ = 	snop  }
0x7c: {  	[tilespmem:s22], [sflag:$0x1] =	stream.indirect.gather [hbm4b:s2+s7], $0x10, s21, s7, $0xb8;
	[tilespmem:$0x7700] =	vst v63  }
0x7d: {  	_ = 	snop  }
0x7e: {  	[tilespmem:s24], [sflag:$0x1] =	stream.indirect.gather [hbm4b:s2+s7], $0x10, s23, s7, $0xb8;
	[tilespmem:$0x7700] =	vst v63  }
0x7f: {  	_ = 	snop  }
0x80: {  	[tilespmem:s26], [sflag:$0x1] =	stream.indirect.gather [hbm4b:s2+s7], $0x10, s25, s7, $0xb8;
	[tilespmem:$0x7700] =	vst v63  }
0x81: {  	_ = 	snop  }
0x82: {  	[tilespmem:s29], [sflag:$0x1] =	stream.indirect.gather [hbm4b:s2+s7], $0x10, s28, s7, $0xb8;
	[tilespmem:$0x7700] =	vst v63  }
0x83: {  	_ =	swait.ge [sflag:s30], $0x800  }
0x84: {  	[sflag:s30] =	ssyncset.done $0x0  }
0x85: {  	[sflag:s30] =	ssyncadd.s32 $0xFFFFF800  }
0x86: {  	_ =	swait.ge [sflag:s30], $0x800  }
0x87: {  	[sflag:s30] =	ssyncset.done $0x0  }
0x88: {  	[sflag:s30] =	ssyncadd.s32 $0xFFFFF800  }
0x89: {  	_ =	swait.ge [sflag:s30], $0x800  }
0x8a: {  	[sflag:s30] =	ssyncset.done $0x0  }
0x8b: {  	[sflag:s30] =	ssyncadd.s32 $0xFFFFF800  }
0x8c: {  	_ =	swait.ge [sflag:s30], $0x800  }
0x8d: {  	[sflag:s30] =	ssyncset.done $0x0  }
0x8e: {  	[sflag:s30] =	ssyncadd.s32 $0xFFFFF800  }
0x8f: {  	_ =	swait.ge [sflag:s30], $0x800  }
0x90: {  	[sflag:s30] =	ssyncset.done $0x0  }
0x91: {  	[sflag:s30] =	ssyncadd.s32 $0xFFFFF800  }
0x92: {  	_ =	swait.ge [sflag:s30], $0x800  }
0x93: {  	[sflag:s30] =	ssyncset.done $0x0  }
0x94: {  	[sflag:s30] =	ssyncadd.s32 $0xFFFFF800  }
0x95: {  	_ =	swait.ge [sflag:s30], $0x800  }
0x96: {  	[sflag:s30] =	ssyncset.done $0x0  }
0x97: {  	[sflag:s30] =	ssyncadd.s32 $0xFFFFF800  }
0x98: {  	_ =	swait.ge [sflag:s30], $0x800  }
0x99: {  	[sflag:s30] =	ssyncset.done $0x0  }
0x9a: {  	[sflag:s30] =	ssyncadd.s32 $0xFFFFF800  }
0x9b: {  	_ =	swait.ge [sflag:s30], $0x800  }
0x9c: {  	[sflag:s30] =	ssyncset.done $0x0  }
0x9d: {  	[sflag:s30] =	ssyncadd.s32 $0xFFFFF800  }
0x9e: {  	_ =	swait.ge [sflag:s30], $0x800  }
0x9f: {  	[sflag:s30] =	ssyncset.done $0x0  }
0xa0: {  	[sflag:s30] =	ssyncadd.s32 $0xFFFFF800  }
0xa1: {  	_ =	swait.ge [sflag:s30], $0x800  }
0xa2: {  	[sflag:s30] =	ssyncset.done $0x0  }
0xa3: {  	[sflag:s30] =	ssyncadd.s32 $0xFFFFF800  }
0xa4: {  	_ =	swait.ge [sflag:s30], $0x800  }
0xa5: {  	[sflag:s30] =	ssyncset.done $0x0  }
0xa6: {  	[sflag:s30] =	ssyncadd.s32 $0xFFFFF800  }
0xa7: {  	_ =	swait.ge [sflag:s30], $0x800  }
0xa8: {  	[sflag:s30] =	ssyncset.done $0x0  }
0xa9: {  	p0 =	sne.s32 s4, $0x2A0;
	[sflag:s30] =	ssyncadd.s32 $0xFFFFF800  }
.Ltmp0:
0xaa: {  	_ =	swait.ge [sflag:s30], $0x800;
	(pc) =	sbr.rel @p0 .LBB2_2-.Ltmp0, $4  }
0xab: {  	[sflag:s30] =	ssyncset.done $0x0  }
0xac: {  	s5 =	sadd.s32 $0xE00, s5;
	[sflag:s30] =	ssyncadd.s32 $0xFFFFF800  }
0xad: {  	[hbm4b:s5+s3] =	stream.linear.scatter [tilespmem:s8], [sflag:$0x2], $0x7000, $0x38;
	[tilespmem:$0x7700] =	vst v63  }
0xae: {  	s4 =	sadd.s32 $0xE0, s4;
	_ =	swait.ge [sflag:s6], $0x7000  }
0xaf: {  	s1 =	rddreg [dreg:$0x3];
	[sflag:s6] =	ssyncset.done $0x0  }
0xb0: {  	[sflag:s6] =	ssyncadd.s32 $0xFFFF9000;
	s0 =	sadd.s32 s0, s1  }
0xb1: {  	[tilespmem:s3], [sflag:$0x2] =	stream.linear.gather [hbm4b:s0+s3], $0x700, $0x38;
	[tilespmem:$0x7700] =	vst v63  }
0xb2: {  	_ =	swait.ge [sflag:s6], $0x700  }
0xb3: {  	s0 =	rddreg [dreg:$0x5];
	[sflag:s6] =	ssyncset.done $0x0  }
0xb4: {  	s10 =	rddreg [dreg:$0x4];
	[sflag:s6] =	ssyncadd.s32 $0xFFFFF900  }
0xb5: {  	[tilespmem:s8], [sflag:$0x1] =	stream.indirect.gather [hbm4b:s2+s7], $0x10, s3, s7, $0xb8;
	[tilespmem:$0x7700] =	vst v63  }
0xb6: {  	s4 =	rddreg [dreg:$0x6]  }
0xb7: {  	[tilespmem:s10], [sflag:$0x1] =	stream.indirect.gather [hbm4b:s2+s7], $0x10, s7, s7, $0xb8;
	[tilespmem:$0x7700] =	vst v63  }
0xb8: {  	s9 =	rddreg [dreg:$0x8]  }
0xb9: {  	[tilespmem:s4], [sflag:$0x1] =	stream.indirect.gather [hbm4b:s2+s7], $0x10, s0, s7, $0xb8;
	[tilespmem:$0x7700] =	vst v63  }
0xba: {  	s31 =	rddreg [dreg:$0x7]  }
0xbb: {  	[tilespmem:s9], [sflag:$0x1] =	stream.indirect.gather [hbm4b:s2+s7], $0x10, s31, s7, $0xb8;
	[tilespmem:$0x7700] =	vst v63  }
0xbc: {  	s1 =	simm.s32 $0x200;
	s4 =	simm.s32 $0x2700  }
0xbd: {  	[tilespmem:s4], [sflag:$0x1] =	stream.indirect.gather [hbm4b:s2+s7], $0x10, s1, s7, $0xb8;
	[tilespmem:$0x7700] =	vst v63  }
0xbe: {  	_ = 	snop  }
0xbf: {  	[tilespmem:s12], [sflag:$0x1] =	stream.indirect.gather [hbm4b:s2+s7], $0x10, s11, s7, $0xb8;
	[tilespmem:$0x7700] =	vst v63  }
0xc0: {  	_ = 	snop  }
0xc1: {  	[tilespmem:s14], [sflag:$0x1] =	stream.indirect.gather [hbm4b:s2+s7], $0x10, s13, s7, $0xb8;
	[tilespmem:$0x7700] =	vst v63  }
0xc2: {  	_ = 	snop  }
0xc3: {  	[tilespmem:s16], [sflag:$0x1] =	stream.indirect.gather [hbm4b:s2+s7], $0x10, s15, s7, $0xb8;
	[tilespmem:$0x7700] =	vst v63  }
0xc4: {  	_ = 	snop  }
0xc5: {  	[tilespmem:s18], [sflag:$0x1] =	stream.indirect.gather [hbm4b:s2+s7], $0x10, s17, s7, $0xb8;
	[tilespmem:$0x7700] =	vst v63  }
0xc6: {  	_ = 	snop  }
0xc7: {  	[tilespmem:s20], [sflag:$0x1] =	stream.indirect.gather [hbm4b:s2+s7], $0x10, s19, s7, $0xb8;
	[tilespmem:$0x7700] =	vst v63  }
0xc8: {  	_ = 	snop  }
0xc9: {  	[tilespmem:s22], [sflag:$0x1] =	stream.indirect.gather [hbm4b:s2+s7], $0x10, s21, s7, $0xb8;
	[tilespmem:$0x7700] =	vst v63  }
0xca: {  	_ = 	snop  }
0xcb: {  	[tilespmem:s24], [sflag:$0x1] =	stream.indirect.gather [hbm4b:s2+s7], $0x10, s23, s7, $0xb8;
	[tilespmem:$0x7700] =	vst v63  }
0xcc: {  	_ = 	snop  }
0xcd: {  	[tilespmem:s26], [sflag:$0x1] =	stream.indirect.gather [hbm4b:s2+s7], $0x10, s25, s7, $0xb8;
	[tilespmem:$0x7700] =	vst v63  }
0xce: {  	_ = 	snop  }
0xcf: {  	[tilespmem:s29], [sflag:$0x1] =	stream.indirect.gather [hbm4b:s2+s7], $0x10, s28, s7, $0xb8;
	[tilespmem:$0x7700] =	vst v63  }
0xd0: {  	_ =	swait.ge [sflag:s30], $0x800  }
0xd1: {  	[sflag:s30] =	ssyncset.done $0x0  }
0xd2: {  	[sflag:s30] =	ssyncadd.s32 $0xFFFFF800  }
0xd3: {  	_ =	swait.ge [sflag:s30], $0x800  }
0xd4: {  	[sflag:s30] =	ssyncset.done $0x0  }
0xd5: {  	[sflag:s30] =	ssyncadd.s32 $0xFFFFF800  }
0xd6: {  	_ =	swait.ge [sflag:s30], $0x800  }
0xd7: {  	[sflag:s30] =	ssyncset.done $0x0  }
0xd8: {  	[sflag:s30] =	ssyncadd.s32 $0xFFFFF800  }
0xd9: {  	_ =	swait.ge [sflag:s30], $0x800  }
0xda: {  	[sflag:s30] =	ssyncset.done $0x0  }
0xdb: {  	[sflag:s30] =	ssyncadd.s32 $0xFFFFF800  }
0xdc: {  	_ =	swait.ge [sflag:s30], $0x800  }
0xdd: {  	[sflag:s30] =	ssyncset.done $0x0  }
0xde: {  	[sflag:s30] =	ssyncadd.s32 $0xFFFFF800  }
0xdf: {  	_ =	swait.ge [sflag:s30], $0x800  }
0xe0: {  	[sflag:s30] =	ssyncset.done $0x0  }
0xe1: {  	[sflag:s30] =	ssyncadd.s32 $0xFFFFF800  }
0xe2: {  	_ =	swait.ge [sflag:s30], $0x800  }
0xe3: {  	[sflag:s30] =	ssyncset.done $0x0  }
0xe4: {  	[sflag:s30] =	ssyncadd.s32 $0xFFFFF800  }
0xe5: {  	_ =	swait.ge [sflag:s30], $0x800  }
0xe6: {  	[sflag:s30] =	ssyncset.done $0x0  }
0xe7: {  	[sflag:s30] =	ssyncadd.s32 $0xFFFFF800  }
0xe8: {  	_ =	swait.ge [sflag:s30], $0x800  }
0xe9: {  	[sflag:s30] =	ssyncset.done $0x0  }
0xea: {  	[sflag:s30] =	ssyncadd.s32 $0xFFFFF800  }
0xeb: {  	_ =	swait.ge [sflag:s30], $0x800  }
0xec: {  	[sflag:s30] =	ssyncset.done $0x0  }
0xed: {  	[sflag:s30] =	ssyncadd.s32 $0xFFFFF800  }
0xee: {  	_ =	swait.ge [sflag:s30], $0x800  }
0xef: {  	[sflag:s30] =	ssyncset.done $0x0  }
0xf0: {  	[sflag:s30] =	ssyncadd.s32 $0xFFFFF800  }
0xf1: {  	_ =	swait.ge [sflag:s30], $0x800  }
0xf2: {  	[sflag:s30] =	ssyncset.done $0x0  }
0xf3: {  	[sflag:s30] =	ssyncadd.s32 $0xFFFFF800  }
0xf4: {  	_ =	swait.ge [sflag:s30], $0x800  }
0xf5: {  	[sflag:s30] =	ssyncset.done $0x0  }
0xf6: {  	[sflag:s30] =	ssyncadd.s32 $0xFFFFF800  }
0xf7: {  	_ =	swait.ge [sflag:s30], $0x800  }
0xf8: {  	[sflag:s30] =	ssyncset.done $0x0  }
0xf9: {  	s9 =	sadd.s32 $0xE00, s5;
	[sflag:s30] =	ssyncadd.s32 $0xFFFFF800  }
0xfa: {  	[hbm4b:s9+s3] =	stream.linear.scatter [tilespmem:s8], [sflag:$0x2], $0x7000, $0x38;
	[tilespmem:$0x7700] =	vst v63  }
0xfb: {  	_ =	swait.ge [sflag:s6], $0x7000  }
0xfc: {  	s10 =	rddreg [dreg:$0xb]  }
0xfd: {  	s31 =	rddreg [dreg:$0x9];
	s1 =	sadd.s32 $0x1, s10  }
0xfe: {  	p0 =	sne.s32 s1, s31  }
.Ltmp1:
0xff: {  	_ = 	snop;
	(pc) =	sbr.rel @p0 .LBB2_1-.Ltmp1, $3  }
0x100: {  	_ =	sdelay $0x1  }
0x101: {  	[sflag:s6] =	ssyncset.done $0x0  }
0x102: {  	[sflag:s6] =	ssyncadd.s32 $0xFFFF9000  }
0x103: {  	_ =	sfence.sel $0x180000  }
0x104: {  	[bflag:$0x0] =	sbarrier.arrive $0xFFFF  }
0x105: {  	_ =	strace $0x90000050  }
0x106: {  	s0 =	stileid.u32;
	[bflag:$0x2] =	sbarrier.arrive $0xFFFF  }
0x107: {  	p0 =	sne.s32 s0, $0x0;
	s0 =	rddreg [dreg:$0x2]  }
0x108: {  	s0 =	sadd.s32 @!p0 $0x100000, s0  }
0x109: {  	[sflag:s0] =	ssyncadd.tile.s32 @!p0 $0x1;
	_ =	shalt  }
.Lfunc_end2:
_tile_overlayer_lowered:
.L_overlay_start_2:
0x10a: {  	(tag) =	ssettag $0x2  }
0x10b: {  	s0 =	rddreg [dreg:$0x0];
	s2 =	stileid.u32  }
0x10c: {  	s1 =	rddreg [dreg:$0x1];
	p0 =	sne.s32 s2, $0x0  }
0x10d: {  	s3 =	rddreg [dreg:$0x2];
	[bflag:$0x3] =	sbarrier.arrive $0xFFFF;
	s2 =	simm.s32 @!p0 $0x1C02  }
0x10e: {  	[timem:s3], [sflag:s2] =	dma.local @!p0 [hbm:s0], s1  }
0x10f: {  	s0 =	simm.s32 @!p0 $0x2  }
0x110: {  	_ =	swait.ge @!p0 [sflag:s0], s1  }
0x111: {  	s1 =	ssub.s32 @!p0 $0x0, s1;
	[sflag:s0] =	ssyncset.done @!p0 $0x0  }
0x112: {  	[sflag:s0] =	ssyncadd.s32 @!p0 s1  }
0x113: {  	[bflag:$0x3] =	sbarrier.arrive $0xFFFF  }
0x114: {  	_ =	shalt  }

</sc_bundles>
